<compile_context>
chip_gen: v7x
topology: tpu7x:2x2x1
jax: 0.10.2.dev20260603
libtpu: 0.0.44.dev20260713+nightly
codegen_flags: <defaults>
</compile_context>

<pallas_src>
import functools

import jax
import jax.numpy as jnp
from jax import lax
from jax.experimental import pallas as pl
from jax.experimental.pallas import tpu as pltpu
from jax.experimental.pallas import tpu_sc as plsc

B, H, W = 4, 512, 512
N_TOTAL = B * H * W
NC, NS, L = 2, 16, 16
NW = NC * NS
PER_W = N_TOTAL // NW
RW = PER_W // W
NVR = W // L

_MESH = plsc.VectorSubcoreMesh(
    core_axis_name="c", subcore_axis_name="s", num_cores=NC, num_subcores=NS
)


@functools.partial(
    pl.kernel,
    out_type=jax.ShapeDtypeStruct((NW, 3 * L), jnp.float32),
    mesh=_MESH,
    scratch_types=[
        pltpu.VMEM((2, RW // 4, W), jnp.float32),
        pltpu.VMEM((2, RW // 4, W), jnp.float32),
        pltpu.VMEM((2, RW // 4, W), jnp.int32),
        pltpu.VMEM((3 * L,), jnp.float32),
        pltpu.SemaphoreType.DMA,
        pltpu.SemaphoreType.DMA,
    ],
)
def _main_pass(pred_hbm, gt_hbm, mask_hbm, out_hbm, pv, gv, mv, accv,
               sem0, sem1):
    c = lax.axis_index("c")
    s = lax.axis_index("s")
    wid = c * NS + s
    b = wid // 8
    r0 = (wid % 8) * RW
    chr_ = RW // 4
    sems = (sem0, sem1)

    def start(rnd):
        bf = rnd & 1
        lo = r0 + rnd * chr_
        return (
            pltpu.async_copy(pred_hbm.at[b, 0, pl.ds(lo, chr_)],
                             pv.at[bf], sems[bf]),
            pltpu.async_copy(gt_hbm.at[b, pl.ds(lo, chr_)],
                             gv.at[bf], sems[bf]),
            pltpu.async_copy(mask_hbm.at[b, pl.ds(lo, chr_)],
                             mv.at[bf], sems[bf]),
        )

    def accumulate(bf, carry):
        @plsc.parallel_loop(0, chr_ * W // L, carry=carry, unroll=8)
        def acc(i, carry):
            ls, ps, pc = carry
            r = i // NVR
            col = (i % NVR) * L
            p = pv[bf, r, pl.ds(col, L)]
            g = gv[bf, r, pl.ds(col, L)]
            m = mv[bf, r, pl.ds(col, L)].astype(jnp.float32)
            loss = jnp.abs(p - g)
            return (ls + loss, ps + loss * m, pc + m)

        return acc

    z = jnp.zeros((L,), jnp.float32)
    carry = (z, z, z)
    d = start(0)
    for rnd in range(4):
        for x in d:
            x.wait()
        if rnd < 3:
            d = start(rnd + 1)
        carry = accumulate(rnd & 1, carry)
    ls, ps, pc = carry
    accv[pl.ds(0, L)] = ls
    accv[pl.ds(L, L)] = ps
    accv[pl.ds(2 * L, L)] = pc
    pltpu.sync_copy(accv, out_hbm.at[wid])


_CHR = 16


def _make_hist_pass(shift, nbits, pshift):
    nbins = 1 << nbits

    @functools.partial(
        pl.kernel,
        out_type=(
            jax.ShapeDtypeStruct((NW, nbins * L), jnp.float32),
            jax.ShapeDtypeStruct((NW, nbins * L), jnp.float32),
        ),
        mesh=_MESH,
        compiler_params=pltpu.CompilerParams(needs_layout_passes=False),
        scratch_types=[
            pltpu.VMEM((_CHR, W), jnp.float32),
            pltpu.VMEM((_CHR, W), jnp.float32),
            pltpu.VMEM((_CHR, W), jnp.int32),
            pltpu.VMEM((L,), jnp.int32),
            pltpu.VMEM((nbins * L,), jnp.float32),
            pltpu.VMEM((nbins * L,), jnp.float32),
        ],
    )
    def hist(pred_hbm, gt_hbm, mask_hbm, pfx_hbm, cnt_hbm, sum_hbm,
             pv, gv, mv, pfxv, hcnt, hsum):
        c = lax.axis_index("c")
        s = lax.axis_index("s")
        wid = c * NS + s
        b = wid // 8
        r0 = (wid % 8) * RW
        pltpu.sync_copy(pfx_hbm, pfxv)
        pfx = pfxv[pl.ds(0, L)]

        zv = jnp.zeros((L,), jnp.float32)

        def zero_body(i, _):
            hcnt[pl.ds(i * L, L)] = zv
            hsum[pl.ds(i * L, L)] = zv
            return 0

        lax.fori_loop(0, nbins, zero_body, 0)

        lanes = lax.iota(jnp.int32, L)
        ones = jnp.ones((L,), jnp.float32)

        for j in range(RW // _CHR):
            pltpu.sync_copy(pred_hbm.at[b, 0, pl.ds(r0 + j * _CHR, _CHR)], pv)
            pltpu.sync_copy(gt_hbm.at[b, pl.ds(r0 + j * _CHR, _CHR)], gv)
            pltpu.sync_copy(mask_hbm.at[b, pl.ds(r0 + j * _CHR, _CHR)], mv)

            def body(i, _):
                r = i // NVR
                col = (i % NVR) * L
                p = pv[r, pl.ds(col, L)]
                g = gv[r, pl.ds(col, L)]
                m = mv[r, pl.ds(col, L)]
                loss = jnp.abs(p - g)
                bits = lax.bitcast_convert_type(loss, jnp.int32)
                match = (m == 0) & (lax.shift_right_logical(bits, pshift) == pfx)
                idx = ((lax.shift_right_logical(bits, shift) & (nbins - 1)) * L
                       + lanes)
                plsc.addupdate_scatter(hcnt, [idx], ones, mask=match)
                plsc.addupdate_scatter(hsum, [idx], loss, mask=match)
                return 0

            lax.fori_loop(0, _CHR * W // L, body, 0)

        pltpu.sync_copy(hcnt, cnt_hbm.at[wid])
        pltpu.sync_copy(hsum, sum_hbm.at[wid])

    return hist


_HIST_LEVELS = (
    (20, 11, 31),
    (9, 11, 20),
    (0, 9, 9),
)
_HIST_PASSES = tuple(_make_hist_pass(*lvl) for lvl in _HIST_LEVELS)


def _topk_neg_sum(pred, gt, mask, k):
    kf = k.astype(jnp.float32)
    sum_above = jnp.float32(0.0)
    cnt_above = jnp.float32(0.0)
    prefix = jnp.zeros((L,), jnp.int32)
    zero1 = jnp.zeros((1,), jnp.float32)
    for (shift, nbits, pshift), hist in zip(_HIST_LEVELS, _HIST_PASSES):
        nbins = 1 << nbits
        cnts, sums = hist(pred, gt, mask, prefix)
        cnt = cnts.reshape(NW, nbins, L).sum(axis=(0, 2))
        sm = sums.reshape(NW, nbins, L).sum(axis=(0, 2))
        cc = jnp.cumsum(cnt[::-1])[::-1]
        cs = jnp.cumsum(sm[::-1])[::-1]
        ccp = jnp.concatenate([cc, zero1])
        csp = jnp.concatenate([cs, zero1])
        kk = kf - cnt_above
        b = jnp.sum((cc >= kk).astype(jnp.int32)) - 1
        cnt_above = cnt_above + ccp[b + 1]
        sum_above = sum_above + csp[b + 1]
        prefix = jnp.full((L,), (prefix[0] << nbits) | b, jnp.int32)
    thresh = lax.bitcast_convert_type(prefix[0], jnp.float32)
    return jnp.where(kf > 0, sum_above + (kf - cnt_above) * thresh, 0.0)


def kernel(pred, gt, mask):
    parts = _main_pass(pred, gt, mask)
    sums = parts.reshape(NW, 3, L).sum(axis=(0, 2))
    loss_sum, pos_sum, pos_cntf = sums[0], sums[1], sums[2]

    pos_cnt = pos_cntf.astype(jnp.int32)
    neg_cnt_all = jnp.int32(N_TOTAL) - pos_cnt
    neg_cnt = jnp.minimum(neg_cnt_all, (pos_cntf * 3.0).astype(jnp.int32))
    neg_sum_all = loss_sum - pos_sum

    neg_top = lax.cond(
        neg_cnt >= neg_cnt_all,
        lambda: neg_sum_all,
        lambda: _topk_neg_sum(pred, gt, mask, neg_cnt),
    )

    pos_loss = pos_sum / pos_cnt
    neg_loss = neg_top / neg_cnt
    total = pos_loss + neg_loss
    return (total, pos_loss, neg_loss)

# --- scband reference (transcript-rebuilt; emitter-appended) ---
"""Pipeline reference for scband-balance-l1-loss-55018531061904 (READ-ONLY COPY).

The authoritative reference and input builder live on the scoring server;
editing this copy changes nothing except your own understanding.
"""

import jax, jax.numpy as jnp
import numpy as np

NEG_RATIO = 3.0

def setup_inputs(seed: int = 0) -> dict:
    key = jax.random.key(seed)
    k1, k2, k3 = jax.random.split(key, 3)
    pred = jax.random.normal(k1, (4, 2, 512, 512), dtype=jnp.float32)
    gt = jax.random.uniform(k2, (4, 512, 512), dtype=jnp.float32)
    mask = jax.random.randint(k3, (4, 512, 512), 0, 2).astype(jnp.int32)
    return {"pred": pred, "gt": gt, "mask": mask}

def reference(pred, gt, mask):
    # Faithful translation of BalanceL1Loss.forward (with the obvious typo fixes:
    # 'pres' -> 'pred', 'pos_loss' computed from pos.sum()).
    maskf = mask.astype(jnp.float32)
    loss = jnp.abs(pred[:, 0] - gt)
    pos = loss * maskf
    neg = loss * (1.0 - maskf)
    pos_cnt = jnp.sum(maskf).astype(jnp.int32)
    neg_cnt = jnp.minimum(
        jnp.sum(1.0 - maskf).astype(jnp.int32),
        (pos_cnt.astype(jnp.float32) * NEG_RATIO).astype(jnp.int32),
    )
    neg_flat = neg.reshape(-1)
    n_total = int(np.prod(neg.shape))
    neg_sorted, _ = jax.lax.top_k(neg_flat, n_total)
    keep = jnp.arange(n_total, dtype=jnp.int32) < neg_cnt
    neg_loss = jnp.sum(jnp.where(keep, neg_sorted, 0.0)) / neg_cnt
    pos_loss = jnp.sum(pos) / pos_cnt
    total = pos_loss + neg_loss
    return (total, pos_loss, neg_loss)

if __name__ == "__main__":
    import jax
    _d = setup_inputs()
    print(jax.jit(kernel)(*tuple(_d.values())))

</pallas_src>

<mosaic_0001>
#map = affine_map<(d0, d1) -> (0, 0, 0, 0)>
#map1 = affine_map<(d0, d1) -> (0, 0, 0)>
#map2 = affine_map<(d0, d1) -> (0)>
#map3 = affine_map<(d0, d1) -> (0, 0)>
module attributes {stable_mosaic.version = 14 : i64} {
  func.func @hist(%arg0: i32, %arg1: i32, %arg2: memref<4x2x512x512xf32, #tpu.memory_space<hbm>>, %arg3: memref<4x512x512xf32, #tpu.memory_space<hbm>>, %arg4: memref<4x512x512xi32, #tpu.memory_space<hbm>>, %arg5: memref<16xi32, #tpu.memory_space<hbm>>, %arg6: memref<32x32768xf32, #tpu.memory_space<hbm>>, %arg7: memref<32x32768xf32, #tpu.memory_space<hbm>>, %arg8: memref<16x512xf32, #tpu.memory_space<vmem>>, %arg9: memref<16x512xf32, #tpu.memory_space<vmem>>, %arg10: memref<16x512xi32, #tpu.memory_space<vmem>>, %arg11: memref<16xi32, #tpu.memory_space<vmem>>, %arg12: memref<32768xf32, #tpu.memory_space<vmem>>, %arg13: memref<32768xf32, #tpu.memory_space<vmem>>) attributes {dimension_semantics = [#tpu.dimension_semantics<core_parallel>, #tpu.dimension_semantics<subcore_parallel>], iteration_bounds = array<i64: 2, 16>, scalar_prefetch = 0 : i64, scratch_operands = 6 : i64, tpu.core_type = #tpu.core_type<sc_vector_subcore>, window_params = [{transform_indices = #map}, {transform_indices = #map1}, {transform_indices = #map1}, {transform_indices = #map2}, {transform_indices = #map3}, {transform_indices = #map3}]} {
    %mul3A = arith.constant 16 : i32
    %mul3A_0 = arith.muli %arg0, %mul3A : i32
    %add3A = arith.addi %mul3A_0, %arg1 : i32
    %jit3A = arith.constant 8 : i32
    %div3A = arith.divsi %add3A, %jit3A : i32
    %sign3A = arith.constant 0 : i32
    %sign3A_1 = arith.cmpi sgt, %add3A, %sign3A : i32
    %sign3A_2 = arith.extui %sign3A_1 : i1 to i32
    %sign3A_3 = arith.constant 0 : i32
    %sign3A_4 = arith.cmpi slt, %add3A, %sign3A_3 : i32
    %sign3A_5 = arith.extui %sign3A_4 : i1 to i32
    %sign3A_6 = arith.subi %sign3A_2, %sign3A_5 : i32
    %sign3A_7 = arith.constant 0 : i32
    %sign3A_8 = arith.cmpi sgt, %jit3A, %sign3A_7 : i32
    %sign3A_9 = arith.extui %sign3A_8 : i1 to i32
    %sign3A_10 = arith.constant 0 : i32
    %sign3A_11 = arith.cmpi slt, %jit3A, %sign3A_10 : i32
    %sign3A_12 = arith.extui %sign3A_11 : i1 to i32
    %sign3A_13 = arith.subi %sign3A_9, %sign3A_12 : i32
    %ne3A = arith.cmpi ne, %sign3A_6, %sign3A_13 : i32
    %rem3A = arith.remsi %add3A, %jit3A : i32
    %ne3A_14 = arith.constant 0 : i32
    %ne3A_15 = arith.cmpi ne, %rem3A, %ne3A_14 : i32
    %and3A = arith.andi %ne3A, %ne3A_15 : i1
    %sub3A = arith.constant 1 : i32
    %sub3A_16 = arith.subi %div3A, %sub3A : i32
    %select_n3A = arith.select %and3A, %sub3A_16, %div3A : i32
    %jit3A_17 = arith.constant 8 : i32
    %eq3A = arith.constant 0 : i32
    %eq3A_18 = arith.cmpi eq, %jit3A_17, %eq3A : i32
    %jit3A_19 = arith.constant 1 : i32
    %select_n3A_20 = arith.select %eq3A_18, %jit3A_19, %jit3A_17 : i32
    %rem3A_21 = arith.remsi %add3A, %select_n3A_20 : i32
    %ne3A_22 = arith.constant 0 : i32
    %ne3A_23 = arith.cmpi ne, %rem3A_21, %ne3A_22 : i32
    %lt3A = arith.constant 0 : i32
    %lt3A_24 = arith.cmpi slt, %rem3A_21, %lt3A : i32
    %lt3A_25 = arith.constant 0 : i32
    %lt3A_26 = arith.cmpi slt, %select_n3A_20, %lt3A_25 : i32
    %ne3A_27 = arith.xori %lt3A_24, %lt3A_26 : i1
    %and3A_28 = arith.andi %ne3A_27, %ne3A_23 : i1
    %add3A_29 = arith.addi %rem3A_21, %select_n3A_20 : i32
    %select_n3A_30 = arith.select %and3A_28, %add3A_29, %rem3A_21 : i32
    %mul3A_31 = arith.constant 64 : i32
    %mul3A_32 = arith.muli %select_n3A_30, %mul3A_31 : i32
    "tpu.region"() ({
      %run_scoped3A_98 = tpu.sem_alloc : memref<!tpu.dma_semaphore, #tpu.memory_space<semaphore_mem>>
      tpu.enqueue_dma source(%arg5 : memref<16xi32, #tpu.memory_space<hbm>>) target(%arg11 : memref<16xi32, #tpu.memory_space<vmem>>) target_semaphore(%run_scoped3A_98 : memref<!tpu.dma_semaphore, #tpu.memory_space<semaphore_mem>>)
      tpu.wait_dma2 semaphore(%run_scoped3A_98 : memref<!tpu.dma_semaphore, #tpu.memory_space<semaphore_mem>>) src(%arg5 : memref<16xi32, #tpu.memory_space<hbm>>) dst(%arg11 : memref<16xi32, #tpu.memory_space<vmem>>)
      tpu.yield
    }) : () -> ()
    %get3A = arith.constant 0 : index
    %get3A_33 = tpu.vector_load %arg11[%get3A] {strides = array<i32>} : memref<16xi32, #tpu.memory_space<vmem>>, vector<16xi32>,
    %broadcast_in_dim3A = arith.constant 0.000000e+00 : f32
    %broadcast_in_dim3A_34 = vector.broadcast %broadcast_in_dim3A : f32 to vector<16xf32>
    %scan3A = arith.constant 0 : i32
    %scan3A_35 = arith.constant 0 : i32
    %scan3A_36 = arith.constant 2048 : i32
    %scan3A_37 = arith.addi %scan3A_35, %scan3A_36 : i32
    %scan3A_38 = arith.constant 1 : i32
    %scan3A_39 = scf.for %scan3A_98 = %scan3A_35 to %scan3A_37 step %scan3A_38 iter_args(%scan3A_99 = %scan3A) -> (i32)  : i32 {
      %mul3A_100 = arith.constant 16 : i32
      %mul3A_101 = arith.muli %scan3A_98, %mul3A_100 : i32
      %swap3A = arith.index_cast %mul3A_101 : i32 to index
      %swap3A_102 = tpu.vector_load %arg12[%swap3A] {strides = array<i32>} : memref<32768xf32, #tpu.memory_space<vmem>>, vector<16xf32>,
      tpu.vector_store %arg12[%swap3A], %broadcast_in_dim3A_34 {strides = array<i32>} : memref<32768xf32, #tpu.memory_space<vmem>>, vector<16xf32>,
      %mul3A_103 = arith.constant 16 : i32
      %mul3A_104 = arith.muli %scan3A_98, %mul3A_103 : i32
      %swap3A_105 = arith.index_cast %mul3A_104 : i32 to index
      %swap3A_106 = tpu.vector_load %arg13[%swap3A_105] {strides = array<i32>} : memref<32768xf32, #tpu.memory_space<vmem>>, vector<16xf32>,
      tpu.vector_store %arg13[%swap3A_105], %broadcast_in_dim3A_34 {strides = array<i32>} : memref<32768xf32, #tpu.memory_space<vmem>>, vector<16xf32>,
      %scan3A_107 = arith.constant 0 : i32
      scf.yield %scan3A_107 : i32
    }
    %scan3A_40 = arith.constant 2048 : i32
    %iota3A = tpu.iota {dimensions = array<i32: 0>} : vector<16xi32>
    %broadcast_in_dim3A_41 = arith.constant 1.000000e+00 : f32
    %broadcast_in_dim3A_42 = vector.broadcast %broadcast_in_dim3A_41 : f32 to vector<16xf32>
    %add3A_43 = arith.constant 0 : i32
    %add3A_44 = arith.addi %mul3A_32, %add3A_43 : i32
    %run_scoped3A = arith.constant 0 : i32
    "tpu.region"() ({
      %run_scoped3A_98 = tpu.sem_alloc : memref<!tpu.dma_semaphore, #tpu.memory_space<semaphore_mem>>
      %dma_start3A = arith.constant 0 : i32
      %dma_start3A_99 = tpu.memref_slice %arg2[%select_n3A, %run_scoped3A, %add3A_44, %dma_start3A] : memref<4x2x512x512xf32, #tpu.memory_space<hbm>> -> memref<1x1x16x512xf32, #tpu.memory_space<hbm>>
      %dma_start3A_100 = tpu.memref_squeeze %dma_start3A_99 : memref<1x1x16x512xf32, #tpu.memory_space<hbm>> -> memref<16x512xf32, #tpu.memory_space<hbm>>
      %dma_start3A_101 = arith.constant 0 : i32
      %dma_start3A_102 = tpu.memref_slice %arg2[%select_n3A, %run_scoped3A, %add3A_44, %dma_start3A_101] : memref<4x2x512x512xf32, #tpu.memory_space<hbm>> -> memref<1x1x16x512xf32, #tpu.memory_space<hbm>>
      %dma_start3A_103 = tpu.memref_squeeze %dma_start3A_102 : memref<1x1x16x512xf32, #tpu.memory_space<hbm>> -> memref<16x512xf32, #tpu.memory_space<hbm>>
      tpu.enqueue_dma source(%dma_start3A_103 : memref<16x512xf32, #tpu.memory_space<hbm>>) target(%arg8 : memref<16x512xf32, #tpu.memory_space<vmem>>) target_semaphore(%run_scoped3A_98 : memref<!tpu.dma_semaphore, #tpu.memory_space<semaphore_mem>>)
      %dma_wait3A = arith.constant 0 : i32
      %dma_wait3A_104 = tpu.memref_slice %arg2[%select_n3A, %run_scoped3A, %add3A_44, %dma_wait3A] : memref<4x2x512x512xf32, #tpu.memory_space<hbm>> -> memref<1x1x16x512xf32, #tpu.memory_space<hbm>>
      %dma_wait3A_105 = tpu.memref_squeeze %dma_wait3A_104 : memref<1x1x16x512xf32, #tpu.memory_space<hbm>> -> memref<16x512xf32, #tpu.memory_space<hbm>>
      %dma_wait3A_106 = arith.constant 0 : i32
      %dma_wait3A_107 = tpu.memref_slice %arg2[%select_n3A, %run_scoped3A, %add3A_44, %dma_wait3A_106] : memref<4x2x512x512xf32, #tpu.memory_space<hbm>> -> memref<1x1x16x512xf32, #tpu.memory_space<hbm>>
      %dma_wait3A_108 = tpu.memref_squeeze %dma_wait3A_107 : memref<1x1x16x512xf32, #tpu.memory_space<hbm>> -> memref<16x512xf32, #tpu.memory_space<hbm>>
      tpu.wait_dma2 semaphore(%run_scoped3A_98 : memref<!tpu.dma_semaphore, #tpu.memory_space<semaphore_mem>>) src(%dma_wait3A_108 : memref<16x512xf32, #tpu.memory_space<hbm>>) dst(%arg8 : memref<16x512xf32, #tpu.memory_space<vmem>>)
      tpu.yield
    }) : () -> ()
    %add3A_45 = arith.constant 0 : i32
    %add3A_46 = arith.addi %mul3A_32, %add3A_45 : i32
    "tpu.region"() ({
      %run_scoped3A_98 = tpu.sem_alloc : memref<!tpu.dma_semaphore, #tpu.memory_space<semaphore_mem>>
      %dma_start3A = arith.constant 0 : i32
      %dma_start3A_99 = tpu.memref_slice %arg3[%select_n3A, %add3A_46, %dma_start3A] : memref<4x512x512xf32, #tpu.memory_space<hbm>> -> memref<1x16x512xf32, #tpu.memory_space<hbm>>
      %dma_start3A_100 = tpu.memref_squeeze %dma_start3A_99 : memref<1x16x512xf32, #tpu.memory_space<hbm>> -> memref<16x512xf32, #tpu.memory_space<hbm>>
      %dma_start3A_101 = arith.constant 0 : i32
      %dma_start3A_102 = tpu.memref_slice %arg3[%select_n3A, %add3A_46, %dma_start3A_101] : memref<4x512x512xf32, #tpu.memory_space<hbm>> -> memref<1x16x512xf32, #tpu.memory_space<hbm>>
      %dma_start3A_103 = tpu.memref_squeeze %dma_start3A_102 : memref<1x16x512xf32, #tpu.memory_space<hbm>> -> memref<16x512xf32, #tpu.memory_space<hbm>>
      tpu.enqueue_dma source(%dma_start3A_103 : memref<16x512xf32, #tpu.memory_space<hbm>>) target(%arg9 : memref<16x512xf32, #tpu.memory_space<vmem>>) target_semaphore(%run_scoped3A_98 : memref<!tpu.dma_semaphore, #tpu.memory_space<semaphore_mem>>)
      %dma_wait3A = arith.constant 0 : i32
      %dma_wait3A_104 = tpu.memref_slice %arg3[%select_n3A, %add3A_46, %dma_wait3A] : memref<4x512x512xf32, #tpu.memory_space<hbm>> -> memref<1x16x512xf32, #tpu.memory_space<hbm>>
      %dma_wait3A_105 = tpu.memref_squeeze %dma_wait3A_104 : memref<1x16x512xf32, #tpu.memory_space<hbm>> -> memref<16x512xf32, #tpu.memory_space<hbm>>
      %dma_wait3A_106 = arith.constant 0 : i32
      %dma_wait3A_107 = tpu.memref_slice %arg3[%select_n3A, %add3A_46, %dma_wait3A_106] : memref<4x512x512xf32, #tpu.memory_space<hbm>> -> memref<1x16x512xf32, #tpu.memory_space<hbm>>
      %dma_wait3A_108 = tpu.memref_squeeze %dma_wait3A_107 : memref<1x16x512xf32, #tpu.memory_space<hbm>> -> memref<16x512xf32, #tpu.memory_space<hbm>>
      tpu.wait_dma2 semaphore(%run_scoped3A_98 : memref<!tpu.dma_semaphore, #tpu.memory_space<semaphore_mem>>) src(%dma_wait3A_108 : memref<16x512xf32, #tpu.memory_space<hbm>>) dst(%arg9 : memref<16x512xf32, #tpu.memory_space<vmem>>)
      tpu.yield
    }) : () -> ()
    %add3A_47 = arith.constant 0 : i32
    %add3A_48 = arith.addi %mul3A_32, %add3A_47 : i32
    "tpu.region"() ({
      %run_scoped3A_98 = tpu.sem_alloc : memref<!tpu.dma_semaphore, #tpu.memory_space<semaphore_mem>>
      %dma_start3A = arith.constant 0 : i32
      %dma_start3A_99 = tpu.memref_slice %arg4[%select_n3A, %add3A_48, %dma_start3A] : memref<4x512x512xi32, #tpu.memory_space<hbm>> -> memref<1x16x512xi32, #tpu.memory_space<hbm>>
      %dma_start3A_100 = tpu.memref_squeeze %dma_start3A_99 : memref<1x16x512xi32, #tpu.memory_space<hbm>> -> memref<16x512xi32, #tpu.memory_space<hbm>>
      %dma_start3A_101 = arith.constant 0 : i32
      %dma_start3A_102 = tpu.memref_slice %arg4[%select_n3A, %add3A_48, %dma_start3A_101] : memref<4x512x512xi32, #tpu.memory_space<hbm>> -> memref<1x16x512xi32, #tpu.memory_space<hbm>>
      %dma_start3A_103 = tpu.memref_squeeze %dma_start3A_102 : memref<1x16x512xi32, #tpu.memory_space<hbm>> -> memref<16x512xi32, #tpu.memory_space<hbm>>
      tpu.enqueue_dma source(%dma_start3A_103 : memref<16x512xi32, #tpu.memory_space<hbm>>) target(%arg10 : memref<16x512xi32, #tpu.memory_space<vmem>>) target_semaphore(%run_scoped3A_98 : memref<!tpu.dma_semaphore, #tpu.memory_space<semaphore_mem>>)
      %dma_wait3A = arith.constant 0 : i32
      %dma_wait3A_104 = tpu.memref_slice %arg4[%select_n3A, %add3A_48, %dma_wait3A] : memref<4x512x512xi32, #tpu.memory_space<hbm>> -> memref<1x16x512xi32, #tpu.memory_space<hbm>>
      %dma_wait3A_105 = tpu.memref_squeeze %dma_wait3A_104 : memref<1x16x512xi32, #tpu.memory_space<hbm>> -> memref<16x512xi32, #tpu.memory_space<hbm>>
      %dma_wait3A_106 = arith.constant 0 : i32
      %dma_wait3A_107 = tpu.memref_slice %arg4[%select_n3A, %add3A_48, %dma_wait3A_106] : memref<4x512x512xi32, #tpu.memory_space<hbm>> -> memref<1x16x512xi32, #tpu.memory_space<hbm>>
      %dma_wait3A_108 = tpu.memref_squeeze %dma_wait3A_107 : memref<1x16x512xi32, #tpu.memory_space<hbm>> -> memref<16x512xi32, #tpu.memory_space<hbm>>
      tpu.wait_dma2 semaphore(%run_scoped3A_98 : memref<!tpu.dma_semaphore, #tpu.memory_space<semaphore_mem>>) src(%dma_wait3A_108 : memref<16x512xi32, #tpu.memory_space<hbm>>) dst(%arg10 : memref<16x512xi32, #tpu.memory_space<vmem>>)
      tpu.yield
    }) : () -> ()
    %scan3A_49 = arith.constant 0 : i32
    %scan3A_50 = arith.constant 0 : i32
    %scan3A_51 = arith.constant 512 : i32
    %scan3A_52 = arith.addi %scan3A_50, %scan3A_51 : i32
    %scan3A_53 = arith.constant 1 : i32
    %scan3A_54 = scf.for %scan3A_98 = %scan3A_50 to %scan3A_52 step %scan3A_53 iter_args(%scan3A_99 = %scan3A_49) -> (i32)  : i32 {
      %jit3A_100 = arith.constant 32 : i32
      %div3A_101 = arith.divsi %scan3A_98, %jit3A_100 : i32
      %sign3A_102 = arith.constant 0 : i32
      %sign3A_103 = arith.cmpi sgt, %scan3A_98, %sign3A_102 : i32
      %sign3A_104 = arith.extui %sign3A_103 : i1 to i32
      %sign3A_105 = arith.constant 0 : i32
      %sign3A_106 = arith.cmpi slt, %scan3A_98, %sign3A_105 : i32
      %sign3A_107 = arith.extui %sign3A_106 : i1 to i32
      %sign3A_108 = arith.subi %sign3A_104, %sign3A_107 : i32
      %sign3A_109 = arith.constant 0 : i32
      %sign3A_110 = arith.cmpi sgt, %jit3A_100, %sign3A_109 : i32
      %sign3A_111 = arith.extui %sign3A_110 : i1 to i32
      %sign3A_112 = arith.constant 0 : i32
      %sign3A_113 = arith.cmpi slt, %jit3A_100, %sign3A_112 : i32
      %sign3A_114 = arith.extui %sign3A_113 : i1 to i32
      %sign3A_115 = arith.subi %sign3A_111, %sign3A_114 : i32
      %ne3A_116 = arith.cmpi ne, %sign3A_108, %sign3A_115 : i32
      %rem3A_117 = arith.remsi %scan3A_98, %jit3A_100 : i32
      %ne3A_118 = arith.constant 0 : i32
      %ne3A_119 = arith.cmpi ne, %rem3A_117, %ne3A_118 : i32
      %and3A_120 = arith.andi %ne3A_116, %ne3A_119 : i1
      %sub3A_121 = arith.constant 1 : i32
      %sub3A_122 = arith.subi %div3A_101, %sub3A_121 : i32
      %select_n3A_123 = arith.select %and3A_120, %sub3A_122, %div3A_101 : i32
      %jit3A_124 = arith.constant 32 : i32
      %eq3A_125 = arith.constant 0 : i32
      %eq3A_126 = arith.cmpi eq, %jit3A_124, %eq3A_125 : i32
      %jit3A_127 = arith.constant 1 : i32
      %select_n3A_128 = arith.select %eq3A_126, %jit3A_127, %jit3A_124 : i32
      %rem3A_129 = arith.remsi %scan3A_98, %select_n3A_128 : i32
      %ne3A_130 = arith.constant 0 : i32
      %ne3A_131 = arith.cmpi ne, %rem3A_129, %ne3A_130 : i32
      %lt3A_132 = arith.constant 0 : i32
      %lt3A_133 = arith.cmpi slt, %rem3A_129, %lt3A_132 : i32
      %lt3A_134 = arith.constant 0 : i32
      %lt3A_135 = arith.cmpi slt, %select_n3A_128, %lt3A_134 : i32
      %ne3A_136 = arith.xori %lt3A_133, %lt3A_135 : i1
      %and3A_137 = arith.andi %ne3A_136, %ne3A_131 : i1
      %add3A_138 = arith.addi %rem3A_129, %select_n3A_128 : i32
      %select_n3A_139 = arith.select %and3A_137, %add3A_138, %rem3A_129 : i32
      %mul3A_140 = arith.constant 16 : i32
      %mul3A_141 = arith.muli %select_n3A_139, %mul3A_140 : i32
      %get3A_142 = arith.index_cast %select_n3A_123 : i32 to index
      %get3A_143 = arith.index_cast %mul3A_141 : i32 to index
      %get3A_144 = tpu.vector_load %arg8[%get3A_142, %get3A_143] {strides = array<i32>} : memref<16x512xf32, #tpu.memory_space<vmem>>, vector<16xf32>,
      %get3A_145 = arith.index_cast %select_n3A_123 : i32 to index
      %get3A_146 = arith.index_cast %mul3A_141 : i32 to index
      %get3A_147 = tpu.vector_load %arg9[%get3A_145, %get3A_146] {strides = array<i32>} : memref<16x512xf32, #tpu.memory_space<vmem>>, vector<16xf32>,
      %get3A_148 = arith.index_cast %select_n3A_123 : i32 to index
      %get3A_149 = arith.index_cast %mul3A_141 : i32 to index
      %get3A_150 = tpu.vector_load %arg10[%get3A_148, %get3A_149] {strides = array<i32>} : memref<16x512xi32, #tpu.memory_space<vmem>>, vector<16xi32>,
      %sub3A_151 = arith.subf %get3A_144, %get3A_147 : vector<16xf32>
      %abs3A = math.absf %sub3A_151 : vector<16xf32>
      %bitcast_convert_type3A = tpu.bitcast %abs3A : vector<16xf32> -> vector<16xi32>
      %eq3A_152 = arith.constant 0 : i32
      %eq3A_153 = vector.broadcast %eq3A_152 : i32 to vector<16xi32>
      %eq3A_154 = arith.cmpi eq, %get3A_150, %eq3A_153 : vector<16xi32>
      %shift_right_logical3A = arith.constant 31 : i32
      %shift_right_logical3A_155 = vector.broadcast %shift_right_logical3A : i32 to vector<16xi32>
      %shift_right_logical3A_156 = arith.shrui %bitcast_convert_type3A, %shift_right_logical3A_155 : vector<16xi32>
      %eq3A_157 = arith.cmpi eq, %shift_right_logical3A_156, %get3A_33 : vector<16xi32>
      %and3A_158 = arith.andi %eq3A_154, %eq3A_157 : vector<16xi1>
      %shift_right_logical3A_159 = arith.constant 20 : i32
      %shift_right_logical3A_160 = vector.broadcast %shift_right_logical3A_159 : i32 to vector<16xi32>
      %shift_right_logical3A_161 = arith.shrui %bitcast_convert_type3A, %shift_right_logical3A_160 : vector<16xi32>
      %and3A_162 = arith.constant 2047 : i32
      %and3A_163 = vector.broadcast %and3A_162 : i32 to vector<16xi32>
      %and3A_164 = arith.andi %shift_right_logical3A_161, %and3A_163 : vector<16xi32>
      %mul3A_165 = arith.constant 16 : i32
      %mul3A_166 = vector.broadcast %mul3A_165 : i32 to vector<16xi32>
      %mul3A_167 = arith.muli %and3A_164, %mul3A_166 : vector<16xi32>
      %add3A_168 = arith.addi %mul3A_167, %iota3A : vector<16xi32>
      tpu.vector_store_idx %arg12[%add3A_168], %broadcast_in_dim3A_42 masked %and3A_158 {add = true} : memref<32768xf32, #tpu.memory_space<vmem>>[vector<16xi32>], vector<16xf32>, vector<16xi1>
      tpu.vector_store_idx %arg13[%add3A_168], %abs3A masked %and3A_158 {add = true} : memref<32768xf32, #tpu.memory_space<vmem>>[vector<16xi32>], vector<16xf32>, vector<16xi1>
      %scan3A_169 = arith.constant 0 : i32
      scf.yield %scan3A_169 : i32
    }
    %scan3A_55 = arith.constant 512 : i32
    %add3A_56 = arith.constant 16 : i32
    %add3A_57 = arith.addi %mul3A_32, %add3A_56 : i32
    %run_scoped3A_58 = arith.constant 0 : i32
    "tpu.region"() ({
      %run_scoped3A_98 = tpu.sem_alloc : memref<!tpu.dma_semaphore, #tpu.memory_space<semaphore_mem>>
      %dma_start3A = arith.constant 0 : i32
      %dma_start3A_99 = tpu.memref_slice %arg2[%select_n3A, %run_scoped3A_58, %add3A_57, %dma_start3A] : memref<4x2x512x512xf32, #tpu.memory_space<hbm>> -> memref<1x1x16x512xf32, #tpu.memory_space<hbm>>
      %dma_start3A_100 = tpu.memref_squeeze %dma_start3A_99 : memref<1x1x16x512xf32, #tpu.memory_space<hbm>> -> memref<16x512xf32, #tpu.memory_space<hbm>>
      %dma_start3A_101 = arith.constant 0 : i32
      %dma_start3A_102 = tpu.memref_slice %arg2[%select_n3A, %run_scoped3A_58, %add3A_57, %dma_start3A_101] : memref<4x2x512x512xf32, #tpu.memory_space<hbm>> -> memref<1x1x16x512xf32, #tpu.memory_space<hbm>>
      %dma_start3A_103 = tpu.memref_squeeze %dma_start3A_102 : memref<1x1x16x512xf32, #tpu.memory_space<hbm>> -> memref<16x512xf32, #tpu.memory_space<hbm>>
      tpu.enqueue_dma source(%dma_start3A_103 : memref<16x512xf32, #tpu.memory_space<hbm>>) target(%arg8 : memref<16x512xf32, #tpu.memory_space<vmem>>) target_semaphore(%run_scoped3A_98 : memref<!tpu.dma_semaphore, #tpu.memory_space<semaphore_mem>>)
      %dma_wait3A = arith.constant 0 : i32
      %dma_wait3A_104 = tpu.memref_slice %arg2[%select_n3A, %run_scoped3A_58, %add3A_57, %dma_wait3A] : memref<4x2x512x512xf32, #tpu.memory_space<hbm>> -> memref<1x1x16x512xf32, #tpu.memory_space<hbm>>
      %dma_wait3A_105 = tpu.memref_squeeze %dma_wait3A_104 : memref<1x1x16x512xf32, #tpu.memory_space<hbm>> -> memref<16x512xf32, #tpu.memory_space<hbm>>
      %dma_wait3A_106 = arith.constant 0 : i32
      %dma_wait3A_107 = tpu.memref_slice %arg2[%select_n3A, %run_scoped3A_58, %add3A_57, %dma_wait3A_106] : memref<4x2x512x512xf32, #tpu.memory_space<hbm>> -> memref<1x1x16x512xf32, #tpu.memory_space<hbm>>
      %dma_wait3A_108 = tpu.memref_squeeze %dma_wait3A_107 : memref<1x1x16x512xf32, #tpu.memory_space<hbm>> -> memref<16x512xf32, #tpu.memory_space<hbm>>
      tpu.wait_dma2 semaphore(%run_scoped3A_98 : memref<!tpu.dma_semaphore, #tpu.memory_space<semaphore_mem>>) src(%dma_wait3A_108 : memref<16x512xf32, #tpu.memory_space<hbm>>) dst(%arg8 : memref<16x512xf32, #tpu.memory_space<vmem>>)
      tpu.yield
    }) : () -> ()
    %add3A_59 = arith.constant 16 : i32
    %add3A_60 = arith.addi %mul3A_32, %add3A_59 : i32
    "tpu.region"() ({
      %run_scoped3A_98 = tpu.sem_alloc : memref<!tpu.dma_semaphore, #tpu.memory_space<semaphore_mem>>
      %dma_start3A = arith.constant 0 : i32
      %dma_start3A_99 = tpu.memref_slice %arg3[%select_n3A, %add3A_60, %dma_start3A] : memref<4x512x512xf32, #tpu.memory_space<hbm>> -> memref<1x16x512xf32, #tpu.memory_space<hbm>>
      %dma_start3A_100 = tpu.memref_squeeze %dma_start3A_99 : memref<1x16x512xf32, #tpu.memory_space<hbm>> -> memref<16x512xf32, #tpu.memory_space<hbm>>
      %dma_start3A_101 = arith.constant 0 : i32
      %dma_start3A_102 = tpu.memref_slice %arg3[%select_n3A, %add3A_60, %dma_start3A_101] : memref<4x512x512xf32, #tpu.memory_space<hbm>> -> memref<1x16x512xf32, #tpu.memory_space<hbm>>
      %dma_start3A_103 = tpu.memref_squeeze %dma_start3A_102 : memref<1x16x512xf32, #tpu.memory_space<hbm>> -> memref<16x512xf32, #tpu.memory_space<hbm>>
      tpu.enqueue_dma source(%dma_start3A_103 : memref<16x512xf32, #tpu.memory_space<hbm>>) target(%arg9 : memref<16x512xf32, #tpu.memory_space<vmem>>) target_semaphore(%run_scoped3A_98 : memref<!tpu.dma_semaphore, #tpu.memory_space<semaphore_mem>>)
      %dma_wait3A = arith.constant 0 : i32
      %dma_wait3A_104 = tpu.memref_slice %arg3[%select_n3A, %add3A_60, %dma_wait3A] : memref<4x512x512xf32, #tpu.memory_space<hbm>> -> memref<1x16x512xf32, #tpu.memory_space<hbm>>
      %dma_wait3A_105 = tpu.memref_squeeze %dma_wait3A_104 : memref<1x16x512xf32, #tpu.memory_space<hbm>> -> memref<16x512xf32, #tpu.memory_space<hbm>>
      %dma_wait3A_106 = arith.constant 0 : i32
      %dma_wait3A_107 = tpu.memref_slice %arg3[%select_n3A, %add3A_60, %dma_wait3A_106] : memref<4x512x512xf32, #tpu.memory_space<hbm>> -> memref<1x16x512xf32, #tpu.memory_space<hbm>>
      %dma_wait3A_108 = tpu.memref_squeeze %dma_wait3A_107 : memref<1x16x512xf32, #tpu.memory_space<hbm>> -> memref<16x512xf32, #tpu.memory_space<hbm>>
      tpu.wait_dma2 semaphore(%run_scoped3A_98 : memref<!tpu.dma_semaphore, #tpu.memory_space<semaphore_mem>>) src(%dma_wait3A_108 : memref<16x512xf32, #tpu.memory_space<hbm>>) dst(%arg9 : memref<16x512xf32, #tpu.memory_space<vmem>>)
      tpu.yield
    }) : () -> ()
    %add3A_61 = arith.constant 16 : i32
    %add3A_62 = arith.addi %mul3A_32, %add3A_61 : i32
    "tpu.region"() ({
      %run_scoped3A_98 = tpu.sem_alloc : memref<!tpu.dma_semaphore, #tpu.memory_space<semaphore_mem>>
      %dma_start3A = arith.constant 0 : i32
      %dma_start3A_99 = tpu.memref_slice %arg4[%select_n3A, %add3A_62, %dma_start3A] : memref<4x512x512xi32, #tpu.memory_space<hbm>> -> memref<1x16x512xi32, #tpu.memory_space<hbm>>
      %dma_start3A_100 = tpu.memref_squeeze %dma_start3A_99 : memref<1x16x512xi32, #tpu.memory_space<hbm>> -> memref<16x512xi32, #tpu.memory_space<hbm>>
      %dma_start3A_101 = arith.constant 0 : i32
      %dma_start3A_102 = tpu.memref_slice %arg4[%select_n3A, %add3A_62, %dma_start3A_101] : memref<4x512x512xi32, #tpu.memory_space<hbm>> -> memref<1x16x512xi32, #tpu.memory_space<hbm>>
      %dma_start3A_103 = tpu.memref_squeeze %dma_start3A_102 : memref<1x16x512xi32, #tpu.memory_space<hbm>> -> memref<16x512xi32, #tpu.memory_space<hbm>>
      tpu.enqueue_dma source(%dma_start3A_103 : memref<16x512xi32, #tpu.memory_space<hbm>>) target(%arg10 : memref<16x512xi32, #tpu.memory_space<vmem>>) target_semaphore(%run_scoped3A_98 : memref<!tpu.dma_semaphore, #tpu.memory_space<semaphore_mem>>)
      %dma_wait3A = arith.constant 0 : i32
      %dma_wait3A_104 = tpu.memref_slice %arg4[%select_n3A, %add3A_62, %dma_wait3A] : memref<4x512x512xi32, #tpu.memory_space<hbm>> -> memref<1x16x512xi32, #tpu.memory_space<hbm>>
      %dma_wait3A_105 = tpu.memref_squeeze %dma_wait3A_104 : memref<1x16x512xi32, #tpu.memory_space<hbm>> -> memref<16x512xi32, #tpu.memory_space<hbm>>
      %dma_wait3A_106 = arith.constant 0 : i32
      %dma_wait3A_107 = tpu.memref_slice %arg4[%select_n3A, %add3A_62, %dma_wait3A_106] : memref<4x512x512xi32, #tpu.memory_space<hbm>> -> memref<1x16x512xi32, #tpu.memory_space<hbm>>
      %dma_wait3A_108 = tpu.memref_squeeze %dma_wait3A_107 : memref<1x16x512xi32, #tpu.memory_space<hbm>> -> memref<16x512xi32, #tpu.memory_space<hbm>>
      tpu.wait_dma2 semaphore(%run_scoped3A_98 : memref<!tpu.dma_semaphore, #tpu.memory_space<semaphore_mem>>) src(%dma_wait3A_108 : memref<16x512xi32, #tpu.memory_space<hbm>>) dst(%arg10 : memref<16x512xi32, #tpu.memory_space<vmem>>)
      tpu.yield
    }) : () -> ()
    %scan3A_63 = arith.constant 0 : i32
    %scan3A_64 = arith.constant 0 : i32
    %scan3A_65 = arith.constant 512 : i32
    %scan3A_66 = arith.addi %scan3A_64, %scan3A_65 : i32
    %scan3A_67 = arith.constant 1 : i32
    %scan3A_68 = scf.for %scan3A_98 = %scan3A_64 to %scan3A_66 step %scan3A_67 iter_args(%scan3A_99 = %scan3A_63) -> (i32)  : i32 {
      %jit3A_100 = arith.constant 32 : i32
      %div3A_101 = arith.divsi %scan3A_98, %jit3A_100 : i32
      %sign3A_102 = arith.constant 0 : i32
      %sign3A_103 = arith.cmpi sgt, %scan3A_98, %sign3A_102 : i32
      %sign3A_104 = arith.extui %sign3A_103 : i1 to i32
      %sign3A_105 = arith.constant 0 : i32
      %sign3A_106 = arith.cmpi slt, %scan3A_98, %sign3A_105 : i32
      %sign3A_107 = arith.extui %sign3A_106 : i1 to i32
      %sign3A_108 = arith.subi %sign3A_104, %sign3A_107 : i32
      %sign3A_109 = arith.constant 0 : i32
      %sign3A_110 = arith.cmpi sgt, %jit3A_100, %sign3A_109 : i32
      %sign3A_111 = arith.extui %sign3A_110 : i1 to i32
      %sign3A_112 = arith.constant 0 : i32
      %sign3A_113 = arith.cmpi slt, %jit3A_100, %sign3A_112 : i32
      %sign3A_114 = arith.extui %sign3A_113 : i1 to i32
      %sign3A_115 = arith.subi %sign3A_111, %sign3A_114 : i32
      %ne3A_116 = arith.cmpi ne, %sign3A_108, %sign3A_115 : i32
      %rem3A_117 = arith.remsi %scan3A_98, %jit3A_100 : i32
      %ne3A_118 = arith.constant 0 : i32
      %ne3A_119 = arith.cmpi ne, %rem3A_117, %ne3A_118 : i32
      %and3A_120 = arith.andi %ne3A_116, %ne3A_119 : i1
      %sub3A_121 = arith.constant 1 : i32
      %sub3A_122 = arith.subi %div3A_101, %sub3A_121 : i32
      %select_n3A_123 = arith.select %and3A_120, %sub3A_122, %div3A_101 : i32
      %jit3A_124 = arith.constant 32 : i32
      %eq3A_125 = arith.constant 0 : i32
      %eq3A_126 = arith.cmpi eq, %jit3A_124, %eq3A_125 : i32
      %jit3A_127 = arith.constant 1 : i32
      %select_n3A_128 = arith.select %eq3A_126, %jit3A_127, %jit3A_124 : i32
      %rem3A_129 = arith.remsi %scan3A_98, %select_n3A_128 : i32
      %ne3A_130 = arith.constant 0 : i32
      %ne3A_131 = arith.cmpi ne, %rem3A_129, %ne3A_130 : i32
      %lt3A_132 = arith.constant 0 : i32
      %lt3A_133 = arith.cmpi slt, %rem3A_129, %lt3A_132 : i32
      %lt3A_134 = arith.constant 0 : i32
      %lt3A_135 = arith.cmpi slt, %select_n3A_128, %lt3A_134 : i32
      %ne3A_136 = arith.xori %lt3A_133, %lt3A_135 : i1
      %and3A_137 = arith.andi %ne3A_136, %ne3A_131 : i1
      %add3A_138 = arith.addi %rem3A_129, %select_n3A_128 : i32
      %select_n3A_139 = arith.select %and3A_137, %add3A_138, %rem3A_129 : i32
      %mul3A_140 = arith.constant 16 : i32
      %mul3A_141 = arith.muli %select_n3A_139, %mul3A_140 : i32
      %get3A_142 = arith.index_cast %select_n3A_123 : i32 to index
      %get3A_143 = arith.index_cast %mul3A_141 : i32 to index
      %get3A_144 = tpu.vector_load %arg8[%get3A_142, %get3A_143] {strides = array<i32>} : memref<16x512xf32, #tpu.memory_space<vmem>>, vector<16xf32>,
      %get3A_145 = arith.index_cast %select_n3A_123 : i32 to index
      %get3A_146 = arith.index_cast %mul3A_141 : i32 to index
      %get3A_147 = tpu.vector_load %arg9[%get3A_145, %get3A_146] {strides = array<i32>} : memref<16x512xf32, #tpu.memory_space<vmem>>, vector<16xf32>,
      %get3A_148 = arith.index_cast %select_n3A_123 : i32 to index
      %get3A_149 = arith.index_cast %mul3A_141 : i32 to index
      %get3A_150 = tpu.vector_load %arg10[%get3A_148, %get3A_149] {strides = array<i32>} : memref<16x512xi32, #tpu.memory_space<vmem>>, vector<16xi32>,
      %sub3A_151 = arith.subf %get3A_144, %get3A_147 : vector<16xf32>
      %abs3A = math.absf %sub3A_151 : vector<16xf32>
      %bitcast_convert_type3A = tpu.bitcast %abs3A : vector<16xf32> -> vector<16xi32>
      %eq3A_152 = arith.constant 0 : i32
      %eq3A_153 = vector.broadcast %eq3A_152 : i32 to vector<16xi32>
      %eq3A_154 = arith.cmpi eq, %get3A_150, %eq3A_153 : vector<16xi32>
      %shift_right_logical3A = arith.constant 31 : i32
      %shift_right_logical3A_155 = vector.broadcast %shift_right_logical3A : i32 to vector<16xi32>
      %shift_right_logical3A_156 = arith.shrui %bitcast_convert_type3A, %shift_right_logical3A_155 : vector<16xi32>
      %eq3A_157 = arith.cmpi eq, %shift_right_logical3A_156, %get3A_33 : vector<16xi32>
      %and3A_158 = arith.andi %eq3A_154, %eq3A_157 : vector<16xi1>
      %shift_right_logical3A_159 = arith.constant 20 : i32
      %shift_right_logical3A_160 = vector.broadcast %shift_right_logical3A_159 : i32 to vector<16xi32>
      %shift_right_logical3A_161 = arith.shrui %bitcast_convert_type3A, %shift_right_logical3A_160 : vector<16xi32>
      %and3A_162 = arith.constant 2047 : i32
      %and3A_163 = vector.broadcast %and3A_162 : i32 to vector<16xi32>
      %and3A_164 = arith.andi %shift_right_logical3A_161, %and3A_163 : vector<16xi32>
      %mul3A_165 = arith.constant 16 : i32
      %mul3A_166 = vector.broadcast %mul3A_165 : i32 to vector<16xi32>
      %mul3A_167 = arith.muli %and3A_164, %mul3A_166 : vector<16xi32>
      %add3A_168 = arith.addi %mul3A_167, %iota3A : vector<16xi32>
      tpu.vector_store_idx %arg12[%add3A_168], %broadcast_in_dim3A_42 masked %and3A_158 {add = true} : memref<32768xf32, #tpu.memory_space<vmem>>[vector<16xi32>], vector<16xf32>, vector<16xi1>
      tpu.vector_store_idx %arg13[%add3A_168], %abs3A masked %and3A_158 {add = true} : memref<32768xf32, #tpu.memory_space<vmem>>[vector<16xi32>], vector<16xf32>, vector<16xi1>
      %scan3A_169 = arith.constant 0 : i32
      scf.yield %scan3A_169 : i32
    }
    %scan3A_69 = arith.constant 512 : i32
    %add3A_70 = arith.constant 32 : i32
    %add3A_71 = arith.addi %mul3A_32, %add3A_70 : i32
    %run_scoped3A_72 = arith.constant 0 : i32
    "tpu.region"() ({
      %run_scoped3A_98 = tpu.sem_alloc : memref<!tpu.dma_semaphore, #tpu.memory_space<semaphore_mem>>
      %dma_start3A = arith.constant 0 : i32
      %dma_start3A_99 = tpu.memref_slice %arg2[%select_n3A, %run_scoped3A_72, %add3A_71, %dma_start3A] : memref<4x2x512x512xf32, #tpu.memory_space<hbm>> -> memref<1x1x16x512xf32, #tpu.memory_space<hbm>>
      %dma_start3A_100 = tpu.memref_squeeze %dma_start3A_99 : memref<1x1x16x512xf32, #tpu.memory_space<hbm>> -> memref<16x512xf32, #tpu.memory_space<hbm>>
      %dma_start3A_101 = arith.constant 0 : i32
      %dma_start3A_102 = tpu.memref_slice %arg2[%select_n3A, %run_scoped3A_72, %add3A_71, %dma_start3A_101] : memref<4x2x512x512xf32, #tpu.memory_space<hbm>> -> memref<1x1x16x512xf32, #tpu.memory_space<hbm>>
      %dma_start3A_103 = tpu.memref_squeeze %dma_start3A_102 : memref<1x1x16x512xf32, #tpu.memory_space<hbm>> -> memref<16x512xf32, #tpu.memory_space<hbm>>
      tpu.enqueue_dma source(%dma_start3A_103 : memref<16x512xf32, #tpu.memory_space<hbm>>) target(%arg8 : memref<16x512xf32, #tpu.memory_space<vmem>>) target_semaphore(%run_scoped3A_98 : memref<!tpu.dma_semaphore, #tpu.memory_space<semaphore_mem>>)
      %dma_wait3A = arith.constant 0 : i32
      %dma_wait3A_104 = tpu.memref_slice %arg2[%select_n3A, %run_scoped3A_72, %add3A_71, %dma_wait3A] : memref<4x2x512x512xf32, #tpu.memory_space<hbm>> -> memref<1x1x16x512xf32, #tpu.memory_space<hbm>>
      %dma_wait3A_105 = tpu.memref_squeeze %dma_wait3A_104 : memref<1x1x16x512xf32, #tpu.memory_space<hbm>> -> memref<16x512xf32, #tpu.memory_space<hbm>>
      %dma_wait3A_106 = arith.constant 0 : i32
      %dma_wait3A_107 = tpu.memref_slice %arg2[%select_n3A, %run_scoped3A_72, %add3A_71, %dma_wait3A_106] : memref<4x2x512x512xf32, #tpu.memory_space<hbm>> -> memref<1x1x16x512xf32, #tpu.memory_space<hbm>>
      %dma_wait3A_108 = tpu.memref_squeeze %dma_wait3A_107 : memref<1x1x16x512xf32, #tpu.memory_space<hbm>> -> memref<16x512xf32, #tpu.memory_space<hbm>>
      tpu.wait_dma2 semaphore(%run_scoped3A_98 : memref<!tpu.dma_semaphore, #tpu.memory_space<semaphore_mem>>) src(%dma_wait3A_108 : memref<16x512xf32, #tpu.memory_space<hbm>>) dst(%arg8 : memref<16x512xf32, #tpu.memory_space<vmem>>)
      tpu.yield
    }) : () -> ()
    %add3A_73 = arith.constant 32 : i32
    %add3A_74 = arith.addi %mul3A_32, %add3A_73 : i32
    "tpu.region"() ({
      %run_scoped3A_98 = tpu.sem_alloc : memref<!tpu.dma_semaphore, #tpu.memory_space<semaphore_mem>>
      %dma_start3A = arith.constant 0 : i32
      %dma_start3A_99 = tpu.memref_slice %arg3[%select_n3A, %add3A_74, %dma_start3A] : memref<4x512x512xf32, #tpu.memory_space<hbm>> -> memref<1x16x512xf32, #tpu.memory_space<hbm>>
      %dma_start3A_100 = tpu.memref_squeeze %dma_start3A_99 : memref<1x16x512xf32, #tpu.memory_space<hbm>> -> memref<16x512xf32, #tpu.memory_space<hbm>>
      %dma_start3A_101 = arith.constant 0 : i32
      %dma_start3A_102 = tpu.memref_slice %arg3[%select_n3A, %add3A_74, %dma_start3A_101] : memref<4x512x512xf32, #tpu.memory_space<hbm>> -> memref<1x16x512xf32, #tpu.memory_space<hbm>>
      %dma_start3A_103 = tpu.memref_squeeze %dma_start3A_102 : memref<1x16x512xf32, #tpu.memory_space<hbm>> -> memref<16x512xf32, #tpu.memory_space<hbm>>
      tpu.enqueue_dma source(%dma_start3A_103 : memref<16x512xf32, #tpu.memory_space<hbm>>) target(%arg9 : memref<16x512xf32, #tpu.memory_space<vmem>>) target_semaphore(%run_scoped3A_98 : memref<!tpu.dma_semaphore, #tpu.memory_space<semaphore_mem>>)
      %dma_wait3A = arith.constant 0 : i32
      %dma_wait3A_104 = tpu.memref_slice %arg3[%select_n3A, %add3A_74, %dma_wait3A] : memref<4x512x512xf32, #tpu.memory_space<hbm>> -> memref<1x16x512xf32, #tpu.memory_space<hbm>>
      %dma_wait3A_105 = tpu.memref_squeeze %dma_wait3A_104 : memref<1x16x512xf32, #tpu.memory_space<hbm>> -> memref<16x512xf32, #tpu.memory_space<hbm>>
      %dma_wait3A_106 = arith.constant 0 : i32
      %dma_wait3A_107 = tpu.memref_slice %arg3[%select_n3A, %add3A_74, %dma_wait3A_106] : memref<4x512x512xf32, #tpu.memory_space<hbm>> -> memref<1x16x512xf32, #tpu.memory_space<hbm>>
      %dma_wait3A_108 = tpu.memref_squeeze %dma_wait3A_107 : memref<1x16x512xf32, #tpu.memory_space<hbm>> -> memref<16x512xf32, #tpu.memory_space<hbm>>
      tpu.wait_dma2 semaphore(%run_scoped3A_98 : memref<!tpu.dma_semaphore, #tpu.memory_space<semaphore_mem>>) src(%dma_wait3A_108 : memref<16x512xf32, #tpu.memory_space<hbm>>) dst(%arg9 : memref<16x512xf32, #tpu.memory_space<vmem>>)
      tpu.yield
    }) : () -> ()
    %add3A_75 = arith.constant 32 : i32
    %add3A_76 = arith.addi %mul3A_32, %add3A_75 : i32
    "tpu.region"() ({
      %run_scoped3A_98 = tpu.sem_alloc : memref<!tpu.dma_semaphore, #tpu.memory_space<semaphore_mem>>
      %dma_start3A = arith.constant 0 : i32
      %dma_start3A_99 = tpu.memref_slice %arg4[%select_n3A, %add3A_76, %dma_start3A] : memref<4x512x512xi32, #tpu.memory_space<hbm>> -> memref<1x16x512xi32, #tpu.memory_space<hbm>>
      %dma_start3A_100 = tpu.memref_squeeze %dma_start3A_99 : memref<1x16x512xi32, #tpu.memory_space<hbm>> -> memref<16x512xi32, #tpu.memory_space<hbm>>
      %dma_start3A_101 = arith.constant 0 : i32
      %dma_start3A_102 = tpu.memref_slice %arg4[%select_n3A, %add3A_76, %dma_start3A_101] : memref<4x512x512xi32, #tpu.memory_space<hbm>> -> memref<1x16x512xi32, #tpu.memory_space<hbm>>
      %dma_start3A_103 = tpu.memref_squeeze %dma_start3A_102 : memref<1x16x512xi32, #tpu.memory_space<hbm>> -> memref<16x512xi32, #tpu.memory_space<hbm>>
      tpu.enqueue_dma source(%dma_start3A_103 : memref<16x512xi32, #tpu.memory_space<hbm>>) target(%arg10 : memref<16x512xi32, #tpu.memory_space<vmem>>) target_semaphore(%run_scoped3A_98 : memref<!tpu.dma_semaphore, #tpu.memory_space<semaphore_mem>>)
      %dma_wait3A = arith.constant 0 : i32
      %dma_wait3A_104 = tpu.memref_slice %arg4[%select_n3A, %add3A_76, %dma_wait3A] : memref<4x512x512xi32, #tpu.memory_space<hbm>> -> memref<1x16x512xi32, #tpu.memory_space<hbm>>
      %dma_wait3A_105 = tpu.memref_squeeze %dma_wait3A_104 : memref<1x16x512xi32, #tpu.memory_space<hbm>> -> memref<16x512xi32, #tpu.memory_space<hbm>>
      %dma_wait3A_106 = arith.constant 0 : i32
      %dma_wait3A_107 = tpu.memref_slice %arg4[%select_n3A, %add3A_76, %dma_wait3A_106] : memref<4x512x512xi32, #tpu.memory_space<hbm>> -> memref<1x16x512xi32, #tpu.memory_space<hbm>>
      %dma_wait3A_108 = tpu.memref_squeeze %dma_wait3A_107 : memref<1x16x512xi32, #tpu.memory_space<hbm>> -> memref<16x512xi32, #tpu.memory_space<hbm>>
      tpu.wait_dma2 semaphore(%run_scoped3A_98 : memref<!tpu.dma_semaphore, #tpu.memory_space<semaphore_mem>>) src(%dma_wait3A_108 : memref<16x512xi32, #tpu.memory_space<hbm>>) dst(%arg10 : memref<16x512xi32, #tpu.memory_space<vmem>>)
      tpu.yield
    }) : () -> ()
    %scan3A_77 = arith.constant 0 : i32
    %scan3A_78 = arith.constant 0 : i32
    %scan3A_79 = arith.constant 512 : i32
    %scan3A_80 = arith.addi %scan3A_78, %scan3A_79 : i32
    %scan3A_81 = arith.constant 1 : i32
    %scan3A_82 = scf.for %scan3A_98 = %scan3A_78 to %scan3A_80 step %scan3A_81 iter_args(%scan3A_99 = %scan3A_77) -> (i32)  : i32 {
      %jit3A_100 = arith.constant 32 : i32
      %div3A_101 = arith.divsi %scan3A_98, %jit3A_100 : i32
      %sign3A_102 = arith.constant 0 : i32
      %sign3A_103 = arith.cmpi sgt, %scan3A_98, %sign3A_102 : i32
      %sign3A_104 = arith.extui %sign3A_103 : i1 to i32
      %sign3A_105 = arith.constant 0 : i32
      %sign3A_106 = arith.cmpi slt, %scan3A_98, %sign3A_105 : i32
      %sign3A_107 = arith.extui %sign3A_106 : i1 to i32
      %sign3A_108 = arith.subi %sign3A_104, %sign3A_107 : i32
      %sign3A_109 = arith.constant 0 : i32
      %sign3A_110 = arith.cmpi sgt, %jit3A_100, %sign3A_109 : i32
      %sign3A_111 = arith.extui %sign3A_110 : i1 to i32
      %sign3A_112 = arith.constant 0 : i32
      %sign3A_113 = arith.cmpi slt, %jit3A_100, %sign3A_112 : i32
      %sign3A_114 = arith.extui %sign3A_113 : i1 to i32
      %sign3A_115 = arith.subi %sign3A_111, %sign3A_114 : i32
      %ne3A_116 = arith.cmpi ne, %sign3A_108, %sign3A_115 : i32
      %rem3A_117 = arith.remsi %scan3A_98, %jit3A_100 : i32
      %ne3A_118 = arith.constant 0 : i32
      %ne3A_119 = arith.cmpi ne, %rem3A_117, %ne3A_118 : i32
      %and3A_120 = arith.andi %ne3A_116, %ne3A_119 : i1
      %sub3A_121 = arith.constant 1 : i32
      %sub3A_122 = arith.subi %div3A_101, %sub3A_121 : i32
      %select_n3A_123 = arith.select %and3A_120, %sub3A_122, %div3A_101 : i32
      %jit3A_124 = arith.constant 32 : i32
      %eq3A_125 = arith.constant 0 : i32
      %eq3A_126 = arith.cmpi eq, %jit3A_124, %eq3A_125 : i32
      %jit3A_127 = arith.constant 1 : i32
      %select_n3A_128 = arith.select %eq3A_126, %jit3A_127, %jit3A_124 : i32
      %rem3A_129 = arith.remsi %scan3A_98, %select_n3A_128 : i32
      %ne3A_130 = arith.constant 0 : i32
      %ne3A_131 = arith.cmpi ne, %rem3A_129, %ne3A_130 : i32
      %lt3A_132 = arith.constant 0 : i32
      %lt3A_133 = arith.cmpi slt, %rem3A_129, %lt3A_132 : i32
      %lt3A_134 = arith.constant 0 : i32
      %lt3A_135 = arith.cmpi slt, %select_n3A_128, %lt3A_134 : i32
      %ne3A_136 = arith.xori %lt3A_133, %lt3A_135 : i1
      %and3A_137 = arith.andi %ne3A_136, %ne3A_131 : i1
      %add3A_138 = arith.addi %rem3A_129, %select_n3A_128 : i32
      %select_n3A_139 = arith.select %and3A_137, %add3A_138, %rem3A_129 : i32
      %mul3A_140 = arith.constant 16 : i32
      %mul3A_141 = arith.muli %select_n3A_139, %mul3A_140 : i32
      %get3A_142 = arith.index_cast %select_n3A_123 : i32 to index
      %get3A_143 = arith.index_cast %mul3A_141 : i32 to index
      %get3A_144 = tpu.vector_load %arg8[%get3A_142, %get3A_143] {strides = array<i32>} : memref<16x512xf32, #tpu.memory_space<vmem>>, vector<16xf32>,
      %get3A_145 = arith.index_cast %select_n3A_123 : i32 to index
      %get3A_146 = arith.index_cast %mul3A_141 : i32 to index
      %get3A_147 = tpu.vector_load %arg9[%get3A_145, %get3A_146] {strides = array<i32>} : memref<16x512xf32, #tpu.memory_space<vmem>>, vector<16xf32>,
      %get3A_148 = arith.index_cast %select_n3A_123 : i32 to index
      %get3A_149 = arith.index_cast %mul3A_141 : i32 to index
      %get3A_150 = tpu.vector_load %arg10[%get3A_148, %get3A_149] {strides = array<i32>} : memref<16x512xi32, #tpu.memory_space<vmem>>, vector<16xi32>,
      %sub3A_151 = arith.subf %get3A_144, %get3A_147 : vector<16xf32>
      %abs3A = math.absf %sub3A_151 : vector<16xf32>
      %bitcast_convert_type3A = tpu.bitcast %abs3A : vector<16xf32> -> vector<16xi32>
      %eq3A_152 = arith.constant 0 : i32
      %eq3A_153 = vector.broadcast %eq3A_152 : i32 to vector<16xi32>
      %eq3A_154 = arith.cmpi eq, %get3A_150, %eq3A_153 : vector<16xi32>
      %shift_right_logical3A = arith.constant 31 : i32
      %shift_right_logical3A_155 = vector.broadcast %shift_right_logical3A : i32 to vector<16xi32>
      %shift_right_logical3A_156 = arith.shrui %bitcast_convert_type3A, %shift_right_logical3A_155 : vector<16xi32>
      %eq3A_157 = arith.cmpi eq, %shift_right_logical3A_156, %get3A_33 : vector<16xi32>
      %and3A_158 = arith.andi %eq3A_154, %eq3A_157 : vector<16xi1>
      %shift_right_logical3A_159 = arith.constant 20 : i32
      %shift_right_logical3A_160 = vector.broadcast %shift_right_logical3A_159 : i32 to vector<16xi32>
      %shift_right_logical3A_161 = arith.shrui %bitcast_convert_type3A, %shift_right_logical3A_160 : vector<16xi32>
      %and3A_162 = arith.constant 2047 : i32
      %and3A_163 = vector.broadcast %and3A_162 : i32 to vector<16xi32>
      %and3A_164 = arith.andi %shift_right_logical3A_161, %and3A_163 : vector<16xi32>
      %mul3A_165 = arith.constant 16 : i32
      %mul3A_166 = vector.broadcast %mul3A_165 : i32 to vector<16xi32>
      %mul3A_167 = arith.muli %and3A_164, %mul3A_166 : vector<16xi32>
      %add3A_168 = arith.addi %mul3A_167, %iota3A : vector<16xi32>
      tpu.vector_store_idx %arg12[%add3A_168], %broadcast_in_dim3A_42 masked %and3A_158 {add = true} : memref<32768xf32, #tpu.memory_space<vmem>>[vector<16xi32>], vector<16xf32>, vector<16xi1>
      tpu.vector_store_idx %arg13[%add3A_168], %abs3A masked %and3A_158 {add = true} : memref<32768xf32, #tpu.memory_space<vmem>>[vector<16xi32>], vector<16xf32>, vector<16xi1>
      %scan3A_169 = arith.constant 0 : i32
      scf.yield %scan3A_169 : i32
    }
    %scan3A_83 = arith.constant 512 : i32
    %add3A_84 = arith.constant 48 : i32
    %add3A_85 = arith.addi %mul3A_32, %add3A_84 : i32
    %run_scoped3A_86 = arith.constant 0 : i32
    "tpu.region"() ({
      %run_scoped3A_98 = tpu.sem_alloc : memref<!tpu.dma_semaphore, #tpu.memory_space<semaphore_mem>>
      %dma_start3A = arith.constant 0 : i32
      %dma_start3A_99 = tpu.memref_slice %arg2[%select_n3A, %run_scoped3A_86, %add3A_85, %dma_start3A] : memref<4x2x512x512xf32, #tpu.memory_space<hbm>> -> memref<1x1x16x512xf32, #tpu.memory_space<hbm>>
      %dma_start3A_100 = tpu.memref_squeeze %dma_start3A_99 : memref<1x1x16x512xf32, #tpu.memory_space<hbm>> -> memref<16x512xf32, #tpu.memory_space<hbm>>
      %dma_start3A_101 = arith.constant 0 : i32
      %dma_start3A_102 = tpu.memref_slice %arg2[%select_n3A, %run_scoped3A_86, %add3A_85, %dma_start3A_101] : memref<4x2x512x512xf32, #tpu.memory_space<hbm>> -> memref<1x1x16x512xf32, #tpu.memory_space<hbm>>
      %dma_start3A_103 = tpu.memref_squeeze %dma_start3A_102 : memref<1x1x16x512xf32, #tpu.memory_space<hbm>> -> memref<16x512xf32, #tpu.memory_space<hbm>>
      tpu.enqueue_dma source(%dma_start3A_103 : memref<16x512xf32, #tpu.memory_space<hbm>>) target(%arg8 : memref<16x512xf32, #tpu.memory_space<vmem>>) target_semaphore(%run_scoped3A_98 : memref<!tpu.dma_semaphore, #tpu.memory_space<semaphore_mem>>)
      %dma_wait3A = arith.constant 0 : i32
      %dma_wait3A_104 = tpu.memref_slice %arg2[%select_n3A, %run_scoped3A_86, %add3A_85, %dma_wait3A] : memref<4x2x512x512xf32, #tpu.memory_space<hbm>> -> memref<1x1x16x512xf32, #tpu.memory_space<hbm>>
      %dma_wait3A_105 = tpu.memref_squeeze %dma_wait3A_104 : memref<1x1x16x512xf32, #tpu.memory_space<hbm>> -> memref<16x512xf32, #tpu.memory_space<hbm>>
      %dma_wait3A_106 = arith.constant 0 : i32
      %dma_wait3A_107 = tpu.memref_slice %arg2[%select_n3A, %run_scoped3A_86, %add3A_85, %dma_wait3A_106] : memref<4x2x512x512xf32, #tpu.memory_space<hbm>> -> memref<1x1x16x512xf32, #tpu.memory_space<hbm>>
      %dma_wait3A_108 = tpu.memref_squeeze %dma_wait3A_107 : memref<1x1x16x512xf32, #tpu.memory_space<hbm>> -> memref<16x512xf32, #tpu.memory_space<hbm>>
      tpu.wait_dma2 semaphore(%run_scoped3A_98 : memref<!tpu.dma_semaphore, #tpu.memory_space<semaphore_mem>>) src(%dma_wait3A_108 : memref<16x512xf32, #tpu.memory_space<hbm>>) dst(%arg8 : memref<16x512xf32, #tpu.memory_space<vmem>>)
      tpu.yield
    }) : () -> ()
    %add3A_87 = arith.constant 48 : i32
    %add3A_88 = arith.addi %mul3A_32, %add3A_87 : i32
    "tpu.region"() ({
      %run_scoped3A_98 = tpu.sem_alloc : memref<!tpu.dma_semaphore, #tpu.memory_space<semaphore_mem>>
      %dma_start3A = arith.constant 0 : i32
      %dma_start3A_99 = tpu.memref_slice %arg3[%select_n3A, %add3A_88, %dma_start3A] : memref<4x512x512xf32, #tpu.memory_space<hbm>> -> memref<1x16x512xf32, #tpu.memory_space<hbm>>
      %dma_start3A_100 = tpu.memref_squeeze %dma_start3A_99 : memref<1x16x512xf32, #tpu.memory_space<hbm>> -> memref<16x512xf32, #tpu.memory_space<hbm>>
      %dma_start3A_101 = arith.constant 0 : i32
      %dma_start3A_102 = tpu.memref_slice %arg3[%select_n3A, %add3A_88, %dma_start3A_101] : memref<4x512x512xf32, #tpu.memory_space<hbm>> -> memref<1x16x512xf32, #tpu.memory_space<hbm>>
      %dma_start3A_103 = tpu.memref_squeeze %dma_start3A_102 : memref<1x16x512xf32, #tpu.memory_space<hbm>> -> memref<16x512xf32, #tpu.memory_space<hbm>>
      tpu.enqueue_dma source(%dma_start3A_103 : memref<16x512xf32, #tpu.memory_space<hbm>>) target(%arg9 : memref<16x512xf32, #tpu.memory_space<vmem>>) target_semaphore(%run_scoped3A_98 : memref<!tpu.dma_semaphore, #tpu.memory_space<semaphore_mem>>)
      %dma_wait3A = arith.constant 0 : i32
      %dma_wait3A_104 = tpu.memref_slice %arg3[%select_n3A, %add3A_88, %dma_wait3A] : memref<4x512x512xf32, #tpu.memory_space<hbm>> -> memref<1x16x512xf32, #tpu.memory_space<hbm>>
      %dma_wait3A_105 = tpu.memref_squeeze %dma_wait3A_104 : memref<1x16x512xf32, #tpu.memory_space<hbm>> -> memref<16x512xf32, #tpu.memory_space<hbm>>
      %dma_wait3A_106 = arith.constant 0 : i32
      %dma_wait3A_107 = tpu.memref_slice %arg3[%select_n3A, %add3A_88, %dma_wait3A_106] : memref<4x512x512xf32, #tpu.memory_space<hbm>> -> memref<1x16x512xf32, #tpu.memory_space<hbm>>
      %dma_wait3A_108 = tpu.memref_squeeze %dma_wait3A_107 : memref<1x16x512xf32, #tpu.memory_space<hbm>> -> memref<16x512xf32, #tpu.memory_space<hbm>>
      tpu.wait_dma2 semaphore(%run_scoped3A_98 : memref<!tpu.dma_semaphore, #tpu.memory_space<semaphore_mem>>) src(%dma_wait3A_108 : memref<16x512xf32, #tpu.memory_space<hbm>>) dst(%arg9 : memref<16x512xf32, #tpu.memory_space<vmem>>)
      tpu.yield
    }) : () -> ()
    %add3A_89 = arith.constant 48 : i32
    %add3A_90 = arith.addi %mul3A_32, %add3A_89 : i32
    "tpu.region"() ({
      %run_scoped3A_98 = tpu.sem_alloc : memref<!tpu.dma_semaphore, #tpu.memory_space<semaphore_mem>>
      %dma_start3A = arith.constant 0 : i32
      %dma_start3A_99 = tpu.memref_slice %arg4[%select_n3A, %add3A_90, %dma_start3A] : memref<4x512x512xi32, #tpu.memory_space<hbm>> -> memref<1x16x512xi32, #tpu.memory_space<hbm>>
      %dma_start3A_100 = tpu.memref_squeeze %dma_start3A_99 : memref<1x16x512xi32, #tpu.memory_space<hbm>> -> memref<16x512xi32, #tpu.memory_space<hbm>>
      %dma_start3A_101 = arith.constant 0 : i32
      %dma_start3A_102 = tpu.memref_slice %arg4[%select_n3A, %add3A_90, %dma_start3A_101] : memref<4x512x512xi32, #tpu.memory_space<hbm>> -> memref<1x16x512xi32, #tpu.memory_space<hbm>>
      %dma_start3A_103 = tpu.memref_squeeze %dma_start3A_102 : memref<1x16x512xi32, #tpu.memory_space<hbm>> -> memref<16x512xi32, #tpu.memory_space<hbm>>
      tpu.enqueue_dma source(%dma_start3A_103 : memref<16x512xi32, #tpu.memory_space<hbm>>) target(%arg10 : memref<16x512xi32, #tpu.memory_space<vmem>>) target_semaphore(%run_scoped3A_98 : memref<!tpu.dma_semaphore, #tpu.memory_space<semaphore_mem>>)
      %dma_wait3A = arith.constant 0 : i32
      %dma_wait3A_104 = tpu.memref_slice %arg4[%select_n3A, %add3A_90, %dma_wait3A] : memref<4x512x512xi32, #tpu.memory_space<hbm>> -> memref<1x16x512xi32, #tpu.memory_space<hbm>>
      %dma_wait3A_105 = tpu.memref_squeeze %dma_wait3A_104 : memref<1x16x512xi32, #tpu.memory_space<hbm>> -> memref<16x512xi32, #tpu.memory_space<hbm>>
      %dma_wait3A_106 = arith.constant 0 : i32
      %dma_wait3A_107 = tpu.memref_slice %arg4[%select_n3A, %add3A_90, %dma_wait3A_106] : memref<4x512x512xi32, #tpu.memory_space<hbm>> -> memref<1x16x512xi32, #tpu.memory_space<hbm>>
      %dma_wait3A_108 = tpu.memref_squeeze %dma_wait3A_107 : memref<1x16x512xi32, #tpu.memory_space<hbm>> -> memref<16x512xi32, #tpu.memory_space<hbm>>
      tpu.wait_dma2 semaphore(%run_scoped3A_98 : memref<!tpu.dma_semaphore, #tpu.memory_space<semaphore_mem>>) src(%dma_wait3A_108 : memref<16x512xi32, #tpu.memory_space<hbm>>) dst(%arg10 : memref<16x512xi32, #tpu.memory_space<vmem>>)
      tpu.yield
    }) : () -> ()
    %scan3A_91 = arith.constant 0 : i32
    %scan3A_92 = arith.constant 0 : i32
    %scan3A_93 = arith.constant 512 : i32
    %scan3A_94 = arith.addi %scan3A_92, %scan3A_93 : i32
    %scan3A_95 = arith.constant 1 : i32
    %scan3A_96 = scf.for %scan3A_98 = %scan3A_92 to %scan3A_94 step %scan3A_95 iter_args(%scan3A_99 = %scan3A_91) -> (i32)  : i32 {
      %jit3A_100 = arith.constant 32 : i32
      %div3A_101 = arith.divsi %scan3A_98, %jit3A_100 : i32
      %sign3A_102 = arith.constant 0 : i32
      %sign3A_103 = arith.cmpi sgt, %scan3A_98, %sign3A_102 : i32
      %sign3A_104 = arith.extui %sign3A_103 : i1 to i32
      %sign3A_105 = arith.constant 0 : i32
      %sign3A_106 = arith.cmpi slt, %scan3A_98, %sign3A_105 : i32
      %sign3A_107 = arith.extui %sign3A_106 : i1 to i32
      %sign3A_108 = arith.subi %sign3A_104, %sign3A_107 : i32
      %sign3A_109 = arith.constant 0 : i32
      %sign3A_110 = arith.cmpi sgt, %jit3A_100, %sign3A_109 : i32
      %sign3A_111 = arith.extui %sign3A_110 : i1 to i32
      %sign3A_112 = arith.constant 0 : i32
      %sign3A_113 = arith.cmpi slt, %jit3A_100, %sign3A_112 : i32
      %sign3A_114 = arith.extui %sign3A_113 : i1 to i32
      %sign3A_115 = arith.subi %sign3A_111, %sign3A_114 : i32
      %ne3A_116 = arith.cmpi ne, %sign3A_108, %sign3A_115 : i32
      %rem3A_117 = arith.remsi %scan3A_98, %jit3A_100 : i32
      %ne3A_118 = arith.constant 0 : i32
      %ne3A_119 = arith.cmpi ne, %rem3A_117, %ne3A_118 : i32
      %and3A_120 = arith.andi %ne3A_116, %ne3A_119 : i1
      %sub3A_121 = arith.constant 1 : i32
      %sub3A_122 = arith.subi %div3A_101, %sub3A_121 : i32
      %select_n3A_123 = arith.select %and3A_120, %sub3A_122, %div3A_101 : i32
      %jit3A_124 = arith.constant 32 : i32
      %eq3A_125 = arith.constant 0 : i32
      %eq3A_126 = arith.cmpi eq, %jit3A_124, %eq3A_125 : i32
      %jit3A_127 = arith.constant 1 : i32
      %select_n3A_128 = arith.select %eq3A_126, %jit3A_127, %jit3A_124 : i32
      %rem3A_129 = arith.remsi %scan3A_98, %select_n3A_128 : i32
      %ne3A_130 = arith.constant 0 : i32
      %ne3A_131 = arith.cmpi ne, %rem3A_129, %ne3A_130 : i32
      %lt3A_132 = arith.constant 0 : i32
      %lt3A_133 = arith.cmpi slt, %rem3A_129, %lt3A_132 : i32
      %lt3A_134 = arith.constant 0 : i32
      %lt3A_135 = arith.cmpi slt, %select_n3A_128, %lt3A_134 : i32
      %ne3A_136 = arith.xori %lt3A_133, %lt3A_135 : i1
      %and3A_137 = arith.andi %ne3A_136, %ne3A_131 : i1
      %add3A_138 = arith.addi %rem3A_129, %select_n3A_128 : i32
      %select_n3A_139 = arith.select %and3A_137, %add3A_138, %rem3A_129 : i32
      %mul3A_140 = arith.constant 16 : i32
      %mul3A_141 = arith.muli %select_n3A_139, %mul3A_140 : i32
      %get3A_142 = arith.index_cast %select_n3A_123 : i32 to index
      %get3A_143 = arith.index_cast %mul3A_141 : i32 to index
      %get3A_144 = tpu.vector_load %arg8[%get3A_142, %get3A_143] {strides = array<i32>} : memref<16x512xf32, #tpu.memory_space<vmem>>, vector<16xf32>,
      %get3A_145 = arith.index_cast %select_n3A_123 : i32 to index
      %get3A_146 = arith.index_cast %mul3A_141 : i32 to index
      %get3A_147 = tpu.vector_load %arg9[%get3A_145, %get3A_146] {strides = array<i32>} : memref<16x512xf32, #tpu.memory_space<vmem>>, vector<16xf32>,
      %get3A_148 = arith.index_cast %select_n3A_123 : i32 to index
      %get3A_149 = arith.index_cast %mul3A_141 : i32 to index
      %get3A_150 = tpu.vector_load %arg10[%get3A_148, %get3A_149] {strides = array<i32>} : memref<16x512xi32, #tpu.memory_space<vmem>>, vector<16xi32>,
      %sub3A_151 = arith.subf %get3A_144, %get3A_147 : vector<16xf32>
      %abs3A = math.absf %sub3A_151 : vector<16xf32>
      %bitcast_convert_type3A = tpu.bitcast %abs3A : vector<16xf32> -> vector<16xi32>
      %eq3A_152 = arith.constant 0 : i32
      %eq3A_153 = vector.broadcast %eq3A_152 : i32 to vector<16xi32>
      %eq3A_154 = arith.cmpi eq, %get3A_150, %eq3A_153 : vector<16xi32>
      %shift_right_logical3A = arith.constant 31 : i32
      %shift_right_logical3A_155 = vector.broadcast %shift_right_logical3A : i32 to vector<16xi32>
      %shift_right_logical3A_156 = arith.shrui %bitcast_convert_type3A, %shift_right_logical3A_155 : vector<16xi32>
      %eq3A_157 = arith.cmpi eq, %shift_right_logical3A_156, %get3A_33 : vector<16xi32>
      %and3A_158 = arith.andi %eq3A_154, %eq3A_157 : vector<16xi1>
      %shift_right_logical3A_159 = arith.constant 20 : i32
      %shift_right_logical3A_160 = vector.broadcast %shift_right_logical3A_159 : i32 to vector<16xi32>
      %shift_right_logical3A_161 = arith.shrui %bitcast_convert_type3A, %shift_right_logical3A_160 : vector<16xi32>
      %and3A_162 = arith.constant 2047 : i32
      %and3A_163 = vector.broadcast %and3A_162 : i32 to vector<16xi32>
      %and3A_164 = arith.andi %shift_right_logical3A_161, %and3A_163 : vector<16xi32>
      %mul3A_165 = arith.constant 16 : i32
      %mul3A_166 = vector.broadcast %mul3A_165 : i32 to vector<16xi32>
      %mul3A_167 = arith.muli %and3A_164, %mul3A_166 : vector<16xi32>
      %add3A_168 = arith.addi %mul3A_167, %iota3A : vector<16xi32>
      tpu.vector_store_idx %arg12[%add3A_168], %broadcast_in_dim3A_42 masked %and3A_158 {add = true} : memref<32768xf32, #tpu.memory_space<vmem>>[vector<16xi32>], vector<16xf32>, vector<16xi1>
      tpu.vector_store_idx %arg13[%add3A_168], %abs3A masked %and3A_158 {add = true} : memref<32768xf32, #tpu.memory_space<vmem>>[vector<16xi32>], vector<16xf32>, vector<16xi1>
      %scan3A_169 = arith.constant 0 : i32
      scf.yield %scan3A_169 : i32
    }
    %scan3A_97 = arith.constant 512 : i32
    "tpu.region"() ({
      %run_scoped3A_98 = tpu.sem_alloc : memref<!tpu.dma_semaphore, #tpu.memory_space<semaphore_mem>>
      %dma_start3A = arith.constant 0 : i32
      %dma_start3A_99 = tpu.memref_slice %arg6[%add3A, %dma_start3A] : memref<32x32768xf32, #tpu.memory_space<hbm>> -> memref<1x32768xf32, #tpu.memory_space<hbm>>
      %dma_start3A_100 = tpu.memref_squeeze %dma_start3A_99 : memref<1x32768xf32, #tpu.memory_space<hbm>> -> memref<32768xf32, #tpu.memory_space<hbm>>
      %dma_start3A_101 = arith.constant 0 : i32
      %dma_start3A_102 = tpu.memref_slice %arg6[%add3A, %dma_start3A_101] : memref<32x32768xf32, #tpu.memory_space<hbm>> -> memref<1x32768xf32, #tpu.memory_space<hbm>>
      %dma_start3A_103 = tpu.memref_squeeze %dma_start3A_102 : memref<1x32768xf32, #tpu.memory_space<hbm>> -> memref<32768xf32, #tpu.memory_space<hbm>>
      tpu.enqueue_dma source(%arg12 : memref<32768xf32, #tpu.memory_space<vmem>>) target(%dma_start3A_103 : memref<32768xf32, #tpu.memory_space<hbm>>) target_semaphore(%run_scoped3A_98 : memref<!tpu.dma_semaphore, #tpu.memory_space<semaphore_mem>>)
      %dma_wait3A = arith.constant 0 : i32
      %dma_wait3A_104 = tpu.memref_slice %arg6[%add3A, %dma_wait3A] : memref<32x32768xf32, #tpu.memory_space<hbm>> -> memref<1x32768xf32, #tpu.memory_space<hbm>>
      %dma_wait3A_105 = tpu.memref_squeeze %dma_wait3A_104 : memref<1x32768xf32, #tpu.memory_space<hbm>> -> memref<32768xf32, #tpu.memory_space<hbm>>
      %dma_wait3A_106 = arith.constant 0 : i32
      %dma_wait3A_107 = tpu.memref_slice %arg6[%add3A, %dma_wait3A_106] : memref<32x32768xf32, #tpu.memory_space<hbm>> -> memref<1x32768xf32, #tpu.memory_space<hbm>>
      %dma_wait3A_108 = tpu.memref_squeeze %dma_wait3A_107 : memref<1x32768xf32, #tpu.memory_space<hbm>> -> memref<32768xf32, #tpu.memory_space<hbm>>
      tpu.wait_dma2 semaphore(%run_scoped3A_98 : memref<!tpu.dma_semaphore, #tpu.memory_space<semaphore_mem>>) src(%arg12 : memref<32768xf32, #tpu.memory_space<vmem>>) dst(%dma_wait3A_108 : memref<32768xf32, #tpu.memory_space<hbm>>)
      tpu.yield
    }) : () -> ()
    "tpu.region"() ({
      %run_scoped3A_98 = tpu.sem_alloc : memref<!tpu.dma_semaphore, #tpu.memory_space<semaphore_mem>>
      %dma_start3A = arith.constant 0 : i32
      %dma_start3A_99 = tpu.memref_slice %arg7[%add3A, %dma_start3A] : memref<32x32768xf32, #tpu.memory_space<hbm>> -> memref<1x32768xf32, #tpu.memory_space<hbm>>
      %dma_start3A_100 = tpu.memref_squeeze %dma_start3A_99 : memref<1x32768xf32, #tpu.memory_space<hbm>> -> memref<32768xf32, #tpu.memory_space<hbm>>
      %dma_start3A_101 = arith.constant 0 : i32
      %dma_start3A_102 = tpu.memref_slice %arg7[%add3A, %dma_start3A_101] : memref<32x32768xf32, #tpu.memory_space<hbm>> -> memref<1x32768xf32, #tpu.memory_space<hbm>>
      %dma_start3A_103 = tpu.memref_squeeze %dma_start3A_102 : memref<1x32768xf32, #tpu.memory_space<hbm>> -> memref<32768xf32, #tpu.memory_space<hbm>>
      tpu.enqueue_dma source(%arg13 : memref<32768xf32, #tpu.memory_space<vmem>>) target(%dma_start3A_103 : memref<32768xf32, #tpu.memory_space<hbm>>) target_semaphore(%run_scoped3A_98 : memref<!tpu.dma_semaphore, #tpu.memory_space<semaphore_mem>>)
      %dma_wait3A = arith.constant 0 : i32
      %dma_wait3A_104 = tpu.memref_slice %arg7[%add3A, %dma_wait3A] : memref<32x32768xf32, #tpu.memory_space<hbm>> -> memref<1x32768xf32, #tpu.memory_space<hbm>>
      %dma_wait3A_105 = tpu.memref_squeeze %dma_wait3A_104 : memref<1x32768xf32, #tpu.memory_space<hbm>> -> memref<32768xf32, #tpu.memory_space<hbm>>
      %dma_wait3A_106 = arith.constant 0 : i32
      %dma_wait3A_107 = tpu.memref_slice %arg7[%add3A, %dma_wait3A_106] : memref<32x32768xf32, #tpu.memory_space<hbm>> -> memref<1x32768xf32, #tpu.memory_space<hbm>>
      %dma_wait3A_108 = tpu.memref_squeeze %dma_wait3A_107 : memref<1x32768xf32, #tpu.memory_space<hbm>> -> memref<32768xf32, #tpu.memory_space<hbm>>
      tpu.wait_dma2 semaphore(%run_scoped3A_98 : memref<!tpu.dma_semaphore, #tpu.memory_space<semaphore_mem>>) src(%arg13 : memref<32768xf32, #tpu.memory_space<vmem>>) dst(%dma_wait3A_108 : memref<32768xf32, #tpu.memory_space<hbm>>)
      tpu.yield
    }) : () -> ()
    return
  }
}

#map = affine_map<(d0, d1) -> (0, 0, 0, 0)>
#map1 = affine_map<(d0, d1) -> (0, 0, 0)>
#map2 = affine_map<(d0, d1) -> (0, 0)>
module attributes {stable_mosaic.version = 14 : i64} {
  func.func @_main_pass(%arg0: i32, %arg1: i32, %arg2: memref<4x2x512x512xf32, #tpu.memory_space<hbm>>, %arg3: memref<4x512x512xf32, #tpu.memory_space<hbm>>, %arg4: memref<4x512x512xi32, #tpu.memory_space<hbm>>, %arg5: memref<32x48xf32, #tpu.memory_space<hbm>>, %arg6: memref<2x16x512xf32, #tpu.memory_space<vmem>>, %arg7: memref<2x16x512xf32, #tpu.memory_space<vmem>>, %arg8: memref<2x16x512xi32, #tpu.memory_space<vmem>>, %arg9: memref<48xf32, #tpu.memory_space<vmem>>, %arg10: memref<!tpu.dma_semaphore, #tpu.memory_space<semaphore_mem>>, %arg11: memref<!tpu.dma_semaphore, #tpu.memory_space<semaphore_mem>>) attributes {dimension_semantics = [#tpu.dimension_semantics<core_parallel>, #tpu.dimension_semantics<subcore_parallel>], iteration_bounds = array<i64: 2, 16>, scalar_prefetch = 0 : i64, scratch_operands = 6 : i64, tpu.core_type = #tpu.core_type<sc_vector_subcore>, window_params = [{transform_indices = #map}, {transform_indices = #map1}, {transform_indices = #map1}, {transform_indices = #map2}]} {
    %mul3A = arith.constant 16 : i32
    %mul3A_0 = arith.muli %arg0, %mul3A : i32
    %add3A = arith.addi %mul3A_0, %arg1 : i32
    %jit3A = arith.constant 8 : i32
    %div3A = arith.divsi %add3A, %jit3A : i32
    %sign3A = arith.constant 0 : i32
    %sign3A_1 = arith.cmpi sgt, %add3A, %sign3A : i32
    %sign3A_2 = arith.extui %sign3A_1 : i1 to i32
    %sign3A_3 = arith.constant 0 : i32
    %sign3A_4 = arith.cmpi slt, %add3A, %sign3A_3 : i32
    %sign3A_5 = arith.extui %sign3A_4 : i1 to i32
    %sign3A_6 = arith.subi %sign3A_2, %sign3A_5 : i32
    %sign3A_7 = arith.constant 0 : i32
    %sign3A_8 = arith.cmpi sgt, %jit3A, %sign3A_7 : i32
    %sign3A_9 = arith.extui %sign3A_8 : i1 to i32
    %sign3A_10 = arith.constant 0 : i32
    %sign3A_11 = arith.cmpi slt, %jit3A, %sign3A_10 : i32
    %sign3A_12 = arith.extui %sign3A_11 : i1 to i32
    %sign3A_13 = arith.subi %sign3A_9, %sign3A_12 : i32
    %ne3A = arith.cmpi ne, %sign3A_6, %sign3A_13 : i32
    %rem3A = arith.remsi %add3A, %jit3A : i32
    %ne3A_14 = arith.constant 0 : i32
    %ne3A_15 = arith.cmpi ne, %rem3A, %ne3A_14 : i32
    %and3A = arith.andi %ne3A, %ne3A_15 : i1
    %sub3A = arith.constant 1 : i32
    %sub3A_16 = arith.subi %div3A, %sub3A : i32
    %select_n3A = arith.select %and3A, %sub3A_16, %div3A : i32
    %jit3A_17 = arith.constant 8 : i32
    %eq3A = arith.constant 0 : i32
    %eq3A_18 = arith.cmpi eq, %jit3A_17, %eq3A : i32
    %jit3A_19 = arith.constant 1 : i32
    %select_n3A_20 = arith.select %eq3A_18, %jit3A_19, %jit3A_17 : i32
    %rem3A_21 = arith.remsi %add3A, %select_n3A_20 : i32
    %ne3A_22 = arith.constant 0 : i32
    %ne3A_23 = arith.cmpi ne, %rem3A_21, %ne3A_22 : i32
    %lt3A = arith.constant 0 : i32
    %lt3A_24 = arith.cmpi slt, %rem3A_21, %lt3A : i32
    %lt3A_25 = arith.constant 0 : i32
    %lt3A_26 = arith.cmpi slt, %select_n3A_20, %lt3A_25 : i32
    %ne3A_27 = arith.xori %lt3A_24, %lt3A_26 : i1
    %and3A_28 = arith.andi %ne3A_27, %ne3A_23 : i1
    %add3A_29 = arith.addi %rem3A_21, %select_n3A_20 : i32
    %select_n3A_30 = arith.select %and3A_28, %add3A_29, %rem3A_21 : i32
    %mul3A_31 = arith.constant 64 : i32
    %mul3A_32 = arith.muli %select_n3A_30, %mul3A_31 : i32
    %broadcast_in_dim3A = arith.constant 0.000000e+00 : f32
    %broadcast_in_dim3A_33 = vector.broadcast %broadcast_in_dim3A : f32 to vector<16xf32>
    %add3A_34 = arith.constant 0 : i32
    %add3A_35 = arith.addi %mul3A_32, %add3A_34 : i32
    %dma_start3A = arith.constant 0 : i32
    %dma_start3A_36 = arith.constant 0 : i32
    %dma_start3A_37 = arith.constant 0 : i32
    %dma_start3A_38 = arith.constant 0 : i32
    %dma_start3A_39 = tpu.memref_slice %arg6[%dma_start3A_36, %dma_start3A_37, %dma_start3A_38] : memref<2x16x512xf32, #tpu.memory_space<vmem>> -> memref<1x16x512xf32, #tpu.memory_space<vmem>>
    %dma_start3A_40 = tpu.memref_squeeze %dma_start3A_39 : memref<1x16x512xf32, #tpu.memory_space<vmem>> -> memref<16x512xf32, #tpu.memory_space<vmem>>
    %dma_start3A_41 = arith.constant 0 : i32
    %dma_start3A_42 = tpu.memref_slice %arg2[%select_n3A, %dma_start3A, %add3A_35, %dma_start3A_41] : memref<4x2x512x512xf32, #tpu.memory_space<hbm>> -> memref<1x1x16x512xf32, #tpu.memory_space<hbm>>
    %dma_start3A_43 = tpu.memref_squeeze %dma_start3A_42 : memref<1x1x16x512xf32, #tpu.memory_space<hbm>> -> memref<16x512xf32, #tpu.memory_space<hbm>>
    %dma_start3A_44 = arith.constant 0 : i32
    %dma_start3A_45 = arith.constant 0 : i32
    %dma_start3A_46 = tpu.memref_slice %arg6[%dma_start3A_36, %dma_start3A_44, %dma_start3A_45] : memref<2x16x512xf32, #tpu.memory_space<vmem>> -> memref<1x16x512xf32, #tpu.memory_space<vmem>>
    %dma_start3A_47 = tpu.memref_squeeze %dma_start3A_46 : memref<1x16x512xf32, #tpu.memory_space<vmem>> -> memref<16x512xf32, #tpu.memory_space<vmem>>
    %dma_start3A_48 = arith.constant 0 : i32
    %dma_start3A_49 = tpu.memref_slice %arg2[%select_n3A, %dma_start3A, %add3A_35, %dma_start3A_48] : memref<4x2x512x512xf32, #tpu.memory_space<hbm>> -> memref<1x1x16x512xf32, #tpu.memory_space<hbm>>
    %dma_start3A_50 = tpu.memref_squeeze %dma_start3A_49 : memref<1x1x16x512xf32, #tpu.memory_space<hbm>> -> memref<16x512xf32, #tpu.memory_space<hbm>>
    tpu.enqueue_dma source(%dma_start3A_50 : memref<16x512xf32, #tpu.memory_space<hbm>>) target(%dma_start3A_47 : memref<16x512xf32, #tpu.memory_space<vmem>>) target_semaphore(%arg10 : memref<!tpu.dma_semaphore, #tpu.memory_space<semaphore_mem>>)
    %dma_start3A_51 = arith.constant 0 : i32
    %dma_start3A_52 = arith.constant 0 : i32
    %dma_start3A_53 = arith.constant 0 : i32
    %dma_start3A_54 = tpu.memref_slice %arg7[%dma_start3A_51, %dma_start3A_52, %dma_start3A_53] : memref<2x16x512xf32, #tpu.memory_space<vmem>> -> memref<1x16x512xf32, #tpu.memory_space<vmem>>
    %dma_start3A_55 = tpu.memref_squeeze %dma_start3A_54 : memref<1x16x512xf32, #tpu.memory_space<vmem>> -> memref<16x512xf32, #tpu.memory_space<vmem>>
    %dma_start3A_56 = arith.constant 0 : i32
    %dma_start3A_57 = tpu.memref_slice %arg3[%select_n3A, %add3A_35, %dma_start3A_56] : memref<4x512x512xf32, #tpu.memory_space<hbm>> -> memref<1x16x512xf32, #tpu.memory_space<hbm>>
    %dma_start3A_58 = tpu.memref_squeeze %dma_start3A_57 : memref<1x16x512xf32, #tpu.memory_space<hbm>> -> memref<16x512xf32, #tpu.memory_space<hbm>>
    %dma_start3A_59 = arith.constant 0 : i32
    %dma_start3A_60 = arith.constant 0 : i32
    %dma_start3A_61 = tpu.memref_slice %arg7[%dma_start3A_51, %dma_start3A_59, %dma_start3A_60] : memref<2x16x512xf32, #tpu.memory_space<vmem>> -> memref<1x16x512xf32, #tpu.memory_space<vmem>>
    %dma_start3A_62 = tpu.memref_squeeze %dma_start3A_61 : memref<1x16x512xf32, #tpu.memory_space<vmem>> -> memref<16x512xf32, #tpu.memory_space<vmem>>
    %dma_start3A_63 = arith.constant 0 : i32
    %dma_start3A_64 = tpu.memref_slice %arg3[%select_n3A, %add3A_35, %dma_start3A_63] : memref<4x512x512xf32, #tpu.memory_space<hbm>> -> memref<1x16x512xf32, #tpu.memory_space<hbm>>
    %dma_start3A_65 = tpu.memref_squeeze %dma_start3A_64 : memref<1x16x512xf32, #tpu.memory_space<hbm>> -> memref<16x512xf32, #tpu.memory_space<hbm>>
    tpu.enqueue_dma source(%dma_start3A_65 : memref<16x512xf32, #tpu.memory_space<hbm>>) target(%dma_start3A_62 : memref<16x512xf32, #tpu.memory_space<vmem>>) target_semaphore(%arg10 : memref<!tpu.dma_semaphore, #tpu.memory_space<semaphore_mem>>)
    %dma_start3A_66 = arith.constant 0 : i32
    %dma_start3A_67 = arith.constant 0 : i32
    %dma_start3A_68 = arith.constant 0 : i32
    %dma_start3A_69 = tpu.memref_slice %arg8[%dma_start3A_66, %dma_start3A_67, %dma_start3A_68] : memref<2x16x512xi32, #tpu.memory_space<vmem>> -> memref<1x16x512xi32, #tpu.memory_space<vmem>>
    %dma_start3A_70 = tpu.memref_squeeze %dma_start3A_69 : memref<1x16x512xi32, #tpu.memory_space<vmem>> -> memref<16x512xi32, #tpu.memory_space<vmem>>
    %dma_start3A_71 = arith.constant 0 : i32
    %dma_start3A_72 = tpu.memref_slice %arg4[%select_n3A, %add3A_35, %dma_start3A_71] : memref<4x512x512xi32, #tpu.memory_space<hbm>> -> memref<1x16x512xi32, #tpu.memory_space<hbm>>
    %dma_start3A_73 = tpu.memref_squeeze %dma_start3A_72 : memref<1x16x512xi32, #tpu.memory_space<hbm>> -> memref<16x512xi32, #tpu.memory_space<hbm>>
    %dma_start3A_74 = arith.constant 0 : i32
    %dma_start3A_75 = arith.constant 0 : i32
    %dma_start3A_76 = tpu.memref_slice %arg8[%dma_start3A_66, %dma_start3A_74, %dma_start3A_75] : memref<2x16x512xi32, #tpu.memory_space<vmem>> -> memref<1x16x512xi32, #tpu.memory_space<vmem>>
    %dma_start3A_77 = tpu.memref_squeeze %dma_start3A_76 : memref<1x16x512xi32, #tpu.memory_space<vmem>> -> memref<16x512xi32, #tpu.memory_space<vmem>>
    %dma_start3A_78 = arith.constant 0 : i32
    %dma_start3A_79 = tpu.memref_slice %arg4[%select_n3A, %add3A_35, %dma_start3A_78] : memref<4x512x512xi32, #tpu.memory_space<hbm>> -> memref<1x16x512xi32, #tpu.memory_space<hbm>>
    %dma_start3A_80 = tpu.memref_squeeze %dma_start3A_79 : memref<1x16x512xi32, #tpu.memory_space<hbm>> -> memref<16x512xi32, #tpu.memory_space<hbm>>
    tpu.enqueue_dma source(%dma_start3A_80 : memref<16x512xi32, #tpu.memory_space<hbm>>) target(%dma_start3A_77 : memref<16x512xi32, #tpu.memory_space<vmem>>) target_semaphore(%arg10 : memref<!tpu.dma_semaphore, #tpu.memory_space<semaphore_mem>>)
    %dma_wait3A = arith.constant 0 : i32
    %dma_wait3A_81 = arith.constant 0 : i32
    %dma_wait3A_82 = arith.constant 0 : i32
    %dma_wait3A_83 = arith.constant 0 : i32
    %dma_wait3A_84 = tpu.memref_slice %arg6[%dma_wait3A_81, %dma_wait3A_82, %dma_wait3A_83] : memref<2x16x512xf32, #tpu.memory_space<vmem>> -> memref<1x16x512xf32, #tpu.memory_space<vmem>>
    %dma_wait3A_85 = tpu.memref_squeeze %dma_wait3A_84 : memref<1x16x512xf32, #tpu.memory_space<vmem>> -> memref<16x512xf32, #tpu.memory_space<vmem>>
    %dma_wait3A_86 = arith.constant 0 : i32
    %dma_wait3A_87 = tpu.memref_slice %arg2[%select_n3A, %dma_wait3A, %add3A_35, %dma_wait3A_86] : memref<4x2x512x512xf32, #tpu.memory_space<hbm>> -> memref<1x1x16x512xf32, #tpu.memory_space<hbm>>
    %dma_wait3A_88 = tpu.memref_squeeze %dma_wait3A_87 : memref<1x1x16x512xf32, #tpu.memory_space<hbm>> -> memref<16x512xf32, #tpu.memory_space<hbm>>
    %dma_wait3A_89 = arith.constant 0 : i32
    %dma_wait3A_90 = arith.constant 0 : i32
    %dma_wait3A_91 = tpu.memref_slice %arg6[%dma_wait3A_81, %dma_wait3A_89, %dma_wait3A_90] : memref<2x16x512xf32, #tpu.memory_space<vmem>> -> memref<1x16x512xf32, #tpu.memory_space<vmem>>
    %dma_wait3A_92 = tpu.memref_squeeze %dma_wait3A_91 : memref<1x16x512xf32, #tpu.memory_space<vmem>> -> memref<16x512xf32, #tpu.memory_space<vmem>>
    %dma_wait3A_93 = arith.constant 0 : i32
    %dma_wait3A_94 = tpu.memref_slice %arg2[%select_n3A, %dma_wait3A, %add3A_35, %dma_wait3A_93] : memref<4x2x512x512xf32, #tpu.memory_space<hbm>> -> memref<1x1x16x512xf32, #tpu.memory_space<hbm>>
    %dma_wait3A_95 = tpu.memref_squeeze %dma_wait3A_94 : memref<1x1x16x512xf32, #tpu.memory_space<hbm>> -> memref<16x512xf32, #tpu.memory_space<hbm>>
    tpu.wait_dma2 semaphore(%arg10 : memref<!tpu.dma_semaphore, #tpu.memory_space<semaphore_mem>>) src(%dma_wait3A_95 : memref<16x512xf32, #tpu.memory_space<hbm>>) dst(%dma_wait3A_92 : memref<16x512xf32, #tpu.memory_space<vmem>>)
    %dma_wait3A_96 = arith.constant 0 : i32
    %dma_wait3A_97 = arith.constant 0 : i32
    %dma_wait3A_98 = arith.constant 0 : i32
    %dma_wait3A_99 = tpu.memref_slice %arg7[%dma_wait3A_96, %dma_wait3A_97, %dma_wait3A_98] : memref<2x16x512xf32, #tpu.memory_space<vmem>> -> memref<1x16x512xf32, #tpu.memory_space<vmem>>
    %dma_wait3A_100 = tpu.memref_squeeze %dma_wait3A_99 : memref<1x16x512xf32, #tpu.memory_space<vmem>> -> memref<16x512xf32, #tpu.memory_space<vmem>>
    %dma_wait3A_101 = arith.constant 0 : i32
    %dma_wait3A_102 = tpu.memref_slice %arg3[%select_n3A, %add3A_35, %dma_wait3A_101] : memref<4x512x512xf32, #tpu.memory_space<hbm>> -> memref<1x16x512xf32, #tpu.memory_space<hbm>>
    %dma_wait3A_103 = tpu.memref_squeeze %dma_wait3A_102 : memref<1x16x512xf32, #tpu.memory_space<hbm>> -> memref<16x512xf32, #tpu.memory_space<hbm>>
    %dma_wait3A_104 = arith.constant 0 : i32
    %dma_wait3A_105 = arith.constant 0 : i32
    %dma_wait3A_106 = tpu.memref_slice %arg7[%dma_wait3A_96, %dma_wait3A_104, %dma_wait3A_105] : memref<2x16x512xf32, #tpu.memory_space<vmem>> -> memref<1x16x512xf32, #tpu.memory_space<vmem>>
    %dma_wait3A_107 = tpu.memref_squeeze %dma_wait3A_106 : memref<1x16x512xf32, #tpu.memory_space<vmem>> -> memref<16x512xf32, #tpu.memory_space<vmem>>
    %dma_wait3A_108 = arith.constant 0 : i32
    %dma_wait3A_109 = tpu.memref_slice %arg3[%select_n3A, %add3A_35, %dma_wait3A_108] : memref<4x512x512xf32, #tpu.memory_space<hbm>> -> memref<1x16x512xf32, #tpu.memory_space<hbm>>
    %dma_wait3A_110 = tpu.memref_squeeze %dma_wait3A_109 : memref<1x16x512xf32, #tpu.memory_space<hbm>> -> memref<16x512xf32, #tpu.memory_space<hbm>>
    tpu.wait_dma2 semaphore(%arg10 : memref<!tpu.dma_semaphore, #tpu.memory_space<semaphore_mem>>) src(%dma_wait3A_110 : memref<16x512xf32, #tpu.memory_space<hbm>>) dst(%dma_wait3A_107 : memref<16x512xf32, #tpu.memory_space<vmem>>)
    %dma_wait3A_111 = arith.constant 0 : i32
    %dma_wait3A_112 = arith.constant 0 : i32
    %dma_wait3A_113 = arith.constant 0 : i32
    %dma_wait3A_114 = tpu.memref_slice %arg8[%dma_wait3A_111, %dma_wait3A_112, %dma_wait3A_113] : memref<2x16x512xi32, #tpu.memory_space<vmem>> -> memref<1x16x512xi32, #tpu.memory_space<vmem>>
    %dma_wait3A_115 = tpu.memref_squeeze %dma_wait3A_114 : memref<1x16x512xi32, #tpu.memory_space<vmem>> -> memref<16x512xi32, #tpu.memory_space<vmem>>
    %dma_wait3A_116 = arith.constant 0 : i32
    %dma_wait3A_117 = tpu.memref_slice %arg4[%select_n3A, %add3A_35, %dma_wait3A_116] : memref<4x512x512xi32, #tpu.memory_space<hbm>> -> memref<1x16x512xi32, #tpu.memory_space<hbm>>
    %dma_wait3A_118 = tpu.memref_squeeze %dma_wait3A_117 : memref<1x16x512xi32, #tpu.memory_space<hbm>> -> memref<16x512xi32, #tpu.memory_space<hbm>>
    %dma_wait3A_119 = arith.constant 0 : i32
    %dma_wait3A_120 = arith.constant 0 : i32
    %dma_wait3A_121 = tpu.memref_slice %arg8[%dma_wait3A_111, %dma_wait3A_119, %dma_wait3A_120] : memref<2x16x512xi32, #tpu.memory_space<vmem>> -> memref<1x16x512xi32, #tpu.memory_space<vmem>>
    %dma_wait3A_122 = tpu.memref_squeeze %dma_wait3A_121 : memref<1x16x512xi32, #tpu.memory_space<vmem>> -> memref<16x512xi32, #tpu.memory_space<vmem>>
    %dma_wait3A_123 = arith.constant 0 : i32
    %dma_wait3A_124 = tpu.memref_slice %arg4[%select_n3A, %add3A_35, %dma_wait3A_123] : memref<4x512x512xi32, #tpu.memory_space<hbm>> -> memref<1x16x512xi32, #tpu.memory_space<hbm>>
    %dma_wait3A_125 = tpu.memref_squeeze %dma_wait3A_124 : memref<1x16x512xi32, #tpu.memory_space<hbm>> -> memref<16x512xi32, #tpu.memory_space<hbm>>
    tpu.wait_dma2 semaphore(%arg10 : memref<!tpu.dma_semaphore, #tpu.memory_space<semaphore_mem>>) src(%dma_wait3A_125 : memref<16x512xi32, #tpu.memory_space<hbm>>) dst(%dma_wait3A_122 : memref<16x512xi32, #tpu.memory_space<vmem>>)
    %add3A_126 = arith.constant 16 : i32
    %add3A_127 = arith.addi %mul3A_32, %add3A_126 : i32
    %dma_start3A_128 = arith.constant 0 : i32
    %dma_start3A_129 = arith.constant 1 : i32
    %dma_start3A_130 = arith.constant 0 : i32
    %dma_start3A_131 = arith.constant 0 : i32
    %dma_start3A_132 = tpu.memref_slice %arg6[%dma_start3A_129, %dma_start3A_130, %dma_start3A_131] : memref<2x16x512xf32, #tpu.memory_space<vmem>> -> memref<1x16x512xf32, #tpu.memory_space<vmem>>
    %dma_start3A_133 = tpu.memref_squeeze %dma_start3A_132 : memref<1x16x512xf32, #tpu.memory_space<vmem>> -> memref<16x512xf32, #tpu.memory_space<vmem>>
    %dma_start3A_134 = arith.constant 0 : i32
    %dma_start3A_135 = tpu.memref_slice %arg2[%select_n3A, %dma_start3A_128, %add3A_127, %dma_start3A_134] : memref<4x2x512x512xf32, #tpu.memory_space<hbm>> -> memref<1x1x16x512xf32, #tpu.memory_space<hbm>>
    %dma_start3A_136 = tpu.memref_squeeze %dma_start3A_135 : memref<1x1x16x512xf32, #tpu.memory_space<hbm>> -> memref<16x512xf32, #tpu.memory_space<hbm>>
    %dma_start3A_137 = arith.constant 0 : i32
    %dma_start3A_138 = arith.constant 0 : i32
    %dma_start3A_139 = tpu.memref_slice %arg6[%dma_start3A_129, %dma_start3A_137, %dma_start3A_138] : memref<2x16x512xf32, #tpu.memory_space<vmem>> -> memref<1x16x512xf32, #tpu.memory_space<vmem>>
    %dma_start3A_140 = tpu.memref_squeeze %dma_start3A_139 : memref<1x16x512xf32, #tpu.memory_space<vmem>> -> memref<16x512xf32, #tpu.memory_space<vmem>>
    %dma_start3A_141 = arith.constant 0 : i32
    %dma_start3A_142 = tpu.memref_slice %arg2[%select_n3A, %dma_start3A_128, %add3A_127, %dma_start3A_141] : memref<4x2x512x512xf32, #tpu.memory_space<hbm>> -> memref<1x1x16x512xf32, #tpu.memory_space<hbm>>
    %dma_start3A_143 = tpu.memref_squeeze %dma_start3A_142 : memref<1x1x16x512xf32, #tpu.memory_space<hbm>> -> memref<16x512xf32, #tpu.memory_space<hbm>>
    tpu.enqueue_dma source(%dma_start3A_143 : memref<16x512xf32, #tpu.memory_space<hbm>>) target(%dma_start3A_140 : memref<16x512xf32, #tpu.memory_space<vmem>>) target_semaphore(%arg11 : memref<!tpu.dma_semaphore, #tpu.memory_space<semaphore_mem>>)
    %dma_start3A_144 = arith.constant 1 : i32
    %dma_start3A_145 = arith.constant 0 : i32
    %dma_start3A_146 = arith.constant 0 : i32
    %dma_start3A_147 = tpu.memref_slice %arg7[%dma_start3A_144, %dma_start3A_145, %dma_start3A_146] : memref<2x16x512xf32, #tpu.memory_space<vmem>> -> memref<1x16x512xf32, #tpu.memory_space<vmem>>
    %dma_start3A_148 = tpu.memref_squeeze %dma_start3A_147 : memref<1x16x512xf32, #tpu.memory_space<vmem>> -> memref<16x512xf32, #tpu.memory_space<vmem>>
    %dma_start3A_149 = arith.constant 0 : i32
    %dma_start3A_150 = tpu.memref_slice %arg3[%select_n3A, %add3A_127, %dma_start3A_149] : memref<4x512x512xf32, #tpu.memory_space<hbm>> -> memref<1x16x512xf32, #tpu.memory_space<hbm>>
    %dma_start3A_151 = tpu.memref_squeeze %dma_start3A_150 : memref<1x16x512xf32, #tpu.memory_space<hbm>> -> memref<16x512xf32, #tpu.memory_space<hbm>>
    %dma_start3A_152 = arith.constant 0 : i32
    %dma_start3A_153 = arith.constant 0 : i32
    %dma_start3A_154 = tpu.memref_slice %arg7[%dma_start3A_144, %dma_start3A_152, %dma_start3A_153] : memref<2x16x512xf32, #tpu.memory_space<vmem>> -> memref<1x16x512xf32, #tpu.memory_space<vmem>>
    %dma_start3A_155 = tpu.memref_squeeze %dma_start3A_154 : memref<1x16x512xf32, #tpu.memory_space<vmem>> -> memref<16x512xf32, #tpu.memory_space<vmem>>
    %dma_start3A_156 = arith.constant 0 : i32
    %dma_start3A_157 = tpu.memref_slice %arg3[%select_n3A, %add3A_127, %dma_start3A_156] : memref<4x512x512xf32, #tpu.memory_space<hbm>> -> memref<1x16x512xf32, #tpu.memory_space<hbm>>
    %dma_start3A_158 = tpu.memref_squeeze %dma_start3A_157 : memref<1x16x512xf32, #tpu.memory_space<hbm>> -> memref<16x512xf32, #tpu.memory_space<hbm>>
    tpu.enqueue_dma source(%dma_start3A_158 : memref<16x512xf32, #tpu.memory_space<hbm>>) target(%dma_start3A_155 : memref<16x512xf32, #tpu.memory_space<vmem>>) target_semaphore(%arg11 : memref<!tpu.dma_semaphore, #tpu.memory_space<semaphore_mem>>)
    %dma_start3A_159 = arith.constant 1 : i32
    %dma_start3A_160 = arith.constant 0 : i32
    %dma_start3A_161 = arith.constant 0 : i32
    %dma_start3A_162 = tpu.memref_slice %arg8[%dma_start3A_159, %dma_start3A_160, %dma_start3A_161] : memref<2x16x512xi32, #tpu.memory_space<vmem>> -> memref<1x16x512xi32, #tpu.memory_space<vmem>>
    %dma_start3A_163 = tpu.memref_squeeze %dma_start3A_162 : memref<1x16x512xi32, #tpu.memory_space<vmem>> -> memref<16x512xi32, #tpu.memory_space<vmem>>
    %dma_start3A_164 = arith.constant 0 : i32
    %dma_start3A_165 = tpu.memref_slice %arg4[%select_n3A, %add3A_127, %dma_start3A_164] : memref<4x512x512xi32, #tpu.memory_space<hbm>> -> memref<1x16x512xi32, #tpu.memory_space<hbm>>
    %dma_start3A_166 = tpu.memref_squeeze %dma_start3A_165 : memref<1x16x512xi32, #tpu.memory_space<hbm>> -> memref<16x512xi32, #tpu.memory_space<hbm>>
    %dma_start3A_167 = arith.constant 0 : i32
    %dma_start3A_168 = arith.constant 0 : i32
    %dma_start3A_169 = tpu.memref_slice %arg8[%dma_start3A_159, %dma_start3A_167, %dma_start3A_168] : memref<2x16x512xi32, #tpu.memory_space<vmem>> -> memref<1x16x512xi32, #tpu.memory_space<vmem>>
    %dma_start3A_170 = tpu.memref_squeeze %dma_start3A_169 : memref<1x16x512xi32, #tpu.memory_space<vmem>> -> memref<16x512xi32, #tpu.memory_space<vmem>>
    %dma_start3A_171 = arith.constant 0 : i32
    %dma_start3A_172 = tpu.memref_slice %arg4[%select_n3A, %add3A_127, %dma_start3A_171] : memref<4x512x512xi32, #tpu.memory_space<hbm>> -> memref<1x16x512xi32, #tpu.memory_space<hbm>>
    %dma_start3A_173 = tpu.memref_squeeze %dma_start3A_172 : memref<1x16x512xi32, #tpu.memory_space<hbm>> -> memref<16x512xi32, #tpu.memory_space<hbm>>
    tpu.enqueue_dma source(%dma_start3A_173 : memref<16x512xi32, #tpu.memory_space<hbm>>) target(%dma_start3A_170 : memref<16x512xi32, #tpu.memory_space<vmem>>) target_semaphore(%arg11 : memref<!tpu.dma_semaphore, #tpu.memory_space<semaphore_mem>>)
    %parallel_loop3A = arith.constant 0 : i32
    %parallel_loop3A_174 = arith.constant 512 : i32
    %parallel_loop3A_175 = arith.constant 1 : i32
    %parallel_loop3A_176:3 = scf.for %parallel_loop3A_434 = %parallel_loop3A to %parallel_loop3A_174 step %parallel_loop3A_175 iter_args(%parallel_loop3A_435 = %broadcast_in_dim3A_33, %parallel_loop3A_436 = %broadcast_in_dim3A_33, %parallel_loop3A_437 = %broadcast_in_dim3A_33) -> (vector<16xf32>, vector<16xf32>, vector<16xf32>)  : i32 {
      %parallel_loop3A_438 = arith.constant 32 : i32
      %parallel_loop3A_439 = arith.divsi %parallel_loop3A_434, %parallel_loop3A_438 : i32
      %parallel_loop3A_440 = arith.constant 0 : i32
      %parallel_loop3A_441 = arith.cmpi sgt, %parallel_loop3A_434, %parallel_loop3A_440 : i32
      %parallel_loop3A_442 = arith.extui %parallel_loop3A_441 : i1 to i32
      %parallel_loop3A_443 = arith.constant 0 : i32
      %parallel_loop3A_444 = arith.cmpi slt, %parallel_loop3A_434, %parallel_loop3A_443 : i32
      %parallel_loop3A_445 = arith.extui %parallel_loop3A_444 : i1 to i32
      %parallel_loop3A_446 = arith.subi %parallel_loop3A_442, %parallel_loop3A_445 : i32
      %parallel_loop3A_447 = arith.constant 0 : i32
      %parallel_loop3A_448 = arith.cmpi sgt, %parallel_loop3A_438, %parallel_loop3A_447 : i32
      %parallel_loop3A_449 = arith.extui %parallel_loop3A_448 : i1 to i32
      %parallel_loop3A_450 = arith.constant 0 : i32
      %parallel_loop3A_451 = arith.cmpi slt, %parallel_loop3A_438, %parallel_loop3A_450 : i32
      %parallel_loop3A_452 = arith.extui %parallel_loop3A_451 : i1 to i32
      %parallel_loop3A_453 = arith.subi %parallel_loop3A_449, %parallel_loop3A_452 : i32
      %parallel_loop3A_454 = arith.cmpi ne, %parallel_loop3A_446, %parallel_loop3A_453 : i32
      %parallel_loop3A_455 = arith.remsi %parallel_loop3A_434, %parallel_loop3A_438 : i32
      %parallel_loop3A_456 = arith.constant 0 : i32
      %parallel_loop3A_457 = arith.cmpi ne, %parallel_loop3A_455, %parallel_loop3A_456 : i32
      %parallel_loop3A_458 = arith.andi %parallel_loop3A_454, %parallel_loop3A_457 : i1
      %parallel_loop3A_459 = arith.constant 1 : i32
      %parallel_loop3A_460 = arith.subi %parallel_loop3A_439, %parallel_loop3A_459 : i32
      %parallel_loop3A_461 = arith.select %parallel_loop3A_458, %parallel_loop3A_460, %parallel_loop3A_439 : i32
      %parallel_loop3A_462 = arith.constant 32 : i32
      %parallel_loop3A_463 = arith.constant 0 : i32
      %parallel_loop3A_464 = arith.cmpi eq, %parallel_loop3A_462, %parallel_loop3A_463 : i32
      %parallel_loop3A_465 = arith.constant 1 : i32
      %parallel_loop3A_466 = arith.select %parallel_loop3A_464, %parallel_loop3A_465, %parallel_loop3A_462 : i32
      %parallel_loop3A_467 = arith.remsi %parallel_loop3A_434, %parallel_loop3A_466 : i32
      %parallel_loop3A_468 = arith.constant 0 : i32
      %parallel_loop3A_469 = arith.cmpi ne, %parallel_loop3A_467, %parallel_loop3A_468 : i32
      %parallel_loop3A_470 = arith.constant 0 : i32
      %parallel_loop3A_471 = arith.cmpi slt, %parallel_loop3A_467, %parallel_loop3A_470 : i32
      %parallel_loop3A_472 = arith.constant 0 : i32
      %parallel_loop3A_473 = arith.cmpi slt, %parallel_loop3A_466, %parallel_loop3A_472 : i32
      %parallel_loop3A_474 = arith.xori %parallel_loop3A_471, %parallel_loop3A_473 : i1
      %parallel_loop3A_475 = arith.andi %parallel_loop3A_474, %parallel_loop3A_469 : i1
      %parallel_loop3A_476 = arith.addi %parallel_loop3A_467, %parallel_loop3A_466 : i32
      %parallel_loop3A_477 = arith.select %parallel_loop3A_475, %parallel_loop3A_476, %parallel_loop3A_467 : i32
      %parallel_loop3A_478 = arith.constant 16 : i32
      %parallel_loop3A_479 = arith.muli %parallel_loop3A_477, %parallel_loop3A_478 : i32
      %parallel_loop3A_480 = arith.constant 0 : i32
      %parallel_loop3A_481 = arith.index_cast %parallel_loop3A_480 : i32 to index
      %parallel_loop3A_482 = arith.index_cast %parallel_loop3A_461 : i32 to index
      %parallel_loop3A_483 = arith.index_cast %parallel_loop3A_479 : i32 to index
      %parallel_loop3A_484 = tpu.vector_load %arg6[%parallel_loop3A_481, %parallel_loop3A_482, %parallel_loop3A_483] {strides = array<i32>} : memref<2x16x512xf32, #tpu.memory_space<vmem>>, vector<1x1x16xf32>,
      %parallel_loop3A_485 = vector.shape_cast %parallel_loop3A_484 : vector<1x1x16xf32> to vector<16xf32>
      %parallel_loop3A_486 = arith.constant 0 : i32
      %parallel_loop3A_487 = arith.index_cast %parallel_loop3A_486 : i32 to index
      %parallel_loop3A_488 = arith.index_cast %parallel_loop3A_461 : i32 to index
      %parallel_loop3A_489 = arith.index_cast %parallel_loop3A_479 : i32 to index
      %parallel_loop3A_490 = tpu.vector_load %arg7[%parallel_loop3A_487, %parallel_loop3A_488, %parallel_loop3A_489] {strides = array<i32>} : memref<2x16x512xf32, #tpu.memory_space<vmem>>, vector<1x1x16xf32>,
      %parallel_loop3A_491 = vector.shape_cast %parallel_loop3A_490 : vector<1x1x16xf32> to vector<16xf32>
      %parallel_loop3A_492 = arith.constant 0 : i32
      %parallel_loop3A_493 = arith.index_cast %parallel_loop3A_492 : i32 to index
      %parallel_loop3A_494 = arith.index_cast %parallel_loop3A_461 : i32 to index
      %parallel_loop3A_495 = arith.index_cast %parallel_loop3A_479 : i32 to index
      %parallel_loop3A_496 = tpu.vector_load %arg8[%parallel_loop3A_493, %parallel_loop3A_494, %parallel_loop3A_495] {strides = array<i32>} : memref<2x16x512xi32, #tpu.memory_space<vmem>>, vector<1x1x16xi32>,
      %parallel_loop3A_497 = vector.shape_cast %parallel_loop3A_496 : vector<1x1x16xi32> to vector<16xi32>
      %parallel_loop3A_498 = arith.sitofp %parallel_loop3A_497 : vector<16xi32> to vector<16xf32>
      %parallel_loop3A_499 = arith.subf %parallel_loop3A_485, %parallel_loop3A_491 : vector<16xf32>
      %parallel_loop3A_500 = math.absf %parallel_loop3A_499 : vector<16xf32>
      %parallel_loop3A_501 = arith.addf %parallel_loop3A_435, %parallel_loop3A_500 : vector<16xf32>
      %parallel_loop3A_502 = arith.mulf %parallel_loop3A_500, %parallel_loop3A_498 : vector<16xf32>
      %parallel_loop3A_503 = arith.addf %parallel_loop3A_436, %parallel_loop3A_502 : vector<16xf32>
      %parallel_loop3A_504 = arith.addf %parallel_loop3A_437, %parallel_loop3A_498 : vector<16xf32>
      scf.yield %parallel_loop3A_501, %parallel_loop3A_503, %parallel_loop3A_504 : vector<16xf32>, vector<16xf32>, vector<16xf32>
    } {sc.loop_unroll_factor = 8 : i64, sc.parallel_access}
    %dma_wait3A_177 = arith.constant 0 : i32
    %dma_wait3A_178 = arith.constant 1 : i32
    %dma_wait3A_179 = arith.constant 0 : i32
    %dma_wait3A_180 = arith.constant 0 : i32
    %dma_wait3A_181 = tpu.memref_slice %arg6[%dma_wait3A_178, %dma_wait3A_179, %dma_wait3A_180] : memref<2x16x512xf32, #tpu.memory_space<vmem>> -> memref<1x16x512xf32, #tpu.memory_space<vmem>>
    %dma_wait3A_182 = tpu.memref_squeeze %dma_wait3A_181 : memref<1x16x512xf32, #tpu.memory_space<vmem>> -> memref<16x512xf32, #tpu.memory_space<vmem>>
    %dma_wait3A_183 = arith.constant 0 : i32
    %dma_wait3A_184 = tpu.memref_slice %arg2[%select_n3A, %dma_wait3A_177, %add3A_127, %dma_wait3A_183] : memref<4x2x512x512xf32, #tpu.memory_space<hbm>> -> memref<1x1x16x512xf32, #tpu.memory_space<hbm>>
    %dma_wait3A_185 = tpu.memref_squeeze %dma_wait3A_184 : memref<1x1x16x512xf32, #tpu.memory_space<hbm>> -> memref<16x512xf32, #tpu.memory_space<hbm>>
    %dma_wait3A_186 = arith.constant 0 : i32
    %dma_wait3A_187 = arith.constant 0 : i32
    %dma_wait3A_188 = tpu.memref_slice %arg6[%dma_wait3A_178, %dma_wait3A_186, %dma_wait3A_187] : memref<2x16x512xf32, #tpu.memory_space<vmem>> -> memref<1x16x512xf32, #tpu.memory_space<vmem>>
    %dma_wait3A_189 = tpu.memref_squeeze %dma_wait3A_188 : memref<1x16x512xf32, #tpu.memory_space<vmem>> -> memref<16x512xf32, #tpu.memory_space<vmem>>
    %dma_wait3A_190 = arith.constant 0 : i32
    %dma_wait3A_191 = tpu.memref_slice %arg2[%select_n3A, %dma_wait3A_177, %add3A_127, %dma_wait3A_190] : memref<4x2x512x512xf32, #tpu.memory_space<hbm>> -> memref<1x1x16x512xf32, #tpu.memory_space<hbm>>
    %dma_wait3A_192 = tpu.memref_squeeze %dma_wait3A_191 : memref<1x1x16x512xf32, #tpu.memory_space<hbm>> -> memref<16x512xf32, #tpu.memory_space<hbm>>
    tpu.wait_dma2 semaphore(%arg11 : memref<!tpu.dma_semaphore, #tpu.memory_space<semaphore_mem>>) src(%dma_wait3A_192 : memref<16x512xf32, #tpu.memory_space<hbm>>) dst(%dma_wait3A_189 : memref<16x512xf32, #tpu.memory_space<vmem>>)
    %dma_wait3A_193 = arith.constant 1 : i32
    %dma_wait3A_194 = arith.constant 0 : i32
    %dma_wait3A_195 = arith.constant 0 : i32
    %dma_wait3A_196 = tpu.memref_slice %arg7[%dma_wait3A_193, %dma_wait3A_194, %dma_wait3A_195] : memref<2x16x512xf32, #tpu.memory_space<vmem>> -> memref<1x16x512xf32, #tpu.memory_space<vmem>>
    %dma_wait3A_197 = tpu.memref_squeeze %dma_wait3A_196 : memref<1x16x512xf32, #tpu.memory_space<vmem>> -> memref<16x512xf32, #tpu.memory_space<vmem>>
    %dma_wait3A_198 = arith.constant 0 : i32
    %dma_wait3A_199 = tpu.memref_slice %arg3[%select_n3A, %add3A_127, %dma_wait3A_198] : memref<4x512x512xf32, #tpu.memory_space<hbm>> -> memref<1x16x512xf32, #tpu.memory_space<hbm>>
    %dma_wait3A_200 = tpu.memref_squeeze %dma_wait3A_199 : memref<1x16x512xf32, #tpu.memory_space<hbm>> -> memref<16x512xf32, #tpu.memory_space<hbm>>
    %dma_wait3A_201 = arith.constant 0 : i32
    %dma_wait3A_202 = arith.constant 0 : i32
    %dma_wait3A_203 = tpu.memref_slice %arg7[%dma_wait3A_193, %dma_wait3A_201, %dma_wait3A_202] : memref<2x16x512xf32, #tpu.memory_space<vmem>> -> memref<1x16x512xf32, #tpu.memory_space<vmem>>
    %dma_wait3A_204 = tpu.memref_squeeze %dma_wait3A_203 : memref<1x16x512xf32, #tpu.memory_space<vmem>> -> memref<16x512xf32, #tpu.memory_space<vmem>>
    %dma_wait3A_205 = arith.constant 0 : i32
    %dma_wait3A_206 = tpu.memref_slice %arg3[%select_n3A, %add3A_127, %dma_wait3A_205] : memref<4x512x512xf32, #tpu.memory_space<hbm>> -> memref<1x16x512xf32, #tpu.memory_space<hbm>>
    %dma_wait3A_207 = tpu.memref_squeeze %dma_wait3A_206 : memref<1x16x512xf32, #tpu.memory_space<hbm>> -> memref<16x512xf32, #tpu.memory_space<hbm>>
    tpu.wait_dma2 semaphore(%arg11 : memref<!tpu.dma_semaphore, #tpu.memory_space<semaphore_mem>>) src(%dma_wait3A_207 : memref<16x512xf32, #tpu.memory_space<hbm>>) dst(%dma_wait3A_204 : memref<16x512xf32, #tpu.memory_space<vmem>>)
    %dma_wait3A_208 = arith.constant 1 : i32
    %dma_wait3A_209 = arith.constant 0 : i32
    %dma_wait3A_210 = arith.constant 0 : i32
    %dma_wait3A_211 = tpu.memref_slice %arg8[%dma_wait3A_208, %dma_wait3A_209, %dma_wait3A_210] : memref<2x16x512xi32, #tpu.memory_space<vmem>> -> memref<1x16x512xi32, #tpu.memory_space<vmem>>
    %dma_wait3A_212 = tpu.memref_squeeze %dma_wait3A_211 : memref<1x16x512xi32, #tpu.memory_space<vmem>> -> memref<16x512xi32, #tpu.memory_space<vmem>>
    %dma_wait3A_213 = arith.constant 0 : i32
    %dma_wait3A_214 = tpu.memref_slice %arg4[%select_n3A, %add3A_127, %dma_wait3A_213] : memref<4x512x512xi32, #tpu.memory_space<hbm>> -> memref<1x16x512xi32, #tpu.memory_space<hbm>>
    %dma_wait3A_215 = tpu.memref_squeeze %dma_wait3A_214 : memref<1x16x512xi32, #tpu.memory_space<hbm>> -> memref<16x512xi32, #tpu.memory_space<hbm>>
    %dma_wait3A_216 = arith.constant 0 : i32
    %dma_wait3A_217 = arith.constant 0 : i32
    %dma_wait3A_218 = tpu.memref_slice %arg8[%dma_wait3A_208, %dma_wait3A_216, %dma_wait3A_217] : memref<2x16x512xi32, #tpu.memory_space<vmem>> -> memref<1x16x512xi32, #tpu.memory_space<vmem>>
    %dma_wait3A_219 = tpu.memref_squeeze %dma_wait3A_218 : memref<1x16x512xi32, #tpu.memory_space<vmem>> -> memref<16x512xi32, #tpu.memory_space<vmem>>
    %dma_wait3A_220 = arith.constant 0 : i32
    %dma_wait3A_221 = tpu.memref_slice %arg4[%select_n3A, %add3A_127, %dma_wait3A_220] : memref<4x512x512xi32, #tpu.memory_space<hbm>> -> memref<1x16x512xi32, #tpu.memory_space<hbm>>
    %dma_wait3A_222 = tpu.memref_squeeze %dma_wait3A_221 : memref<1x16x512xi32, #tpu.memory_space<hbm>> -> memref<16x512xi32, #tpu.memory_space<hbm>>
    tpu.wait_dma2 semaphore(%arg11 : memref<!tpu.dma_semaphore, #tpu.memory_space<semaphore_mem>>) src(%dma_wait3A_222 : memref<16x512xi32, #tpu.memory_space<hbm>>) dst(%dma_wait3A_219 : memref<16x512xi32, #tpu.memory_space<vmem>>)
    %add3A_223 = arith.constant 32 : i32
    %add3A_224 = arith.addi %mul3A_32, %add3A_223 : i32
    %dma_start3A_225 = arith.constant 0 : i32
    %dma_start3A_226 = arith.constant 0 : i32
    %dma_start3A_227 = arith.constant 0 : i32
    %dma_start3A_228 = arith.constant 0 : i32
    %dma_start3A_229 = tpu.memref_slice %arg6[%dma_start3A_226, %dma_start3A_227, %dma_start3A_228] : memref<2x16x512xf32, #tpu.memory_space<vmem>> -> memref<1x16x512xf32, #tpu.memory_space<vmem>>
    %dma_start3A_230 = tpu.memref_squeeze %dma_start3A_229 : memref<1x16x512xf32, #tpu.memory_space<vmem>> -> memref<16x512xf32, #tpu.memory_space<vmem>>
    %dma_start3A_231 = arith.constant 0 : i32
    %dma_start3A_232 = tpu.memref_slice %arg2[%select_n3A, %dma_start3A_225, %add3A_224, %dma_start3A_231] : memref<4x2x512x512xf32, #tpu.memory_space<hbm>> -> memref<1x1x16x512xf32, #tpu.memory_space<hbm>>
    %dma_start3A_233 = tpu.memref_squeeze %dma_start3A_232 : memref<1x1x16x512xf32, #tpu.memory_space<hbm>> -> memref<16x512xf32, #tpu.memory_space<hbm>>
    %dma_start3A_234 = arith.constant 0 : i32
    %dma_start3A_235 = arith.constant 0 : i32
    %dma_start3A_236 = tpu.memref_slice %arg6[%dma_start3A_226, %dma_start3A_234, %dma_start3A_235] : memref<2x16x512xf32, #tpu.memory_space<vmem>> -> memref<1x16x512xf32, #tpu.memory_space<vmem>>
    %dma_start3A_237 = tpu.memref_squeeze %dma_start3A_236 : memref<1x16x512xf32, #tpu.memory_space<vmem>> -> memref<16x512xf32, #tpu.memory_space<vmem>>
    %dma_start3A_238 = arith.constant 0 : i32
    %dma_start3A_239 = tpu.memref_slice %arg2[%select_n3A, %dma_start3A_225, %add3A_224, %dma_start3A_238] : memref<4x2x512x512xf32, #tpu.memory_space<hbm>> -> memref<1x1x16x512xf32, #tpu.memory_space<hbm>>
    %dma_start3A_240 = tpu.memref_squeeze %dma_start3A_239 : memref<1x1x16x512xf32, #tpu.memory_space<hbm>> -> memref<16x512xf32, #tpu.memory_space<hbm>>
    tpu.enqueue_dma source(%dma_start3A_240 : memref<16x512xf32, #tpu.memory_space<hbm>>) target(%dma_start3A_237 : memref<16x512xf32, #tpu.memory_space<vmem>>) target_semaphore(%arg10 : memref<!tpu.dma_semaphore, #tpu.memory_space<semaphore_mem>>)
    %dma_start3A_241 = arith.constant 0 : i32
    %dma_start3A_242 = arith.constant 0 : i32
    %dma_start3A_243 = arith.constant 0 : i32
    %dma_start3A_244 = tpu.memref_slice %arg7[%dma_start3A_241, %dma_start3A_242, %dma_start3A_243] : memref<2x16x512xf32, #tpu.memory_space<vmem>> -> memref<1x16x512xf32, #tpu.memory_space<vmem>>
    %dma_start3A_245 = tpu.memref_squeeze %dma_start3A_244 : memref<1x16x512xf32, #tpu.memory_space<vmem>> -> memref<16x512xf32, #tpu.memory_space<vmem>>
    %dma_start3A_246 = arith.constant 0 : i32
    %dma_start3A_247 = tpu.memref_slice %arg3[%select_n3A, %add3A_224, %dma_start3A_246] : memref<4x512x512xf32, #tpu.memory_space<hbm>> -> memref<1x16x512xf32, #tpu.memory_space<hbm>>
    %dma_start3A_248 = tpu.memref_squeeze %dma_start3A_247 : memref<1x16x512xf32, #tpu.memory_space<hbm>> -> memref<16x512xf32, #tpu.memory_space<hbm>>
    %dma_start3A_249 = arith.constant 0 : i32
    %dma_start3A_250 = arith.constant 0 : i32
    %dma_start3A_251 = tpu.memref_slice %arg7[%dma_start3A_241, %dma_start3A_249, %dma_start3A_250] : memref<2x16x512xf32, #tpu.memory_space<vmem>> -> memref<1x16x512xf32, #tpu.memory_space<vmem>>
    %dma_start3A_252 = tpu.memref_squeeze %dma_start3A_251 : memref<1x16x512xf32, #tpu.memory_space<vmem>> -> memref<16x512xf32, #tpu.memory_space<vmem>>
    %dma_start3A_253 = arith.constant 0 : i32
    %dma_start3A_254 = tpu.memref_slice %arg3[%select_n3A, %add3A_224, %dma_start3A_253] : memref<4x512x512xf32, #tpu.memory_space<hbm>> -> memref<1x16x512xf32, #tpu.memory_space<hbm>>
    %dma_start3A_255 = tpu.memref_squeeze %dma_start3A_254 : memref<1x16x512xf32, #tpu.memory_space<hbm>> -> memref<16x512xf32, #tpu.memory_space<hbm>>
    tpu.enqueue_dma source(%dma_start3A_255 : memref<16x512xf32, #tpu.memory_space<hbm>>) target(%dma_start3A_252 : memref<16x512xf32, #tpu.memory_space<vmem>>) target_semaphore(%arg10 : memref<!tpu.dma_semaphore, #tpu.memory_space<semaphore_mem>>)
    %dma_start3A_256 = arith.constant 0 : i32
    %dma_start3A_257 = arith.constant 0 : i32
    %dma_start3A_258 = arith.constant 0 : i32
    %dma_start3A_259 = tpu.memref_slice %arg8[%dma_start3A_256, %dma_start3A_257, %dma_start3A_258] : memref<2x16x512xi32, #tpu.memory_space<vmem>> -> memref<1x16x512xi32, #tpu.memory_space<vmem>>
    %dma_start3A_260 = tpu.memref_squeeze %dma_start3A_259 : memref<1x16x512xi32, #tpu.memory_space<vmem>> -> memref<16x512xi32, #tpu.memory_space<vmem>>
    %dma_start3A_261 = arith.constant 0 : i32
    %dma_start3A_262 = tpu.memref_slice %arg4[%select_n3A, %add3A_224, %dma_start3A_261] : memref<4x512x512xi32, #tpu.memory_space<hbm>> -> memref<1x16x512xi32, #tpu.memory_space<hbm>>
    %dma_start3A_263 = tpu.memref_squeeze %dma_start3A_262 : memref<1x16x512xi32, #tpu.memory_space<hbm>> -> memref<16x512xi32, #tpu.memory_space<hbm>>
    %dma_start3A_264 = arith.constant 0 : i32
    %dma_start3A_265 = arith.constant 0 : i32
    %dma_start3A_266 = tpu.memref_slice %arg8[%dma_start3A_256, %dma_start3A_264, %dma_start3A_265] : memref<2x16x512xi32, #tpu.memory_space<vmem>> -> memref<1x16x512xi32, #tpu.memory_space<vmem>>
    %dma_start3A_267 = tpu.memref_squeeze %dma_start3A_266 : memref<1x16x512xi32, #tpu.memory_space<vmem>> -> memref<16x512xi32, #tpu.memory_space<vmem>>
    %dma_start3A_268 = arith.constant 0 : i32
    %dma_start3A_269 = tpu.memref_slice %arg4[%select_n3A, %add3A_224, %dma_start3A_268] : memref<4x512x512xi32, #tpu.memory_space<hbm>> -> memref<1x16x512xi32, #tpu.memory_space<hbm>>
    %dma_start3A_270 = tpu.memref_squeeze %dma_start3A_269 : memref<1x16x512xi32, #tpu.memory_space<hbm>> -> memref<16x512xi32, #tpu.memory_space<hbm>>
    tpu.enqueue_dma source(%dma_start3A_270 : memref<16x512xi32, #tpu.memory_space<hbm>>) target(%dma_start3A_267 : memref<16x512xi32, #tpu.memory_space<vmem>>) target_semaphore(%arg10 : memref<!tpu.dma_semaphore, #tpu.memory_space<semaphore_mem>>)
    %parallel_loop3A_271 = arith.constant 0 : i32
    %parallel_loop3A_272 = arith.constant 512 : i32
    %parallel_loop3A_273 = arith.constant 1 : i32
    %parallel_loop3A_274:3 = scf.for %parallel_loop3A_434 = %parallel_loop3A_271 to %parallel_loop3A_272 step %parallel_loop3A_273 iter_args(%parallel_loop3A_435 = %parallel_loop3A_176#0, %parallel_loop3A_436 = %parallel_loop3A_176#1, %parallel_loop3A_437 = %parallel_loop3A_176#2) -> (vector<16xf32>, vector<16xf32>, vector<16xf32>)  : i32 {
      %parallel_loop3A_438 = arith.constant 32 : i32
      %parallel_loop3A_439 = arith.divsi %parallel_loop3A_434, %parallel_loop3A_438 : i32
      %parallel_loop3A_440 = arith.constant 0 : i32
      %parallel_loop3A_441 = arith.cmpi sgt, %parallel_loop3A_434, %parallel_loop3A_440 : i32
      %parallel_loop3A_442 = arith.extui %parallel_loop3A_441 : i1 to i32
      %parallel_loop3A_443 = arith.constant 0 : i32
      %parallel_loop3A_444 = arith.cmpi slt, %parallel_loop3A_434, %parallel_loop3A_443 : i32
      %parallel_loop3A_445 = arith.extui %parallel_loop3A_444 : i1 to i32
      %parallel_loop3A_446 = arith.subi %parallel_loop3A_442, %parallel_loop3A_445 : i32
      %parallel_loop3A_447 = arith.constant 0 : i32
      %parallel_loop3A_448 = arith.cmpi sgt, %parallel_loop3A_438, %parallel_loop3A_447 : i32
      %parallel_loop3A_449 = arith.extui %parallel_loop3A_448 : i1 to i32
      %parallel_loop3A_450 = arith.constant 0 : i32
      %parallel_loop3A_451 = arith.cmpi slt, %parallel_loop3A_438, %parallel_loop3A_450 : i32
      %parallel_loop3A_452 = arith.extui %parallel_loop3A_451 : i1 to i32
      %parallel_loop3A_453 = arith.subi %parallel_loop3A_449, %parallel_loop3A_452 : i32
      %parallel_loop3A_454 = arith.cmpi ne, %parallel_loop3A_446, %parallel_loop3A_453 : i32
      %parallel_loop3A_455 = arith.remsi %parallel_loop3A_434, %parallel_loop3A_438 : i32
      %parallel_loop3A_456 = arith.constant 0 : i32
      %parallel_loop3A_457 = arith.cmpi ne, %parallel_loop3A_455, %parallel_loop3A_456 : i32
      %parallel_loop3A_458 = arith.andi %parallel_loop3A_454, %parallel_loop3A_457 : i1
      %parallel_loop3A_459 = arith.constant 1 : i32
      %parallel_loop3A_460 = arith.subi %parallel_loop3A_439, %parallel_loop3A_459 : i32
      %parallel_loop3A_461 = arith.select %parallel_loop3A_458, %parallel_loop3A_460, %parallel_loop3A_439 : i32
      %parallel_loop3A_462 = arith.constant 32 : i32
      %parallel_loop3A_463 = arith.constant 0 : i32
      %parallel_loop3A_464 = arith.cmpi eq, %parallel_loop3A_462, %parallel_loop3A_463 : i32
      %parallel_loop3A_465 = arith.constant 1 : i32
      %parallel_loop3A_466 = arith.select %parallel_loop3A_464, %parallel_loop3A_465, %parallel_loop3A_462 : i32
      %parallel_loop3A_467 = arith.remsi %parallel_loop3A_434, %parallel_loop3A_466 : i32
      %parallel_loop3A_468 = arith.constant 0 : i32
      %parallel_loop3A_469 = arith.cmpi ne, %parallel_loop3A_467, %parallel_loop3A_468 : i32
      %parallel_loop3A_470 = arith.constant 0 : i32
      %parallel_loop3A_471 = arith.cmpi slt, %parallel_loop3A_467, %parallel_loop3A_470 : i32
      %parallel_loop3A_472 = arith.constant 0 : i32
      %parallel_loop3A_473 = arith.cmpi slt, %parallel_loop3A_466, %parallel_loop3A_472 : i32
      %parallel_loop3A_474 = arith.xori %parallel_loop3A_471, %parallel_loop3A_473 : i1
      %parallel_loop3A_475 = arith.andi %parallel_loop3A_474, %parallel_loop3A_469 : i1
      %parallel_loop3A_476 = arith.addi %parallel_loop3A_467, %parallel_loop3A_466 : i32
      %parallel_loop3A_477 = arith.select %parallel_loop3A_475, %parallel_loop3A_476, %parallel_loop3A_467 : i32
      %parallel_loop3A_478 = arith.constant 16 : i32
      %parallel_loop3A_479 = arith.muli %parallel_loop3A_477, %parallel_loop3A_478 : i32
      %parallel_loop3A_480 = arith.constant 1 : i32
      %parallel_loop3A_481 = arith.index_cast %parallel_loop3A_480 : i32 to index
      %parallel_loop3A_482 = arith.index_cast %parallel_loop3A_461 : i32 to index
      %parallel_loop3A_483 = arith.index_cast %parallel_loop3A_479 : i32 to index
      %parallel_loop3A_484 = tpu.vector_load %arg6[%parallel_loop3A_481, %parallel_loop3A_482, %parallel_loop3A_483] {strides = array<i32>} : memref<2x16x512xf32, #tpu.memory_space<vmem>>, vector<1x1x16xf32>,
      %parallel_loop3A_485 = vector.shape_cast %parallel_loop3A_484 : vector<1x1x16xf32> to vector<16xf32>
      %parallel_loop3A_486 = arith.constant 1 : i32
      %parallel_loop3A_487 = arith.index_cast %parallel_loop3A_486 : i32 to index
      %parallel_loop3A_488 = arith.index_cast %parallel_loop3A_461 : i32 to index
      %parallel_loop3A_489 = arith.index_cast %parallel_loop3A_479 : i32 to index
      %parallel_loop3A_490 = tpu.vector_load %arg7[%parallel_loop3A_487, %parallel_loop3A_488, %parallel_loop3A_489] {strides = array<i32>} : memref<2x16x512xf32, #tpu.memory_space<vmem>>, vector<1x1x16xf32>,
      %parallel_loop3A_491 = vector.shape_cast %parallel_loop3A_490 : vector<1x1x16xf32> to vector<16xf32>
      %parallel_loop3A_492 = arith.constant 1 : i32
      %parallel_loop3A_493 = arith.index_cast %parallel_loop3A_492 : i32 to index
      %parallel_loop3A_494 = arith.index_cast %parallel_loop3A_461 : i32 to index
      %parallel_loop3A_495 = arith.index_cast %parallel_loop3A_479 : i32 to index
      %parallel_loop3A_496 = tpu.vector_load %arg8[%parallel_loop3A_493, %parallel_loop3A_494, %parallel_loop3A_495] {strides = array<i32>} : memref<2x16x512xi32, #tpu.memory_space<vmem>>, vector<1x1x16xi32>,
      %parallel_loop3A_497 = vector.shape_cast %parallel_loop3A_496 : vector<1x1x16xi32> to vector<16xi32>
      %parallel_loop3A_498 = arith.sitofp %parallel_loop3A_497 : vector<16xi32> to vector<16xf32>
      %parallel_loop3A_499 = arith.subf %parallel_loop3A_485, %parallel_loop3A_491 : vector<16xf32>
      %parallel_loop3A_500 = math.absf %parallel_loop3A_499 : vector<16xf32>
      %parallel_loop3A_501 = arith.addf %parallel_loop3A_435, %parallel_loop3A_500 : vector<16xf32>
      %parallel_loop3A_502 = arith.mulf %parallel_loop3A_500, %parallel_loop3A_498 : vector<16xf32>
      %parallel_loop3A_503 = arith.addf %parallel_loop3A_436, %parallel_loop3A_502 : vector<16xf32>
      %parallel_loop3A_504 = arith.addf %parallel_loop3A_437, %parallel_loop3A_498 : vector<16xf32>
      scf.yield %parallel_loop3A_501, %parallel_loop3A_503, %parallel_loop3A_504 : vector<16xf32>, vector<16xf32>, vector<16xf32>
    } {sc.loop_unroll_factor = 8 : i64, sc.parallel_access}
    %dma_wait3A_275 = arith.constant 0 : i32
    %dma_wait3A_276 = arith.constant 0 : i32
    %dma_wait3A_277 = arith.constant 0 : i32
    %dma_wait3A_278 = arith.constant 0 : i32
    %dma_wait3A_279 = tpu.memref_slice %arg6[%dma_wait3A_276, %dma_wait3A_277, %dma_wait3A_278] : memref<2x16x512xf32, #tpu.memory_space<vmem>> -> memref<1x16x512xf32, #tpu.memory_space<vmem>>
    %dma_wait3A_280 = tpu.memref_squeeze %dma_wait3A_279 : memref<1x16x512xf32, #tpu.memory_space<vmem>> -> memref<16x512xf32, #tpu.memory_space<vmem>>
    %dma_wait3A_281 = arith.constant 0 : i32
    %dma_wait3A_282 = tpu.memref_slice %arg2[%select_n3A, %dma_wait3A_275, %add3A_224, %dma_wait3A_281] : memref<4x2x512x512xf32, #tpu.memory_space<hbm>> -> memref<1x1x16x512xf32, #tpu.memory_space<hbm>>
    %dma_wait3A_283 = tpu.memref_squeeze %dma_wait3A_282 : memref<1x1x16x512xf32, #tpu.memory_space<hbm>> -> memref<16x512xf32, #tpu.memory_space<hbm>>
    %dma_wait3A_284 = arith.constant 0 : i32
    %dma_wait3A_285 = arith.constant 0 : i32
    %dma_wait3A_286 = tpu.memref_slice %arg6[%dma_wait3A_276, %dma_wait3A_284, %dma_wait3A_285] : memref<2x16x512xf32, #tpu.memory_space<vmem>> -> memref<1x16x512xf32, #tpu.memory_space<vmem>>
    %dma_wait3A_287 = tpu.memref_squeeze %dma_wait3A_286 : memref<1x16x512xf32, #tpu.memory_space<vmem>> -> memref<16x512xf32, #tpu.memory_space<vmem>>
    %dma_wait3A_288 = arith.constant 0 : i32
    %dma_wait3A_289 = tpu.memref_slice %arg2[%select_n3A, %dma_wait3A_275, %add3A_224, %dma_wait3A_288] : memref<4x2x512x512xf32, #tpu.memory_space<hbm>> -> memref<1x1x16x512xf32, #tpu.memory_space<hbm>>
    %dma_wait3A_290 = tpu.memref_squeeze %dma_wait3A_289 : memref<1x1x16x512xf32, #tpu.memory_space<hbm>> -> memref<16x512xf32, #tpu.memory_space<hbm>>
    tpu.wait_dma2 semaphore(%arg10 : memref<!tpu.dma_semaphore, #tpu.memory_space<semaphore_mem>>) src(%dma_wait3A_290 : memref<16x512xf32, #tpu.memory_space<hbm>>) dst(%dma_wait3A_287 : memref<16x512xf32, #tpu.memory_space<vmem>>)
    %dma_wait3A_291 = arith.constant 0 : i32
    %dma_wait3A_292 = arith.constant 0 : i32
    %dma_wait3A_293 = arith.constant 0 : i32
    %dma_wait3A_294 = tpu.memref_slice %arg7[%dma_wait3A_291, %dma_wait3A_292, %dma_wait3A_293] : memref<2x16x512xf32, #tpu.memory_space<vmem>> -> memref<1x16x512xf32, #tpu.memory_space<vmem>>
    %dma_wait3A_295 = tpu.memref_squeeze %dma_wait3A_294 : memref<1x16x512xf32, #tpu.memory_space<vmem>> -> memref<16x512xf32, #tpu.memory_space<vmem>>
    %dma_wait3A_296 = arith.constant 0 : i32
    %dma_wait3A_297 = tpu.memref_slice %arg3[%select_n3A, %add3A_224, %dma_wait3A_296] : memref<4x512x512xf32, #tpu.memory_space<hbm>> -> memref<1x16x512xf32, #tpu.memory_space<hbm>>
    %dma_wait3A_298 = tpu.memref_squeeze %dma_wait3A_297 : memref<1x16x512xf32, #tpu.memory_space<hbm>> -> memref<16x512xf32, #tpu.memory_space<hbm>>
    %dma_wait3A_299 = arith.constant 0 : i32
    %dma_wait3A_300 = arith.constant 0 : i32
    %dma_wait3A_301 = tpu.memref_slice %arg7[%dma_wait3A_291, %dma_wait3A_299, %dma_wait3A_300] : memref<2x16x512xf32, #tpu.memory_space<vmem>> -> memref<1x16x512xf32, #tpu.memory_space<vmem>>
    %dma_wait3A_302 = tpu.memref_squeeze %dma_wait3A_301 : memref<1x16x512xf32, #tpu.memory_space<vmem>> -> memref<16x512xf32, #tpu.memory_space<vmem>>
    %dma_wait3A_303 = arith.constant 0 : i32
    %dma_wait3A_304 = tpu.memref_slice %arg3[%select_n3A, %add3A_224, %dma_wait3A_303] : memref<4x512x512xf32, #tpu.memory_space<hbm>> -> memref<1x16x512xf32, #tpu.memory_space<hbm>>
    %dma_wait3A_305 = tpu.memref_squeeze %dma_wait3A_304 : memref<1x16x512xf32, #tpu.memory_space<hbm>> -> memref<16x512xf32, #tpu.memory_space<hbm>>
    tpu.wait_dma2 semaphore(%arg10 : memref<!tpu.dma_semaphore, #tpu.memory_space<semaphore_mem>>) src(%dma_wait3A_305 : memref<16x512xf32, #tpu.memory_space<hbm>>) dst(%dma_wait3A_302 : memref<16x512xf32, #tpu.memory_space<vmem>>)
    %dma_wait3A_306 = arith.constant 0 : i32
    %dma_wait3A_307 = arith.constant 0 : i32
    %dma_wait3A_308 = arith.constant 0 : i32
    %dma_wait3A_309 = tpu.memref_slice %arg8[%dma_wait3A_306, %dma_wait3A_307, %dma_wait3A_308] : memref<2x16x512xi32, #tpu.memory_space<vmem>> -> memref<1x16x512xi32, #tpu.memory_space<vmem>>
    %dma_wait3A_310 = tpu.memref_squeeze %dma_wait3A_309 : memref<1x16x512xi32, #tpu.memory_space<vmem>> -> memref<16x512xi32, #tpu.memory_space<vmem>>
    %dma_wait3A_311 = arith.constant 0 : i32
    %dma_wait3A_312 = tpu.memref_slice %arg4[%select_n3A, %add3A_224, %dma_wait3A_311] : memref<4x512x512xi32, #tpu.memory_space<hbm>> -> memref<1x16x512xi32, #tpu.memory_space<hbm>>
    %dma_wait3A_313 = tpu.memref_squeeze %dma_wait3A_312 : memref<1x16x512xi32, #tpu.memory_space<hbm>> -> memref<16x512xi32, #tpu.memory_space<hbm>>
    %dma_wait3A_314 = arith.constant 0 : i32
    %dma_wait3A_315 = arith.constant 0 : i32
    %dma_wait3A_316 = tpu.memref_slice %arg8[%dma_wait3A_306, %dma_wait3A_314, %dma_wait3A_315] : memref<2x16x512xi32, #tpu.memory_space<vmem>> -> memref<1x16x512xi32, #tpu.memory_space<vmem>>
    %dma_wait3A_317 = tpu.memref_squeeze %dma_wait3A_316 : memref<1x16x512xi32, #tpu.memory_space<vmem>> -> memref<16x512xi32, #tpu.memory_space<vmem>>
    %dma_wait3A_318 = arith.constant 0 : i32
    %dma_wait3A_319 = tpu.memref_slice %arg4[%select_n3A, %add3A_224, %dma_wait3A_318] : memref<4x512x512xi32, #tpu.memory_space<hbm>> -> memref<1x16x512xi32, #tpu.memory_space<hbm>>
    %dma_wait3A_320 = tpu.memref_squeeze %dma_wait3A_319 : memref<1x16x512xi32, #tpu.memory_space<hbm>> -> memref<16x512xi32, #tpu.memory_space<hbm>>
    tpu.wait_dma2 semaphore(%arg10 : memref<!tpu.dma_semaphore, #tpu.memory_space<semaphore_mem>>) src(%dma_wait3A_320 : memref<16x512xi32, #tpu.memory_space<hbm>>) dst(%dma_wait3A_317 : memref<16x512xi32, #tpu.memory_space<vmem>>)
    %add3A_321 = arith.constant 48 : i32
    %add3A_322 = arith.addi %mul3A_32, %add3A_321 : i32
    %dma_start3A_323 = arith.constant 0 : i32
    %dma_start3A_324 = arith.constant 1 : i32
    %dma_start3A_325 = arith.constant 0 : i32
    %dma_start3A_326 = arith.constant 0 : i32
    %dma_start3A_327 = tpu.memref_slice %arg6[%dma_start3A_324, %dma_start3A_325, %dma_start3A_326] : memref<2x16x512xf32, #tpu.memory_space<vmem>> -> memref<1x16x512xf32, #tpu.memory_space<vmem>>
    %dma_start3A_328 = tpu.memref_squeeze %dma_start3A_327 : memref<1x16x512xf32, #tpu.memory_space<vmem>> -> memref<16x512xf32, #tpu.memory_space<vmem>>
    %dma_start3A_329 = arith.constant 0 : i32
    %dma_start3A_330 = tpu.memref_slice %arg2[%select_n3A, %dma_start3A_323, %add3A_322, %dma_start3A_329] : memref<4x2x512x512xf32, #tpu.memory_space<hbm>> -> memref<1x1x16x512xf32, #tpu.memory_space<hbm>>
    %dma_start3A_331 = tpu.memref_squeeze %dma_start3A_330 : memref<1x1x16x512xf32, #tpu.memory_space<hbm>> -> memref<16x512xf32, #tpu.memory_space<hbm>>
    %dma_start3A_332 = arith.constant 0 : i32
    %dma_start3A_333 = arith.constant 0 : i32
    %dma_start3A_334 = tpu.memref_slice %arg6[%dma_start3A_324, %dma_start3A_332, %dma_start3A_333] : memref<2x16x512xf32, #tpu.memory_space<vmem>> -> memref<1x16x512xf32, #tpu.memory_space<vmem>>
    %dma_start3A_335 = tpu.memref_squeeze %dma_start3A_334 : memref<1x16x512xf32, #tpu.memory_space<vmem>> -> memref<16x512xf32, #tpu.memory_space<vmem>>
    %dma_start3A_336 = arith.constant 0 : i32
    %dma_start3A_337 = tpu.memref_slice %arg2[%select_n3A, %dma_start3A_323, %add3A_322, %dma_start3A_336] : memref<4x2x512x512xf32, #tpu.memory_space<hbm>> -> memref<1x1x16x512xf32, #tpu.memory_space<hbm>>
    %dma_start3A_338 = tpu.memref_squeeze %dma_start3A_337 : memref<1x1x16x512xf32, #tpu.memory_space<hbm>> -> memref<16x512xf32, #tpu.memory_space<hbm>>
    tpu.enqueue_dma source(%dma_start3A_338 : memref<16x512xf32, #tpu.memory_space<hbm>>) target(%dma_start3A_335 : memref<16x512xf32, #tpu.memory_space<vmem>>) target_semaphore(%arg11 : memref<!tpu.dma_semaphore, #tpu.memory_space<semaphore_mem>>)
    %dma_start3A_339 = arith.constant 1 : i32
    %dma_start3A_340 = arith.constant 0 : i32
    %dma_start3A_341 = arith.constant 0 : i32
    %dma_start3A_342 = tpu.memref_slice %arg7[%dma_start3A_339, %dma_start3A_340, %dma_start3A_341] : memref<2x16x512xf32, #tpu.memory_space<vmem>> -> memref<1x16x512xf32, #tpu.memory_space<vmem>>
    %dma_start3A_343 = tpu.memref_squeeze %dma_start3A_342 : memref<1x16x512xf32, #tpu.memory_space<vmem>> -> memref<16x512xf32, #tpu.memory_space<vmem>>
    %dma_start3A_344 = arith.constant 0 : i32
    %dma_start3A_345 = tpu.memref_slice %arg3[%select_n3A, %add3A_322, %dma_start3A_344] : memref<4x512x512xf32, #tpu.memory_space<hbm>> -> memref<1x16x512xf32, #tpu.memory_space<hbm>>
    %dma_start3A_346 = tpu.memref_squeeze %dma_start3A_345 : memref<1x16x512xf32, #tpu.memory_space<hbm>> -> memref<16x512xf32, #tpu.memory_space<hbm>>
    %dma_start3A_347 = arith.constant 0 : i32
    %dma_start3A_348 = arith.constant 0 : i32
    %dma_start3A_349 = tpu.memref_slice %arg7[%dma_start3A_339, %dma_start3A_347, %dma_start3A_348] : memref<2x16x512xf32, #tpu.memory_space<vmem>> -> memref<1x16x512xf32, #tpu.memory_space<vmem>>
    %dma_start3A_350 = tpu.memref_squeeze %dma_start3A_349 : memref<1x16x512xf32, #tpu.memory_space<vmem>> -> memref<16x512xf32, #tpu.memory_space<vmem>>
    %dma_start3A_351 = arith.constant 0 : i32
    %dma_start3A_352 = tpu.memref_slice %arg3[%select_n3A, %add3A_322, %dma_start3A_351] : memref<4x512x512xf32, #tpu.memory_space<hbm>> -> memref<1x16x512xf32, #tpu.memory_space<hbm>>
    %dma_start3A_353 = tpu.memref_squeeze %dma_start3A_352 : memref<1x16x512xf32, #tpu.memory_space<hbm>> -> memref<16x512xf32, #tpu.memory_space<hbm>>
    tpu.enqueue_dma source(%dma_start3A_353 : memref<16x512xf32, #tpu.memory_space<hbm>>) target(%dma_start3A_350 : memref<16x512xf32, #tpu.memory_space<vmem>>) target_semaphore(%arg11 : memref<!tpu.dma_semaphore, #tpu.memory_space<semaphore_mem>>)
    %dma_start3A_354 = arith.constant 1 : i32
    %dma_start3A_355 = arith.constant 0 : i32
    %dma_start3A_356 = arith.constant 0 : i32
    %dma_start3A_357 = tpu.memref_slice %arg8[%dma_start3A_354, %dma_start3A_355, %dma_start3A_356] : memref<2x16x512xi32, #tpu.memory_space<vmem>> -> memref<1x16x512xi32, #tpu.memory_space<vmem>>
    %dma_start3A_358 = tpu.memref_squeeze %dma_start3A_357 : memref<1x16x512xi32, #tpu.memory_space<vmem>> -> memref<16x512xi32, #tpu.memory_space<vmem>>
    %dma_start3A_359 = arith.constant 0 : i32
    %dma_start3A_360 = tpu.memref_slice %arg4[%select_n3A, %add3A_322, %dma_start3A_359] : memref<4x512x512xi32, #tpu.memory_space<hbm>> -> memref<1x16x512xi32, #tpu.memory_space<hbm>>
    %dma_start3A_361 = tpu.memref_squeeze %dma_start3A_360 : memref<1x16x512xi32, #tpu.memory_space<hbm>> -> memref<16x512xi32, #tpu.memory_space<hbm>>
    %dma_start3A_362 = arith.constant 0 : i32
    %dma_start3A_363 = arith.constant 0 : i32
    %dma_start3A_364 = tpu.memref_slice %arg8[%dma_start3A_354, %dma_start3A_362, %dma_start3A_363] : memref<2x16x512xi32, #tpu.memory_space<vmem>> -> memref<1x16x512xi32, #tpu.memory_space<vmem>>
    %dma_start3A_365 = tpu.memref_squeeze %dma_start3A_364 : memref<1x16x512xi32, #tpu.memory_space<vmem>> -> memref<16x512xi32, #tpu.memory_space<vmem>>
    %dma_start3A_366 = arith.constant 0 : i32
    %dma_start3A_367 = tpu.memref_slice %arg4[%select_n3A, %add3A_322, %dma_start3A_366] : memref<4x512x512xi32, #tpu.memory_space<hbm>> -> memref<1x16x512xi32, #tpu.memory_space<hbm>>
    %dma_start3A_368 = tpu.memref_squeeze %dma_start3A_367 : memref<1x16x512xi32, #tpu.memory_space<hbm>> -> memref<16x512xi32, #tpu.memory_space<hbm>>
    tpu.enqueue_dma source(%dma_start3A_368 : memref<16x512xi32, #tpu.memory_space<hbm>>) target(%dma_start3A_365 : memref<16x512xi32, #tpu.memory_space<vmem>>) target_semaphore(%arg11 : memref<!tpu.dma_semaphore, #tpu.memory_space<semaphore_mem>>)
    %parallel_loop3A_369 = arith.constant 0 : i32
    %parallel_loop3A_370 = arith.constant 512 : i32
    %parallel_loop3A_371 = arith.constant 1 : i32
    %parallel_loop3A_372:3 = scf.for %parallel_loop3A_434 = %parallel_loop3A_369 to %parallel_loop3A_370 step %parallel_loop3A_371 iter_args(%parallel_loop3A_435 = %parallel_loop3A_274#0, %parallel_loop3A_436 = %parallel_loop3A_274#1, %parallel_loop3A_437 = %parallel_loop3A_274#2) -> (vector<16xf32>, vector<16xf32>, vector<16xf32>)  : i32 {
      %parallel_loop3A_438 = arith.constant 32 : i32
      %parallel_loop3A_439 = arith.divsi %parallel_loop3A_434, %parallel_loop3A_438 : i32
      %parallel_loop3A_440 = arith.constant 0 : i32
      %parallel_loop3A_441 = arith.cmpi sgt, %parallel_loop3A_434, %parallel_loop3A_440 : i32
      %parallel_loop3A_442 = arith.extui %parallel_loop3A_441 : i1 to i32
      %parallel_loop3A_443 = arith.constant 0 : i32
      %parallel_loop3A_444 = arith.cmpi slt, %parallel_loop3A_434, %parallel_loop3A_443 : i32
      %parallel_loop3A_445 = arith.extui %parallel_loop3A_444 : i1 to i32
      %parallel_loop3A_446 = arith.subi %parallel_loop3A_442, %parallel_loop3A_445 : i32
      %parallel_loop3A_447 = arith.constant 0 : i32
      %parallel_loop3A_448 = arith.cmpi sgt, %parallel_loop3A_438, %parallel_loop3A_447 : i32
      %parallel_loop3A_449 = arith.extui %parallel_loop3A_448 : i1 to i32
      %parallel_loop3A_450 = arith.constant 0 : i32
      %parallel_loop3A_451 = arith.cmpi slt, %parallel_loop3A_438, %parallel_loop3A_450 : i32
      %parallel_loop3A_452 = arith.extui %parallel_loop3A_451 : i1 to i32
      %parallel_loop3A_453 = arith.subi %parallel_loop3A_449, %parallel_loop3A_452 : i32
      %parallel_loop3A_454 = arith.cmpi ne, %parallel_loop3A_446, %parallel_loop3A_453 : i32
      %parallel_loop3A_455 = arith.remsi %parallel_loop3A_434, %parallel_loop3A_438 : i32
      %parallel_loop3A_456 = arith.constant 0 : i32
      %parallel_loop3A_457 = arith.cmpi ne, %parallel_loop3A_455, %parallel_loop3A_456 : i32
      %parallel_loop3A_458 = arith.andi %parallel_loop3A_454, %parallel_loop3A_457 : i1
      %parallel_loop3A_459 = arith.constant 1 : i32
      %parallel_loop3A_460 = arith.subi %parallel_loop3A_439, %parallel_loop3A_459 : i32
      %parallel_loop3A_461 = arith.select %parallel_loop3A_458, %parallel_loop3A_460, %parallel_loop3A_439 : i32
      %parallel_loop3A_462 = arith.constant 32 : i32
      %parallel_loop3A_463 = arith.constant 0 : i32
      %parallel_loop3A_464 = arith.cmpi eq, %parallel_loop3A_462, %parallel_loop3A_463 : i32
      %parallel_loop3A_465 = arith.constant 1 : i32
      %parallel_loop3A_466 = arith.select %parallel_loop3A_464, %parallel_loop3A_465, %parallel_loop3A_462 : i32
      %parallel_loop3A_467 = arith.remsi %parallel_loop3A_434, %parallel_loop3A_466 : i32
      %parallel_loop3A_468 = arith.constant 0 : i32
      %parallel_loop3A_469 = arith.cmpi ne, %parallel_loop3A_467, %parallel_loop3A_468 : i32
      %parallel_loop3A_470 = arith.constant 0 : i32
      %parallel_loop3A_471 = arith.cmpi slt, %parallel_loop3A_467, %parallel_loop3A_470 : i32
      %parallel_loop3A_472 = arith.constant 0 : i32
      %parallel_loop3A_473 = arith.cmpi slt, %parallel_loop3A_466, %parallel_loop3A_472 : i32
      %parallel_loop3A_474 = arith.xori %parallel_loop3A_471, %parallel_loop3A_473 : i1
      %parallel_loop3A_475 = arith.andi %parallel_loop3A_474, %parallel_loop3A_469 : i1
      %parallel_loop3A_476 = arith.addi %parallel_loop3A_467, %parallel_loop3A_466 : i32
      %parallel_loop3A_477 = arith.select %parallel_loop3A_475, %parallel_loop3A_476, %parallel_loop3A_467 : i32
      %parallel_loop3A_478 = arith.constant 16 : i32
      %parallel_loop3A_479 = arith.muli %parallel_loop3A_477, %parallel_loop3A_478 : i32
      %parallel_loop3A_480 = arith.constant 0 : i32
      %parallel_loop3A_481 = arith.index_cast %parallel_loop3A_480 : i32 to index
      %parallel_loop3A_482 = arith.index_cast %parallel_loop3A_461 : i32 to index
      %parallel_loop3A_483 = arith.index_cast %parallel_loop3A_479 : i32 to index
      %parallel_loop3A_484 = tpu.vector_load %arg6[%parallel_loop3A_481, %parallel_loop3A_482, %parallel_loop3A_483] {strides = array<i32>} : memref<2x16x512xf32, #tpu.memory_space<vmem>>, vector<1x1x16xf32>,
      %parallel_loop3A_485 = vector.shape_cast %parallel_loop3A_484 : vector<1x1x16xf32> to vector<16xf32>
      %parallel_loop3A_486 = arith.constant 0 : i32
      %parallel_loop3A_487 = arith.index_cast %parallel_loop3A_486 : i32 to index
      %parallel_loop3A_488 = arith.index_cast %parallel_loop3A_461 : i32 to index
      %parallel_loop3A_489 = arith.index_cast %parallel_loop3A_479 : i32 to index
      %parallel_loop3A_490 = tpu.vector_load %arg7[%parallel_loop3A_487, %parallel_loop3A_488, %parallel_loop3A_489] {strides = array<i32>} : memref<2x16x512xf32, #tpu.memory_space<vmem>>, vector<1x1x16xf32>,
      %parallel_loop3A_491 = vector.shape_cast %parallel_loop3A_490 : vector<1x1x16xf32> to vector<16xf32>
      %parallel_loop3A_492 = arith.constant 0 : i32
      %parallel_loop3A_493 = arith.index_cast %parallel_loop3A_492 : i32 to index
      %parallel_loop3A_494 = arith.index_cast %parallel_loop3A_461 : i32 to index
      %parallel_loop3A_495 = arith.index_cast %parallel_loop3A_479 : i32 to index
      %parallel_loop3A_496 = tpu.vector_load %arg8[%parallel_loop3A_493, %parallel_loop3A_494, %parallel_loop3A_495] {strides = array<i32>} : memref<2x16x512xi32, #tpu.memory_space<vmem>>, vector<1x1x16xi32>,
      %parallel_loop3A_497 = vector.shape_cast %parallel_loop3A_496 : vector<1x1x16xi32> to vector<16xi32>
      %parallel_loop3A_498 = arith.sitofp %parallel_loop3A_497 : vector<16xi32> to vector<16xf32>
      %parallel_loop3A_499 = arith.subf %parallel_loop3A_485, %parallel_loop3A_491 : vector<16xf32>
      %parallel_loop3A_500 = math.absf %parallel_loop3A_499 : vector<16xf32>
      %parallel_loop3A_501 = arith.addf %parallel_loop3A_435, %parallel_loop3A_500 : vector<16xf32>
      %parallel_loop3A_502 = arith.mulf %parallel_loop3A_500, %parallel_loop3A_498 : vector<16xf32>
      %parallel_loop3A_503 = arith.addf %parallel_loop3A_436, %parallel_loop3A_502 : vector<16xf32>
      %parallel_loop3A_504 = arith.addf %parallel_loop3A_437, %parallel_loop3A_498 : vector<16xf32>
      scf.yield %parallel_loop3A_501, %parallel_loop3A_503, %parallel_loop3A_504 : vector<16xf32>, vector<16xf32>, vector<16xf32>
    } {sc.loop_unroll_factor = 8 : i64, sc.parallel_access}
    %dma_wait3A_373 = arith.constant 0 : i32
    %dma_wait3A_374 = arith.constant 1 : i32
    %dma_wait3A_375 = arith.constant 0 : i32
    %dma_wait3A_376 = arith.constant 0 : i32
    %dma_wait3A_377 = tpu.memref_slice %arg6[%dma_wait3A_374, %dma_wait3A_375, %dma_wait3A_376] : memref<2x16x512xf32, #tpu.memory_space<vmem>> -> memref<1x16x512xf32, #tpu.memory_space<vmem>>
    %dma_wait3A_378 = tpu.memref_squeeze %dma_wait3A_377 : memref<1x16x512xf32, #tpu.memory_space<vmem>> -> memref<16x512xf32, #tpu.memory_space<vmem>>
    %dma_wait3A_379 = arith.constant 0 : i32
    %dma_wait3A_380 = tpu.memref_slice %arg2[%select_n3A, %dma_wait3A_373, %add3A_322, %dma_wait3A_379] : memref<4x2x512x512xf32, #tpu.memory_space<hbm>> -> memref<1x1x16x512xf32, #tpu.memory_space<hbm>>
    %dma_wait3A_381 = tpu.memref_squeeze %dma_wait3A_380 : memref<1x1x16x512xf32, #tpu.memory_space<hbm>> -> memref<16x512xf32, #tpu.memory_space<hbm>>
    %dma_wait3A_382 = arith.constant 0 : i32
    %dma_wait3A_383 = arith.constant 0 : i32
    %dma_wait3A_384 = tpu.memref_slice %arg6[%dma_wait3A_374, %dma_wait3A_382, %dma_wait3A_383] : memref<2x16x512xf32, #tpu.memory_space<vmem>> -> memref<1x16x512xf32, #tpu.memory_space<vmem>>
    %dma_wait3A_385 = tpu.memref_squeeze %dma_wait3A_384 : memref<1x16x512xf32, #tpu.memory_space<vmem>> -> memref<16x512xf32, #tpu.memory_space<vmem>>
    %dma_wait3A_386 = arith.constant 0 : i32
    %dma_wait3A_387 = tpu.memref_slice %arg2[%select_n3A, %dma_wait3A_373, %add3A_322, %dma_wait3A_386] : memref<4x2x512x512xf32, #tpu.memory_space<hbm>> -> memref<1x1x16x512xf32, #tpu.memory_space<hbm>>
    %dma_wait3A_388 = tpu.memref_squeeze %dma_wait3A_387 : memref<1x1x16x512xf32, #tpu.memory_space<hbm>> -> memref<16x512xf32, #tpu.memory_space<hbm>>
    tpu.wait_dma2 semaphore(%arg11 : memref<!tpu.dma_semaphore, #tpu.memory_space<semaphore_mem>>) src(%dma_wait3A_388 : memref<16x512xf32, #tpu.memory_space<hbm>>) dst(%dma_wait3A_385 : memref<16x512xf32, #tpu.memory_space<vmem>>)
    %dma_wait3A_389 = arith.constant 1 : i32
    %dma_wait3A_390 = arith.constant 0 : i32
    %dma_wait3A_391 = arith.constant 0 : i32
    %dma_wait3A_392 = tpu.memref_slice %arg7[%dma_wait3A_389, %dma_wait3A_390, %dma_wait3A_391] : memref<2x16x512xf32, #tpu.memory_space<vmem>> -> memref<1x16x512xf32, #tpu.memory_space<vmem>>
    %dma_wait3A_393 = tpu.memref_squeeze %dma_wait3A_392 : memref<1x16x512xf32, #tpu.memory_space<vmem>> -> memref<16x512xf32, #tpu.memory_space<vmem>>
    %dma_wait3A_394 = arith.constant 0 : i32
    %dma_wait3A_395 = tpu.memref_slice %arg3[%select_n3A, %add3A_322, %dma_wait3A_394] : memref<4x512x512xf32, #tpu.memory_space<hbm>> -> memref<1x16x512xf32, #tpu.memory_space<hbm>>
    %dma_wait3A_396 = tpu.memref_squeeze %dma_wait3A_395 : memref<1x16x512xf32, #tpu.memory_space<hbm>> -> memref<16x512xf32, #tpu.memory_space<hbm>>
    %dma_wait3A_397 = arith.constant 0 : i32
    %dma_wait3A_398 = arith.constant 0 : i32
    %dma_wait3A_399 = tpu.memref_slice %arg7[%dma_wait3A_389, %dma_wait3A_397, %dma_wait3A_398] : memref<2x16x512xf32, #tpu.memory_space<vmem>> -> memref<1x16x512xf32, #tpu.memory_space<vmem>>
    %dma_wait3A_400 = tpu.memref_squeeze %dma_wait3A_399 : memref<1x16x512xf32, #tpu.memory_space<vmem>> -> memref<16x512xf32, #tpu.memory_space<vmem>>
    %dma_wait3A_401 = arith.constant 0 : i32
    %dma_wait3A_402 = tpu.memref_slice %arg3[%select_n3A, %add3A_322, %dma_wait3A_401] : memref<4x512x512xf32, #tpu.memory_space<hbm>> -> memref<1x16x512xf32, #tpu.memory_space<hbm>>
    %dma_wait3A_403 = tpu.memref_squeeze %dma_wait3A_402 : memref<1x16x512xf32, #tpu.memory_space<hbm>> -> memref<16x512xf32, #tpu.memory_space<hbm>>
    tpu.wait_dma2 semaphore(%arg11 : memref<!tpu.dma_semaphore, #tpu.memory_space<semaphore_mem>>) src(%dma_wait3A_403 : memref<16x512xf32, #tpu.memory_space<hbm>>) dst(%dma_wait3A_400 : memref<16x512xf32, #tpu.memory_space<vmem>>)
    %dma_wait3A_404 = arith.constant 1 : i32
    %dma_wait3A_405 = arith.constant 0 : i32
    %dma_wait3A_406 = arith.constant 0 : i32
    %dma_wait3A_407 = tpu.memref_slice %arg8[%dma_wait3A_404, %dma_wait3A_405, %dma_wait3A_406] : memref<2x16x512xi32, #tpu.memory_space<vmem>> -> memref<1x16x512xi32, #tpu.memory_space<vmem>>
    %dma_wait3A_408 = tpu.memref_squeeze %dma_wait3A_407 : memref<1x16x512xi32, #tpu.memory_space<vmem>> -> memref<16x512xi32, #tpu.memory_space<vmem>>
    %dma_wait3A_409 = arith.constant 0 : i32
    %dma_wait3A_410 = tpu.memref_slice %arg4[%select_n3A, %add3A_322, %dma_wait3A_409] : memref<4x512x512xi32, #tpu.memory_space<hbm>> -> memref<1x16x512xi32, #tpu.memory_space<hbm>>
    %dma_wait3A_411 = tpu.memref_squeeze %dma_wait3A_410 : memref<1x16x512xi32, #tpu.memory_space<hbm>> -> memref<16x512xi32, #tpu.memory_space<hbm>>
    %dma_wait3A_412 = arith.constant 0 : i32
    %dma_wait3A_413 = arith.constant 0 : i32
    %dma_wait3A_414 = tpu.memref_slice %arg8[%dma_wait3A_404, %dma_wait3A_412, %dma_wait3A_413] : memref<2x16x512xi32, #tpu.memory_space<vmem>> -> memref<1x16x512xi32, #tpu.memory_space<vmem>>
    %dma_wait3A_415 = tpu.memref_squeeze %dma_wait3A_414 : memref<1x16x512xi32, #tpu.memory_space<vmem>> -> memref<16x512xi32, #tpu.memory_space<vmem>>
    %dma_wait3A_416 = arith.constant 0 : i32
    %dma_wait3A_417 = tpu.memref_slice %arg4[%select_n3A, %add3A_322, %dma_wait3A_416] : memref<4x512x512xi32, #tpu.memory_space<hbm>> -> memref<1x16x512xi32, #tpu.memory_space<hbm>>
    %dma_wait3A_418 = tpu.memref_squeeze %dma_wait3A_417 : memref<1x16x512xi32, #tpu.memory_space<hbm>> -> memref<16x512xi32, #tpu.memory_space<hbm>>
    tpu.wait_dma2 semaphore(%arg11 : memref<!tpu.dma_semaphore, #tpu.memory_space<semaphore_mem>>) src(%dma_wait3A_418 : memref<16x512xi32, #tpu.memory_space<hbm>>) dst(%dma_wait3A_415 : memref<16x512xi32, #tpu.memory_space<vmem>>)
    %parallel_loop3A_419 = arith.constant 0 : i32
    %parallel_loop3A_420 = arith.constant 512 : i32
    %parallel_loop3A_421 = arith.constant 1 : i32
    %parallel_loop3A_422:3 = scf.for %parallel_loop3A_434 = %parallel_loop3A_419 to %parallel_loop3A_420 step %parallel_loop3A_421 iter_args(%parallel_loop3A_435 = %parallel_loop3A_372#0, %parallel_loop3A_436 = %parallel_loop3A_372#1, %parallel_loop3A_437 = %parallel_loop3A_372#2) -> (vector<16xf32>, vector<16xf32>, vector<16xf32>)  : i32 {
      %parallel_loop3A_438 = arith.constant 32 : i32
      %parallel_loop3A_439 = arith.divsi %parallel_loop3A_434, %parallel_loop3A_438 : i32
      %parallel_loop3A_440 = arith.constant 0 : i32
      %parallel_loop3A_441 = arith.cmpi sgt, %parallel_loop3A_434, %parallel_loop3A_440 : i32
      %parallel_loop3A_442 = arith.extui %parallel_loop3A_441 : i1 to i32
      %parallel_loop3A_443 = arith.constant 0 : i32
      %parallel_loop3A_444 = arith.cmpi slt, %parallel_loop3A_434, %parallel_loop3A_443 : i32
      %parallel_loop3A_445 = arith.extui %parallel_loop3A_444 : i1 to i32
      %parallel_loop3A_446 = arith.subi %parallel_loop3A_442, %parallel_loop3A_445 : i32
      %parallel_loop3A_447 = arith.constant 0 : i32
      %parallel_loop3A_448 = arith.cmpi sgt, %parallel_loop3A_438, %parallel_loop3A_447 : i32
      %parallel_loop3A_449 = arith.extui %parallel_loop3A_448 : i1 to i32
      %parallel_loop3A_450 = arith.constant 0 : i32
      %parallel_loop3A_451 = arith.cmpi slt, %parallel_loop3A_438, %parallel_loop3A_450 : i32
      %parallel_loop3A_452 = arith.extui %parallel_loop3A_451 : i1 to i32
      %parallel_loop3A_453 = arith.subi %parallel_loop3A_449, %parallel_loop3A_452 : i32
      %parallel_loop3A_454 = arith.cmpi ne, %parallel_loop3A_446, %parallel_loop3A_453 : i32
      %parallel_loop3A_455 = arith.remsi %parallel_loop3A_434, %parallel_loop3A_438 : i32
      %parallel_loop3A_456 = arith.constant 0 : i32
      %parallel_loop3A_457 = arith.cmpi ne, %parallel_loop3A_455, %parallel_loop3A_456 : i32
      %parallel_loop3A_458 = arith.andi %parallel_loop3A_454, %parallel_loop3A_457 : i1
      %parallel_loop3A_459 = arith.constant 1 : i32
      %parallel_loop3A_460 = arith.subi %parallel_loop3A_439, %parallel_loop3A_459 : i32
      %parallel_loop3A_461 = arith.select %parallel_loop3A_458, %parallel_loop3A_460, %parallel_loop3A_439 : i32
      %parallel_loop3A_462 = arith.constant 32 : i32
      %parallel_loop3A_463 = arith.constant 0 : i32
      %parallel_loop3A_464 = arith.cmpi eq, %parallel_loop3A_462, %parallel_loop3A_463 : i32
      %parallel_loop3A_465 = arith.constant 1 : i32
      %parallel_loop3A_466 = arith.select %parallel_loop3A_464, %parallel_loop3A_465, %parallel_loop3A_462 : i32
      %parallel_loop3A_467 = arith.remsi %parallel_loop3A_434, %parallel_loop3A_466 : i32
      %parallel_loop3A_468 = arith.constant 0 : i32
      %parallel_loop3A_469 = arith.cmpi ne, %parallel_loop3A_467, %parallel_loop3A_468 : i32
      %parallel_loop3A_470 = arith.constant 0 : i32
      %parallel_loop3A_471 = arith.cmpi slt, %parallel_loop3A_467, %parallel_loop3A_470 : i32
      %parallel_loop3A_472 = arith.constant 0 : i32
      %parallel_loop3A_473 = arith.cmpi slt, %parallel_loop3A_466, %parallel_loop3A_472 : i32
      %parallel_loop3A_474 = arith.xori %parallel_loop3A_471, %parallel_loop3A_473 : i1
      %parallel_loop3A_475 = arith.andi %parallel_loop3A_474, %parallel_loop3A_469 : i1
      %parallel_loop3A_476 = arith.addi %parallel_loop3A_467, %parallel_loop3A_466 : i32
      %parallel_loop3A_477 = arith.select %parallel_loop3A_475, %parallel_loop3A_476, %parallel_loop3A_467 : i32
      %parallel_loop3A_478 = arith.constant 16 : i32
      %parallel_loop3A_479 = arith.muli %parallel_loop3A_477, %parallel_loop3A_478 : i32
      %parallel_loop3A_480 = arith.constant 1 : i32
      %parallel_loop3A_481 = arith.index_cast %parallel_loop3A_480 : i32 to index
      %parallel_loop3A_482 = arith.index_cast %parallel_loop3A_461 : i32 to index
      %parallel_loop3A_483 = arith.index_cast %parallel_loop3A_479 : i32 to index
      %parallel_loop3A_484 = tpu.vector_load %arg6[%parallel_loop3A_481, %parallel_loop3A_482, %parallel_loop3A_483] {strides = array<i32>} : memref<2x16x512xf32, #tpu.memory_space<vmem>>, vector<1x1x16xf32>,
      %parallel_loop3A_485 = vector.shape_cast %parallel_loop3A_484 : vector<1x1x16xf32> to vector<16xf32>
      %parallel_loop3A_486 = arith.constant 1 : i32
      %parallel_loop3A_487 = arith.index_cast %parallel_loop3A_486 : i32 to index
      %parallel_loop3A_488 = arith.index_cast %parallel_loop3A_461 : i32 to index
      %parallel_loop3A_489 = arith.index_cast %parallel_loop3A_479 : i32 to index
      %parallel_loop3A_490 = tpu.vector_load %arg7[%parallel_loop3A_487, %parallel_loop3A_488, %parallel_loop3A_489] {strides = array<i32>} : memref<2x16x512xf32, #tpu.memory_space<vmem>>, vector<1x1x16xf32>,
      %parallel_loop3A_491 = vector.shape_cast %parallel_loop3A_490 : vector<1x1x16xf32> to vector<16xf32>
      %parallel_loop3A_492 = arith.constant 1 : i32
      %parallel_loop3A_493 = arith.index_cast %parallel_loop3A_492 : i32 to index
      %parallel_loop3A_494 = arith.index_cast %parallel_loop3A_461 : i32 to index
      %parallel_loop3A_495 = arith.index_cast %parallel_loop3A_479 : i32 to index
      %parallel_loop3A_496 = tpu.vector_load %arg8[%parallel_loop3A_493, %parallel_loop3A_494, %parallel_loop3A_495] {strides = array<i32>} : memref<2x16x512xi32, #tpu.memory_space<vmem>>, vector<1x1x16xi32>,
      %parallel_loop3A_497 = vector.shape_cast %parallel_loop3A_496 : vector<1x1x16xi32> to vector<16xi32>
      %parallel_loop3A_498 = arith.sitofp %parallel_loop3A_497 : vector<16xi32> to vector<16xf32>
      %parallel_loop3A_499 = arith.subf %parallel_loop3A_485, %parallel_loop3A_491 : vector<16xf32>
      %parallel_loop3A_500 = math.absf %parallel_loop3A_499 : vector<16xf32>
      %parallel_loop3A_501 = arith.addf %parallel_loop3A_435, %parallel_loop3A_500 : vector<16xf32>
      %parallel_loop3A_502 = arith.mulf %parallel_loop3A_500, %parallel_loop3A_498 : vector<16xf32>
      %parallel_loop3A_503 = arith.addf %parallel_loop3A_436, %parallel_loop3A_502 : vector<16xf32>
      %parallel_loop3A_504 = arith.addf %parallel_loop3A_437, %parallel_loop3A_498 : vector<16xf32>
      scf.yield %parallel_loop3A_501, %parallel_loop3A_503, %parallel_loop3A_504 : vector<16xf32>, vector<16xf32>, vector<16xf32>
    } {sc.loop_unroll_factor = 8 : i64, sc.parallel_access}
    %swap3A = arith.constant 0 : index
    %swap3A_423 = tpu.vector_load %arg9[%swap3A] {strides = array<i32>} : memref<48xf32, #tpu.memory_space<vmem>>, vector<16xf32>,
    %swap3A_424 = vector.shape_cast %swap3A_423 : vector<16xf32> to vector<16xf32>
    %swap3A_425 = vector.shape_cast %parallel_loop3A_422#0 : vector<16xf32> to vector<16xf32>
    tpu.vector_store %arg9[%swap3A], %swap3A_425 {strides = array<i32>} : memref<48xf32, #tpu.memory_space<vmem>>, vector<16xf32>,
    %swap3A_426 = arith.constant 16 : index
    %swap3A_427 = tpu.vector_load %arg9[%swap3A_426] {strides = array<i32>} : memref<48xf32, #tpu.memory_space<vmem>>, vector<16xf32>,
    %swap3A_428 = vector.shape_cast %swap3A_427 : vector<16xf32> to vector<16xf32>
    %swap3A_429 = vector.shape_cast %parallel_loop3A_422#1 : vector<16xf32> to vector<16xf32>
    tpu.vector_store %arg9[%swap3A_426], %swap3A_429 {strides = array<i32>} : memref<48xf32, #tpu.memory_space<vmem>>, vector<16xf32>,
    %swap3A_430 = arith.constant 32 : index
    %swap3A_431 = tpu.vector_load %arg9[%swap3A_430] {strides = array<i32>} : memref<48xf32, #tpu.memory_space<vmem>>, vector<16xf32>,
    %swap3A_432 = vector.shape_cast %swap3A_431 : vector<16xf32> to vector<16xf32>
    %swap3A_433 = vector.shape_cast %parallel_loop3A_422#2 : vector<16xf32> to vector<16xf32>
    tpu.vector_store %arg9[%swap3A_430], %swap3A_433 {strides = array<i32>} : memref<48xf32, #tpu.memory_space<vmem>>, vector<16xf32>,
    "tpu.region"() ({
      %run_scoped3A = tpu.sem_alloc : memref<!tpu.dma_semaphore, #tpu.memory_space<semaphore_mem>>
      %dma_start3A_434 = arith.constant 0 : i32
      %dma_start3A_435 = tpu.memref_slice %arg5[%add3A, %dma_start3A_434] : memref<32x48xf32, #tpu.memory_space<hbm>> -> memref<1x48xf32, #tpu.memory_space<hbm>>
      %dma_start3A_436 = tpu.memref_squeeze %dma_start3A_435 : memref<1x48xf32, #tpu.memory_space<hbm>> -> memref<48xf32, #tpu.memory_space<hbm>>
      %dma_start3A_437 = arith.constant 0 : i32
      %dma_start3A_438 = tpu.memref_slice %arg5[%add3A, %dma_start3A_437] : memref<32x48xf32, #tpu.memory_space<hbm>> -> memref<1x48xf32, #tpu.memory_space<hbm>>
      %dma_start3A_439 = tpu.memref_squeeze %dma_start3A_438 : memref<1x48xf32, #tpu.memory_space<hbm>> -> memref<48xf32, #tpu.memory_space<hbm>>
      tpu.enqueue_dma source(%arg9 : memref<48xf32, #tpu.memory_space<vmem>>) target(%dma_start3A_439 : memref<48xf32, #tpu.memory_space<hbm>>) target_semaphore(%run_scoped3A : memref<!tpu.dma_semaphore, #tpu.memory_space<semaphore_mem>>)
      %dma_wait3A_440 = arith.constant 0 : i32
      %dma_wait3A_441 = tpu.memref_slice %arg5[%add3A, %dma_wait3A_440] : memref<32x48xf32, #tpu.memory_space<hbm>> -> memref<1x48xf32, #tpu.memory_space<hbm>>
      %dma_wait3A_442 = tpu.memref_squeeze %dma_wait3A_441 : memref<1x48xf32, #tpu.memory_space<hbm>> -> memref<48xf32, #tpu.memory_space<hbm>>
      %dma_wait3A_443 = arith.constant 0 : i32
      %dma_wait3A_444 = tpu.memref_slice %arg5[%add3A, %dma_wait3A_443] : memref<32x48xf32, #tpu.memory_space<hbm>> -> memref<1x48xf32, #tpu.memory_space<hbm>>
      %dma_wait3A_445 = tpu.memref_squeeze %dma_wait3A_444 : memref<1x48xf32, #tpu.memory_space<hbm>> -> memref<48xf32, #tpu.memory_space<hbm>>
      tpu.wait_dma2 semaphore(%run_scoped3A : memref<!tpu.dma_semaphore, #tpu.memory_space<semaphore_mem>>) src(%arg9 : memref<48xf32, #tpu.memory_space<vmem>>) dst(%dma_wait3A_445 : memref<48xf32, #tpu.memory_space<hbm>>)
      tpu.yield
    }) : () -> ()
    return
  }
}

#map = affine_map<(d0, d1) -> (0, 0, 0, 0)>
#map1 = affine_map<(d0, d1) -> (0, 0, 0)>
#map2 = affine_map<(d0, d1) -> (0)>
#map3 = affine_map<(d0, d1) -> (0, 0)>
module attributes {stable_mosaic.version = 14 : i64} {
  func.func @hist(%arg0: i32, %arg1: i32, %arg2: memref<4x2x512x512xf32, #tpu.memory_space<hbm>>, %arg3: memref<4x512x512xf32, #tpu.memory_space<hbm>>, %arg4: memref<4x512x512xi32, #tpu.memory_space<hbm>>, %arg5: memref<16xi32, #tpu.memory_space<hbm>>, %arg6: memref<32x32768xf32, #tpu.memory_space<hbm>>, %arg7: memref<32x32768xf32, #tpu.memory_space<hbm>>, %arg8: memref<16x512xf32, #tpu.memory_space<vmem>>, %arg9: memref<16x512xf32, #tpu.memory_space<vmem>>, %arg10: memref<16x512xi32, #tpu.memory_space<vmem>>, %arg11: memref<16xi32, #tpu.memory_space<vmem>>, %arg12: memref<32768xf32, #tpu.memory_space<vmem>>, %arg13: memref<32768xf32, #tpu.memory_space<vmem>>) attributes {dimension_semantics = [#tpu.dimension_semantics<core_parallel>, #tpu.dimension_semantics<subcore_parallel>], iteration_bounds = array<i64: 2, 16>, scalar_prefetch = 0 : i64, scratch_operands = 6 : i64, tpu.core_type = #tpu.core_type<sc_vector_subcore>, window_params = [{transform_indices = #map}, {transform_indices = #map1}, {transform_indices = #map1}, {transform_indices = #map2}, {transform_indices = #map3}, {transform_indices = #map3}]} {
    %mul3A = arith.constant 16 : i32
    %mul3A_0 = arith.muli %arg0, %mul3A : i32
    %add3A = arith.addi %mul3A_0, %arg1 : i32
    %jit3A = arith.constant 8 : i32
    %div3A = arith.divsi %add3A, %jit3A : i32
    %sign3A = arith.constant 0 : i32
    %sign3A_1 = arith.cmpi sgt, %add3A, %sign3A : i32
    %sign3A_2 = arith.extui %sign3A_1 : i1 to i32
    %sign3A_3 = arith.constant 0 : i32
    %sign3A_4 = arith.cmpi slt, %add3A, %sign3A_3 : i32
    %sign3A_5 = arith.extui %sign3A_4 : i1 to i32
    %sign3A_6 = arith.subi %sign3A_2, %sign3A_5 : i32
    %sign3A_7 = arith.constant 0 : i32
    %sign3A_8 = arith.cmpi sgt, %jit3A, %sign3A_7 : i32
    %sign3A_9 = arith.extui %sign3A_8 : i1 to i32
    %sign3A_10 = arith.constant 0 : i32
    %sign3A_11 = arith.cmpi slt, %jit3A, %sign3A_10 : i32
    %sign3A_12 = arith.extui %sign3A_11 : i1 to i32
    %sign3A_13 = arith.subi %sign3A_9, %sign3A_12 : i32
    %ne3A = arith.cmpi ne, %sign3A_6, %sign3A_13 : i32
    %rem3A = arith.remsi %add3A, %jit3A : i32
    %ne3A_14 = arith.constant 0 : i32
    %ne3A_15 = arith.cmpi ne, %rem3A, %ne3A_14 : i32
    %and3A = arith.andi %ne3A, %ne3A_15 : i1
    %sub3A = arith.constant 1 : i32
    %sub3A_16 = arith.subi %div3A, %sub3A : i32
    %select_n3A = arith.select %and3A, %sub3A_16, %div3A : i32
    %jit3A_17 = arith.constant 8 : i32
    %eq3A = arith.constant 0 : i32
    %eq3A_18 = arith.cmpi eq, %jit3A_17, %eq3A : i32
    %jit3A_19 = arith.constant 1 : i32
    %select_n3A_20 = arith.select %eq3A_18, %jit3A_19, %jit3A_17 : i32
    %rem3A_21 = arith.remsi %add3A, %select_n3A_20 : i32
    %ne3A_22 = arith.constant 0 : i32
    %ne3A_23 = arith.cmpi ne, %rem3A_21, %ne3A_22 : i32
    %lt3A = arith.constant 0 : i32
    %lt3A_24 = arith.cmpi slt, %rem3A_21, %lt3A : i32
    %lt3A_25 = arith.constant 0 : i32
    %lt3A_26 = arith.cmpi slt, %select_n3A_20, %lt3A_25 : i32
    %ne3A_27 = arith.xori %lt3A_24, %lt3A_26 : i1
    %and3A_28 = arith.andi %ne3A_27, %ne3A_23 : i1
    %add3A_29 = arith.addi %rem3A_21, %select_n3A_20 : i32
    %select_n3A_30 = arith.select %and3A_28, %add3A_29, %rem3A_21 : i32
    %mul3A_31 = arith.constant 64 : i32
    %mul3A_32 = arith.muli %select_n3A_30, %mul3A_31 : i32
    "tpu.region"() ({
      %run_scoped3A_98 = tpu.sem_alloc : memref<!tpu.dma_semaphore, #tpu.memory_space<semaphore_mem>>
      tpu.enqueue_dma source(%arg5 : memref<16xi32, #tpu.memory_space<hbm>>) target(%arg11 : memref<16xi32, #tpu.memory_space<vmem>>) target_semaphore(%run_scoped3A_98 : memref<!tpu.dma_semaphore, #tpu.memory_space<semaphore_mem>>)
      tpu.wait_dma2 semaphore(%run_scoped3A_98 : memref<!tpu.dma_semaphore, #tpu.memory_space<semaphore_mem>>) src(%arg5 : memref<16xi32, #tpu.memory_space<hbm>>) dst(%arg11 : memref<16xi32, #tpu.memory_space<vmem>>)
      tpu.yield
    }) : () -> ()
    %get3A = arith.constant 0 : index
    %get3A_33 = tpu.vector_load %arg11[%get3A] {strides = array<i32>} : memref<16xi32, #tpu.memory_space<vmem>>, vector<16xi32>,
    %broadcast_in_dim3A = arith.constant 0.000000e+00 : f32
    %broadcast_in_dim3A_34 = vector.broadcast %broadcast_in_dim3A : f32 to vector<16xf32>
    %scan3A = arith.constant 0 : i32
    %scan3A_35 = arith.constant 0 : i32
    %scan3A_36 = arith.constant 2048 : i32
    %scan3A_37 = arith.addi %scan3A_35, %scan3A_36 : i32
    %scan3A_38 = arith.constant 1 : i32
    %scan3A_39 = scf.for %scan3A_98 = %scan3A_35 to %scan3A_37 step %scan3A_38 iter_args(%scan3A_99 = %scan3A) -> (i32)  : i32 {
      %mul3A_100 = arith.constant 16 : i32
      %mul3A_101 = arith.muli %scan3A_98, %mul3A_100 : i32
      %swap3A = arith.index_cast %mul3A_101 : i32 to index
      %swap3A_102 = tpu.vector_load %arg12[%swap3A] {strides = array<i32>} : memref<32768xf32, #tpu.memory_space<vmem>>, vector<16xf32>,
      tpu.vector_store %arg12[%swap3A], %broadcast_in_dim3A_34 {strides = array<i32>} : memref<32768xf32, #tpu.memory_space<vmem>>, vector<16xf32>,
      %mul3A_103 = arith.constant 16 : i32
      %mul3A_104 = arith.muli %scan3A_98, %mul3A_103 : i32
      %swap3A_105 = arith.index_cast %mul3A_104 : i32 to index
      %swap3A_106 = tpu.vector_load %arg13[%swap3A_105] {strides = array<i32>} : memref<32768xf32, #tpu.memory_space<vmem>>, vector<16xf32>,
      tpu.vector_store %arg13[%swap3A_105], %broadcast_in_dim3A_34 {strides = array<i32>} : memref<32768xf32, #tpu.memory_space<vmem>>, vector<16xf32>,
      %scan3A_107 = arith.constant 0 : i32
      scf.yield %scan3A_107 : i32
    }
    %scan3A_40 = arith.constant 2048 : i32
    %iota3A = tpu.iota {dimensions = array<i32: 0>} : vector<16xi32>
    %broadcast_in_dim3A_41 = arith.constant 1.000000e+00 : f32
    %broadcast_in_dim3A_42 = vector.broadcast %broadcast_in_dim3A_41 : f32 to vector<16xf32>
    %add3A_43 = arith.constant 0 : i32
    %add3A_44 = arith.addi %mul3A_32, %add3A_43 : i32
    %run_scoped3A = arith.constant 0 : i32
    "tpu.region"() ({
      %run_scoped3A_98 = tpu.sem_alloc : memref<!tpu.dma_semaphore, #tpu.memory_space<semaphore_mem>>
      %dma_start3A = arith.constant 0 : i32
      %dma_start3A_99 = tpu.memref_slice %arg2[%select_n3A, %run_scoped3A, %add3A_44, %dma_start3A] : memref<4x2x512x512xf32, #tpu.memory_space<hbm>> -> memref<1x1x16x512xf32, #tpu.memory_space<hbm>>
      %dma_start3A_100 = tpu.memref_squeeze %dma_start3A_99 : memref<1x1x16x512xf32, #tpu.memory_space<hbm>> -> memref<16x512xf32, #tpu.memory_space<hbm>>
      %dma_start3A_101 = arith.constant 0 : i32
      %dma_start3A_102 = tpu.memref_slice %arg2[%select_n3A, %run_scoped3A, %add3A_44, %dma_start3A_101] : memref<4x2x512x512xf32, #tpu.memory_space<hbm>> -> memref<1x1x16x512xf32, #tpu.memory_space<hbm>>
      %dma_start3A_103 = tpu.memref_squeeze %dma_start3A_102 : memref<1x1x16x512xf32, #tpu.memory_space<hbm>> -> memref<16x512xf32, #tpu.memory_space<hbm>>
      tpu.enqueue_dma source(%dma_start3A_103 : memref<16x512xf32, #tpu.memory_space<hbm>>) target(%arg8 : memref<16x512xf32, #tpu.memory_space<vmem>>) target_semaphore(%run_scoped3A_98 : memref<!tpu.dma_semaphore, #tpu.memory_space<semaphore_mem>>)
      %dma_wait3A = arith.constant 0 : i32
      %dma_wait3A_104 = tpu.memref_slice %arg2[%select_n3A, %run_scoped3A, %add3A_44, %dma_wait3A] : memref<4x2x512x512xf32, #tpu.memory_space<hbm>> -> memref<1x1x16x512xf32, #tpu.memory_space<hbm>>
      %dma_wait3A_105 = tpu.memref_squeeze %dma_wait3A_104 : memref<1x1x16x512xf32, #tpu.memory_space<hbm>> -> memref<16x512xf32, #tpu.memory_space<hbm>>
      %dma_wait3A_106 = arith.constant 0 : i32
      %dma_wait3A_107 = tpu.memref_slice %arg2[%select_n3A, %run_scoped3A, %add3A_44, %dma_wait3A_106] : memref<4x2x512x512xf32, #tpu.memory_space<hbm>> -> memref<1x1x16x512xf32, #tpu.memory_space<hbm>>
      %dma_wait3A_108 = tpu.memref_squeeze %dma_wait3A_107 : memref<1x1x16x512xf32, #tpu.memory_space<hbm>> -> memref<16x512xf32, #tpu.memory_space<hbm>>
      tpu.wait_dma2 semaphore(%run_scoped3A_98 : memref<!tpu.dma_semaphore, #tpu.memory_space<semaphore_mem>>) src(%dma_wait3A_108 : memref<16x512xf32, #tpu.memory_space<hbm>>) dst(%arg8 : memref<16x512xf32, #tpu.memory_space<vmem>>)
      tpu.yield
    }) : () -> ()
    %add3A_45 = arith.constant 0 : i32
    %add3A_46 = arith.addi %mul3A_32, %add3A_45 : i32
    "tpu.region"() ({
      %run_scoped3A_98 = tpu.sem_alloc : memref<!tpu.dma_semaphore, #tpu.memory_space<semaphore_mem>>
      %dma_start3A = arith.constant 0 : i32
      %dma_start3A_99 = tpu.memref_slice %arg3[%select_n3A, %add3A_46, %dma_start3A] : memref<4x512x512xf32, #tpu.memory_space<hbm>> -> memref<1x16x512xf32, #tpu.memory_space<hbm>>
      %dma_start3A_100 = tpu.memref_squeeze %dma_start3A_99 : memref<1x16x512xf32, #tpu.memory_space<hbm>> -> memref<16x512xf32, #tpu.memory_space<hbm>>
      %dma_start3A_101 = arith.constant 0 : i32
      %dma_start3A_102 = tpu.memref_slice %arg3[%select_n3A, %add3A_46, %dma_start3A_101] : memref<4x512x512xf32, #tpu.memory_space<hbm>> -> memref<1x16x512xf32, #tpu.memory_space<hbm>>
      %dma_start3A_103 = tpu.memref_squeeze %dma_start3A_102 : memref<1x16x512xf32, #tpu.memory_space<hbm>> -> memref<16x512xf32, #tpu.memory_space<hbm>>
      tpu.enqueue_dma source(%dma_start3A_103 : memref<16x512xf32, #tpu.memory_space<hbm>>) target(%arg9 : memref<16x512xf32, #tpu.memory_space<vmem>>) target_semaphore(%run_scoped3A_98 : memref<!tpu.dma_semaphore, #tpu.memory_space<semaphore_mem>>)
      %dma_wait3A = arith.constant 0 : i32
      %dma_wait3A_104 = tpu.memref_slice %arg3[%select_n3A, %add3A_46, %dma_wait3A] : memref<4x512x512xf32, #tpu.memory_space<hbm>> -> memref<1x16x512xf32, #tpu.memory_space<hbm>>
      %dma_wait3A_105 = tpu.memref_squeeze %dma_wait3A_104 : memref<1x16x512xf32, #tpu.memory_space<hbm>> -> memref<16x512xf32, #tpu.memory_space<hbm>>
      %dma_wait3A_106 = arith.constant 0 : i32
      %dma_wait3A_107 = tpu.memref_slice %arg3[%select_n3A, %add3A_46, %dma_wait3A_106] : memref<4x512x512xf32, #tpu.memory_space<hbm>> -> memref<1x16x512xf32, #tpu.memory_space<hbm>>
      %dma_wait3A_108 = tpu.memref_squeeze %dma_wait3A_107 : memref<1x16x512xf32, #tpu.memory_space<hbm>> -> memref<16x512xf32, #tpu.memory_space<hbm>>
      tpu.wait_dma2 semaphore(%run_scoped3A_98 : memref<!tpu.dma_semaphore, #tpu.memory_space<semaphore_mem>>) src(%dma_wait3A_108 : memref<16x512xf32, #tpu.memory_space<hbm>>) dst(%arg9 : memref<16x512xf32, #tpu.memory_space<vmem>>)
      tpu.yield
    }) : () -> ()
    %add3A_47 = arith.constant 0 : i32
    %add3A_48 = arith.addi %mul3A_32, %add3A_47 : i32
    "tpu.region"() ({
      %run_scoped3A_98 = tpu.sem_alloc : memref<!tpu.dma_semaphore, #tpu.memory_space<semaphore_mem>>
      %dma_start3A = arith.constant 0 : i32
      %dma_start3A_99 = tpu.memref_slice %arg4[%select_n3A, %add3A_48, %dma_start3A] : memref<4x512x512xi32, #tpu.memory_space<hbm>> -> memref<1x16x512xi32, #tpu.memory_space<hbm>>
      %dma_start3A_100 = tpu.memref_squeeze %dma_start3A_99 : memref<1x16x512xi32, #tpu.memory_space<hbm>> -> memref<16x512xi32, #tpu.memory_space<hbm>>
      %dma_start3A_101 = arith.constant 0 : i32
      %dma_start3A_102 = tpu.memref_slice %arg4[%select_n3A, %add3A_48, %dma_start3A_101] : memref<4x512x512xi32, #tpu.memory_space<hbm>> -> memref<1x16x512xi32, #tpu.memory_space<hbm>>
      %dma_start3A_103 = tpu.memref_squeeze %dma_start3A_102 : memref<1x16x512xi32, #tpu.memory_space<hbm>> -> memref<16x512xi32, #tpu.memory_space<hbm>>
      tpu.enqueue_dma source(%dma_start3A_103 : memref<16x512xi32, #tpu.memory_space<hbm>>) target(%arg10 : memref<16x512xi32, #tpu.memory_space<vmem>>) target_semaphore(%run_scoped3A_98 : memref<!tpu.dma_semaphore, #tpu.memory_space<semaphore_mem>>)
      %dma_wait3A = arith.constant 0 : i32
      %dma_wait3A_104 = tpu.memref_slice %arg4[%select_n3A, %add3A_48, %dma_wait3A] : memref<4x512x512xi32, #tpu.memory_space<hbm>> -> memref<1x16x512xi32, #tpu.memory_space<hbm>>
      %dma_wait3A_105 = tpu.memref_squeeze %dma_wait3A_104 : memref<1x16x512xi32, #tpu.memory_space<hbm>> -> memref<16x512xi32, #tpu.memory_space<hbm>>
      %dma_wait3A_106 = arith.constant 0 : i32
      %dma_wait3A_107 = tpu.memref_slice %arg4[%select_n3A, %add3A_48, %dma_wait3A_106] : memref<4x512x512xi32, #tpu.memory_space<hbm>> -> memref<1x16x512xi32, #tpu.memory_space<hbm>>
      %dma_wait3A_108 = tpu.memref_squeeze %dma_wait3A_107 : memref<1x16x512xi32, #tpu.memory_space<hbm>> -> memref<16x512xi32, #tpu.memory_space<hbm>>
      tpu.wait_dma2 semaphore(%run_scoped3A_98 : memref<!tpu.dma_semaphore, #tpu.memory_space<semaphore_mem>>) src(%dma_wait3A_108 : memref<16x512xi32, #tpu.memory_space<hbm>>) dst(%arg10 : memref<16x512xi32, #tpu.memory_space<vmem>>)
      tpu.yield
    }) : () -> ()
    %scan3A_49 = arith.constant 0 : i32
    %scan3A_50 = arith.constant 0 : i32
    %scan3A_51 = arith.constant 512 : i32
    %scan3A_52 = arith.addi %scan3A_50, %scan3A_51 : i32
    %scan3A_53 = arith.constant 1 : i32
    %scan3A_54 = scf.for %scan3A_98 = %scan3A_50 to %scan3A_52 step %scan3A_53 iter_args(%scan3A_99 = %scan3A_49) -> (i32)  : i32 {
      %jit3A_100 = arith.constant 32 : i32
      %div3A_101 = arith.divsi %scan3A_98, %jit3A_100 : i32
      %sign3A_102 = arith.constant 0 : i32
      %sign3A_103 = arith.cmpi sgt, %scan3A_98, %sign3A_102 : i32
      %sign3A_104 = arith.extui %sign3A_103 : i1 to i32
      %sign3A_105 = arith.constant 0 : i32
      %sign3A_106 = arith.cmpi slt, %scan3A_98, %sign3A_105 : i32
      %sign3A_107 = arith.extui %sign3A_106 : i1 to i32
      %sign3A_108 = arith.subi %sign3A_104, %sign3A_107 : i32
      %sign3A_109 = arith.constant 0 : i32
      %sign3A_110 = arith.cmpi sgt, %jit3A_100, %sign3A_109 : i32
      %sign3A_111 = arith.extui %sign3A_110 : i1 to i32
      %sign3A_112 = arith.constant 0 : i32
      %sign3A_113 = arith.cmpi slt, %jit3A_100, %sign3A_112 : i32
      %sign3A_114 = arith.extui %sign3A_113 : i1 to i32
      %sign3A_115 = arith.subi %sign3A_111, %sign3A_114 : i32
      %ne3A_116 = arith.cmpi ne, %sign3A_108, %sign3A_115 : i32
      %rem3A_117 = arith.remsi %scan3A_98, %jit3A_100 : i32
      %ne3A_118 = arith.constant 0 : i32
      %ne3A_119 = arith.cmpi ne, %rem3A_117, %ne3A_118 : i32
      %and3A_120 = arith.andi %ne3A_116, %ne3A_119 : i1
      %sub3A_121 = arith.constant 1 : i32
      %sub3A_122 = arith.subi %div3A_101, %sub3A_121 : i32
      %select_n3A_123 = arith.select %and3A_120, %sub3A_122, %div3A_101 : i32
      %jit3A_124 = arith.constant 32 : i32
      %eq3A_125 = arith.constant 0 : i32
      %eq3A_126 = arith.cmpi eq, %jit3A_124, %eq3A_125 : i32
      %jit3A_127 = arith.constant 1 : i32
      %select_n3A_128 = arith.select %eq3A_126, %jit3A_127, %jit3A_124 : i32
      %rem3A_129 = arith.remsi %scan3A_98, %select_n3A_128 : i32
      %ne3A_130 = arith.constant 0 : i32
      %ne3A_131 = arith.cmpi ne, %rem3A_129, %ne3A_130 : i32
      %lt3A_132 = arith.constant 0 : i32
      %lt3A_133 = arith.cmpi slt, %rem3A_129, %lt3A_132 : i32
      %lt3A_134 = arith.constant 0 : i32
      %lt3A_135 = arith.cmpi slt, %select_n3A_128, %lt3A_134 : i32
      %ne3A_136 = arith.xori %lt3A_133, %lt3A_135 : i1
      %and3A_137 = arith.andi %ne3A_136, %ne3A_131 : i1
      %add3A_138 = arith.addi %rem3A_129, %select_n3A_128 : i32
      %select_n3A_139 = arith.select %and3A_137, %add3A_138, %rem3A_129 : i32
      %mul3A_140 = arith.constant 16 : i32
      %mul3A_141 = arith.muli %select_n3A_139, %mul3A_140 : i32
      %get3A_142 = arith.index_cast %select_n3A_123 : i32 to index
      %get3A_143 = arith.index_cast %mul3A_141 : i32 to index
      %get3A_144 = tpu.vector_load %arg8[%get3A_142, %get3A_143] {strides = array<i32>} : memref<16x512xf32, #tpu.memory_space<vmem>>, vector<16xf32>,
      %get3A_145 = arith.index_cast %select_n3A_123 : i32 to index
      %get3A_146 = arith.index_cast %mul3A_141 : i32 to index
      %get3A_147 = tpu.vector_load %arg9[%get3A_145, %get3A_146] {strides = array<i32>} : memref<16x512xf32, #tpu.memory_space<vmem>>, vector<16xf32>,
      %get3A_148 = arith.index_cast %select_n3A_123 : i32 to index
      %get3A_149 = arith.index_cast %mul3A_141 : i32 to index
      %get3A_150 = tpu.vector_load %arg10[%get3A_148, %get3A_149] {strides = array<i32>} : memref<16x512xi32, #tpu.memory_space<vmem>>, vector<16xi32>,
      %sub3A_151 = arith.subf %get3A_144, %get3A_147 : vector<16xf32>
      %abs3A = math.absf %sub3A_151 : vector<16xf32>
      %bitcast_convert_type3A = tpu.bitcast %abs3A : vector<16xf32> -> vector<16xi32>
      %eq3A_152 = arith.constant 0 : i32
      %eq3A_153 = vector.broadcast %eq3A_152 : i32 to vector<16xi32>
      %eq3A_154 = arith.cmpi eq, %get3A_150, %eq3A_153 : vector<16xi32>
      %shift_right_logical3A = arith.constant 20 : i32
      %shift_right_logical3A_155 = vector.broadcast %shift_right_logical3A : i32 to vector<16xi32>
      %shift_right_logical3A_156 = arith.shrui %bitcast_convert_type3A, %shift_right_logical3A_155 : vector<16xi32>
      %eq3A_157 = arith.cmpi eq, %shift_right_logical3A_156, %get3A_33 : vector<16xi32>
      %and3A_158 = arith.andi %eq3A_154, %eq3A_157 : vector<16xi1>
      %shift_right_logical3A_159 = arith.constant 9 : i32
      %shift_right_logical3A_160 = vector.broadcast %shift_right_logical3A_159 : i32 to vector<16xi32>
      %shift_right_logical3A_161 = arith.shrui %bitcast_convert_type3A, %shift_right_logical3A_160 : vector<16xi32>
      %and3A_162 = arith.constant 2047 : i32
      %and3A_163 = vector.broadcast %and3A_162 : i32 to vector<16xi32>
      %and3A_164 = arith.andi %shift_right_logical3A_161, %and3A_163 : vector<16xi32>
      %mul3A_165 = arith.constant 16 : i32
      %mul3A_166 = vector.broadcast %mul3A_165 : i32 to vector<16xi32>
      %mul3A_167 = arith.muli %and3A_164, %mul3A_166 : vector<16xi32>
      %add3A_168 = arith.addi %mul3A_167, %iota3A : vector<16xi32>
      tpu.vector_store_idx %arg12[%add3A_168], %broadcast_in_dim3A_42 masked %and3A_158 {add = true} : memref<32768xf32, #tpu.memory_space<vmem>>[vector<16xi32>], vector<16xf32>, vector<16xi1>
      tpu.vector_store_idx %arg13[%add3A_168], %abs3A masked %and3A_158 {add = true} : memref<32768xf32, #tpu.memory_space<vmem>>[vector<16xi32>], vector<16xf32>, vector<16xi1>
      %scan3A_169 = arith.constant 0 : i32
      scf.yield %scan3A_169 : i32
    }
    %scan3A_55 = arith.constant 512 : i32
    %add3A_56 = arith.constant 16 : i32
    %add3A_57 = arith.addi %mul3A_32, %add3A_56 : i32
    %run_scoped3A_58 = arith.constant 0 : i32
    "tpu.region"() ({
      %run_scoped3A_98 = tpu.sem_alloc : memref<!tpu.dma_semaphore, #tpu.memory_space<semaphore_mem>>
      %dma_start3A = arith.constant 0 : i32
      %dma_start3A_99 = tpu.memref_slice %arg2[%select_n3A, %run_scoped3A_58, %add3A_57, %dma_start3A] : memref<4x2x512x512xf32, #tpu.memory_space<hbm>> -> memref<1x1x16x512xf32, #tpu.memory_space<hbm>>
      %dma_start3A_100 = tpu.memref_squeeze %dma_start3A_99 : memref<1x1x16x512xf32, #tpu.memory_space<hbm>> -> memref<16x512xf32, #tpu.memory_space<hbm>>
      %dma_start3A_101 = arith.constant 0 : i32
      %dma_start3A_102 = tpu.memref_slice %arg2[%select_n3A, %run_scoped3A_58, %add3A_57, %dma_start3A_101] : memref<4x2x512x512xf32, #tpu.memory_space<hbm>> -> memref<1x1x16x512xf32, #tpu.memory_space<hbm>>
      %dma_start3A_103 = tpu.memref_squeeze %dma_start3A_102 : memref<1x1x16x512xf32, #tpu.memory_space<hbm>> -> memref<16x512xf32, #tpu.memory_space<hbm>>
      tpu.enqueue_dma source(%dma_start3A_103 : memref<16x512xf32, #tpu.memory_space<hbm>>) target(%arg8 : memref<16x512xf32, #tpu.memory_space<vmem>>) target_semaphore(%run_scoped3A_98 : memref<!tpu.dma_semaphore, #tpu.memory_space<semaphore_mem>>)
      %dma_wait3A = arith.constant 0 : i32
      %dma_wait3A_104 = tpu.memref_slice %arg2[%select_n3A, %run_scoped3A_58, %add3A_57, %dma_wait3A] : memref<4x2x512x512xf32, #tpu.memory_space<hbm>> -> memref<1x1x16x512xf32, #tpu.memory_space<hbm>>
      %dma_wait3A_105 = tpu.memref_squeeze %dma_wait3A_104 : memref<1x1x16x512xf32, #tpu.memory_space<hbm>> -> memref<16x512xf32, #tpu.memory_space<hbm>>
      %dma_wait3A_106 = arith.constant 0 : i32
      %dma_wait3A_107 = tpu.memref_slice %arg2[%select_n3A, %run_scoped3A_58, %add3A_57, %dma_wait3A_106] : memref<4x2x512x512xf32, #tpu.memory_space<hbm>> -> memref<1x1x16x512xf32, #tpu.memory_space<hbm>>
      %dma_wait3A_108 = tpu.memref_squeeze %dma_wait3A_107 : memref<1x1x16x512xf32, #tpu.memory_space<hbm>> -> memref<16x512xf32, #tpu.memory_space<hbm>>
      tpu.wait_dma2 semaphore(%run_scoped3A_98 : memref<!tpu.dma_semaphore, #tpu.memory_space<semaphore_mem>>) src(%dma_wait3A_108 : memref<16x512xf32, #tpu.memory_space<hbm>>) dst(%arg8 : memref<16x512xf32, #tpu.memory_space<vmem>>)
      tpu.yield
    }) : () -> ()
    %add3A_59 = arith.constant 16 : i32
    %add3A_60 = arith.addi %mul3A_32, %add3A_59 : i32
    "tpu.region"() ({
      %run_scoped3A_98 = tpu.sem_alloc : memref<!tpu.dma_semaphore, #tpu.memory_space<semaphore_mem>>
      %dma_start3A = arith.constant 0 : i32
      %dma_start3A_99 = tpu.memref_slice %arg3[%select_n3A, %add3A_60, %dma_start3A] : memref<4x512x512xf32, #tpu.memory_space<hbm>> -> memref<1x16x512xf32, #tpu.memory_space<hbm>>
      %dma_start3A_100 = tpu.memref_squeeze %dma_start3A_99 : memref<1x16x512xf32, #tpu.memory_space<hbm>> -> memref<16x512xf32, #tpu.memory_space<hbm>>
      %dma_start3A_101 = arith.constant 0 : i32
      %dma_start3A_102 = tpu.memref_slice %arg3[%select_n3A, %add3A_60, %dma_start3A_101] : memref<4x512x512xf32, #tpu.memory_space<hbm>> -> memref<1x16x512xf32, #tpu.memory_space<hbm>>
      %dma_start3A_103 = tpu.memref_squeeze %dma_start3A_102 : memref<1x16x512xf32, #tpu.memory_space<hbm>> -> memref<16x512xf32, #tpu.memory_space<hbm>>
      tpu.enqueue_dma source(%dma_start3A_103 : memref<16x512xf32, #tpu.memory_space<hbm>>) target(%arg9 : memref<16x512xf32, #tpu.memory_space<vmem>>) target_semaphore(%run_scoped3A_98 : memref<!tpu.dma_semaphore, #tpu.memory_space<semaphore_mem>>)
      %dma_wait3A = arith.constant 0 : i32
      %dma_wait3A_104 = tpu.memref_slice %arg3[%select_n3A, %add3A_60, %dma_wait3A] : memref<4x512x512xf32, #tpu.memory_space<hbm>> -> memref<1x16x512xf32, #tpu.memory_space<hbm>>
      %dma_wait3A_105 = tpu.memref_squeeze %dma_wait3A_104 : memref<1x16x512xf32, #tpu.memory_space<hbm>> -> memref<16x512xf32, #tpu.memory_space<hbm>>
      %dma_wait3A_106 = arith.constant 0 : i32
      %dma_wait3A_107 = tpu.memref_slice %arg3[%select_n3A, %add3A_60, %dma_wait3A_106] : memref<4x512x512xf32, #tpu.memory_space<hbm>> -> memref<1x16x512xf32, #tpu.memory_space<hbm>>
      %dma_wait3A_108 = tpu.memref_squeeze %dma_wait3A_107 : memref<1x16x512xf32, #tpu.memory_space<hbm>> -> memref<16x512xf32, #tpu.memory_space<hbm>>
      tpu.wait_dma2 semaphore(%run_scoped3A_98 : memref<!tpu.dma_semaphore, #tpu.memory_space<semaphore_mem>>) src(%dma_wait3A_108 : memref<16x512xf32, #tpu.memory_space<hbm>>) dst(%arg9 : memref<16x512xf32, #tpu.memory_space<vmem>>)
      tpu.yield
    }) : () -> ()
    %add3A_61 = arith.constant 16 : i32
    %add3A_62 = arith.addi %mul3A_32, %add3A_61 : i32
    "tpu.region"() ({
      %run_scoped3A_98 = tpu.sem_alloc : memref<!tpu.dma_semaphore, #tpu.memory_space<semaphore_mem>>
      %dma_start3A = arith.constant 0 : i32
      %dma_start3A_99 = tpu.memref_slice %arg4[%select_n3A, %add3A_62, %dma_start3A] : memref<4x512x512xi32, #tpu.memory_space<hbm>> -> memref<1x16x512xi32, #tpu.memory_space<hbm>>
      %dma_start3A_100 = tpu.memref_squeeze %dma_start3A_99 : memref<1x16x512xi32, #tpu.memory_space<hbm>> -> memref<16x512xi32, #tpu.memory_space<hbm>>
      %dma_start3A_101 = arith.constant 0 : i32
      %dma_start3A_102 = tpu.memref_slice %arg4[%select_n3A, %add3A_62, %dma_start3A_101] : memref<4x512x512xi32, #tpu.memory_space<hbm>> -> memref<1x16x512xi32, #tpu.memory_space<hbm>>
      %dma_start3A_103 = tpu.memref_squeeze %dma_start3A_102 : memref<1x16x512xi32, #tpu.memory_space<hbm>> -> memref<16x512xi32, #tpu.memory_space<hbm>>
      tpu.enqueue_dma source(%dma_start3A_103 : memref<16x512xi32, #tpu.memory_space<hbm>>) target(%arg10 : memref<16x512xi32, #tpu.memory_space<vmem>>) target_semaphore(%run_scoped3A_98 : memref<!tpu.dma_semaphore, #tpu.memory_space<semaphore_mem>>)
      %dma_wait3A = arith.constant 0 : i32
      %dma_wait3A_104 = tpu.memref_slice %arg4[%select_n3A, %add3A_62, %dma_wait3A] : memref<4x512x512xi32, #tpu.memory_space<hbm>> -> memref<1x16x512xi32, #tpu.memory_space<hbm>>
      %dma_wait3A_105 = tpu.memref_squeeze %dma_wait3A_104 : memref<1x16x512xi32, #tpu.memory_space<hbm>> -> memref<16x512xi32, #tpu.memory_space<hbm>>
      %dma_wait3A_106 = arith.constant 0 : i32
      %dma_wait3A_107 = tpu.memref_slice %arg4[%select_n3A, %add3A_62, %dma_wait3A_106] : memref<4x512x512xi32, #tpu.memory_space<hbm>> -> memref<1x16x512xi32, #tpu.memory_space<hbm>>
      %dma_wait3A_108 = tpu.memref_squeeze %dma_wait3A_107 : memref<1x16x512xi32, #tpu.memory_space<hbm>> -> memref<16x512xi32, #tpu.memory_space<hbm>>
      tpu.wait_dma2 semaphore(%run_scoped3A_98 : memref<!tpu.dma_semaphore, #tpu.memory_space<semaphore_mem>>) src(%dma_wait3A_108 : memref<16x512xi32, #tpu.memory_space<hbm>>) dst(%arg10 : memref<16x512xi32, #tpu.memory_space<vmem>>)
      tpu.yield
    }) : () -> ()
    %scan3A_63 = arith.constant 0 : i32
    %scan3A_64 = arith.constant 0 : i32
    %scan3A_65 = arith.constant 512 : i32
    %scan3A_66 = arith.addi %scan3A_64, %scan3A_65 : i32
    %scan3A_67 = arith.constant 1 : i32
    %scan3A_68 = scf.for %scan3A_98 = %scan3A_64 to %scan3A_66 step %scan3A_67 iter_args(%scan3A_99 = %scan3A_63) -> (i32)  : i32 {
      %jit3A_100 = arith.constant 32 : i32
      %div3A_101 = arith.divsi %scan3A_98, %jit3A_100 : i32
      %sign3A_102 = arith.constant 0 : i32
      %sign3A_103 = arith.cmpi sgt, %scan3A_98, %sign3A_102 : i32
      %sign3A_104 = arith.extui %sign3A_103 : i1 to i32
      %sign3A_105 = arith.constant 0 : i32
      %sign3A_106 = arith.cmpi slt, %scan3A_98, %sign3A_105 : i32
      %sign3A_107 = arith.extui %sign3A_106 : i1 to i32
      %sign3A_108 = arith.subi %sign3A_104, %sign3A_107 : i32
      %sign3A_109 = arith.constant 0 : i32
      %sign3A_110 = arith.cmpi sgt, %jit3A_100, %sign3A_109 : i32
      %sign3A_111 = arith.extui %sign3A_110 : i1 to i32
      %sign3A_112 = arith.constant 0 : i32
      %sign3A_113 = arith.cmpi slt, %jit3A_100, %sign3A_112 : i32
      %sign3A_114 = arith.extui %sign3A_113 : i1 to i32
      %sign3A_115 = arith.subi %sign3A_111, %sign3A_114 : i32
      %ne3A_116 = arith.cmpi ne, %sign3A_108, %sign3A_115 : i32
      %rem3A_117 = arith.remsi %scan3A_98, %jit3A_100 : i32
      %ne3A_118 = arith.constant 0 : i32
      %ne3A_119 = arith.cmpi ne, %rem3A_117, %ne3A_118 : i32
      %and3A_120 = arith.andi %ne3A_116, %ne3A_119 : i1
      %sub3A_121 = arith.constant 1 : i32
      %sub3A_122 = arith.subi %div3A_101, %sub3A_121 : i32
      %select_n3A_123 = arith.select %and3A_120, %sub3A_122, %div3A_101 : i32
      %jit3A_124 = arith.constant 32 : i32
      %eq3A_125 = arith.constant 0 : i32
      %eq3A_126 = arith.cmpi eq, %jit3A_124, %eq3A_125 : i32
      %jit3A_127 = arith.constant 1 : i32
      %select_n3A_128 = arith.select %eq3A_126, %jit3A_127, %jit3A_124 : i32
      %rem3A_129 = arith.remsi %scan3A_98, %select_n3A_128 : i32
      %ne3A_130 = arith.constant 0 : i32
      %ne3A_131 = arith.cmpi ne, %rem3A_129, %ne3A_130 : i32
      %lt3A_132 = arith.constant 0 : i32
      %lt3A_133 = arith.cmpi slt, %rem3A_129, %lt3A_132 : i32
      %lt3A_134 = arith.constant 0 : i32
      %lt3A_135 = arith.cmpi slt, %select_n3A_128, %lt3A_134 : i32
      %ne3A_136 = arith.xori %lt3A_133, %lt3A_135 : i1
      %and3A_137 = arith.andi %ne3A_136, %ne3A_131 : i1
      %add3A_138 = arith.addi %rem3A_129, %select_n3A_128 : i32
      %select_n3A_139 = arith.select %and3A_137, %add3A_138, %rem3A_129 : i32
      %mul3A_140 = arith.constant 16 : i32
      %mul3A_141 = arith.muli %select_n3A_139, %mul3A_140 : i32
      %get3A_142 = arith.index_cast %select_n3A_123 : i32 to index
      %get3A_143 = arith.index_cast %mul3A_141 : i32 to index
      %get3A_144 = tpu.vector_load %arg8[%get3A_142, %get3A_143] {strides = array<i32>} : memref<16x512xf32, #tpu.memory_space<vmem>>, vector<16xf32>,
      %get3A_145 = arith.index_cast %select_n3A_123 : i32 to index
      %get3A_146 = arith.index_cast %mul3A_141 : i32 to index
      %get3A_147 = tpu.vector_load %arg9[%get3A_145, %get3A_146] {strides = array<i32>} : memref<16x512xf32, #tpu.memory_space<vmem>>, vector<16xf32>,
      %get3A_148 = arith.index_cast %select_n3A_123 : i32 to index
      %get3A_149 = arith.index_cast %mul3A_141 : i32 to index
      %get3A_150 = tpu.vector_load %arg10[%get3A_148, %get3A_149] {strides = array<i32>} : memref<16x512xi32, #tpu.memory_space<vmem>>, vector<16xi32>,
      %sub3A_151 = arith.subf %get3A_144, %get3A_147 : vector<16xf32>
      %abs3A = math.absf %sub3A_151 : vector<16xf32>
      %bitcast_convert_type3A = tpu.bitcast %abs3A : vector<16xf32> -> vector<16xi32>
      %eq3A_152 = arith.constant 0 : i32
      %eq3A_153 = vector.broadcast %eq3A_152 : i32 to vector<16xi32>
      %eq3A_154 = arith.cmpi eq, %get3A_150, %eq3A_153 : vector<16xi32>
      %shift_right_logical3A = arith.constant 20 : i32
      %shift_right_logical3A_155 = vector.broadcast %shift_right_logical3A : i32 to vector<16xi32>
      %shift_right_logical3A_156 = arith.shrui %bitcast_convert_type3A, %shift_right_logical3A_155 : vector<16xi32>
      %eq3A_157 = arith.cmpi eq, %shift_right_logical3A_156, %get3A_33 : vector<16xi32>
      %and3A_158 = arith.andi %eq3A_154, %eq3A_157 : vector<16xi1>
      %shift_right_logical3A_159 = arith.constant 9 : i32
      %shift_right_logical3A_160 = vector.broadcast %shift_right_logical3A_159 : i32 to vector<16xi32>
      %shift_right_logical3A_161 = arith.shrui %bitcast_convert_type3A, %shift_right_logical3A_160 : vector<16xi32>
      %and3A_162 = arith.constant 2047 : i32
      %and3A_163 = vector.broadcast %and3A_162 : i32 to vector<16xi32>
      %and3A_164 = arith.andi %shift_right_logical3A_161, %and3A_163 : vector<16xi32>
      %mul3A_165 = arith.constant 16 : i32
      %mul3A_166 = vector.broadcast %mul3A_165 : i32 to vector<16xi32>
      %mul3A_167 = arith.muli %and3A_164, %mul3A_166 : vector<16xi32>
      %add3A_168 = arith.addi %mul3A_167, %iota3A : vector<16xi32>
      tpu.vector_store_idx %arg12[%add3A_168], %broadcast_in_dim3A_42 masked %and3A_158 {add = true} : memref<32768xf32, #tpu.memory_space<vmem>>[vector<16xi32>], vector<16xf32>, vector<16xi1>
      tpu.vector_store_idx %arg13[%add3A_168], %abs3A masked %and3A_158 {add = true} : memref<32768xf32, #tpu.memory_space<vmem>>[vector<16xi32>], vector<16xf32>, vector<16xi1>
      %scan3A_169 = arith.constant 0 : i32
      scf.yield %scan3A_169 : i32
    }
    %scan3A_69 = arith.constant 512 : i32
    %add3A_70 = arith.constant 32 : i32
    %add3A_71 = arith.addi %mul3A_32, %add3A_70 : i32
    %run_scoped3A_72 = arith.constant 0 : i32
    "tpu.region"() ({
      %run_scoped3A_98 = tpu.sem_alloc : memref<!tpu.dma_semaphore, #tpu.memory_space<semaphore_mem>>
      %dma_start3A = arith.constant 0 : i32
      %dma_start3A_99 = tpu.memref_slice %arg2[%select_n3A, %run_scoped3A_72, %add3A_71, %dma_start3A] : memref<4x2x512x512xf32, #tpu.memory_space<hbm>> -> memref<1x1x16x512xf32, #tpu.memory_space<hbm>>
      %dma_start3A_100 = tpu.memref_squeeze %dma_start3A_99 : memref<1x1x16x512xf32, #tpu.memory_space<hbm>> -> memref<16x512xf32, #tpu.memory_space<hbm>>
      %dma_start3A_101 = arith.constant 0 : i32
      %dma_start3A_102 = tpu.memref_slice %arg2[%select_n3A, %run_scoped3A_72, %add3A_71, %dma_start3A_101] : memref<4x2x512x512xf32, #tpu.memory_space<hbm>> -> memref<1x1x16x512xf32, #tpu.memory_space<hbm>>
      %dma_start3A_103 = tpu.memref_squeeze %dma_start3A_102 : memref<1x1x16x512xf32, #tpu.memory_space<hbm>> -> memref<16x512xf32, #tpu.memory_space<hbm>>
      tpu.enqueue_dma source(%dma_start3A_103 : memref<16x512xf32, #tpu.memory_space<hbm>>) target(%arg8 : memref<16x512xf32, #tpu.memory_space<vmem>>) target_semaphore(%run_scoped3A_98 : memref<!tpu.dma_semaphore, #tpu.memory_space<semaphore_mem>>)
      %dma_wait3A = arith.constant 0 : i32
      %dma_wait3A_104 = tpu.memref_slice %arg2[%select_n3A, %run_scoped3A_72, %add3A_71, %dma_wait3A] : memref<4x2x512x512xf32, #tpu.memory_space<hbm>> -> memref<1x1x16x512xf32, #tpu.memory_space<hbm>>
      %dma_wait3A_105 = tpu.memref_squeeze %dma_wait3A_104 : memref<1x1x16x512xf32, #tpu.memory_space<hbm>> -> memref<16x512xf32, #tpu.memory_space<hbm>>
      %dma_wait3A_106 = arith.constant 0 : i32
      %dma_wait3A_107 = tpu.memref_slice %arg2[%select_n3A, %run_scoped3A_72, %add3A_71, %dma_wait3A_106] : memref<4x2x512x512xf32, #tpu.memory_space<hbm>> -> memref<1x1x16x512xf32, #tpu.memory_space<hbm>>
      %dma_wait3A_108 = tpu.memref_squeeze %dma_wait3A_107 : memref<1x1x16x512xf32, #tpu.memory_space<hbm>> -> memref<16x512xf32, #tpu.memory_space<hbm>>
      tpu.wait_dma2 semaphore(%run_scoped3A_98 : memref<!tpu.dma_semaphore, #tpu.memory_space<semaphore_mem>>) src(%dma_wait3A_108 : memref<16x512xf32, #tpu.memory_space<hbm>>) dst(%arg8 : memref<16x512xf32, #tpu.memory_space<vmem>>)
      tpu.yield
    }) : () -> ()
    %add3A_73 = arith.constant 32 : i32
    %add3A_74 = arith.addi %mul3A_32, %add3A_73 : i32
    "tpu.region"() ({
      %run_scoped3A_98 = tpu.sem_alloc : memref<!tpu.dma_semaphore, #tpu.memory_space<semaphore_mem>>
      %dma_start3A = arith.constant 0 : i32
      %dma_start3A_99 = tpu.memref_slice %arg3[%select_n3A, %add3A_74, %dma_start3A] : memref<4x512x512xf32, #tpu.memory_space<hbm>> -> memref<1x16x512xf32, #tpu.memory_space<hbm>>
      %dma_start3A_100 = tpu.memref_squeeze %dma_start3A_99 : memref<1x16x512xf32, #tpu.memory_space<hbm>> -> memref<16x512xf32, #tpu.memory_space<hbm>>
      %dma_start3A_101 = arith.constant 0 : i32
      %dma_start3A_102 = tpu.memref_slice %arg3[%select_n3A, %add3A_74, %dma_start3A_101] : memref<4x512x512xf32, #tpu.memory_space<hbm>> -> memref<1x16x512xf32, #tpu.memory_space<hbm>>
      %dma_start3A_103 = tpu.memref_squeeze %dma_start3A_102 : memref<1x16x512xf32, #tpu.memory_space<hbm>> -> memref<16x512xf32, #tpu.memory_space<hbm>>
      tpu.enqueue_dma source(%dma_start3A_103 : memref<16x512xf32, #tpu.memory_space<hbm>>) target(%arg9 : memref<16x512xf32, #tpu.memory_space<vmem>>) target_semaphore(%run_scoped3A_98 : memref<!tpu.dma_semaphore, #tpu.memory_space<semaphore_mem>>)
      %dma_wait3A = arith.constant 0 : i32
      %dma_wait3A_104 = tpu.memref_slice %arg3[%select_n3A, %add3A_74, %dma_wait3A] : memref<4x512x512xf32, #tpu.memory_space<hbm>> -> memref<1x16x512xf32, #tpu.memory_space<hbm>>
      %dma_wait3A_105 = tpu.memref_squeeze %dma_wait3A_104 : memref<1x16x512xf32, #tpu.memory_space<hbm>> -> memref<16x512xf32, #tpu.memory_space<hbm>>
      %dma_wait3A_106 = arith.constant 0 : i32
      %dma_wait3A_107 = tpu.memref_slice %arg3[%select_n3A, %add3A_74, %dma_wait3A_106] : memref<4x512x512xf32, #tpu.memory_space<hbm>> -> memref<1x16x512xf32, #tpu.memory_space<hbm>>
      %dma_wait3A_108 = tpu.memref_squeeze %dma_wait3A_107 : memref<1x16x512xf32, #tpu.memory_space<hbm>> -> memref<16x512xf32, #tpu.memory_space<hbm>>
      tpu.wait_dma2 semaphore(%run_scoped3A_98 : memref<!tpu.dma_semaphore, #tpu.memory_space<semaphore_mem>>) src(%dma_wait3A_108 : memref<16x512xf32, #tpu.memory_space<hbm>>) dst(%arg9 : memref<16x512xf32, #tpu.memory_space<vmem>>)
      tpu.yield
    }) : () -> ()
    %add3A_75 = arith.constant 32 : i32
    %add3A_76 = arith.addi %mul3A_32, %add3A_75 : i32
    "tpu.region"() ({
      %run_scoped3A_98 = tpu.sem_alloc : memref<!tpu.dma_semaphore, #tpu.memory_space<semaphore_mem>>
      %dma_start3A = arith.constant 0 : i32
      %dma_start3A_99 = tpu.memref_slice %arg4[%select_n3A, %add3A_76, %dma_start3A] : memref<4x512x512xi32, #tpu.memory_space<hbm>> -> memref<1x16x512xi32, #tpu.memory_space<hbm>>
      %dma_start3A_100 = tpu.memref_squeeze %dma_start3A_99 : memref<1x16x512xi32, #tpu.memory_space<hbm>> -> memref<16x512xi32, #tpu.memory_space<hbm>>
      %dma_start3A_101 = arith.constant 0 : i32
      %dma_start3A_102 = tpu.memref_slice %arg4[%select_n3A, %add3A_76, %dma_start3A_101] : memref<4x512x512xi32, #tpu.memory_space<hbm>> -> memref<1x16x512xi32, #tpu.memory_space<hbm>>
      %dma_start3A_103 = tpu.memref_squeeze %dma_start3A_102 : memref<1x16x512xi32, #tpu.memory_space<hbm>> -> memref<16x512xi32, #tpu.memory_space<hbm>>
      tpu.enqueue_dma source(%dma_start3A_103 : memref<16x512xi32, #tpu.memory_space<hbm>>) target(%arg10 : memref<16x512xi32, #tpu.memory_space<vmem>>) target_semaphore(%run_scoped3A_98 : memref<!tpu.dma_semaphore, #tpu.memory_space<semaphore_mem>>)
      %dma_wait3A = arith.constant 0 : i32
      %dma_wait3A_104 = tpu.memref_slice %arg4[%select_n3A, %add3A_76, %dma_wait3A] : memref<4x512x512xi32, #tpu.memory_space<hbm>> -> memref<1x16x512xi32, #tpu.memory_space<hbm>>
      %dma_wait3A_105 = tpu.memref_squeeze %dma_wait3A_104 : memref<1x16x512xi32, #tpu.memory_space<hbm>> -> memref<16x512xi32, #tpu.memory_space<hbm>>
      %dma_wait3A_106 = arith.constant 0 : i32
      %dma_wait3A_107 = tpu.memref_slice %arg4[%select_n3A, %add3A_76, %dma_wait3A_106] : memref<4x512x512xi32, #tpu.memory_space<hbm>> -> memref<1x16x512xi32, #tpu.memory_space<hbm>>
      %dma_wait3A_108 = tpu.memref_squeeze %dma_wait3A_107 : memref<1x16x512xi32, #tpu.memory_space<hbm>> -> memref<16x512xi32, #tpu.memory_space<hbm>>
      tpu.wait_dma2 semaphore(%run_scoped3A_98 : memref<!tpu.dma_semaphore, #tpu.memory_space<semaphore_mem>>) src(%dma_wait3A_108 : memref<16x512xi32, #tpu.memory_space<hbm>>) dst(%arg10 : memref<16x512xi32, #tpu.memory_space<vmem>>)
      tpu.yield
    }) : () -> ()
    %scan3A_77 = arith.constant 0 : i32
    %scan3A_78 = arith.constant 0 : i32
    %scan3A_79 = arith.constant 512 : i32
    %scan3A_80 = arith.addi %scan3A_78, %scan3A_79 : i32
    %scan3A_81 = arith.constant 1 : i32
    %scan3A_82 = scf.for %scan3A_98 = %scan3A_78 to %scan3A_80 step %scan3A_81 iter_args(%scan3A_99 = %scan3A_77) -> (i32)  : i32 {
      %jit3A_100 = arith.constant 32 : i32
      %div3A_101 = arith.divsi %scan3A_98, %jit3A_100 : i32
      %sign3A_102 = arith.constant 0 : i32
      %sign3A_103 = arith.cmpi sgt, %scan3A_98, %sign3A_102 : i32
      %sign3A_104 = arith.extui %sign3A_103 : i1 to i32
      %sign3A_105 = arith.constant 0 : i32
      %sign3A_106 = arith.cmpi slt, %scan3A_98, %sign3A_105 : i32
      %sign3A_107 = arith.extui %sign3A_106 : i1 to i32
      %sign3A_108 = arith.subi %sign3A_104, %sign3A_107 : i32
      %sign3A_109 = arith.constant 0 : i32
      %sign3A_110 = arith.cmpi sgt, %jit3A_100, %sign3A_109 : i32
      %sign3A_111 = arith.extui %sign3A_110 : i1 to i32
      %sign3A_112 = arith.constant 0 : i32
      %sign3A_113 = arith.cmpi slt, %jit3A_100, %sign3A_112 : i32
      %sign3A_114 = arith.extui %sign3A_113 : i1 to i32
      %sign3A_115 = arith.subi %sign3A_111, %sign3A_114 : i32
      %ne3A_116 = arith.cmpi ne, %sign3A_108, %sign3A_115 : i32
      %rem3A_117 = arith.remsi %scan3A_98, %jit3A_100 : i32
      %ne3A_118 = arith.constant 0 : i32
      %ne3A_119 = arith.cmpi ne, %rem3A_117, %ne3A_118 : i32
      %and3A_120 = arith.andi %ne3A_116, %ne3A_119 : i1
      %sub3A_121 = arith.constant 1 : i32
      %sub3A_122 = arith.subi %div3A_101, %sub3A_121 : i32
      %select_n3A_123 = arith.select %and3A_120, %sub3A_122, %div3A_101 : i32
      %jit3A_124 = arith.constant 32 : i32
      %eq3A_125 = arith.constant 0 : i32
      %eq3A_126 = arith.cmpi eq, %jit3A_124, %eq3A_125 : i32
      %jit3A_127 = arith.constant 1 : i32
      %select_n3A_128 = arith.select %eq3A_126, %jit3A_127, %jit3A_124 : i32
      %rem3A_129 = arith.remsi %scan3A_98, %select_n3A_128 : i32
      %ne3A_130 = arith.constant 0 : i32
      %ne3A_131 = arith.cmpi ne, %rem3A_129, %ne3A_130 : i32
      %lt3A_132 = arith.constant 0 : i32
      %lt3A_133 = arith.cmpi slt, %rem3A_129, %lt3A_132 : i32
      %lt3A_134 = arith.constant 0 : i32
      %lt3A_135 = arith.cmpi slt, %select_n3A_128, %lt3A_134 : i32
      %ne3A_136 = arith.xori %lt3A_133, %lt3A_135 : i1
      %and3A_137 = arith.andi %ne3A_136, %ne3A_131 : i1
      %add3A_138 = arith.addi %rem3A_129, %select_n3A_128 : i32
      %select_n3A_139 = arith.select %and3A_137, %add3A_138, %rem3A_129 : i32
      %mul3A_140 = arith.constant 16 : i32
      %mul3A_141 = arith.muli %select_n3A_139, %mul3A_140 : i32
      %get3A_142 = arith.index_cast %select_n3A_123 : i32 to index
      %get3A_143 = arith.index_cast %mul3A_141 : i32 to index
      %get3A_144 = tpu.vector_load %arg8[%get3A_142, %get3A_143] {strides = array<i32>} : memref<16x512xf32, #tpu.memory_space<vmem>>, vector<16xf32>,
      %get3A_145 = arith.index_cast %select_n3A_123 : i32 to index
      %get3A_146 = arith.index_cast %mul3A_141 : i32 to index
      %get3A_147 = tpu.vector_load %arg9[%get3A_145, %get3A_146] {strides = array<i32>} : memref<16x512xf32, #tpu.memory_space<vmem>>, vector<16xf32>,
      %get3A_148 = arith.index_cast %select_n3A_123 : i32 to index
      %get3A_149 = arith.index_cast %mul3A_141 : i32 to index
      %get3A_150 = tpu.vector_load %arg10[%get3A_148, %get3A_149] {strides = array<i32>} : memref<16x512xi32, #tpu.memory_space<vmem>>, vector<16xi32>,
      %sub3A_151 = arith.subf %get3A_144, %get3A_147 : vector<16xf32>
      %abs3A = math.absf %sub3A_151 : vector<16xf32>
      %bitcast_convert_type3A = tpu.bitcast %abs3A : vector<16xf32> -> vector<16xi32>
      %eq3A_152 = arith.constant 0 : i32
      %eq3A_153 = vector.broadcast %eq3A_152 : i32 to vector<16xi32>
      %eq3A_154 = arith.cmpi eq, %get3A_150, %eq3A_153 : vector<16xi32>
      %shift_right_logical3A = arith.constant 20 : i32
      %shift_right_logical3A_155 = vector.broadcast %shift_right_logical3A : i32 to vector<16xi32>
      %shift_right_logical3A_156 = arith.shrui %bitcast_convert_type3A, %shift_right_logical3A_155 : vector<16xi32>
      %eq3A_157 = arith.cmpi eq, %shift_right_logical3A_156, %get3A_33 : vector<16xi32>
      %and3A_158 = arith.andi %eq3A_154, %eq3A_157 : vector<16xi1>
      %shift_right_logical3A_159 = arith.constant 9 : i32
      %shift_right_logical3A_160 = vector.broadcast %shift_right_logical3A_159 : i32 to vector<16xi32>
      %shift_right_logical3A_161 = arith.shrui %bitcast_convert_type3A, %shift_right_logical3A_160 : vector<16xi32>
      %and3A_162 = arith.constant 2047 : i32
      %and3A_163 = vector.broadcast %and3A_162 : i32 to vector<16xi32>
      %and3A_164 = arith.andi %shift_right_logical3A_161, %and3A_163 : vector<16xi32>
      %mul3A_165 = arith.constant 16 : i32
      %mul3A_166 = vector.broadcast %mul3A_165 : i32 to vector<16xi32>
      %mul3A_167 = arith.muli %and3A_164, %mul3A_166 : vector<16xi32>
      %add3A_168 = arith.addi %mul3A_167, %iota3A : vector<16xi32>
      tpu.vector_store_idx %arg12[%add3A_168], %broadcast_in_dim3A_42 masked %and3A_158 {add = true} : memref<32768xf32, #tpu.memory_space<vmem>>[vector<16xi32>], vector<16xf32>, vector<16xi1>
      tpu.vector_store_idx %arg13[%add3A_168], %abs3A masked %and3A_158 {add = true} : memref<32768xf32, #tpu.memory_space<vmem>>[vector<16xi32>], vector<16xf32>, vector<16xi1>
      %scan3A_169 = arith.constant 0 : i32
      scf.yield %scan3A_169 : i32
    }
    %scan3A_83 = arith.constant 512 : i32
    %add3A_84 = arith.constant 48 : i32
    %add3A_85 = arith.addi %mul3A_32, %add3A_84 : i32
    %run_scoped3A_86 = arith.constant 0 : i32
    "tpu.region"() ({
      %run_scoped3A_98 = tpu.sem_alloc : memref<!tpu.dma_semaphore, #tpu.memory_space<semaphore_mem>>
      %dma_start3A = arith.constant 0 : i32
      %dma_start3A_99 = tpu.memref_slice %arg2[%select_n3A, %run_scoped3A_86, %add3A_85, %dma_start3A] : memref<4x2x512x512xf32, #tpu.memory_space<hbm>> -> memref<1x1x16x512xf32, #tpu.memory_space<hbm>>
      %dma_start3A_100 = tpu.memref_squeeze %dma_start3A_99 : memref<1x1x16x512xf32, #tpu.memory_space<hbm>> -> memref<16x512xf32, #tpu.memory_space<hbm>>
      %dma_start3A_101 = arith.constant 0 : i32
      %dma_start3A_102 = tpu.memref_slice %arg2[%select_n3A, %run_scoped3A_86, %add3A_85, %dma_start3A_101] : memref<4x2x512x512xf32, #tpu.memory_space<hbm>> -> memref<1x1x16x512xf32, #tpu.memory_space<hbm>>
      %dma_start3A_103 = tpu.memref_squeeze %dma_start3A_102 : memref<1x1x16x512xf32, #tpu.memory_space<hbm>> -> memref<16x512xf32, #tpu.memory_space<hbm>>
      tpu.enqueue_dma source(%dma_start3A_103 : memref<16x512xf32, #tpu.memory_space<hbm>>) target(%arg8 : memref<16x512xf32, #tpu.memory_space<vmem>>) target_semaphore(%run_scoped3A_98 : memref<!tpu.dma_semaphore, #tpu.memory_space<semaphore_mem>>)
      %dma_wait3A = arith.constant 0 : i32
      %dma_wait3A_104 = tpu.memref_slice %arg2[%select_n3A, %run_scoped3A_86, %add3A_85, %dma_wait3A] : memref<4x2x512x512xf32, #tpu.memory_space<hbm>> -> memref<1x1x16x512xf32, #tpu.memory_space<hbm>>
      %dma_wait3A_105 = tpu.memref_squeeze %dma_wait3A_104 : memref<1x1x16x512xf32, #tpu.memory_space<hbm>> -> memref<16x512xf32, #tpu.memory_space<hbm>>
      %dma_wait3A_106 = arith.constant 0 : i32
      %dma_wait3A_107 = tpu.memref_slice %arg2[%select_n3A, %run_scoped3A_86, %add3A_85, %dma_wait3A_106] : memref<4x2x512x512xf32, #tpu.memory_space<hbm>> -> memref<1x1x16x512xf32, #tpu.memory_space<hbm>>
      %dma_wait3A_108 = tpu.memref_squeeze %dma_wait3A_107 : memref<1x1x16x512xf32, #tpu.memory_space<hbm>> -> memref<16x512xf32, #tpu.memory_space<hbm>>
      tpu.wait_dma2 semaphore(%run_scoped3A_98 : memref<!tpu.dma_semaphore, #tpu.memory_space<semaphore_mem>>) src(%dma_wait3A_108 : memref<16x512xf32, #tpu.memory_space<hbm>>) dst(%arg8 : memref<16x512xf32, #tpu.memory_space<vmem>>)
      tpu.yield
    }) : () -> ()
    %add3A_87 = arith.constant 48 : i32
    %add3A_88 = arith.addi %mul3A_32, %add3A_87 : i32
    "tpu.region"() ({
      %run_scoped3A_98 = tpu.sem_alloc : memref<!tpu.dma_semaphore, #tpu.memory_space<semaphore_mem>>
      %dma_start3A = arith.constant 0 : i32
      %dma_start3A_99 = tpu.memref_slice %arg3[%select_n3A, %add3A_88, %dma_start3A] : memref<4x512x512xf32, #tpu.memory_space<hbm>> -> memref<1x16x512xf32, #tpu.memory_space<hbm>>
      %dma_start3A_100 = tpu.memref_squeeze %dma_start3A_99 : memref<1x16x512xf32, #tpu.memory_space<hbm>> -> memref<16x512xf32, #tpu.memory_space<hbm>>
      %dma_start3A_101 = arith.constant 0 : i32
      %dma_start3A_102 = tpu.memref_slice %arg3[%select_n3A, %add3A_88, %dma_start3A_101] : memref<4x512x512xf32, #tpu.memory_space<hbm>> -> memref<1x16x512xf32, #tpu.memory_space<hbm>>
      %dma_start3A_103 = tpu.memref_squeeze %dma_start3A_102 : memref<1x16x512xf32, #tpu.memory_space<hbm>> -> memref<16x512xf32, #tpu.memory_space<hbm>>
      tpu.enqueue_dma source(%dma_start3A_103 : memref<16x512xf32, #tpu.memory_space<hbm>>) target(%arg9 : memref<16x512xf32, #tpu.memory_space<vmem>>) target_semaphore(%run_scoped3A_98 : memref<!tpu.dma_semaphore, #tpu.memory_space<semaphore_mem>>)
      %dma_wait3A = arith.constant 0 : i32
      %dma_wait3A_104 = tpu.memref_slice %arg3[%select_n3A, %add3A_88, %dma_wait3A] : memref<4x512x512xf32, #tpu.memory_space<hbm>> -> memref<1x16x512xf32, #tpu.memory_space<hbm>>
      %dma_wait3A_105 = tpu.memref_squeeze %dma_wait3A_104 : memref<1x16x512xf32, #tpu.memory_space<hbm>> -> memref<16x512xf32, #tpu.memory_space<hbm>>
      %dma_wait3A_106 = arith.constant 0 : i32
      %dma_wait3A_107 = tpu.memref_slice %arg3[%select_n3A, %add3A_88, %dma_wait3A_106] : memref<4x512x512xf32, #tpu.memory_space<hbm>> -> memref<1x16x512xf32, #tpu.memory_space<hbm>>
      %dma_wait3A_108 = tpu.memref_squeeze %dma_wait3A_107 : memref<1x16x512xf32, #tpu.memory_space<hbm>> -> memref<16x512xf32, #tpu.memory_space<hbm>>
      tpu.wait_dma2 semaphore(%run_scoped3A_98 : memref<!tpu.dma_semaphore, #tpu.memory_space<semaphore_mem>>) src(%dma_wait3A_108 : memref<16x512xf32, #tpu.memory_space<hbm>>) dst(%arg9 : memref<16x512xf32, #tpu.memory_space<vmem>>)
      tpu.yield
    }) : () -> ()
    %add3A_89 = arith.constant 48 : i32
    %add3A_90 = arith.addi %mul3A_32, %add3A_89 : i32
    "tpu.region"() ({
      %run_scoped3A_98 = tpu.sem_alloc : memref<!tpu.dma_semaphore, #tpu.memory_space<semaphore_mem>>
      %dma_start3A = arith.constant 0 : i32
      %dma_start3A_99 = tpu.memref_slice %arg4[%select_n3A, %add3A_90, %dma_start3A] : memref<4x512x512xi32, #tpu.memory_space<hbm>> -> memref<1x16x512xi32, #tpu.memory_space<hbm>>
      %dma_start3A_100 = tpu.memref_squeeze %dma_start3A_99 : memref<1x16x512xi32, #tpu.memory_space<hbm>> -> memref<16x512xi32, #tpu.memory_space<hbm>>
      %dma_start3A_101 = arith.constant 0 : i32
      %dma_start3A_102 = tpu.memref_slice %arg4[%select_n3A, %add3A_90, %dma_start3A_101] : memref<4x512x512xi32, #tpu.memory_space<hbm>> -> memref<1x16x512xi32, #tpu.memory_space<hbm>>
      %dma_start3A_103 = tpu.memref_squeeze %dma_start3A_102 : memref<1x16x512xi32, #tpu.memory_space<hbm>> -> memref<16x512xi32, #tpu.memory_space<hbm>>
      tpu.enqueue_dma source(%dma_start3A_103 : memref<16x512xi32, #tpu.memory_space<hbm>>) target(%arg10 : memref<16x512xi32, #tpu.memory_space<vmem>>) target_semaphore(%run_scoped3A_98 : memref<!tpu.dma_semaphore, #tpu.memory_space<semaphore_mem>>)
      %dma_wait3A = arith.constant 0 : i32
      %dma_wait3A_104 = tpu.memref_slice %arg4[%select_n3A, %add3A_90, %dma_wait3A] : memref<4x512x512xi32, #tpu.memory_space<hbm>> -> memref<1x16x512xi32, #tpu.memory_space<hbm>>
      %dma_wait3A_105 = tpu.memref_squeeze %dma_wait3A_104 : memref<1x16x512xi32, #tpu.memory_space<hbm>> -> memref<16x512xi32, #tpu.memory_space<hbm>>
      %dma_wait3A_106 = arith.constant 0 : i32
      %dma_wait3A_107 = tpu.memref_slice %arg4[%select_n3A, %add3A_90, %dma_wait3A_106] : memref<4x512x512xi32, #tpu.memory_space<hbm>> -> memref<1x16x512xi32, #tpu.memory_space<hbm>>
      %dma_wait3A_108 = tpu.memref_squeeze %dma_wait3A_107 : memref<1x16x512xi32, #tpu.memory_space<hbm>> -> memref<16x512xi32, #tpu.memory_space<hbm>>
      tpu.wait_dma2 semaphore(%run_scoped3A_98 : memref<!tpu.dma_semaphore, #tpu.memory_space<semaphore_mem>>) src(%dma_wait3A_108 : memref<16x512xi32, #tpu.memory_space<hbm>>) dst(%arg10 : memref<16x512xi32, #tpu.memory_space<vmem>>)
      tpu.yield
    }) : () -> ()
    %scan3A_91 = arith.constant 0 : i32
    %scan3A_92 = arith.constant 0 : i32
    %scan3A_93 = arith.constant 512 : i32
    %scan3A_94 = arith.addi %scan3A_92, %scan3A_93 : i32
    %scan3A_95 = arith.constant 1 : i32
    %scan3A_96 = scf.for %scan3A_98 = %scan3A_92 to %scan3A_94 step %scan3A_95 iter_args(%scan3A_99 = %scan3A_91) -> (i32)  : i32 {
      %jit3A_100 = arith.constant 32 : i32
      %div3A_101 = arith.divsi %scan3A_98, %jit3A_100 : i32
      %sign3A_102 = arith.constant 0 : i32
      %sign3A_103 = arith.cmpi sgt, %scan3A_98, %sign3A_102 : i32
      %sign3A_104 = arith.extui %sign3A_103 : i1 to i32
      %sign3A_105 = arith.constant 0 : i32
      %sign3A_106 = arith.cmpi slt, %scan3A_98, %sign3A_105 : i32
      %sign3A_107 = arith.extui %sign3A_106 : i1 to i32
      %sign3A_108 = arith.subi %sign3A_104, %sign3A_107 : i32
      %sign3A_109 = arith.constant 0 : i32
      %sign3A_110 = arith.cmpi sgt, %jit3A_100, %sign3A_109 : i32
      %sign3A_111 = arith.extui %sign3A_110 : i1 to i32
      %sign3A_112 = arith.constant 0 : i32
      %sign3A_113 = arith.cmpi slt, %jit3A_100, %sign3A_112 : i32
      %sign3A_114 = arith.extui %sign3A_113 : i1 to i32
      %sign3A_115 = arith.subi %sign3A_111, %sign3A_114 : i32
      %ne3A_116 = arith.cmpi ne, %sign3A_108, %sign3A_115 : i32
      %rem3A_117 = arith.remsi %scan3A_98, %jit3A_100 : i32
      %ne3A_118 = arith.constant 0 : i32
      %ne3A_119 = arith.cmpi ne, %rem3A_117, %ne3A_118 : i32
      %and3A_120 = arith.andi %ne3A_116, %ne3A_119 : i1
      %sub3A_121 = arith.constant 1 : i32
      %sub3A_122 = arith.subi %div3A_101, %sub3A_121 : i32
      %select_n3A_123 = arith.select %and3A_120, %sub3A_122, %div3A_101 : i32
      %jit3A_124 = arith.constant 32 : i32
      %eq3A_125 = arith.constant 0 : i32
      %eq3A_126 = arith.cmpi eq, %jit3A_124, %eq3A_125 : i32
      %jit3A_127 = arith.constant 1 : i32
      %select_n3A_128 = arith.select %eq3A_126, %jit3A_127, %jit3A_124 : i32
      %rem3A_129 = arith.remsi %scan3A_98, %select_n3A_128 : i32
      %ne3A_130 = arith.constant 0 : i32
      %ne3A_131 = arith.cmpi ne, %rem3A_129, %ne3A_130 : i32
      %lt3A_132 = arith.constant 0 : i32
      %lt3A_133 = arith.cmpi slt, %rem3A_129, %lt3A_132 : i32
      %lt3A_134 = arith.constant 0 : i32
      %lt3A_135 = arith.cmpi slt, %select_n3A_128, %lt3A_134 : i32
      %ne3A_136 = arith.xori %lt3A_133, %lt3A_135 : i1
      %and3A_137 = arith.andi %ne3A_136, %ne3A_131 : i1
      %add3A_138 = arith.addi %rem3A_129, %select_n3A_128 : i32
      %select_n3A_139 = arith.select %and3A_137, %add3A_138, %rem3A_129 : i32
      %mul3A_140 = arith.constant 16 : i32
      %mul3A_141 = arith.muli %select_n3A_139, %mul3A_140 : i32
      %get3A_142 = arith.index_cast %select_n3A_123 : i32 to index
      %get3A_143 = arith.index_cast %mul3A_141 : i32 to index
      %get3A_144 = tpu.vector_load %arg8[%get3A_142, %get3A_143] {strides = array<i32>} : memref<16x512xf32, #tpu.memory_space<vmem>>, vector<16xf32>,
      %get3A_145 = arith.index_cast %select_n3A_123 : i32 to index
      %get3A_146 = arith.index_cast %mul3A_141 : i32 to index
      %get3A_147 = tpu.vector_load %arg9[%get3A_145, %get3A_146] {strides = array<i32>} : memref<16x512xf32, #tpu.memory_space<vmem>>, vector<16xf32>,
      %get3A_148 = arith.index_cast %select_n3A_123 : i32 to index
      %get3A_149 = arith.index_cast %mul3A_141 : i32 to index
      %get3A_150 = tpu.vector_load %arg10[%get3A_148, %get3A_149] {strides = array<i32>} : memref<16x512xi32, #tpu.memory_space<vmem>>, vector<16xi32>,
      %sub3A_151 = arith.subf %get3A_144, %get3A_147 : vector<16xf32>
      %abs3A = math.absf %sub3A_151 : vector<16xf32>
      %bitcast_convert_type3A = tpu.bitcast %abs3A : vector<16xf32> -> vector<16xi32>
      %eq3A_152 = arith.constant 0 : i32
      %eq3A_153 = vector.broadcast %eq3A_152 : i32 to vector<16xi32>
      %eq3A_154 = arith.cmpi eq, %get3A_150, %eq3A_153 : vector<16xi32>
      %shift_right_logical3A = arith.constant 20 : i32
      %shift_right_logical3A_155 = vector.broadcast %shift_right_logical3A : i32 to vector<16xi32>
      %shift_right_logical3A_156 = arith.shrui %bitcast_convert_type3A, %shift_right_logical3A_155 : vector<16xi32>
      %eq3A_157 = arith.cmpi eq, %shift_right_logical3A_156, %get3A_33 : vector<16xi32>
      %and3A_158 = arith.andi %eq3A_154, %eq3A_157 : vector<16xi1>
      %shift_right_logical3A_159 = arith.constant 9 : i32
      %shift_right_logical3A_160 = vector.broadcast %shift_right_logical3A_159 : i32 to vector<16xi32>
      %shift_right_logical3A_161 = arith.shrui %bitcast_convert_type3A, %shift_right_logical3A_160 : vector<16xi32>
      %and3A_162 = arith.constant 2047 : i32
      %and3A_163 = vector.broadcast %and3A_162 : i32 to vector<16xi32>
      %and3A_164 = arith.andi %shift_right_logical3A_161, %and3A_163 : vector<16xi32>
      %mul3A_165 = arith.constant 16 : i32
      %mul3A_166 = vector.broadcast %mul3A_165 : i32 to vector<16xi32>
      %mul3A_167 = arith.muli %and3A_164, %mul3A_166 : vector<16xi32>
      %add3A_168 = arith.addi %mul3A_167, %iota3A : vector<16xi32>
      tpu.vector_store_idx %arg12[%add3A_168], %broadcast_in_dim3A_42 masked %and3A_158 {add = true} : memref<32768xf32, #tpu.memory_space<vmem>>[vector<16xi32>], vector<16xf32>, vector<16xi1>
      tpu.vector_store_idx %arg13[%add3A_168], %abs3A masked %and3A_158 {add = true} : memref<32768xf32, #tpu.memory_space<vmem>>[vector<16xi32>], vector<16xf32>, vector<16xi1>
      %scan3A_169 = arith.constant 0 : i32
      scf.yield %scan3A_169 : i32
    }
    %scan3A_97 = arith.constant 512 : i32
    "tpu.region"() ({
      %run_scoped3A_98 = tpu.sem_alloc : memref<!tpu.dma_semaphore, #tpu.memory_space<semaphore_mem>>
      %dma_start3A = arith.constant 0 : i32
      %dma_start3A_99 = tpu.memref_slice %arg6[%add3A, %dma_start3A] : memref<32x32768xf32, #tpu.memory_space<hbm>> -> memref<1x32768xf32, #tpu.memory_space<hbm>>
      %dma_start3A_100 = tpu.memref_squeeze %dma_start3A_99 : memref<1x32768xf32, #tpu.memory_space<hbm>> -> memref<32768xf32, #tpu.memory_space<hbm>>
      %dma_start3A_101 = arith.constant 0 : i32
      %dma_start3A_102 = tpu.memref_slice %arg6[%add3A, %dma_start3A_101] : memref<32x32768xf32, #tpu.memory_space<hbm>> -> memref<1x32768xf32, #tpu.memory_space<hbm>>
      %dma_start3A_103 = tpu.memref_squeeze %dma_start3A_102 : memref<1x32768xf32, #tpu.memory_space<hbm>> -> memref<32768xf32, #tpu.memory_space<hbm>>
      tpu.enqueue_dma source(%arg12 : memref<32768xf32, #tpu.memory_space<vmem>>) target(%dma_start3A_103 : memref<32768xf32, #tpu.memory_space<hbm>>) target_semaphore(%run_scoped3A_98 : memref<!tpu.dma_semaphore, #tpu.memory_space<semaphore_mem>>)
      %dma_wait3A = arith.constant 0 : i32
      %dma_wait3A_104 = tpu.memref_slice %arg6[%add3A, %dma_wait3A] : memref<32x32768xf32, #tpu.memory_space<hbm>> -> memref<1x32768xf32, #tpu.memory_space<hbm>>
      %dma_wait3A_105 = tpu.memref_squeeze %dma_wait3A_104 : memref<1x32768xf32, #tpu.memory_space<hbm>> -> memref<32768xf32, #tpu.memory_space<hbm>>
      %dma_wait3A_106 = arith.constant 0 : i32
      %dma_wait3A_107 = tpu.memref_slice %arg6[%add3A, %dma_wait3A_106] : memref<32x32768xf32, #tpu.memory_space<hbm>> -> memref<1x32768xf32, #tpu.memory_space<hbm>>
      %dma_wait3A_108 = tpu.memref_squeeze %dma_wait3A_107 : memref<1x32768xf32, #tpu.memory_space<hbm>> -> memref<32768xf32, #tpu.memory_space<hbm>>
      tpu.wait_dma2 semaphore(%run_scoped3A_98 : memref<!tpu.dma_semaphore, #tpu.memory_space<semaphore_mem>>) src(%arg12 : memref<32768xf32, #tpu.memory_space<vmem>>) dst(%dma_wait3A_108 : memref<32768xf32, #tpu.memory_space<hbm>>)
      tpu.yield
    }) : () -> ()
    "tpu.region"() ({
      %run_scoped3A_98 = tpu.sem_alloc : memref<!tpu.dma_semaphore, #tpu.memory_space<semaphore_mem>>
      %dma_start3A = arith.constant 0 : i32
      %dma_start3A_99 = tpu.memref_slice %arg7[%add3A, %dma_start3A] : memref<32x32768xf32, #tpu.memory_space<hbm>> -> memref<1x32768xf32, #tpu.memory_space<hbm>>
      %dma_start3A_100 = tpu.memref_squeeze %dma_start3A_99 : memref<1x32768xf32, #tpu.memory_space<hbm>> -> memref<32768xf32, #tpu.memory_space<hbm>>
      %dma_start3A_101 = arith.constant 0 : i32
      %dma_start3A_102 = tpu.memref_slice %arg7[%add3A, %dma_start3A_101] : memref<32x32768xf32, #tpu.memory_space<hbm>> -> memref<1x32768xf32, #tpu.memory_space<hbm>>
      %dma_start3A_103 = tpu.memref_squeeze %dma_start3A_102 : memref<1x32768xf32, #tpu.memory_space<hbm>> -> memref<32768xf32, #tpu.memory_space<hbm>>
      tpu.enqueue_dma source(%arg13 : memref<32768xf32, #tpu.memory_space<vmem>>) target(%dma_start3A_103 : memref<32768xf32, #tpu.memory_space<hbm>>) target_semaphore(%run_scoped3A_98 : memref<!tpu.dma_semaphore, #tpu.memory_space<semaphore_mem>>)
      %dma_wait3A = arith.constant 0 : i32
      %dma_wait3A_104 = tpu.memref_slice %arg7[%add3A, %dma_wait3A] : memref<32x32768xf32, #tpu.memory_space<hbm>> -> memref<1x32768xf32, #tpu.memory_space<hbm>>
      %dma_wait3A_105 = tpu.memref_squeeze %dma_wait3A_104 : memref<1x32768xf32, #tpu.memory_space<hbm>> -> memref<32768xf32, #tpu.memory_space<hbm>>
      %dma_wait3A_106 = arith.constant 0 : i32
      %dma_wait3A_107 = tpu.memref_slice %arg7[%add3A, %dma_wait3A_106] : memref<32x32768xf32, #tpu.memory_space<hbm>> -> memref<1x32768xf32, #tpu.memory_space<hbm>>
      %dma_wait3A_108 = tpu.memref_squeeze %dma_wait3A_107 : memref<1x32768xf32, #tpu.memory_space<hbm>> -> memref<32768xf32, #tpu.memory_space<hbm>>
      tpu.wait_dma2 semaphore(%run_scoped3A_98 : memref<!tpu.dma_semaphore, #tpu.memory_space<semaphore_mem>>) src(%arg13 : memref<32768xf32, #tpu.memory_space<vmem>>) dst(%dma_wait3A_108 : memref<32768xf32, #tpu.memory_space<hbm>>)
      tpu.yield
    }) : () -> ()
    return
  }
}

#map = affine_map<(d0, d1) -> (0, 0, 0, 0)>
#map1 = affine_map<(d0, d1) -> (0, 0, 0)>
#map2 = affine_map<(d0, d1) -> (0)>
#map3 = affine_map<(d0, d1) -> (0, 0)>
module attributes {stable_mosaic.version = 14 : i64} {
  func.func @hist(%arg0: i32, %arg1: i32, %arg2: memref<4x2x512x512xf32, #tpu.memory_space<hbm>>, %arg3: memref<4x512x512xf32, #tpu.memory_space<hbm>>, %arg4: memref<4x512x512xi32, #tpu.memory_space<hbm>>, %arg5: memref<16xi32, #tpu.memory_space<hbm>>, %arg6: memref<32x8192xf32, #tpu.memory_space<hbm>>, %arg7: memref<32x8192xf32, #tpu.memory_space<hbm>>, %arg8: memref<16x512xf32, #tpu.memory_space<vmem>>, %arg9: memref<16x512xf32, #tpu.memory_space<vmem>>, %arg10: memref<16x512xi32, #tpu.memory_space<vmem>>, %arg11: memref<16xi32, #tpu.memory_space<vmem>>, %arg12: memref<8192xf32, #tpu.memory_space<vmem>>, %arg13: memref<8192xf32, #tpu.memory_space<vmem>>) attributes {dimension_semantics = [#tpu.dimension_semantics<core_parallel>, #tpu.dimension_semantics<subcore_parallel>], iteration_bounds = array<i64: 2, 16>, scalar_prefetch = 0 : i64, scratch_operands = 6 : i64, tpu.core_type = #tpu.core_type<sc_vector_subcore>, window_params = [{transform_indices = #map}, {transform_indices = #map1}, {transform_indices = #map1}, {transform_indices = #map2}, {transform_indices = #map3}, {transform_indices = #map3}]} {
    %mul3A = arith.constant 16 : i32
    %mul3A_0 = arith.muli %arg0, %mul3A : i32
    %add3A = arith.addi %mul3A_0, %arg1 : i32
    %jit3A = arith.constant 8 : i32
    %div3A = arith.divsi %add3A, %jit3A : i32
    %sign3A = arith.constant 0 : i32
    %sign3A_1 = arith.cmpi sgt, %add3A, %sign3A : i32
    %sign3A_2 = arith.extui %sign3A_1 : i1 to i32
    %sign3A_3 = arith.constant 0 : i32
    %sign3A_4 = arith.cmpi slt, %add3A, %sign3A_3 : i32
    %sign3A_5 = arith.extui %sign3A_4 : i1 to i32
    %sign3A_6 = arith.subi %sign3A_2, %sign3A_5 : i32
    %sign3A_7 = arith.constant 0 : i32
    %sign3A_8 = arith.cmpi sgt, %jit3A, %sign3A_7 : i32
    %sign3A_9 = arith.extui %sign3A_8 : i1 to i32
    %sign3A_10 = arith.constant 0 : i32
    %sign3A_11 = arith.cmpi slt, %jit3A, %sign3A_10 : i32
    %sign3A_12 = arith.extui %sign3A_11 : i1 to i32
    %sign3A_13 = arith.subi %sign3A_9, %sign3A_12 : i32
    %ne3A = arith.cmpi ne, %sign3A_6, %sign3A_13 : i32
    %rem3A = arith.remsi %add3A, %jit3A : i32
    %ne3A_14 = arith.constant 0 : i32
    %ne3A_15 = arith.cmpi ne, %rem3A, %ne3A_14 : i32
    %and3A = arith.andi %ne3A, %ne3A_15 : i1
    %sub3A = arith.constant 1 : i32
    %sub3A_16 = arith.subi %div3A, %sub3A : i32
    %select_n3A = arith.select %and3A, %sub3A_16, %div3A : i32
    %jit3A_17 = arith.constant 8 : i32
    %eq3A = arith.constant 0 : i32
    %eq3A_18 = arith.cmpi eq, %jit3A_17, %eq3A : i32
    %jit3A_19 = arith.constant 1 : i32
    %select_n3A_20 = arith.select %eq3A_18, %jit3A_19, %jit3A_17 : i32
    %rem3A_21 = arith.remsi %add3A, %select_n3A_20 : i32
    %ne3A_22 = arith.constant 0 : i32
    %ne3A_23 = arith.cmpi ne, %rem3A_21, %ne3A_22 : i32
    %lt3A = arith.constant 0 : i32
    %lt3A_24 = arith.cmpi slt, %rem3A_21, %lt3A : i32
    %lt3A_25 = arith.constant 0 : i32
    %lt3A_26 = arith.cmpi slt, %select_n3A_20, %lt3A_25 : i32
    %ne3A_27 = arith.xori %lt3A_24, %lt3A_26 : i1
    %and3A_28 = arith.andi %ne3A_27, %ne3A_23 : i1
    %add3A_29 = arith.addi %rem3A_21, %select_n3A_20 : i32
    %select_n3A_30 = arith.select %and3A_28, %add3A_29, %rem3A_21 : i32
    %mul3A_31 = arith.constant 64 : i32
    %mul3A_32 = arith.muli %select_n3A_30, %mul3A_31 : i32
    "tpu.region"() ({
      %run_scoped3A_98 = tpu.sem_alloc : memref<!tpu.dma_semaphore, #tpu.memory_space<semaphore_mem>>
      tpu.enqueue_dma source(%arg5 : memref<16xi32, #tpu.memory_space<hbm>>) target(%arg11 : memref<16xi32, #tpu.memory_space<vmem>>) target_semaphore(%run_scoped3A_98 : memref<!tpu.dma_semaphore, #tpu.memory_space<semaphore_mem>>)
      tpu.wait_dma2 semaphore(%run_scoped3A_98 : memref<!tpu.dma_semaphore, #tpu.memory_space<semaphore_mem>>) src(%arg5 : memref<16xi32, #tpu.memory_space<hbm>>) dst(%arg11 : memref<16xi32, #tpu.memory_space<vmem>>)
      tpu.yield
    }) : () -> ()
    %get3A = arith.constant 0 : index
    %get3A_33 = tpu.vector_load %arg11[%get3A] {strides = array<i32>} : memref<16xi32, #tpu.memory_space<vmem>>, vector<16xi32>,
    %broadcast_in_dim3A = arith.constant 0.000000e+00 : f32
    %broadcast_in_dim3A_34 = vector.broadcast %broadcast_in_dim3A : f32 to vector<16xf32>
    %scan3A = arith.constant 0 : i32
    %scan3A_35 = arith.constant 0 : i32
    %scan3A_36 = arith.constant 512 : i32
    %scan3A_37 = arith.addi %scan3A_35, %scan3A_36 : i32
    %scan3A_38 = arith.constant 1 : i32
    %scan3A_39 = scf.for %scan3A_98 = %scan3A_35 to %scan3A_37 step %scan3A_38 iter_args(%scan3A_99 = %scan3A) -> (i32)  : i32 {
      %mul3A_100 = arith.constant 16 : i32
      %mul3A_101 = arith.muli %scan3A_98, %mul3A_100 : i32
      %swap3A = arith.index_cast %mul3A_101 : i32 to index
      %swap3A_102 = tpu.vector_load %arg12[%swap3A] {strides = array<i32>} : memref<8192xf32, #tpu.memory_space<vmem>>, vector<16xf32>,
      tpu.vector_store %arg12[%swap3A], %broadcast_in_dim3A_34 {strides = array<i32>} : memref<8192xf32, #tpu.memory_space<vmem>>, vector<16xf32>,
      %mul3A_103 = arith.constant 16 : i32
      %mul3A_104 = arith.muli %scan3A_98, %mul3A_103 : i32
      %swap3A_105 = arith.index_cast %mul3A_104 : i32 to index
      %swap3A_106 = tpu.vector_load %arg13[%swap3A_105] {strides = array<i32>} : memref<8192xf32, #tpu.memory_space<vmem>>, vector<16xf32>,
      tpu.vector_store %arg13[%swap3A_105], %broadcast_in_dim3A_34 {strides = array<i32>} : memref<8192xf32, #tpu.memory_space<vmem>>, vector<16xf32>,
      %scan3A_107 = arith.constant 0 : i32
      scf.yield %scan3A_107 : i32
    }
    %scan3A_40 = arith.constant 512 : i32
    %iota3A = tpu.iota {dimensions = array<i32: 0>} : vector<16xi32>
    %broadcast_in_dim3A_41 = arith.constant 1.000000e+00 : f32
    %broadcast_in_dim3A_42 = vector.broadcast %broadcast_in_dim3A_41 : f32 to vector<16xf32>
    %add3A_43 = arith.constant 0 : i32
    %add3A_44 = arith.addi %mul3A_32, %add3A_43 : i32
    %run_scoped3A = arith.constant 0 : i32
    "tpu.region"() ({
      %run_scoped3A_98 = tpu.sem_alloc : memref<!tpu.dma_semaphore, #tpu.memory_space<semaphore_mem>>
      %dma_start3A = arith.constant 0 : i32
      %dma_start3A_99 = tpu.memref_slice %arg2[%select_n3A, %run_scoped3A, %add3A_44, %dma_start3A] : memref<4x2x512x512xf32, #tpu.memory_space<hbm>> -> memref<1x1x16x512xf32, #tpu.memory_space<hbm>>
      %dma_start3A_100 = tpu.memref_squeeze %dma_start3A_99 : memref<1x1x16x512xf32, #tpu.memory_space<hbm>> -> memref<16x512xf32, #tpu.memory_space<hbm>>
      %dma_start3A_101 = arith.constant 0 : i32
      %dma_start3A_102 = tpu.memref_slice %arg2[%select_n3A, %run_scoped3A, %add3A_44, %dma_start3A_101] : memref<4x2x512x512xf32, #tpu.memory_space<hbm>> -> memref<1x1x16x512xf32, #tpu.memory_space<hbm>>
      %dma_start3A_103 = tpu.memref_squeeze %dma_start3A_102 : memref<1x1x16x512xf32, #tpu.memory_space<hbm>> -> memref<16x512xf32, #tpu.memory_space<hbm>>
      tpu.enqueue_dma source(%dma_start3A_103 : memref<16x512xf32, #tpu.memory_space<hbm>>) target(%arg8 : memref<16x512xf32, #tpu.memory_space<vmem>>) target_semaphore(%run_scoped3A_98 : memref<!tpu.dma_semaphore, #tpu.memory_space<semaphore_mem>>)
      %dma_wait3A = arith.constant 0 : i32
      %dma_wait3A_104 = tpu.memref_slice %arg2[%select_n3A, %run_scoped3A, %add3A_44, %dma_wait3A] : memref<4x2x512x512xf32, #tpu.memory_space<hbm>> -> memref<1x1x16x512xf32, #tpu.memory_space<hbm>>
      %dma_wait3A_105 = tpu.memref_squeeze %dma_wait3A_104 : memref<1x1x16x512xf32, #tpu.memory_space<hbm>> -> memref<16x512xf32, #tpu.memory_space<hbm>>
      %dma_wait3A_106 = arith.constant 0 : i32
      %dma_wait3A_107 = tpu.memref_slice %arg2[%select_n3A, %run_scoped3A, %add3A_44, %dma_wait3A_106] : memref<4x2x512x512xf32, #tpu.memory_space<hbm>> -> memref<1x1x16x512xf32, #tpu.memory_space<hbm>>
      %dma_wait3A_108 = tpu.memref_squeeze %dma_wait3A_107 : memref<1x1x16x512xf32, #tpu.memory_space<hbm>> -> memref<16x512xf32, #tpu.memory_space<hbm>>
      tpu.wait_dma2 semaphore(%run_scoped3A_98 : memref<!tpu.dma_semaphore, #tpu.memory_space<semaphore_mem>>) src(%dma_wait3A_108 : memref<16x512xf32, #tpu.memory_space<hbm>>) dst(%arg8 : memref<16x512xf32, #tpu.memory_space<vmem>>)
      tpu.yield
    }) : () -> ()
    %add3A_45 = arith.constant 0 : i32
    %add3A_46 = arith.addi %mul3A_32, %add3A_45 : i32
    "tpu.region"() ({
      %run_scoped3A_98 = tpu.sem_alloc : memref<!tpu.dma_semaphore, #tpu.memory_space<semaphore_mem>>
      %dma_start3A = arith.constant 0 : i32
      %dma_start3A_99 = tpu.memref_slice %arg3[%select_n3A, %add3A_46, %dma_start3A] : memref<4x512x512xf32, #tpu.memory_space<hbm>> -> memref<1x16x512xf32, #tpu.memory_space<hbm>>
      %dma_start3A_100 = tpu.memref_squeeze %dma_start3A_99 : memref<1x16x512xf32, #tpu.memory_space<hbm>> -> memref<16x512xf32, #tpu.memory_space<hbm>>
      %dma_start3A_101 = arith.constant 0 : i32
      %dma_start3A_102 = tpu.memref_slice %arg3[%select_n3A, %add3A_46, %dma_start3A_101] : memref<4x512x512xf32, #tpu.memory_space<hbm>> -> memref<1x16x512xf32, #tpu.memory_space<hbm>>
      %dma_start3A_103 = tpu.memref_squeeze %dma_start3A_102 : memref<1x16x512xf32, #tpu.memory_space<hbm>> -> memref<16x512xf32, #tpu.memory_space<hbm>>
      tpu.enqueue_dma source(%dma_start3A_103 : memref<16x512xf32, #tpu.memory_space<hbm>>) target(%arg9 : memref<16x512xf32, #tpu.memory_space<vmem>>) target_semaphore(%run_scoped3A_98 : memref<!tpu.dma_semaphore, #tpu.memory_space<semaphore_mem>>)
      %dma_wait3A = arith.constant 0 : i32
      %dma_wait3A_104 = tpu.memref_slice %arg3[%select_n3A, %add3A_46, %dma_wait3A] : memref<4x512x512xf32, #tpu.memory_space<hbm>> -> memref<1x16x512xf32, #tpu.memory_space<hbm>>
      %dma_wait3A_105 = tpu.memref_squeeze %dma_wait3A_104 : memref<1x16x512xf32, #tpu.memory_space<hbm>> -> memref<16x512xf32, #tpu.memory_space<hbm>>
      %dma_wait3A_106 = arith.constant 0 : i32
      %dma_wait3A_107 = tpu.memref_slice %arg3[%select_n3A, %add3A_46, %dma_wait3A_106] : memref<4x512x512xf32, #tpu.memory_space<hbm>> -> memref<1x16x512xf32, #tpu.memory_space<hbm>>
      %dma_wait3A_108 = tpu.memref_squeeze %dma_wait3A_107 : memref<1x16x512xf32, #tpu.memory_space<hbm>> -> memref<16x512xf32, #tpu.memory_space<hbm>>
      tpu.wait_dma2 semaphore(%run_scoped3A_98 : memref<!tpu.dma_semaphore, #tpu.memory_space<semaphore_mem>>) src(%dma_wait3A_108 : memref<16x512xf32, #tpu.memory_space<hbm>>) dst(%arg9 : memref<16x512xf32, #tpu.memory_space<vmem>>)
      tpu.yield
    }) : () -> ()
    %add3A_47 = arith.constant 0 : i32
    %add3A_48 = arith.addi %mul3A_32, %add3A_47 : i32
    "tpu.region"() ({
      %run_scoped3A_98 = tpu.sem_alloc : memref<!tpu.dma_semaphore, #tpu.memory_space<semaphore_mem>>
      %dma_start3A = arith.constant 0 : i32
      %dma_start3A_99 = tpu.memref_slice %arg4[%select_n3A, %add3A_48, %dma_start3A] : memref<4x512x512xi32, #tpu.memory_space<hbm>> -> memref<1x16x512xi32, #tpu.memory_space<hbm>>
      %dma_start3A_100 = tpu.memref_squeeze %dma_start3A_99 : memref<1x16x512xi32, #tpu.memory_space<hbm>> -> memref<16x512xi32, #tpu.memory_space<hbm>>
      %dma_start3A_101 = arith.constant 0 : i32
      %dma_start3A_102 = tpu.memref_slice %arg4[%select_n3A, %add3A_48, %dma_start3A_101] : memref<4x512x512xi32, #tpu.memory_space<hbm>> -> memref<1x16x512xi32, #tpu.memory_space<hbm>>
      %dma_start3A_103 = tpu.memref_squeeze %dma_start3A_102 : memref<1x16x512xi32, #tpu.memory_space<hbm>> -> memref<16x512xi32, #tpu.memory_space<hbm>>
      tpu.enqueue_dma source(%dma_start3A_103 : memref<16x512xi32, #tpu.memory_space<hbm>>) target(%arg10 : memref<16x512xi32, #tpu.memory_space<vmem>>) target_semaphore(%run_scoped3A_98 : memref<!tpu.dma_semaphore, #tpu.memory_space<semaphore_mem>>)
      %dma_wait3A = arith.constant 0 : i32
      %dma_wait3A_104 = tpu.memref_slice %arg4[%select_n3A, %add3A_48, %dma_wait3A] : memref<4x512x512xi32, #tpu.memory_space<hbm>> -> memref<1x16x512xi32, #tpu.memory_space<hbm>>
      %dma_wait3A_105 = tpu.memref_squeeze %dma_wait3A_104 : memref<1x16x512xi32, #tpu.memory_space<hbm>> -> memref<16x512xi32, #tpu.memory_space<hbm>>
      %dma_wait3A_106 = arith.constant 0 : i32
      %dma_wait3A_107 = tpu.memref_slice %arg4[%select_n3A, %add3A_48, %dma_wait3A_106] : memref<4x512x512xi32, #tpu.memory_space<hbm>> -> memref<1x16x512xi32, #tpu.memory_space<hbm>>
      %dma_wait3A_108 = tpu.memref_squeeze %dma_wait3A_107 : memref<1x16x512xi32, #tpu.memory_space<hbm>> -> memref<16x512xi32, #tpu.memory_space<hbm>>
      tpu.wait_dma2 semaphore(%run_scoped3A_98 : memref<!tpu.dma_semaphore, #tpu.memory_space<semaphore_mem>>) src(%dma_wait3A_108 : memref<16x512xi32, #tpu.memory_space<hbm>>) dst(%arg10 : memref<16x512xi32, #tpu.memory_space<vmem>>)
      tpu.yield
    }) : () -> ()
    %scan3A_49 = arith.constant 0 : i32
    %scan3A_50 = arith.constant 0 : i32
    %scan3A_51 = arith.constant 512 : i32
    %scan3A_52 = arith.addi %scan3A_50, %scan3A_51 : i32
    %scan3A_53 = arith.constant 1 : i32
    %scan3A_54 = scf.for %scan3A_98 = %scan3A_50 to %scan3A_52 step %scan3A_53 iter_args(%scan3A_99 = %scan3A_49) -> (i32)  : i32 {
      %jit3A_100 = arith.constant 32 : i32
      %div3A_101 = arith.divsi %scan3A_98, %jit3A_100 : i32
      %sign3A_102 = arith.constant 0 : i32
      %sign3A_103 = arith.cmpi sgt, %scan3A_98, %sign3A_102 : i32
      %sign3A_104 = arith.extui %sign3A_103 : i1 to i32
      %sign3A_105 = arith.constant 0 : i32
      %sign3A_106 = arith.cmpi slt, %scan3A_98, %sign3A_105 : i32
      %sign3A_107 = arith.extui %sign3A_106 : i1 to i32
      %sign3A_108 = arith.subi %sign3A_104, %sign3A_107 : i32
      %sign3A_109 = arith.constant 0 : i32
      %sign3A_110 = arith.cmpi sgt, %jit3A_100, %sign3A_109 : i32
      %sign3A_111 = arith.extui %sign3A_110 : i1 to i32
      %sign3A_112 = arith.constant 0 : i32
      %sign3A_113 = arith.cmpi slt, %jit3A_100, %sign3A_112 : i32
      %sign3A_114 = arith.extui %sign3A_113 : i1 to i32
      %sign3A_115 = arith.subi %sign3A_111, %sign3A_114 : i32
      %ne3A_116 = arith.cmpi ne, %sign3A_108, %sign3A_115 : i32
      %rem3A_117 = arith.remsi %scan3A_98, %jit3A_100 : i32
      %ne3A_118 = arith.constant 0 : i32
      %ne3A_119 = arith.cmpi ne, %rem3A_117, %ne3A_118 : i32
      %and3A_120 = arith.andi %ne3A_116, %ne3A_119 : i1
      %sub3A_121 = arith.constant 1 : i32
      %sub3A_122 = arith.subi %div3A_101, %sub3A_121 : i32
      %select_n3A_123 = arith.select %and3A_120, %sub3A_122, %div3A_101 : i32
      %jit3A_124 = arith.constant 32 : i32
      %eq3A_125 = arith.constant 0 : i32
      %eq3A_126 = arith.cmpi eq, %jit3A_124, %eq3A_125 : i32
      %jit3A_127 = arith.constant 1 : i32
      %select_n3A_128 = arith.select %eq3A_126, %jit3A_127, %jit3A_124 : i32
      %rem3A_129 = arith.remsi %scan3A_98, %select_n3A_128 : i32
      %ne3A_130 = arith.constant 0 : i32
      %ne3A_131 = arith.cmpi ne, %rem3A_129, %ne3A_130 : i32
      %lt3A_132 = arith.constant 0 : i32
      %lt3A_133 = arith.cmpi slt, %rem3A_129, %lt3A_132 : i32
      %lt3A_134 = arith.constant 0 : i32
      %lt3A_135 = arith.cmpi slt, %select_n3A_128, %lt3A_134 : i32
      %ne3A_136 = arith.xori %lt3A_133, %lt3A_135 : i1
      %and3A_137 = arith.andi %ne3A_136, %ne3A_131 : i1
      %add3A_138 = arith.addi %rem3A_129, %select_n3A_128 : i32
      %select_n3A_139 = arith.select %and3A_137, %add3A_138, %rem3A_129 : i32
      %mul3A_140 = arith.constant 16 : i32
      %mul3A_141 = arith.muli %select_n3A_139, %mul3A_140 : i32
      %get3A_142 = arith.index_cast %select_n3A_123 : i32 to index
      %get3A_143 = arith.index_cast %mul3A_141 : i32 to index
      %get3A_144 = tpu.vector_load %arg8[%get3A_142, %get3A_143] {strides = array<i32>} : memref<16x512xf32, #tpu.memory_space<vmem>>, vector<16xf32>,
      %get3A_145 = arith.index_cast %select_n3A_123 : i32 to index
      %get3A_146 = arith.index_cast %mul3A_141 : i32 to index
      %get3A_147 = tpu.vector_load %arg9[%get3A_145, %get3A_146] {strides = array<i32>} : memref<16x512xf32, #tpu.memory_space<vmem>>, vector<16xf32>,
      %get3A_148 = arith.index_cast %select_n3A_123 : i32 to index
      %get3A_149 = arith.index_cast %mul3A_141 : i32 to index
      %get3A_150 = tpu.vector_load %arg10[%get3A_148, %get3A_149] {strides = array<i32>} : memref<16x512xi32, #tpu.memory_space<vmem>>, vector<16xi32>,
      %sub3A_151 = arith.subf %get3A_144, %get3A_147 : vector<16xf32>
      %abs3A = math.absf %sub3A_151 : vector<16xf32>
      %bitcast_convert_type3A = tpu.bitcast %abs3A : vector<16xf32> -> vector<16xi32>
      %eq3A_152 = arith.constant 0 : i32
      %eq3A_153 = vector.broadcast %eq3A_152 : i32 to vector<16xi32>
      %eq3A_154 = arith.cmpi eq, %get3A_150, %eq3A_153 : vector<16xi32>
      %shift_right_logical3A = arith.constant 9 : i32
      %shift_right_logical3A_155 = vector.broadcast %shift_right_logical3A : i32 to vector<16xi32>
      %shift_right_logical3A_156 = arith.shrui %bitcast_convert_type3A, %shift_right_logical3A_155 : vector<16xi32>
      %eq3A_157 = arith.cmpi eq, %shift_right_logical3A_156, %get3A_33 : vector<16xi32>
      %and3A_158 = arith.andi %eq3A_154, %eq3A_157 : vector<16xi1>
      %shift_right_logical3A_159 = arith.constant 0 : i32
      %shift_right_logical3A_160 = vector.broadcast %shift_right_logical3A_159 : i32 to vector<16xi32>
      %shift_right_logical3A_161 = arith.shrui %bitcast_convert_type3A, %shift_right_logical3A_160 : vector<16xi32>
      %and3A_162 = arith.constant 511 : i32
      %and3A_163 = vector.broadcast %and3A_162 : i32 to vector<16xi32>
      %and3A_164 = arith.andi %shift_right_logical3A_161, %and3A_163 : vector<16xi32>
      %mul3A_165 = arith.constant 16 : i32
      %mul3A_166 = vector.broadcast %mul3A_165 : i32 to vector<16xi32>
      %mul3A_167 = arith.muli %and3A_164, %mul3A_166 : vector<16xi32>
      %add3A_168 = arith.addi %mul3A_167, %iota3A : vector<16xi32>
      tpu.vector_store_idx %arg12[%add3A_168], %broadcast_in_dim3A_42 masked %and3A_158 {add = true} : memref<8192xf32, #tpu.memory_space<vmem>>[vector<16xi32>], vector<16xf32>, vector<16xi1>
      tpu.vector_store_idx %arg13[%add3A_168], %abs3A masked %and3A_158 {add = true} : memref<8192xf32, #tpu.memory_space<vmem>>[vector<16xi32>], vector<16xf32>, vector<16xi1>
      %scan3A_169 = arith.constant 0 : i32
      scf.yield %scan3A_169 : i32
    }
    %scan3A_55 = arith.constant 512 : i32
    %add3A_56 = arith.constant 16 : i32
    %add3A_57 = arith.addi %mul3A_32, %add3A_56 : i32
    %run_scoped3A_58 = arith.constant 0 : i32
    "tpu.region"() ({
      %run_scoped3A_98 = tpu.sem_alloc : memref<!tpu.dma_semaphore, #tpu.memory_space<semaphore_mem>>
      %dma_start3A = arith.constant 0 : i32
      %dma_start3A_99 = tpu.memref_slice %arg2[%select_n3A, %run_scoped3A_58, %add3A_57, %dma_start3A] : memref<4x2x512x512xf32, #tpu.memory_space<hbm>> -> memref<1x1x16x512xf32, #tpu.memory_space<hbm>>
      %dma_start3A_100 = tpu.memref_squeeze %dma_start3A_99 : memref<1x1x16x512xf32, #tpu.memory_space<hbm>> -> memref<16x512xf32, #tpu.memory_space<hbm>>
      %dma_start3A_101 = arith.constant 0 : i32
      %dma_start3A_102 = tpu.memref_slice %arg2[%select_n3A, %run_scoped3A_58, %add3A_57, %dma_start3A_101] : memref<4x2x512x512xf32, #tpu.memory_space<hbm>> -> memref<1x1x16x512xf32, #tpu.memory_space<hbm>>
      %dma_start3A_103 = tpu.memref_squeeze %dma_start3A_102 : memref<1x1x16x512xf32, #tpu.memory_space<hbm>> -> memref<16x512xf32, #tpu.memory_space<hbm>>
      tpu.enqueue_dma source(%dma_start3A_103 : memref<16x512xf32, #tpu.memory_space<hbm>>) target(%arg8 : memref<16x512xf32, #tpu.memory_space<vmem>>) target_semaphore(%run_scoped3A_98 : memref<!tpu.dma_semaphore, #tpu.memory_space<semaphore_mem>>)
      %dma_wait3A = arith.constant 0 : i32
      %dma_wait3A_104 = tpu.memref_slice %arg2[%select_n3A, %run_scoped3A_58, %add3A_57, %dma_wait3A] : memref<4x2x512x512xf32, #tpu.memory_space<hbm>> -> memref<1x1x16x512xf32, #tpu.memory_space<hbm>>
      %dma_wait3A_105 = tpu.memref_squeeze %dma_wait3A_104 : memref<1x1x16x512xf32, #tpu.memory_space<hbm>> -> memref<16x512xf32, #tpu.memory_space<hbm>>
      %dma_wait3A_106 = arith.constant 0 : i32
      %dma_wait3A_107 = tpu.memref_slice %arg2[%select_n3A, %run_scoped3A_58, %add3A_57, %dma_wait3A_106] : memref<4x2x512x512xf32, #tpu.memory_space<hbm>> -> memref<1x1x16x512xf32, #tpu.memory_space<hbm>>
      %dma_wait3A_108 = tpu.memref_squeeze %dma_wait3A_107 : memref<1x1x16x512xf32, #tpu.memory_space<hbm>> -> memref<16x512xf32, #tpu.memory_space<hbm>>
      tpu.wait_dma2 semaphore(%run_scoped3A_98 : memref<!tpu.dma_semaphore, #tpu.memory_space<semaphore_mem>>) src(%dma_wait3A_108 : memref<16x512xf32, #tpu.memory_space<hbm>>) dst(%arg8 : memref<16x512xf32, #tpu.memory_space<vmem>>)
      tpu.yield
    }) : () -> ()
    %add3A_59 = arith.constant 16 : i32
    %add3A_60 = arith.addi %mul3A_32, %add3A_59 : i32
    "tpu.region"() ({
      %run_scoped3A_98 = tpu.sem_alloc : memref<!tpu.dma_semaphore, #tpu.memory_space<semaphore_mem>>
      %dma_start3A = arith.constant 0 : i32
      %dma_start3A_99 = tpu.memref_slice %arg3[%select_n3A, %add3A_60, %dma_start3A] : memref<4x512x512xf32, #tpu.memory_space<hbm>> -> memref<1x16x512xf32, #tpu.memory_space<hbm>>
      %dma_start3A_100 = tpu.memref_squeeze %dma_start3A_99 : memref<1x16x512xf32, #tpu.memory_space<hbm>> -> memref<16x512xf32, #tpu.memory_space<hbm>>
      %dma_start3A_101 = arith.constant 0 : i32
      %dma_start3A_102 = tpu.memref_slice %arg3[%select_n3A, %add3A_60, %dma_start3A_101] : memref<4x512x512xf32, #tpu.memory_space<hbm>> -> memref<1x16x512xf32, #tpu.memory_space<hbm>>
      %dma_start3A_103 = tpu.memref_squeeze %dma_start3A_102 : memref<1x16x512xf32, #tpu.memory_space<hbm>> -> memref<16x512xf32, #tpu.memory_space<hbm>>
      tpu.enqueue_dma source(%dma_start3A_103 : memref<16x512xf32, #tpu.memory_space<hbm>>) target(%arg9 : memref<16x512xf32, #tpu.memory_space<vmem>>) target_semaphore(%run_scoped3A_98 : memref<!tpu.dma_semaphore, #tpu.memory_space<semaphore_mem>>)
      %dma_wait3A = arith.constant 0 : i32
      %dma_wait3A_104 = tpu.memref_slice %arg3[%select_n3A, %add3A_60, %dma_wait3A] : memref<4x512x512xf32, #tpu.memory_space<hbm>> -> memref<1x16x512xf32, #tpu.memory_space<hbm>>
      %dma_wait3A_105 = tpu.memref_squeeze %dma_wait3A_104 : memref<1x16x512xf32, #tpu.memory_space<hbm>> -> memref<16x512xf32, #tpu.memory_space<hbm>>
      %dma_wait3A_106 = arith.constant 0 : i32
      %dma_wait3A_107 = tpu.memref_slice %arg3[%select_n3A, %add3A_60, %dma_wait3A_106] : memref<4x512x512xf32, #tpu.memory_space<hbm>> -> memref<1x16x512xf32, #tpu.memory_space<hbm>>
      %dma_wait3A_108 = tpu.memref_squeeze %dma_wait3A_107 : memref<1x16x512xf32, #tpu.memory_space<hbm>> -> memref<16x512xf32, #tpu.memory_space<hbm>>
      tpu.wait_dma2 semaphore(%run_scoped3A_98 : memref<!tpu.dma_semaphore, #tpu.memory_space<semaphore_mem>>) src(%dma_wait3A_108 : memref<16x512xf32, #tpu.memory_space<hbm>>) dst(%arg9 : memref<16x512xf32, #tpu.memory_space<vmem>>)
      tpu.yield
    }) : () -> ()
    %add3A_61 = arith.constant 16 : i32
    %add3A_62 = arith.addi %mul3A_32, %add3A_61 : i32
    "tpu.region"() ({
      %run_scoped3A_98 = tpu.sem_alloc : memref<!tpu.dma_semaphore, #tpu.memory_space<semaphore_mem>>
      %dma_start3A = arith.constant 0 : i32
      %dma_start3A_99 = tpu.memref_slice %arg4[%select_n3A, %add3A_62, %dma_start3A] : memref<4x512x512xi32, #tpu.memory_space<hbm>> -> memref<1x16x512xi32, #tpu.memory_space<hbm>>
      %dma_start3A_100 = tpu.memref_squeeze %dma_start3A_99 : memref<1x16x512xi32, #tpu.memory_space<hbm>> -> memref<16x512xi32, #tpu.memory_space<hbm>>
      %dma_start3A_101 = arith.constant 0 : i32
      %dma_start3A_102 = tpu.memref_slice %arg4[%select_n3A, %add3A_62, %dma_start3A_101] : memref<4x512x512xi32, #tpu.memory_space<hbm>> -> memref<1x16x512xi32, #tpu.memory_space<hbm>>
      %dma_start3A_103 = tpu.memref_squeeze %dma_start3A_102 : memref<1x16x512xi32, #tpu.memory_space<hbm>> -> memref<16x512xi32, #tpu.memory_space<hbm>>
      tpu.enqueue_dma source(%dma_start3A_103 : memref<16x512xi32, #tpu.memory_space<hbm>>) target(%arg10 : memref<16x512xi32, #tpu.memory_space<vmem>>) target_semaphore(%run_scoped3A_98 : memref<!tpu.dma_semaphore, #tpu.memory_space<semaphore_mem>>)
      %dma_wait3A = arith.constant 0 : i32
      %dma_wait3A_104 = tpu.memref_slice %arg4[%select_n3A, %add3A_62, %dma_wait3A] : memref<4x512x512xi32, #tpu.memory_space<hbm>> -> memref<1x16x512xi32, #tpu.memory_space<hbm>>
      %dma_wait3A_105 = tpu.memref_squeeze %dma_wait3A_104 : memref<1x16x512xi32, #tpu.memory_space<hbm>> -> memref<16x512xi32, #tpu.memory_space<hbm>>
      %dma_wait3A_106 = arith.constant 0 : i32
      %dma_wait3A_107 = tpu.memref_slice %arg4[%select_n3A, %add3A_62, %dma_wait3A_106] : memref<4x512x512xi32, #tpu.memory_space<hbm>> -> memref<1x16x512xi32, #tpu.memory_space<hbm>>
      %dma_wait3A_108 = tpu.memref_squeeze %dma_wait3A_107 : memref<1x16x512xi32, #tpu.memory_space<hbm>> -> memref<16x512xi32, #tpu.memory_space<hbm>>
      tpu.wait_dma2 semaphore(%run_scoped3A_98 : memref<!tpu.dma_semaphore, #tpu.memory_space<semaphore_mem>>) src(%dma_wait3A_108 : memref<16x512xi32, #tpu.memory_space<hbm>>) dst(%arg10 : memref<16x512xi32, #tpu.memory_space<vmem>>)
      tpu.yield
    }) : () -> ()
    %scan3A_63 = arith.constant 0 : i32
    %scan3A_64 = arith.constant 0 : i32
    %scan3A_65 = arith.constant 512 : i32
    %scan3A_66 = arith.addi %scan3A_64, %scan3A_65 : i32
    %scan3A_67 = arith.constant 1 : i32
    %scan3A_68 = scf.for %scan3A_98 = %scan3A_64 to %scan3A_66 step %scan3A_67 iter_args(%scan3A_99 = %scan3A_63) -> (i32)  : i32 {
      %jit3A_100 = arith.constant 32 : i32
      %div3A_101 = arith.divsi %scan3A_98, %jit3A_100 : i32
      %sign3A_102 = arith.constant 0 : i32
      %sign3A_103 = arith.cmpi sgt, %scan3A_98, %sign3A_102 : i32
      %sign3A_104 = arith.extui %sign3A_103 : i1 to i32
      %sign3A_105 = arith.constant 0 : i32
      %sign3A_106 = arith.cmpi slt, %scan3A_98, %sign3A_105 : i32
      %sign3A_107 = arith.extui %sign3A_106 : i1 to i32
      %sign3A_108 = arith.subi %sign3A_104, %sign3A_107 : i32
      %sign3A_109 = arith.constant 0 : i32
      %sign3A_110 = arith.cmpi sgt, %jit3A_100, %sign3A_109 : i32
      %sign3A_111 = arith.extui %sign3A_110 : i1 to i32
      %sign3A_112 = arith.constant 0 : i32
      %sign3A_113 = arith.cmpi slt, %jit3A_100, %sign3A_112 : i32
      %sign3A_114 = arith.extui %sign3A_113 : i1 to i32
      %sign3A_115 = arith.subi %sign3A_111, %sign3A_114 : i32
      %ne3A_116 = arith.cmpi ne, %sign3A_108, %sign3A_115 : i32
      %rem3A_117 = arith.remsi %scan3A_98, %jit3A_100 : i32
      %ne3A_118 = arith.constant 0 : i32
      %ne3A_119 = arith.cmpi ne, %rem3A_117, %ne3A_118 : i32
      %and3A_120 = arith.andi %ne3A_116, %ne3A_119 : i1
      %sub3A_121 = arith.constant 1 : i32
      %sub3A_122 = arith.subi %div3A_101, %sub3A_121 : i32
      %select_n3A_123 = arith.select %and3A_120, %sub3A_122, %div3A_101 : i32
      %jit3A_124 = arith.constant 32 : i32
      %eq3A_125 = arith.constant 0 : i32
      %eq3A_126 = arith.cmpi eq, %jit3A_124, %eq3A_125 : i32
      %jit3A_127 = arith.constant 1 : i32
      %select_n3A_128 = arith.select %eq3A_126, %jit3A_127, %jit3A_124 : i32
      %rem3A_129 = arith.remsi %scan3A_98, %select_n3A_128 : i32
      %ne3A_130 = arith.constant 0 : i32
      %ne3A_131 = arith.cmpi ne, %rem3A_129, %ne3A_130 : i32
      %lt3A_132 = arith.constant 0 : i32
      %lt3A_133 = arith.cmpi slt, %rem3A_129, %lt3A_132 : i32
      %lt3A_134 = arith.constant 0 : i32
      %lt3A_135 = arith.cmpi slt, %select_n3A_128, %lt3A_134 : i32
      %ne3A_136 = arith.xori %lt3A_133, %lt3A_135 : i1
      %and3A_137 = arith.andi %ne3A_136, %ne3A_131 : i1
      %add3A_138 = arith.addi %rem3A_129, %select_n3A_128 : i32
      %select_n3A_139 = arith.select %and3A_137, %add3A_138, %rem3A_129 : i32
      %mul3A_140 = arith.constant 16 : i32
      %mul3A_141 = arith.muli %select_n3A_139, %mul3A_140 : i32
      %get3A_142 = arith.index_cast %select_n3A_123 : i32 to index
      %get3A_143 = arith.index_cast %mul3A_141 : i32 to index
      %get3A_144 = tpu.vector_load %arg8[%get3A_142, %get3A_143] {strides = array<i32>} : memref<16x512xf32, #tpu.memory_space<vmem>>, vector<16xf32>,
      %get3A_145 = arith.index_cast %select_n3A_123 : i32 to index
      %get3A_146 = arith.index_cast %mul3A_141 : i32 to index
      %get3A_147 = tpu.vector_load %arg9[%get3A_145, %get3A_146] {strides = array<i32>} : memref<16x512xf32, #tpu.memory_space<vmem>>, vector<16xf32>,
      %get3A_148 = arith.index_cast %select_n3A_123 : i32 to index
      %get3A_149 = arith.index_cast %mul3A_141 : i32 to index
      %get3A_150 = tpu.vector_load %arg10[%get3A_148, %get3A_149] {strides = array<i32>} : memref<16x512xi32, #tpu.memory_space<vmem>>, vector<16xi32>,
      %sub3A_151 = arith.subf %get3A_144, %get3A_147 : vector<16xf32>
      %abs3A = math.absf %sub3A_151 : vector<16xf32>
      %bitcast_convert_type3A = tpu.bitcast %abs3A : vector<16xf32> -> vector<16xi32>
      %eq3A_152 = arith.constant 0 : i32
      %eq3A_153 = vector.broadcast %eq3A_152 : i32 to vector<16xi32>
      %eq3A_154 = arith.cmpi eq, %get3A_150, %eq3A_153 : vector<16xi32>
      %shift_right_logical3A = arith.constant 9 : i32
      %shift_right_logical3A_155 = vector.broadcast %shift_right_logical3A : i32 to vector<16xi32>
      %shift_right_logical3A_156 = arith.shrui %bitcast_convert_type3A, %shift_right_logical3A_155 : vector<16xi32>
      %eq3A_157 = arith.cmpi eq, %shift_right_logical3A_156, %get3A_33 : vector<16xi32>
      %and3A_158 = arith.andi %eq3A_154, %eq3A_157 : vector<16xi1>
      %shift_right_logical3A_159 = arith.constant 0 : i32
      %shift_right_logical3A_160 = vector.broadcast %shift_right_logical3A_159 : i32 to vector<16xi32>
      %shift_right_logical3A_161 = arith.shrui %bitcast_convert_type3A, %shift_right_logical3A_160 : vector<16xi32>
      %and3A_162 = arith.constant 511 : i32
      %and3A_163 = vector.broadcast %and3A_162 : i32 to vector<16xi32>
      %and3A_164 = arith.andi %shift_right_logical3A_161, %and3A_163 : vector<16xi32>
      %mul3A_165 = arith.constant 16 : i32
      %mul3A_166 = vector.broadcast %mul3A_165 : i32 to vector<16xi32>
      %mul3A_167 = arith.muli %and3A_164, %mul3A_166 : vector<16xi32>
      %add3A_168 = arith.addi %mul3A_167, %iota3A : vector<16xi32>
      tpu.vector_store_idx %arg12[%add3A_168], %broadcast_in_dim3A_42 masked %and3A_158 {add = true} : memref<8192xf32, #tpu.memory_space<vmem>>[vector<16xi32>], vector<16xf32>, vector<16xi1>
      tpu.vector_store_idx %arg13[%add3A_168], %abs3A masked %and3A_158 {add = true} : memref<8192xf32, #tpu.memory_space<vmem>>[vector<16xi32>], vector<16xf32>, vector<16xi1>
      %scan3A_169 = arith.constant 0 : i32
      scf.yield %scan3A_169 : i32
    }
    %scan3A_69 = arith.constant 512 : i32
    %add3A_70 = arith.constant 32 : i32
    %add3A_71 = arith.addi %mul3A_32, %add3A_70 : i32
    %run_scoped3A_72 = arith.constant 0 : i32
    "tpu.region"() ({
      %run_scoped3A_98 = tpu.sem_alloc : memref<!tpu.dma_semaphore, #tpu.memory_space<semaphore_mem>>
      %dma_start3A = arith.constant 0 : i32
      %dma_start3A_99 = tpu.memref_slice %arg2[%select_n3A, %run_scoped3A_72, %add3A_71, %dma_start3A] : memref<4x2x512x512xf32, #tpu.memory_space<hbm>> -> memref<1x1x16x512xf32, #tpu.memory_space<hbm>>
      %dma_start3A_100 = tpu.memref_squeeze %dma_start3A_99 : memref<1x1x16x512xf32, #tpu.memory_space<hbm>> -> memref<16x512xf32, #tpu.memory_space<hbm>>
      %dma_start3A_101 = arith.constant 0 : i32
      %dma_start3A_102 = tpu.memref_slice %arg2[%select_n3A, %run_scoped3A_72, %add3A_71, %dma_start3A_101] : memref<4x2x512x512xf32, #tpu.memory_space<hbm>> -> memref<1x1x16x512xf32, #tpu.memory_space<hbm>>
      %dma_start3A_103 = tpu.memref_squeeze %dma_start3A_102 : memref<1x1x16x512xf32, #tpu.memory_space<hbm>> -> memref<16x512xf32, #tpu.memory_space<hbm>>
      tpu.enqueue_dma source(%dma_start3A_103 : memref<16x512xf32, #tpu.memory_space<hbm>>) target(%arg8 : memref<16x512xf32, #tpu.memory_space<vmem>>) target_semaphore(%run_scoped3A_98 : memref<!tpu.dma_semaphore, #tpu.memory_space<semaphore_mem>>)
      %dma_wait3A = arith.constant 0 : i32
      %dma_wait3A_104 = tpu.memref_slice %arg2[%select_n3A, %run_scoped3A_72, %add3A_71, %dma_wait3A] : memref<4x2x512x512xf32, #tpu.memory_space<hbm>> -> memref<1x1x16x512xf32, #tpu.memory_space<hbm>>
      %dma_wait3A_105 = tpu.memref_squeeze %dma_wait3A_104 : memref<1x1x16x512xf32, #tpu.memory_space<hbm>> -> memref<16x512xf32, #tpu.memory_space<hbm>>
      %dma_wait3A_106 = arith.constant 0 : i32
      %dma_wait3A_107 = tpu.memref_slice %arg2[%select_n3A, %run_scoped3A_72, %add3A_71, %dma_wait3A_106] : memref<4x2x512x512xf32, #tpu.memory_space<hbm>> -> memref<1x1x16x512xf32, #tpu.memory_space<hbm>>
      %dma_wait3A_108 = tpu.memref_squeeze %dma_wait3A_107 : memref<1x1x16x512xf32, #tpu.memory_space<hbm>> -> memref<16x512xf32, #tpu.memory_space<hbm>>
      tpu.wait_dma2 semaphore(%run_scoped3A_98 : memref<!tpu.dma_semaphore, #tpu.memory_space<semaphore_mem>>) src(%dma_wait3A_108 : memref<16x512xf32, #tpu.memory_space<hbm>>) dst(%arg8 : memref<16x512xf32, #tpu.memory_space<vmem>>)
      tpu.yield
    }) : () -> ()
    %add3A_73 = arith.constant 32 : i32
    %add3A_74 = arith.addi %mul3A_32, %add3A_73 : i32
    "tpu.region"() ({
      %run_scoped3A_98 = tpu.sem_alloc : memref<!tpu.dma_semaphore, #tpu.memory_space<semaphore_mem>>
      %dma_start3A = arith.constant 0 : i32
      %dma_start3A_99 = tpu.memref_slice %arg3[%select_n3A, %add3A_74, %dma_start3A] : memref<4x512x512xf32, #tpu.memory_space<hbm>> -> memref<1x16x512xf32, #tpu.memory_space<hbm>>
      %dma_start3A_100 = tpu.memref_squeeze %dma_start3A_99 : memref<1x16x512xf32, #tpu.memory_space<hbm>> -> memref<16x512xf32, #tpu.memory_space<hbm>>
      %dma_start3A_101 = arith.constant 0 : i32
      %dma_start3A_102 = tpu.memref_slice %arg3[%select_n3A, %add3A_74, %dma_start3A_101] : memref<4x512x512xf32, #tpu.memory_space<hbm>> -> memref<1x16x512xf32, #tpu.memory_space<hbm>>
      %dma_start3A_103 = tpu.memref_squeeze %dma_start3A_102 : memref<1x16x512xf32, #tpu.memory_space<hbm>> -> memref<16x512xf32, #tpu.memory_space<hbm>>
      tpu.enqueue_dma source(%dma_start3A_103 : memref<16x512xf32, #tpu.memory_space<hbm>>) target(%arg9 : memref<16x512xf32, #tpu.memory_space<vmem>>) target_semaphore(%run_scoped3A_98 : memref<!tpu.dma_semaphore, #tpu.memory_space<semaphore_mem>>)
      %dma_wait3A = arith.constant 0 : i32
      %dma_wait3A_104 = tpu.memref_slice %arg3[%select_n3A, %add3A_74, %dma_wait3A] : memref<4x512x512xf32, #tpu.memory_space<hbm>> -> memref<1x16x512xf32, #tpu.memory_space<hbm>>
      %dma_wait3A_105 = tpu.memref_squeeze %dma_wait3A_104 : memref<1x16x512xf32, #tpu.memory_space<hbm>> -> memref<16x512xf32, #tpu.memory_space<hbm>>
      %dma_wait3A_106 = arith.constant 0 : i32
      %dma_wait3A_107 = tpu.memref_slice %arg3[%select_n3A, %add3A_74, %dma_wait3A_106] : memref<4x512x512xf32, #tpu.memory_space<hbm>> -> memref<1x16x512xf32, #tpu.memory_space<hbm>>
      %dma_wait3A_108 = tpu.memref_squeeze %dma_wait3A_107 : memref<1x16x512xf32, #tpu.memory_space<hbm>> -> memref<16x512xf32, #tpu.memory_space<hbm>>
      tpu.wait_dma2 semaphore(%run_scoped3A_98 : memref<!tpu.dma_semaphore, #tpu.memory_space<semaphore_mem>>) src(%dma_wait3A_108 : memref<16x512xf32, #tpu.memory_space<hbm>>) dst(%arg9 : memref<16x512xf32, #tpu.memory_space<vmem>>)
      tpu.yield
    }) : () -> ()
    %add3A_75 = arith.constant 32 : i32
    %add3A_76 = arith.addi %mul3A_32, %add3A_75 : i32
    "tpu.region"() ({
      %run_scoped3A_98 = tpu.sem_alloc : memref<!tpu.dma_semaphore, #tpu.memory_space<semaphore_mem>>
      %dma_start3A = arith.constant 0 : i32
      %dma_start3A_99 = tpu.memref_slice %arg4[%select_n3A, %add3A_76, %dma_start3A] : memref<4x512x512xi32, #tpu.memory_space<hbm>> -> memref<1x16x512xi32, #tpu.memory_space<hbm>>
      %dma_start3A_100 = tpu.memref_squeeze %dma_start3A_99 : memref<1x16x512xi32, #tpu.memory_space<hbm>> -> memref<16x512xi32, #tpu.memory_space<hbm>>
      %dma_start3A_101 = arith.constant 0 : i32
      %dma_start3A_102 = tpu.memref_slice %arg4[%select_n3A, %add3A_76, %dma_start3A_101] : memref<4x512x512xi32, #tpu.memory_space<hbm>> -> memref<1x16x512xi32, #tpu.memory_space<hbm>>
      %dma_start3A_103 = tpu.memref_squeeze %dma_start3A_102 : memref<1x16x512xi32, #tpu.memory_space<hbm>> -> memref<16x512xi32, #tpu.memory_space<hbm>>
      tpu.enqueue_dma source(%dma_start3A_103 : memref<16x512xi32, #tpu.memory_space<hbm>>) target(%arg10 : memref<16x512xi32, #tpu.memory_space<vmem>>) target_semaphore(%run_scoped3A_98 : memref<!tpu.dma_semaphore, #tpu.memory_space<semaphore_mem>>)
      %dma_wait3A = arith.constant 0 : i32
      %dma_wait3A_104 = tpu.memref_slice %arg4[%select_n3A, %add3A_76, %dma_wait3A] : memref<4x512x512xi32, #tpu.memory_space<hbm>> -> memref<1x16x512xi32, #tpu.memory_space<hbm>>
      %dma_wait3A_105 = tpu.memref_squeeze %dma_wait3A_104 : memref<1x16x512xi32, #tpu.memory_space<hbm>> -> memref<16x512xi32, #tpu.memory_space<hbm>>
      %dma_wait3A_106 = arith.constant 0 : i32
      %dma_wait3A_107 = tpu.memref_slice %arg4[%select_n3A, %add3A_76, %dma_wait3A_106] : memref<4x512x512xi32, #tpu.memory_space<hbm>> -> memref<1x16x512xi32, #tpu.memory_space<hbm>>
      %dma_wait3A_108 = tpu.memref_squeeze %dma_wait3A_107 : memref<1x16x512xi32, #tpu.memory_space<hbm>> -> memref<16x512xi32, #tpu.memory_space<hbm>>
      tpu.wait_dma2 semaphore(%run_scoped3A_98 : memref<!tpu.dma_semaphore, #tpu.memory_space<semaphore_mem>>) src(%dma_wait3A_108 : memref<16x512xi32, #tpu.memory_space<hbm>>) dst(%arg10 : memref<16x512xi32, #tpu.memory_space<vmem>>)
      tpu.yield
    }) : () -> ()
    %scan3A_77 = arith.constant 0 : i32
    %scan3A_78 = arith.constant 0 : i32
    %scan3A_79 = arith.constant 512 : i32
    %scan3A_80 = arith.addi %scan3A_78, %scan3A_79 : i32
    %scan3A_81 = arith.constant 1 : i32
    %scan3A_82 = scf.for %scan3A_98 = %scan3A_78 to %scan3A_80 step %scan3A_81 iter_args(%scan3A_99 = %scan3A_77) -> (i32)  : i32 {
      %jit3A_100 = arith.constant 32 : i32
      %div3A_101 = arith.divsi %scan3A_98, %jit3A_100 : i32
      %sign3A_102 = arith.constant 0 : i32
      %sign3A_103 = arith.cmpi sgt, %scan3A_98, %sign3A_102 : i32
      %sign3A_104 = arith.extui %sign3A_103 : i1 to i32
      %sign3A_105 = arith.constant 0 : i32
      %sign3A_106 = arith.cmpi slt, %scan3A_98, %sign3A_105 : i32
      %sign3A_107 = arith.extui %sign3A_106 : i1 to i32
      %sign3A_108 = arith.subi %sign3A_104, %sign3A_107 : i32
      %sign3A_109 = arith.constant 0 : i32
      %sign3A_110 = arith.cmpi sgt, %jit3A_100, %sign3A_109 : i32
      %sign3A_111 = arith.extui %sign3A_110 : i1 to i32
      %sign3A_112 = arith.constant 0 : i32
      %sign3A_113 = arith.cmpi slt, %jit3A_100, %sign3A_112 : i32
      %sign3A_114 = arith.extui %sign3A_113 : i1 to i32
      %sign3A_115 = arith.subi %sign3A_111, %sign3A_114 : i32
      %ne3A_116 = arith.cmpi ne, %sign3A_108, %sign3A_115 : i32
      %rem3A_117 = arith.remsi %scan3A_98, %jit3A_100 : i32
      %ne3A_118 = arith.constant 0 : i32
      %ne3A_119 = arith.cmpi ne, %rem3A_117, %ne3A_118 : i32
      %and3A_120 = arith.andi %ne3A_116, %ne3A_119 : i1
      %sub3A_121 = arith.constant 1 : i32
      %sub3A_122 = arith.subi %div3A_101, %sub3A_121 : i32
      %select_n3A_123 = arith.select %and3A_120, %sub3A_122, %div3A_101 : i32
      %jit3A_124 = arith.constant 32 : i32
      %eq3A_125 = arith.constant 0 : i32
      %eq3A_126 = arith.cmpi eq, %jit3A_124, %eq3A_125 : i32
      %jit3A_127 = arith.constant 1 : i32
      %select_n3A_128 = arith.select %eq3A_126, %jit3A_127, %jit3A_124 : i32
      %rem3A_129 = arith.remsi %scan3A_98, %select_n3A_128 : i32
      %ne3A_130 = arith.constant 0 : i32
      %ne3A_131 = arith.cmpi ne, %rem3A_129, %ne3A_130 : i32
      %lt3A_132 = arith.constant 0 : i32
      %lt3A_133 = arith.cmpi slt, %rem3A_129, %lt3A_132 : i32
      %lt3A_134 = arith.constant 0 : i32
      %lt3A_135 = arith.cmpi slt, %select_n3A_128, %lt3A_134 : i32
      %ne3A_136 = arith.xori %lt3A_133, %lt3A_135 : i1
      %and3A_137 = arith.andi %ne3A_136, %ne3A_131 : i1
      %add3A_138 = arith.addi %rem3A_129, %select_n3A_128 : i32
      %select_n3A_139 = arith.select %and3A_137, %add3A_138, %rem3A_129 : i32
      %mul3A_140 = arith.constant 16 : i32
      %mul3A_141 = arith.muli %select_n3A_139, %mul3A_140 : i32
      %get3A_142 = arith.index_cast %select_n3A_123 : i32 to index
      %get3A_143 = arith.index_cast %mul3A_141 : i32 to index
      %get3A_144 = tpu.vector_load %arg8[%get3A_142, %get3A_143] {strides = array<i32>} : memref<16x512xf32, #tpu.memory_space<vmem>>, vector<16xf32>,
      %get3A_145 = arith.index_cast %select_n3A_123 : i32 to index
      %get3A_146 = arith.index_cast %mul3A_141 : i32 to index
      %get3A_147 = tpu.vector_load %arg9[%get3A_145, %get3A_146] {strides = array<i32>} : memref<16x512xf32, #tpu.memory_space<vmem>>, vector<16xf32>,
      %get3A_148 = arith.index_cast %select_n3A_123 : i32 to index
      %get3A_149 = arith.index_cast %mul3A_141 : i32 to index
      %get3A_150 = tpu.vector_load %arg10[%get3A_148, %get3A_149] {strides = array<i32>} : memref<16x512xi32, #tpu.memory_space<vmem>>, vector<16xi32>,
      %sub3A_151 = arith.subf %get3A_144, %get3A_147 : vector<16xf32>
      %abs3A = math.absf %sub3A_151 : vector<16xf32>
      %bitcast_convert_type3A = tpu.bitcast %abs3A : vector<16xf32> -> vector<16xi32>
      %eq3A_152 = arith.constant 0 : i32
      %eq3A_153 = vector.broadcast %eq3A_152 : i32 to vector<16xi32>
      %eq3A_154 = arith.cmpi eq, %get3A_150, %eq3A_153 : vector<16xi32>
      %shift_right_logical3A = arith.constant 9 : i32
      %shift_right_logical3A_155 = vector.broadcast %shift_right_logical3A : i32 to vector<16xi32>
      %shift_right_logical3A_156 = arith.shrui %bitcast_convert_type3A, %shift_right_logical3A_155 : vector<16xi32>
      %eq3A_157 = arith.cmpi eq, %shift_right_logical3A_156, %get3A_33 : vector<16xi32>
      %and3A_158 = arith.andi %eq3A_154, %eq3A_157 : vector<16xi1>
      %shift_right_logical3A_159 = arith.constant 0 : i32
      %shift_right_logical3A_160 = vector.broadcast %shift_right_logical3A_159 : i32 to vector<16xi32>
      %shift_right_logical3A_161 = arith.shrui %bitcast_convert_type3A, %shift_right_logical3A_160 : vector<16xi32>
      %and3A_162 = arith.constant 511 : i32
      %and3A_163 = vector.broadcast %and3A_162 : i32 to vector<16xi32>
      %and3A_164 = arith.andi %shift_right_logical3A_161, %and3A_163 : vector<16xi32>
      %mul3A_165 = arith.constant 16 : i32
      %mul3A_166 = vector.broadcast %mul3A_165 : i32 to vector<16xi32>
      %mul3A_167 = arith.muli %and3A_164, %mul3A_166 : vector<16xi32>
      %add3A_168 = arith.addi %mul3A_167, %iota3A : vector<16xi32>
      tpu.vector_store_idx %arg12[%add3A_168], %broadcast_in_dim3A_42 masked %and3A_158 {add = true} : memref<8192xf32, #tpu.memory_space<vmem>>[vector<16xi32>], vector<16xf32>, vector<16xi1>
      tpu.vector_store_idx %arg13[%add3A_168], %abs3A masked %and3A_158 {add = true} : memref<8192xf32, #tpu.memory_space<vmem>>[vector<16xi32>], vector<16xf32>, vector<16xi1>
      %scan3A_169 = arith.constant 0 : i32
      scf.yield %scan3A_169 : i32
    }
    %scan3A_83 = arith.constant 512 : i32
    %add3A_84 = arith.constant 48 : i32
    %add3A_85 = arith.addi %mul3A_32, %add3A_84 : i32
    %run_scoped3A_86 = arith.constant 0 : i32
    "tpu.region"() ({
      %run_scoped3A_98 = tpu.sem_alloc : memref<!tpu.dma_semaphore, #tpu.memory_space<semaphore_mem>>
      %dma_start3A = arith.constant 0 : i32
      %dma_start3A_99 = tpu.memref_slice %arg2[%select_n3A, %run_scoped3A_86, %add3A_85, %dma_start3A] : memref<4x2x512x512xf32, #tpu.memory_space<hbm>> -> memref<1x1x16x512xf32, #tpu.memory_space<hbm>>
      %dma_start3A_100 = tpu.memref_squeeze %dma_start3A_99 : memref<1x1x16x512xf32, #tpu.memory_space<hbm>> -> memref<16x512xf32, #tpu.memory_space<hbm>>
      %dma_start3A_101 = arith.constant 0 : i32
      %dma_start3A_102 = tpu.memref_slice %arg2[%select_n3A, %run_scoped3A_86, %add3A_85, %dma_start3A_101] : memref<4x2x512x512xf32, #tpu.memory_space<hbm>> -> memref<1x1x16x512xf32, #tpu.memory_space<hbm>>
      %dma_start3A_103 = tpu.memref_squeeze %dma_start3A_102 : memref<1x1x16x512xf32, #tpu.memory_space<hbm>> -> memref<16x512xf32, #tpu.memory_space<hbm>>
      tpu.enqueue_dma source(%dma_start3A_103 : memref<16x512xf32, #tpu.memory_space<hbm>>) target(%arg8 : memref<16x512xf32, #tpu.memory_space<vmem>>) target_semaphore(%run_scoped3A_98 : memref<!tpu.dma_semaphore, #tpu.memory_space<semaphore_mem>>)
      %dma_wait3A = arith.constant 0 : i32
      %dma_wait3A_104 = tpu.memref_slice %arg2[%select_n3A, %run_scoped3A_86, %add3A_85, %dma_wait3A] : memref<4x2x512x512xf32, #tpu.memory_space<hbm>> -> memref<1x1x16x512xf32, #tpu.memory_space<hbm>>
      %dma_wait3A_105 = tpu.memref_squeeze %dma_wait3A_104 : memref<1x1x16x512xf32, #tpu.memory_space<hbm>> -> memref<16x512xf32, #tpu.memory_space<hbm>>
      %dma_wait3A_106 = arith.constant 0 : i32
      %dma_wait3A_107 = tpu.memref_slice %arg2[%select_n3A, %run_scoped3A_86, %add3A_85, %dma_wait3A_106] : memref<4x2x512x512xf32, #tpu.memory_space<hbm>> -> memref<1x1x16x512xf32, #tpu.memory_space<hbm>>
      %dma_wait3A_108 = tpu.memref_squeeze %dma_wait3A_107 : memref<1x1x16x512xf32, #tpu.memory_space<hbm>> -> memref<16x512xf32, #tpu.memory_space<hbm>>
      tpu.wait_dma2 semaphore(%run_scoped3A_98 : memref<!tpu.dma_semaphore, #tpu.memory_space<semaphore_mem>>) src(%dma_wait3A_108 : memref<16x512xf32, #tpu.memory_space<hbm>>) dst(%arg8 : memref<16x512xf32, #tpu.memory_space<vmem>>)
      tpu.yield
    }) : () -> ()
    %add3A_87 = arith.constant 48 : i32
    %add3A_88 = arith.addi %mul3A_32, %add3A_87 : i32
    "tpu.region"() ({
      %run_scoped3A_98 = tpu.sem_alloc : memref<!tpu.dma_semaphore, #tpu.memory_space<semaphore_mem>>
      %dma_start3A = arith.constant 0 : i32
      %dma_start3A_99 = tpu.memref_slice %arg3[%select_n3A, %add3A_88, %dma_start3A] : memref<4x512x512xf32, #tpu.memory_space<hbm>> -> memref<1x16x512xf32, #tpu.memory_space<hbm>>
      %dma_start3A_100 = tpu.memref_squeeze %dma_start3A_99 : memref<1x16x512xf32, #tpu.memory_space<hbm>> -> memref<16x512xf32, #tpu.memory_space<hbm>>
      %dma_start3A_101 = arith.constant 0 : i32
      %dma_start3A_102 = tpu.memref_slice %arg3[%select_n3A, %add3A_88, %dma_start3A_101] : memref<4x512x512xf32, #tpu.memory_space<hbm>> -> memref<1x16x512xf32, #tpu.memory_space<hbm>>
      %dma_start3A_103 = tpu.memref_squeeze %dma_start3A_102 : memref<1x16x512xf32, #tpu.memory_space<hbm>> -> memref<16x512xf32, #tpu.memory_space<hbm>>
      tpu.enqueue_dma source(%dma_start3A_103 : memref<16x512xf32, #tpu.memory_space<hbm>>) target(%arg9 : memref<16x512xf32, #tpu.memory_space<vmem>>) target_semaphore(%run_scoped3A_98 : memref<!tpu.dma_semaphore, #tpu.memory_space<semaphore_mem>>)
      %dma_wait3A = arith.constant 0 : i32
      %dma_wait3A_104 = tpu.memref_slice %arg3[%select_n3A, %add3A_88, %dma_wait3A] : memref<4x512x512xf32, #tpu.memory_space<hbm>> -> memref<1x16x512xf32, #tpu.memory_space<hbm>>
      %dma_wait3A_105 = tpu.memref_squeeze %dma_wait3A_104 : memref<1x16x512xf32, #tpu.memory_space<hbm>> -> memref<16x512xf32, #tpu.memory_space<hbm>>
      %dma_wait3A_106 = arith.constant 0 : i32
      %dma_wait3A_107 = tpu.memref_slice %arg3[%select_n3A, %add3A_88, %dma_wait3A_106] : memref<4x512x512xf32, #tpu.memory_space<hbm>> -> memref<1x16x512xf32, #tpu.memory_space<hbm>>
      %dma_wait3A_108 = tpu.memref_squeeze %dma_wait3A_107 : memref<1x16x512xf32, #tpu.memory_space<hbm>> -> memref<16x512xf32, #tpu.memory_space<hbm>>
      tpu.wait_dma2 semaphore(%run_scoped3A_98 : memref<!tpu.dma_semaphore, #tpu.memory_space<semaphore_mem>>) src(%dma_wait3A_108 : memref<16x512xf32, #tpu.memory_space<hbm>>) dst(%arg9 : memref<16x512xf32, #tpu.memory_space<vmem>>)
      tpu.yield
    }) : () -> ()
    %add3A_89 = arith.constant 48 : i32
    %add3A_90 = arith.addi %mul3A_32, %add3A_89 : i32
    "tpu.region"() ({
      %run_scoped3A_98 = tpu.sem_alloc : memref<!tpu.dma_semaphore, #tpu.memory_space<semaphore_mem>>
      %dma_start3A = arith.constant 0 : i32
      %dma_start3A_99 = tpu.memref_slice %arg4[%select_n3A, %add3A_90, %dma_start3A] : memref<4x512x512xi32, #tpu.memory_space<hbm>> -> memref<1x16x512xi32, #tpu.memory_space<hbm>>
      %dma_start3A_100 = tpu.memref_squeeze %dma_start3A_99 : memref<1x16x512xi32, #tpu.memory_space<hbm>> -> memref<16x512xi32, #tpu.memory_space<hbm>>
      %dma_start3A_101 = arith.constant 0 : i32
      %dma_start3A_102 = tpu.memref_slice %arg4[%select_n3A, %add3A_90, %dma_start3A_101] : memref<4x512x512xi32, #tpu.memory_space<hbm>> -> memref<1x16x512xi32, #tpu.memory_space<hbm>>
      %dma_start3A_103 = tpu.memref_squeeze %dma_start3A_102 : memref<1x16x512xi32, #tpu.memory_space<hbm>> -> memref<16x512xi32, #tpu.memory_space<hbm>>
      tpu.enqueue_dma source(%dma_start3A_103 : memref<16x512xi32, #tpu.memory_space<hbm>>) target(%arg10 : memref<16x512xi32, #tpu.memory_space<vmem>>) target_semaphore(%run_scoped3A_98 : memref<!tpu.dma_semaphore, #tpu.memory_space<semaphore_mem>>)
      %dma_wait3A = arith.constant 0 : i32
      %dma_wait3A_104 = tpu.memref_slice %arg4[%select_n3A, %add3A_90, %dma_wait3A] : memref<4x512x512xi32, #tpu.memory_space<hbm>> -> memref<1x16x512xi32, #tpu.memory_space<hbm>>
      %dma_wait3A_105 = tpu.memref_squeeze %dma_wait3A_104 : memref<1x16x512xi32, #tpu.memory_space<hbm>> -> memref<16x512xi32, #tpu.memory_space<hbm>>
      %dma_wait3A_106 = arith.constant 0 : i32
      %dma_wait3A_107 = tpu.memref_slice %arg4[%select_n3A, %add3A_90, %dma_wait3A_106] : memref<4x512x512xi32, #tpu.memory_space<hbm>> -> memref<1x16x512xi32, #tpu.memory_space<hbm>>
      %dma_wait3A_108 = tpu.memref_squeeze %dma_wait3A_107 : memref<1x16x512xi32, #tpu.memory_space<hbm>> -> memref<16x512xi32, #tpu.memory_space<hbm>>
      tpu.wait_dma2 semaphore(%run_scoped3A_98 : memref<!tpu.dma_semaphore, #tpu.memory_space<semaphore_mem>>) src(%dma_wait3A_108 : memref<16x512xi32, #tpu.memory_space<hbm>>) dst(%arg10 : memref<16x512xi32, #tpu.memory_space<vmem>>)
      tpu.yield
    }) : () -> ()
    %scan3A_91 = arith.constant 0 : i32
    %scan3A_92 = arith.constant 0 : i32
    %scan3A_93 = arith.constant 512 : i32
    %scan3A_94 = arith.addi %scan3A_92, %scan3A_93 : i32
    %scan3A_95 = arith.constant 1 : i32
    %scan3A_96 = scf.for %scan3A_98 = %scan3A_92 to %scan3A_94 step %scan3A_95 iter_args(%scan3A_99 = %scan3A_91) -> (i32)  : i32 {
      %jit3A_100 = arith.constant 32 : i32
      %div3A_101 = arith.divsi %scan3A_98, %jit3A_100 : i32
      %sign3A_102 = arith.constant 0 : i32
      %sign3A_103 = arith.cmpi sgt, %scan3A_98, %sign3A_102 : i32
      %sign3A_104 = arith.extui %sign3A_103 : i1 to i32
      %sign3A_105 = arith.constant 0 : i32
      %sign3A_106 = arith.cmpi slt, %scan3A_98, %sign3A_105 : i32
      %sign3A_107 = arith.extui %sign3A_106 : i1 to i32
      %sign3A_108 = arith.subi %sign3A_104, %sign3A_107 : i32
      %sign3A_109 = arith.constant 0 : i32
      %sign3A_110 = arith.cmpi sgt, %jit3A_100, %sign3A_109 : i32
      %sign3A_111 = arith.extui %sign3A_110 : i1 to i32
      %sign3A_112 = arith.constant 0 : i32
      %sign3A_113 = arith.cmpi slt, %jit3A_100, %sign3A_112 : i32
      %sign3A_114 = arith.extui %sign3A_113 : i1 to i32
      %sign3A_115 = arith.subi %sign3A_111, %sign3A_114 : i32
      %ne3A_116 = arith.cmpi ne, %sign3A_108, %sign3A_115 : i32
      %rem3A_117 = arith.remsi %scan3A_98, %jit3A_100 : i32
      %ne3A_118 = arith.constant 0 : i32
      %ne3A_119 = arith.cmpi ne, %rem3A_117, %ne3A_118 : i32
      %and3A_120 = arith.andi %ne3A_116, %ne3A_119 : i1
      %sub3A_121 = arith.constant 1 : i32
      %sub3A_122 = arith.subi %div3A_101, %sub3A_121 : i32
      %select_n3A_123 = arith.select %and3A_120, %sub3A_122, %div3A_101 : i32
      %jit3A_124 = arith.constant 32 : i32
      %eq3A_125 = arith.constant 0 : i32
      %eq3A_126 = arith.cmpi eq, %jit3A_124, %eq3A_125 : i32
      %jit3A_127 = arith.constant 1 : i32
      %select_n3A_128 = arith.select %eq3A_126, %jit3A_127, %jit3A_124 : i32
      %rem3A_129 = arith.remsi %scan3A_98, %select_n3A_128 : i32
      %ne3A_130 = arith.constant 0 : i32
      %ne3A_131 = arith.cmpi ne, %rem3A_129, %ne3A_130 : i32
      %lt3A_132 = arith.constant 0 : i32
      %lt3A_133 = arith.cmpi slt, %rem3A_129, %lt3A_132 : i32
      %lt3A_134 = arith.constant 0 : i32
      %lt3A_135 = arith.cmpi slt, %select_n3A_128, %lt3A_134 : i32
      %ne3A_136 = arith.xori %lt3A_133, %lt3A_135 : i1
      %and3A_137 = arith.andi %ne3A_136, %ne3A_131 : i1
      %add3A_138 = arith.addi %rem3A_129, %select_n3A_128 : i32
      %select_n3A_139 = arith.select %and3A_137, %add3A_138, %rem3A_129 : i32
      %mul3A_140 = arith.constant 16 : i32
      %mul3A_141 = arith.muli %select_n3A_139, %mul3A_140 : i32
      %get3A_142 = arith.index_cast %select_n3A_123 : i32 to index
      %get3A_143 = arith.index_cast %mul3A_141 : i32 to index
      %get3A_144 = tpu.vector_load %arg8[%get3A_142, %get3A_143] {strides = array<i32>} : memref<16x512xf32, #tpu.memory_space<vmem>>, vector<16xf32>,
      %get3A_145 = arith.index_cast %select_n3A_123 : i32 to index
      %get3A_146 = arith.index_cast %mul3A_141 : i32 to index
      %get3A_147 = tpu.vector_load %arg9[%get3A_145, %get3A_146] {strides = array<i32>} : memref<16x512xf32, #tpu.memory_space<vmem>>, vector<16xf32>,
      %get3A_148 = arith.index_cast %select_n3A_123 : i32 to index
      %get3A_149 = arith.index_cast %mul3A_141 : i32 to index
      %get3A_150 = tpu.vector_load %arg10[%get3A_148, %get3A_149] {strides = array<i32>} : memref<16x512xi32, #tpu.memory_space<vmem>>, vector<16xi32>,
      %sub3A_151 = arith.subf %get3A_144, %get3A_147 : vector<16xf32>
      %abs3A = math.absf %sub3A_151 : vector<16xf32>
      %bitcast_convert_type3A = tpu.bitcast %abs3A : vector<16xf32> -> vector<16xi32>
      %eq3A_152 = arith.constant 0 : i32
      %eq3A_153 = vector.broadcast %eq3A_152 : i32 to vector<16xi32>
      %eq3A_154 = arith.cmpi eq, %get3A_150, %eq3A_153 : vector<16xi32>
      %shift_right_logical3A = arith.constant 9 : i32
      %shift_right_logical3A_155 = vector.broadcast %shift_right_logical3A : i32 to vector<16xi32>
      %shift_right_logical3A_156 = arith.shrui %bitcast_convert_type3A, %shift_right_logical3A_155 : vector<16xi32>
      %eq3A_157 = arith.cmpi eq, %shift_right_logical3A_156, %get3A_33 : vector<16xi32>
      %and3A_158 = arith.andi %eq3A_154, %eq3A_157 : vector<16xi1>
      %shift_right_logical3A_159 = arith.constant 0 : i32
      %shift_right_logical3A_160 = vector.broadcast %shift_right_logical3A_159 : i32 to vector<16xi32>
      %shift_right_logical3A_161 = arith.shrui %bitcast_convert_type3A, %shift_right_logical3A_160 : vector<16xi32>
      %and3A_162 = arith.constant 511 : i32
      %and3A_163 = vector.broadcast %and3A_162 : i32 to vector<16xi32>
      %and3A_164 = arith.andi %shift_right_logical3A_161, %and3A_163 : vector<16xi32>
      %mul3A_165 = arith.constant 16 : i32
      %mul3A_166 = vector.broadcast %mul3A_165 : i32 to vector<16xi32>
      %mul3A_167 = arith.muli %and3A_164, %mul3A_166 : vector<16xi32>
      %add3A_168 = arith.addi %mul3A_167, %iota3A : vector<16xi32>
      tpu.vector_store_idx %arg12[%add3A_168], %broadcast_in_dim3A_42 masked %and3A_158 {add = true} : memref<8192xf32, #tpu.memory_space<vmem>>[vector<16xi32>], vector<16xf32>, vector<16xi1>
      tpu.vector_store_idx %arg13[%add3A_168], %abs3A masked %and3A_158 {add = true} : memref<8192xf32, #tpu.memory_space<vmem>>[vector<16xi32>], vector<16xf32>, vector<16xi1>
      %scan3A_169 = arith.constant 0 : i32
      scf.yield %scan3A_169 : i32
    }
    %scan3A_97 = arith.constant 512 : i32
    "tpu.region"() ({
      %run_scoped3A_98 = tpu.sem_alloc : memref<!tpu.dma_semaphore, #tpu.memory_space<semaphore_mem>>
      %dma_start3A = arith.constant 0 : i32
      %dma_start3A_99 = tpu.memref_slice %arg6[%add3A, %dma_start3A] : memref<32x8192xf32, #tpu.memory_space<hbm>> -> memref<1x8192xf32, #tpu.memory_space<hbm>>
      %dma_start3A_100 = tpu.memref_squeeze %dma_start3A_99 : memref<1x8192xf32, #tpu.memory_space<hbm>> -> memref<8192xf32, #tpu.memory_space<hbm>>
      %dma_start3A_101 = arith.constant 0 : i32
      %dma_start3A_102 = tpu.memref_slice %arg6[%add3A, %dma_start3A_101] : memref<32x8192xf32, #tpu.memory_space<hbm>> -> memref<1x8192xf32, #tpu.memory_space<hbm>>
      %dma_start3A_103 = tpu.memref_squeeze %dma_start3A_102 : memref<1x8192xf32, #tpu.memory_space<hbm>> -> memref<8192xf32, #tpu.memory_space<hbm>>
      tpu.enqueue_dma source(%arg12 : memref<8192xf32, #tpu.memory_space<vmem>>) target(%dma_start3A_103 : memref<8192xf32, #tpu.memory_space<hbm>>) target_semaphore(%run_scoped3A_98 : memref<!tpu.dma_semaphore, #tpu.memory_space<semaphore_mem>>)
      %dma_wait3A = arith.constant 0 : i32
      %dma_wait3A_104 = tpu.memref_slice %arg6[%add3A, %dma_wait3A] : memref<32x8192xf32, #tpu.memory_space<hbm>> -> memref<1x8192xf32, #tpu.memory_space<hbm>>
      %dma_wait3A_105 = tpu.memref_squeeze %dma_wait3A_104 : memref<1x8192xf32, #tpu.memory_space<hbm>> -> memref<8192xf32, #tpu.memory_space<hbm>>
      %dma_wait3A_106 = arith.constant 0 : i32
      %dma_wait3A_107 = tpu.memref_slice %arg6[%add3A, %dma_wait3A_106] : memref<32x8192xf32, #tpu.memory_space<hbm>> -> memref<1x8192xf32, #tpu.memory_space<hbm>>
      %dma_wait3A_108 = tpu.memref_squeeze %dma_wait3A_107 : memref<1x8192xf32, #tpu.memory_space<hbm>> -> memref<8192xf32, #tpu.memory_space<hbm>>
      tpu.wait_dma2 semaphore(%run_scoped3A_98 : memref<!tpu.dma_semaphore, #tpu.memory_space<semaphore_mem>>) src(%arg12 : memref<8192xf32, #tpu.memory_space<vmem>>) dst(%dma_wait3A_108 : memref<8192xf32, #tpu.memory_space<hbm>>)
      tpu.yield
    }) : () -> ()
    "tpu.region"() ({
      %run_scoped3A_98 = tpu.sem_alloc : memref<!tpu.dma_semaphore, #tpu.memory_space<semaphore_mem>>
      %dma_start3A = arith.constant 0 : i32
      %dma_start3A_99 = tpu.memref_slice %arg7[%add3A, %dma_start3A] : memref<32x8192xf32, #tpu.memory_space<hbm>> -> memref<1x8192xf32, #tpu.memory_space<hbm>>
      %dma_start3A_100 = tpu.memref_squeeze %dma_start3A_99 : memref<1x8192xf32, #tpu.memory_space<hbm>> -> memref<8192xf32, #tpu.memory_space<hbm>>
      %dma_start3A_101 = arith.constant 0 : i32
      %dma_start3A_102 = tpu.memref_slice %arg7[%add3A, %dma_start3A_101] : memref<32x8192xf32, #tpu.memory_space<hbm>> -> memref<1x8192xf32, #tpu.memory_space<hbm>>
      %dma_start3A_103 = tpu.memref_squeeze %dma_start3A_102 : memref<1x8192xf32, #tpu.memory_space<hbm>> -> memref<8192xf32, #tpu.memory_space<hbm>>
      tpu.enqueue_dma source(%arg13 : memref<8192xf32, #tpu.memory_space<vmem>>) target(%dma_start3A_103 : memref<8192xf32, #tpu.memory_space<hbm>>) target_semaphore(%run_scoped3A_98 : memref<!tpu.dma_semaphore, #tpu.memory_space<semaphore_mem>>)
      %dma_wait3A = arith.constant 0 : i32
      %dma_wait3A_104 = tpu.memref_slice %arg7[%add3A, %dma_wait3A] : memref<32x8192xf32, #tpu.memory_space<hbm>> -> memref<1x8192xf32, #tpu.memory_space<hbm>>
      %dma_wait3A_105 = tpu.memref_squeeze %dma_wait3A_104 : memref<1x8192xf32, #tpu.memory_space<hbm>> -> memref<8192xf32, #tpu.memory_space<hbm>>
      %dma_wait3A_106 = arith.constant 0 : i32
      %dma_wait3A_107 = tpu.memref_slice %arg7[%add3A, %dma_wait3A_106] : memref<32x8192xf32, #tpu.memory_space<hbm>> -> memref<1x8192xf32, #tpu.memory_space<hbm>>
      %dma_wait3A_108 = tpu.memref_squeeze %dma_wait3A_107 : memref<1x8192xf32, #tpu.memory_space<hbm>> -> memref<8192xf32, #tpu.memory_space<hbm>>
      tpu.wait_dma2 semaphore(%run_scoped3A_98 : memref<!tpu.dma_semaphore, #tpu.memory_space<semaphore_mem>>) src(%arg13 : memref<8192xf32, #tpu.memory_space<vmem>>) dst(%dma_wait3A_108 : memref<8192xf32, #tpu.memory_space<hbm>>)
      tpu.yield
    }) : () -> ()
    return
  }
}

</mosaic_0001>

<sc_bundles>
// kernel: branch_0_fun.11.cloned.1.call-start
scs
__scs_entry_jumppad:
0x0: {  	(pc) =	sbr.rel $0x88, $3  }
0x1: {  	(tag) =	ssettag $0x0;
	lr =	simm.s32 $0x1  }
0x2: {  	[smem:$0x3F9E] =	sst lr;
	_ =	strace $0xD0000000  }
0x3: {  	_ = 	snop  }
0x4: {  	_ = 	snop  }
0x5: {  	_ = 	snop  }
0x6: {  	_ = 	snop  }
0x7: {  	_ = 	snop  }
__scs_overlays_trampoline_lowered:
0x8: {  	[smem:$0x3FAD] =	sst s0  }
0x9: {  	[smem:$0x3FAE] =	sst s1  }
0xa: {  	[smem:$0x3FAF] =	sst s2  }
0xb: {  	[smem:$0x3FB0] =	sst s3  }
0xc: {  	[smem:$0x3FB1] =	sst s4  }
0xd: {  	[smem:$0x3FB2] =	sst s5  }
0xe: {  	[smem:$0x3FB3] =	sst s6  }
0xf: {  	[smem:$0x3FB4] =	sst s7  }
0x10: {  	[smem:$0x3FB5] =	sst s8  }
0x11: {  	[smem:$0x3FB6] =	sst s9;
	s0 =	simm.s32 @!p0 $0x0  }
0x12: {  	s1 =	sld [smem:$0x3F9C];
	s0 =	simm.s32 @p0 $0x1  }
0x13: {  	[smem:$0x3FB7] =	sst s0;
	s0 =	simm.s32 @!p1 $0x0  }
0x14: {  	s2 =	sld [smem:$0x3F9B];
	s0 =	simm.s32 @p1 $0x1  }
0x15: {  	[smem:$0x3FB8] =	sst s0;
	s0 =	simm.s32 @!p2 $0x0  }
0x16: {  	s3 =	sld [smem:$0x3FDB];
	s0 =	simm.s32 @p2 $0x1  }
0x17: {  	s4 =	simm.s32 $0x1BF5;
	[smem:$0x3FBA] =	sst s0  }
0x18: {  	s0 =	sld [smem:$0x3F9D];
	_ =	swait.ge [sflag:s4], $0x0  }
0x19: {  	s7 =	sld [smem:$0x3F9E]  }
0x1a: {  	s8 =	sadd.s32 $0xFFFFE003, lr  }
0x1b: {  	s9 =	sadd.s32 $0xFFFFFEF7, lr;
	s5 =	simm.s32 $0xFFFFFFFF;
	p2 =	slt.u32 s8, $0xFFFFF086  }
0x1c: {  	p1 =	slt.u32 s9, $0xF7A;
	s5 =	simm.s32 @!p2 $0x0  }
0x1d: {  	s5 =	simm.s32 @p1 $0x1;
	p0 =	seq.s32 s7, s2  }
0x1e: {  	s7 =	smul.u32 @!p0 $0xF7A, s2;
	p2 =	seq.s32 @!p0 s5, $0x0  }
0x1f: {  	s9 =	smul.u32 $0xF7A, s1;
	s8 =	simm.s32 @!p0 $0x1BF5;
	p2 =	por !p2, p0  }
0x20: {  	[sflag:s8] =	ssyncset.s32 @!p0 $0xFFFFF086;
	s6 =	sadd.s32 @!p0 s3, s7;
	s7 =	simm.s32 @!p0 $0x108  }
0x21: {  	s3 =	sadd.s32 s3, s9;
	s6 =	sadd.s32 @!p0 $0x88, s6;
	s7 =	simm.s32 @p2 $0x1082  }
0x22: {  	[simem:s7], [sflag:s8] =	dma.local @!p0 [hbm:s6], $0xF7A  }
0x23: {  	s9 =	sor.u32 $0xD0000000, s2;
	s6 =	simm.s32 $0x108;
	_ =	swait.ge @!p0 [sflag:s8], $0x0  }
0x24: {  	s3 =	sadd.s32 $0x88, s3;
	s6 =	simm.s32 @!p1 $0x1082;
	[sflag:s4] =	ssyncset.s32 $0xFFFFF086  }
0x25: {  	[simem:s6], [sflag:s4] =	dma.local [hbm:s3], $0xF7A  }
0x26: {  	[smem:$0x3F9E] =	sst s1;
	(tag) =	ssettag s2;
	_ =	strace s9  }
0x27: {  	s1 =	sld [smem:$0x3FAE]  }
0x28: {  	s2 =	sld [smem:$0x3FAF]  }
0x29: {  	s4 =	sld [smem:$0x3FB1]  }
0x2a: {  	p0 =	seq.s32 s5, $0x0;
	s5 =	sld [smem:$0x3FB2]  }
0x2b: {  	s6 =	sld [smem:$0x3FB3]  }
0x2c: {  	s7 =	sld [smem:$0x3FB4]  }
0x2d: {  	s3 =	simm.s32 $0x108;
	s8 =	sld [smem:$0x3FB5]  }
0x2e: {  	s3 =	simm.s32 @!p0 $0x1082;
	s9 =	sld [smem:$0x3FB6]  }
0x2f: {  	lr =	sadd.s32 s0, s3;
	s0 =	sld [smem:$0x3FAD]  }
0x30: {  	s3 =	sld [smem:$0x3FB0]  }
0x31: {  	[smem:$0x3FB9] =	sst s10  }
0x32: {  	s10 =	sld [smem:$0x3FB7];
	_ =	sdelay $0x3  }
0x33: {  	p0 =	seq.s32 s10, $0x1;
	s10 =	sld [smem:$0x3FB9];
	_ =	sdelay $0x3  }
0x34: {  	[smem:$0x3FB9] =	sst s10  }
0x35: {  	s10 =	sld [smem:$0x3FB8];
	_ =	sdelay $0x3  }
0x36: {  	p1 =	seq.s32 s10, $0x1;
	s10 =	sld [smem:$0x3FB9];
	_ =	sdelay $0x3  }
0x37: {  	[smem:$0x3FB9] =	sst s10  }
0x38: {  	s10 =	sld [smem:$0x3FBA]  }
0x39: {  	_ = 	snop;
	(pc) =	sbr.ind lr, $3  }
0x3a: {  	_ = 	snop  }
0x3b: {  	_ = 	snop  }
0x3c: {  	p2 =	seq.s32 s10, $0x1;
	s10 =	sld [smem:$0x3FB9]  }
0x3d: {  	_ =	shalt  }
0x3e: {  	_ =	shalt  }
0x3f: {  	_ =	shalt  }
0x40: {  	_ =	shalt  }
0x41: {  	_ =	shalt  }
0x42: {  	_ =	shalt  }
0x43: {  	_ =	shalt  }
0x44: {  	_ =	shalt  }
0x45: {  	_ =	shalt  }
0x46: {  	_ =	shalt  }
0x47: {  	_ =	shalt  }
0x48: {  	_ =	shalt  }
0x49: {  	_ =	shalt  }
0x4a: {  	_ =	shalt  }
0x4b: {  	_ =	shalt  }
0x4c: {  	_ =	shalt  }
0x4d: {  	_ =	shalt  }
0x4e: {  	_ =	shalt  }
0x4f: {  	_ =	shalt  }
0x50: {  	_ =	shalt  }
0x51: {  	_ =	shalt  }
0x52: {  	_ =	shalt  }
0x53: {  	_ =	shalt  }
0x54: {  	_ =	shalt  }
0x55: {  	_ =	shalt  }
0x56: {  	_ =	shalt  }
0x57: {  	_ =	shalt  }
0x58: {  	_ =	shalt  }
0x59: {  	_ =	shalt  }
0x5a: {  	_ =	shalt  }
0x5b: {  	_ =	shalt  }
0x5c: {  	_ =	shalt  }
0x5d: {  	_ =	shalt  }
0x5e: {  	_ =	shalt  }
0x5f: {  	_ =	shalt  }
0x60: {  	_ =	shalt  }
0x61: {  	_ =	shalt  }
0x62: {  	_ =	shalt  }
0x63: {  	_ =	shalt  }
0x64: {  	_ =	shalt  }
0x65: {  	_ =	shalt  }
0x66: {  	_ =	shalt  }
0x67: {  	_ =	shalt  }
0x68: {  	_ =	shalt  }
0x69: {  	_ =	shalt  }
0x6a: {  	_ =	shalt  }
0x6b: {  	_ =	shalt  }
0x6c: {  	_ =	shalt  }
0x6d: {  	_ =	shalt  }
0x6e: {  	_ =	shalt  }
0x6f: {  	_ =	shalt  }
0x70: {  	_ =	shalt  }
0x71: {  	_ =	shalt  }
0x72: {  	_ =	shalt  }
0x73: {  	_ =	shalt  }
0x74: {  	_ =	shalt  }
0x75: {  	_ =	shalt  }
0x76: {  	_ =	shalt  }
0x77: {  	_ =	shalt  }
0x78: {  	_ =	shalt  }
0x79: {  	_ =	shalt  }
0x7a: {  	_ =	shalt  }
0x7b: {  	_ =	shalt  }
0x7c: {  	_ =	shalt  }
0x7d: {  	_ =	shalt  }
0x7e: {  	_ =	shalt  }
0x7f: {  	_ =	shalt  }
0x80: {  	_ =	shalt  }
0x81: {  	_ =	shalt  }
0x82: {  	_ =	shalt  }
0x83: {  	_ =	shalt  }
0x84: {  	_ =	shalt  }
0x85: {  	_ =	shalt  }
0x86: {  	_ =	shalt  }
0x87: {  	_ =	shalt  }
.Lfunc_end0:
.L_simem_size_0:
called_computation.2_lowered:
.L_overlay_start_0:
0x88: {  	s2 =	sld [smem:$0x3FD9]  }
0x89: {  	s3 =	sld [smem:$0x3FFE];
	_ =	sdelay $0x1  }
0x8a: {  	s1 =	srdreg.scid  }
0x8b: {  	s0 =	sand.u32 $0x1, s1  }
0x8c: {  	s17 =	sshll.u32 s0, $0xA;
	s2 =	sadd.s32 s3, s2  }
0x8d: {  	s2 =	sadd.s32 s2, s17  }
0x8e: {  	[smem:$0x3FC5] =	sst s2  }
0x8f: {  	_ = 	snop  }
0x90: {  	s2 =	sld [smem:$0x3FC9]  }
0x91: {  	s18 =	sld [smem:$0x3FC8]  }
0x92: {  	s4 =	sld [smem:$0x3FC7];
	(tm) =	ssettm $0x1  }
0x93: {  	s5 =	sld [smem:$0x3FFB];
	_ =	sdelay $0x3  }
0x94: {  	_ =	strace s5  }
0x95: {  	s5 =	sld [smem:$0x3FFC];
	_ =	sdelay $0x3  }
0x96: {  	_ =	strace s5  }
0x97: {  	s5 =	sld [smem:$0x3FFD];
	_ =	sdelay $0x3  }
0x98: {  	_ =	strace s5  }
0x99: {  	_ =	strace $0x8FFFFFFF  }
0x9a: {  	s19 =	sld [smem:$0x3FDB];
	_ =	sdelay $0x1  }
0x9b: {  	s6 =	simm.s32 $_scs_section_size  }
0x9c: {  	s7 =	simm.s32 $_size__tile_overlayer_lowered;
	s8 =	simm.s32 $_tile_overlayer_lowered  }
0x9d: {  	s22 =	simm.s32 $0x1BFF;
	s21 =	sshll.u32 s8, $0x1;
	s5 =	sadd.s32 s6, s19  }
0x9e: {  	s9 =	simm.s32 $0x0;
	s20 =	sshll.u32 s7, $0x1;
	s7 =	sadd.s32 s21, s5  }
0x9f: {  	[timem:s9], [sflag:s22] =	dma.local [hbm:s7], s20  }
0xa0: {  	_ =	swait.ge [sflag:s22], s20  }
0xa1: {  	s6 =	ssub.s32 $0x0, s20;
	[sflag:s22] =	ssyncset.done $0x0  }
0xa2: {  	[sflag:s22] =	ssyncadd.s32 s6;
	_ =	sdelay $0x1  }
0xa3: {  	s23 =	simm.s32 $0x1B8B  }
0xa4: {  	_ =	swait.ge [sflag:s23], $0x1  }
0xa5: {  	[sflag:s23] =	ssyncset.done $0x0  }
0xa6: {  	s25 =	simm.s32 $0x1B8E;
	s24 =	sld [smem:$0x3FFE];
	[sflag:s23] =	ssyncadd.s32 $0xFFFFFFFF  }
0xa7: {  	s26 =	simm.s32 $execute0_lowered;
	[smem:$0x3FD2] =	sst s25  }
0xa8: {  	s7 =	sshll.u32 s26, $0x1;
	_ =	strace $0x8000004C;
	[dreg:$0x1] =	wrdreg $0xFFFFFFFF  }
0xa9: {  	s28 =	simm.s32 $_size_execute0_lowered;
	s5 =	sadd.s32 s5, s7;
	[dreg:$0x0] =	wrdreg $0x0  }
0xaa: {  	s7 =	sshll.u32 s28, $0x1;
	[dreg:$0x2] =	wrdreg s5  }
0xab: {  	[dreg:$0x3] =	wrdreg s7  }
0xac: {  	[dreg:$0x4] =	wrdreg $0xC0  }
0xad: {  	_ =	task [dreg:s9], $0x5FFFF  }
0xae: {  	[dreg:$0x1] =	wrdreg $0xFFFFFFFF  }
0xaf: {  	[dreg:$0x0] =	wrdreg $0x60  }
0xb0: {  	[dreg:$0x2] =	wrdreg s2  }
0xb1: {  	[dreg:$0x3] =	wrdreg s18  }
0xb2: {  	[dreg:$0x4] =	wrdreg s4  }
0xb3: {  	[dreg:$0x5] =	wrdreg s24  }
0xb4: {  	[dreg:$0x6] =	wrdreg $0x9  }
0xb5: {  	_ =	task.clear_ibuf [dreg:s9], $0x7FFFF;
	_ =	strace $0x9000004C  }
0xb6: {  	s29 =	simm.s32 $0x9;
	_ =	strace $0x8000004E  }
0xb7: {  	_ =	swait.ge [sflag:s29], $0x1  }
0xb8: {  	[sflag:s29] =	ssyncadd.s32 $0xFFFFFFFF  }
0xb9: {  	_ =	strace $0x9000004E  }
0xba: {  	_ =	sfence  }
0xbb: {  	s30 =	sld [smem:$0x0];
	_ =	sdelay $0x2  }
0xbc: {  	s31 =	sshll.u32 s1, $0xD;
	s1 =	sshrl.u32 s1, $0x2  }
0xbd: {  	s3 =	sand.u32 $0x4000, s31;
	s1 =	sadd.s32 s1, s30  }
0xbe: {  	s0 =	sor.u32 s3, s0;
	s1 =	sshll.u32 s1, $0x11  }
0xbf: {  	s0 =	sor.u32 s1, s0  }
0xc0: {  	s0 =	sadd.s32 $0x8F2B, s0  }
0xc1: {  	[sflag:s0] =	ssyncadd.remote.s32 $0x1  }
0xc2: {  	_ =	sfence.sel $0xFFFF  }
0xc3: {  	[dreg:$0x0] =	wrdreg $0xFFFFFFFF;
	(pc) =	sbr.abs _section_cstart, $3  }
0xc4: {  	[dreg:$0x1] =	wrdreg $0xFFFFFFFF  }
0xc5: {  	_ =	task.clear_ibuf [dreg:s9], $0x2FFFF;
	_ =	strace $0x9FFFFFFF  }
0xc6: {  	(tm) =	ssettm $0x7FFFFFFF  }
0xc7: {  	_ =	shalt  }
tec
execute0_lowered:
.L_overlay_start_1:
0x0: {  	(tag) =	ssettag $0x1  }
0x1: {  	s14 =	rddreg [dreg:$0x0]  }
0x2: {  	s15 =	rddreg [dreg:$0x1]  }
0x3: {  	s16 =	rddreg [dreg:$0x2]  }
0x4: {  	s0 =	rddreg [dreg:$0x3];
	s1 =	srdreg.scid;
	s2 =	simm.s32 $0x0  }
0x5: {  	s26 =	stileid.u32;
	s21 =	simm.s32 $0x2000;
	s22 =	simm.s32 $0x4000  }
0x6: {  	s23 =	simm.s32 $0x6080;
	s24 =	simm.s32 $0x8080;
	s25 =	simm.s32 $0x80  }
0x7: {  	s28 =	simm.s32 $0x0;
	s1 =	sand.u32 $0x1, s1;
	[smem:$0x7FF] =	sst s2  }
0x8: {  	s5 =	sand.u32 $0x7, s26;
	s7 =	sshll.u32 s26, $0x4;
	s3 =	sshll.u32 s1, $0x4  }
0x9: {  	_ =	strace $0x8000004D;
	p1 =	sne.s32 s5, $0x0;
	s1 =	ssub.s32 $0x2, s1  }
0xa: {  	s12 =	sshll.u32 s5, $0xF;
	s4 =	sor.u32 s26, s3;
	s3 =	sadd.s32 $0x800, s0  }
0xb: {  	s29 =	sshrl.u32 s1, $0x1;
	s8 =	sor.u32 $0x2000, s12;
	p0 =	seq.s32 s4, $0x0  }
0xc: {  	s18 =	sor.u32 $0x4000, s12;
	s6 =	sshll.u32 s4, $0xA;
	p0 =	por !p1, !p0  }
0xd: {  	s6 =	sor.u32 s7, s6;
	s7 =	simm.s32 $0x1;
	p0 =	por !p0, !p0  }
0xe: {  	s26 =	simm.s32 $0x400;
	s4 =	sshrl.u32 s4, $0x3;
	s7 =	simm.s32 @!p0 $0x0  }
0xf: {  	s1 =	ssub.s32 s1, s29;
	s6 =	sand.u32 $0x6070, s6;
	s4 =	ssub.s32 s4, s7  }
0x10: {  	s0 =	sadd.s32 s6, s0;
	s13 =	sshll.u32 s4, $0x13;
	s17 =	sshll.u32 s4, $0x12  }
0x11: {  	s4 =	simm.s32 $0x1;
	s5 =	sor.u32 s12, s13;
	s30 =	sor.u32 s12, s17  }
0x12: {  	s9 =	sor.u32 s8, s13;
	s10 =	sor.u32 s8, s17;
	s11 =	sor.u32 s18, s13  }
0x13: {  	s18 =	sor.u32 s18, s17;
	s12 =	sor.u32 $0x6000, s12;
	s5 =	sshrl.u32 s5, $0x3  }
0x14: {  	s31 =	sshrl.u32 s30, $0x3;
	s9 =	sshrl.u32 s9, $0x3;
	s10 =	sshrl.u32 s10, $0x3  }
0x15: {  	s11 =	sshrl.u32 s11, $0x3;
	s18 =	sshrl.u32 s18, $0x3;
	s13 =	sor.u32 s12, s13  }
0x16: {  	s17 =	sor.u32 s12, s17;
	s5 =	sadd.s32 s14, s5;
	s6 =	sadd.s32 s15, s31  }
0x17: {  	s7 =	sadd.s32 s16, s31;
	s8 =	sadd.s32 s14, s9;
	s9 =	sadd.s32 s15, s10  }
0x18: {  	s10 =	sadd.s32 s16, s10;
	s11 =	sadd.s32 s14, s11;
	s12 =	sadd.s32 s15, s18  }
0x19: {  	s19 =	sshrl.u32 s13, $0x3;
	s17 =	sshrl.u32 s17, $0x3;
	s13 =	sadd.s32 s16, s18  }
0x1a: {  	s18 =	sadd.s32 $0x8A00, s0;
	s14 =	sadd.s32 s14, s19;
	s15 =	sadd.s32 s15, s17  }
0x1b: {  	v0 =	vimm.f32 $0.0e+00;
	v1 =	vlaneseq.u32;
	v2 =	vimm.f32 $1.000000000e+00;
	s16 =	sadd.s32 s16, s17;
	s17 =	sadd.s32 $0xA00, s0;
	s19 =	smax.u32 s1, $0x1  }
.LBB2_1:
0x1c: {  	s0 =	simm.s32 $0x0;
	s1 =	simm.s32 $0x6000  }
0x1d: {  	[tilespmem:s1], [sflag:$0x1] =	stream.linear.gather [hbm4b:s3+s0], $0x80, $0x38;
	[tilespmem:$0xA080] =	vst v63  }
0x1e: {  	_ =	swait.ge [sflag:s4], $0x80  }
0x1f: {  	[sflag:s4] =	ssyncset.done $0x0  }
0x20: {  	[sflag:s4] =	ssyncadd.s32 $0xFFFFFF80  }
0x21: {  	s29 =	simm.s32 $0x40;
	s0 =	simm.s32 $0x0;
	v3 =	vld [tilespmem:$0x6000]  }
.LBB2_2:
0x22: {  	p0 =	sne.s32 s29, $0x7FC0;
	[tilespmem:s0+$0x6080] =	vst v0;
	s1 =	smov.u32 s29;
	s29 =	sadd.s32 $0x40, s29  }
.Ltmp0:
0x23: {  	[tilespmem:s0+$0x8080] =	vst v0;
	(pc) =	sbr.rel @p0 .LBB2_2-.Ltmp0, $2  }
0x24: {  	_ =	sdelay $0x2  }
0x25: {  	s0 =	sshra.s32 s1, $0x2  }
0x26: {  	[tilespmem:s0+$0x6080] =	vst v0  }
0x27: {  	[tilespmem:s0+$0x8080] =	vst v0;
	s20 =	simm.s32 $0x0  }
0x28: {  	[tilespmem:s20], [sflag:$0x1] =	stream.linear.gather [hbm4b:s5+s20], $0x2000, $0x38;
	[tilespmem:$0xA080] =	vst v63  }
0x29: {  	_ =	swait.ge [sflag:s4], $0x2000  }
0x2a: {  	[sflag:s4] =	ssyncset.done $0x0  }
0x2b: {  	[sflag:s4] =	ssyncadd.s32 $0xFFFFE000  }
0x2c: {  	[tilespmem:s21], [sflag:$0x1] =	stream.linear.gather [hbm4b:s6+s20], $0x2000, $0x38;
	[tilespmem:$0xA080] =	vst v63  }
0x2d: {  	_ =	swait.ge [sflag:s4], $0x2000  }
0x2e: {  	s29 =	simm.s32 $0x0;
	s30 =	simm.s32 $0x0;
	[sflag:s4] =	ssyncset.done $0x0  }
0x2f: {  	s1 =	sand.u32 $0x70, s20;
	s0 =	sand.u32 $0xC00, s20;
	[sflag:s4] =	ssyncadd.s32 $0xFFFFE000  }
0x30: {  	[tilespmem:s22], [sflag:$0x1] =	stream.linear.gather [hbm4b:s7+s20], $0x2000, $0x38;
	[tilespmem:$0xA080] =	vst v63  }
0x31: {  	s29 =	sand.u32 $0x1000, s29;
	s0 =	sor.u32 s0, s1;
	_ =	swait.ge [sflag:s4], $0x2000  }
0x32: {  	s2 =	sand.u32 $0x380, s30;
	s0 =	sor.u32 s29, s0;
	[sflag:s4] =	ssyncset.done $0x0  }
0x33: {  	s0 =	sor.u32 s2, s0;
	[sflag:s4] =	ssyncadd.s32 $0xFFFFE000  }
0x34: {  	v4 =	vld [tilespmem:s0+$0x2000]  }
0x35: {  	v5 =	vld [tilespmem:s0+$0x0];
	_ =	sdelay $0x3  }
0x36: {  	v6 =	vld [tilespmem:s0+$0x4000]  }
0x37: {  	v4 =	vsub.f32 v5, v4;
	_ =	sdelay $0x1  }
0x38: {  	v4 =	vand.u32 $0x7FFFFFFF, v4  }
0x39: {  	v5 =	vshrl.u32 v4, $0x9  }
0x3a: {  	vm0 =	veq.s32 v6, $0x0;
	vm1 =	veq.s32 v5, v3;
	v5 =	vshll.u32 v4, $0x4  }
0x3b: {  	vm0 =	vmand vm0, vm1;
	v5 =	vor.u32 v1, v5  }
0x3c: {  	v5 =	vand.u32 $0x1FFF, v5;
	_ =	sdelay $0x1  }
0x3d: {  	s30 =	simm.s32 $0x80;
	s29 =	simm.s32 $0x10  }
0x3e: {  	s31 =	sand.u32 $0xC00, s30;
	s20 =	simm.s32 $0x10;
	s0 =	sand.u32 $0x70, s29  }
0x3f: {  	s2 =	simm.s32 $0x4;
	s1 =	sand.u32 $0x1000, s20;
	s31 =	sor.u32 s31, s0  }
0x40: {  	s0 =	sand.u32 $0x380, s2;
	s1 =	sor.u32 s1, s31;
	s31 =	simm.s32 $0x2;
	[tilespmem:v5+s23+$0x0] =	vst.idx.add.f32.msk vm0, v2  }
.LBB2_4:
0x41: {  	p0 =	sne.s32 s31, $0x1FF;
	s0 =	sor.u32 s0, s1;
	[tilespmem:v5+s24+$0x0] =	vst.idx.add.f32.msk vm0, v4  }
0x42: {  	v4 =	vld [tilespmem:s0+$0x2000]  }
0x43: {  	v5 =	vld [tilespmem:s0+$0x0];
	_ =	sdelay $0x3  }
0x44: {  	v6 =	vld [tilespmem:s0+$0x4000]  }
0x45: {  	v4 =	vsub.f32 v5, v4;
	_ =	sdelay $0x1  }
0x46: {  	v4 =	vand.u32 $0x7FFFFFFF, v4  }
0x47: {  	v5 =	vshrl.u32 v4, $0x9  }
0x48: {  	vm0 =	veq.s32 v6, $0x0;
	vm1 =	veq.s32 v5, v3;
	v5 =	vshll.u32 v4, $0x4  }
0x49: {  	vm0 =	vmand vm0, vm1;
	v5 =	vor.u32 v1, v5  }
0x4a: {  	v5 =	vand.u32 $0x1FFF, v5  }
.Ltmp1:
0x4b: {  	(pc) =	sbr.rel @p0 .LBB2_4-.Ltmp1, $4  }
0x4c: {  	s29 =	sadd.s32 $0x10, s29;
	s30 =	sadd.s32 $0x80, s30  }
0x4d: {  	s1 =	sshll.u32 s31, $0x4;
	s2 =	sand.u32 $0xC00, s30;
	s0 =	sand.u32 $0x70, s29  }
0x4e: {  	s20 =	sshll.u32 s31, $0x2;
	s1 =	sand.u32 $0x1000, s1;
	s2 =	sor.u32 s2, s0  }
0x4f: {  	s31 =	sadd.s32 $0x1, s31;
	s0 =	sand.u32 $0x380, s20;
	s1 =	sor.u32 s1, s2;
	[tilespmem:v5+s23+$0x0] =	vst.idx.add.f32.msk vm0, v2  }
0x50: {  	_ =	sdelay $0x4  }
0x51: {  	s0 =	sor.u32 s0, s1;
	[tilespmem:v5+s24+$0x0] =	vst.idx.add.f32.msk vm0, v4  }
0x52: {  	v4 =	vld [tilespmem:s0+$0x2000]  }
0x53: {  	v5 =	vld [tilespmem:s0+$0x0];
	_ =	sdelay $0x3  }
0x54: {  	v6 =	vld [tilespmem:s0+$0x4000]  }
0x55: {  	v4 =	vsub.f32 v5, v4;
	_ =	sdelay $0x1  }
0x56: {  	v4 =	vand.u32 $0x7FFFFFFF, v4  }
0x57: {  	v5 =	vshrl.u32 v4, $0x9  }
0x58: {  	vm0 =	veq.s32 v6, $0x0;
	vm1 =	veq.s32 v5, v3;
	v5 =	vshll.u32 v4, $0x4  }
0x59: {  	vm0 =	vmand vm0, vm1;
	v5 =	vor.u32 v1, v5  }
0x5a: {  	v5 =	vand.u32 $0x1FFF, v5;
	_ =	sdelay $0x4  }
0x5b: {  	[tilespmem:v5+s23+$0x0] =	vst.idx.add.f32.msk vm0, v2  }
0x5c: {  	s20 =	simm.s32 $0x0;
	[tilespmem:v5+s24+$0x0] =	vst.idx.add.f32.msk vm0, v4  }
0x5d: {  	[tilespmem:s20], [sflag:$0x1] =	stream.linear.gather [hbm4b:s8+s20], $0x2000, $0x38;
	[tilespmem:$0xA080] =	vst v63  }
0x5e: {  	_ =	swait.ge [sflag:s4], $0x2000  }
0x5f: {  	[sflag:s4] =	ssyncset.done $0x0  }
0x60: {  	[sflag:s4] =	ssyncadd.s32 $0xFFFFE000  }
0x61: {  	[tilespmem:s21], [sflag:$0x1] =	stream.linear.gather [hbm4b:s9+s20], $0x2000, $0x38;
	[tilespmem:$0xA080] =	vst v63  }
0x62: {  	_ =	swait.ge [sflag:s4], $0x2000  }
0x63: {  	s2 =	simm.s32 $0x0;
	s1 =	sand.u32 $0x70, s20;
	[sflag:s4] =	ssyncset.done $0x0  }
0x64: {  	s0 =	sand.u32 $0xC00, s20;
	s2 =	sand.u32 $0x1000, s2;
	[sflag:s4] =	ssyncadd.s32 $0xFFFFE000  }
0x65: {  	[tilespmem:s22], [sflag:$0x1] =	stream.linear.gather [hbm4b:s10+s20], $0x2000, $0x38;
	[tilespmem:$0xA080] =	vst v63  }
0x66: {  	s0 =	sor.u32 s0, s1;
	s20 =	simm.s32 $0x0;
	_ =	swait.ge [sflag:s4], $0x2000  }
0x67: {  	s0 =	sor.u32 s2, s0;
	s20 =	sand.u32 $0x380, s20;
	[sflag:s4] =	ssyncset.done $0x0  }
0x68: {  	s0 =	sor.u32 s20, s0;
	[sflag:s4] =	ssyncadd.s32 $0xFFFFE000  }
0x69: {  	v4 =	vld [tilespmem:s0+$0x2000]  }
0x6a: {  	v5 =	vld [tilespmem:s0+$0x0];
	_ =	sdelay $0x3  }
0x6b: {  	v6 =	vld [tilespmem:s0+$0x4000]  }
0x6c: {  	v4 =	vsub.f32 v5, v4;
	_ =	sdelay $0x1  }
0x6d: {  	v4 =	vand.u32 $0x7FFFFFFF, v4  }
0x6e: {  	v5 =	vshrl.u32 v4, $0x9  }
0x6f: {  	vm0 =	veq.s32 v6, $0x0;
	vm1 =	veq.s32 v5, v3;
	v5 =	vshll.u32 v4, $0x4  }
0x70: {  	vm0 =	vmand vm0, vm1;
	v5 =	vor.u32 v1, v5  }
0x71: {  	v5 =	vand.u32 $0x1FFF, v5;
	_ =	sdelay $0x1  }
0x72: {  	s29 =	simm.s32 $0x10;
	s30 =	simm.s32 $0x80  }
0x73: {  	s2 =	sand.u32 $0xC00, s30;
	s20 =	simm.s32 $0x10;
	s0 =	sand.u32 $0x70, s29  }
0x74: {  	s1 =	sand.u32 $0x1000, s20;
	s20 =	simm.s32 $0x4;
	s2 =	sor.u32 s2, s0  }
0x75: {  	s31 =	simm.s32 $0x2;
	s0 =	sand.u32 $0x380, s20;
	s1 =	sor.u32 s1, s2;
	[tilespmem:v5+s23+$0x0] =	vst.idx.add.f32.msk vm0, v2  }
.LBB2_6:
0x76: {  	p0 =	sne.s32 s31, $0x1FF;
	s0 =	sor.u32 s0, s1;
	[tilespmem:v5+s24+$0x0] =	vst.idx.add.f32.msk vm0, v4  }
0x77: {  	v4 =	vld [tilespmem:s0+$0x2000]  }
0x78: {  	v5 =	vld [tilespmem:s0+$0x0];
	_ =	sdelay $0x3  }
0x79: {  	v6 =	vld [tilespmem:s0+$0x4000]  }
0x7a: {  	v4 =	vsub.f32 v5, v4;
	_ =	sdelay $0x1  }
0x7b: {  	v4 =	vand.u32 $0x7FFFFFFF, v4  }
0x7c: {  	v5 =	vshrl.u32 v4, $0x9  }
0x7d: {  	vm0 =	veq.s32 v6, $0x0;
	vm1 =	veq.s32 v5, v3;
	v5 =	vshll.u32 v4, $0x4  }
0x7e: {  	vm0 =	vmand vm0, vm1;
	v5 =	vor.u32 v1, v5  }
0x7f: {  	v5 =	vand.u32 $0x1FFF, v5  }
.Ltmp2:
0x80: {  	(pc) =	sbr.rel @p0 .LBB2_6-.Ltmp2, $4  }
0x81: {  	s29 =	sadd.s32 $0x10, s29;
	s30 =	sadd.s32 $0x80, s30  }
0x82: {  	s1 =	sshll.u32 s31, $0x4;
	s2 =	sand.u32 $0xC00, s30;
	s0 =	sand.u32 $0x70, s29  }
0x83: {  	s20 =	sshll.u32 s31, $0x2;
	s1 =	sand.u32 $0x1000, s1;
	s2 =	sor.u32 s2, s0  }
0x84: {  	s31 =	sadd.s32 $0x1, s31;
	s0 =	sand.u32 $0x380, s20;
	s1 =	sor.u32 s1, s2;
	[tilespmem:v5+s23+$0x0] =	vst.idx.add.f32.msk vm0, v2  }
0x85: {  	_ =	sdelay $0x4  }
0x86: {  	s0 =	sor.u32 s0, s1;
	[tilespmem:v5+s24+$0x0] =	vst.idx.add.f32.msk vm0, v4  }
0x87: {  	v4 =	vld [tilespmem:s0+$0x2000]  }
0x88: {  	v5 =	vld [tilespmem:s0+$0x0];
	_ =	sdelay $0x3  }
0x89: {  	v6 =	vld [tilespmem:s0+$0x4000]  }
0x8a: {  	v4 =	vsub.f32 v5, v4;
	_ =	sdelay $0x1  }
0x8b: {  	v4 =	vand.u32 $0x7FFFFFFF, v4  }
0x8c: {  	v5 =	vshrl.u32 v4, $0x9  }
0x8d: {  	vm0 =	veq.s32 v6, $0x0;
	vm1 =	veq.s32 v5, v3;
	v5 =	vshll.u32 v4, $0x4  }
0x8e: {  	vm0 =	vmand vm0, vm1;
	v5 =	vor.u32 v1, v5  }
0x8f: {  	v5 =	vand.u32 $0x1FFF, v5;
	_ =	sdelay $0x4  }
0x90: {  	[tilespmem:v5+s23+$0x0] =	vst.idx.add.f32.msk vm0, v2  }
0x91: {  	s20 =	simm.s32 $0x0;
	[tilespmem:v5+s24+$0x0] =	vst.idx.add.f32.msk vm0, v4  }
0x92: {  	[tilespmem:s20], [sflag:$0x1] =	stream.linear.gather [hbm4b:s11+s20], $0x2000, $0x38;
	[tilespmem:$0xA080] =	vst v63  }
0x93: {  	_ =	swait.ge [sflag:s4], $0x2000  }
0x94: {  	[sflag:s4] =	ssyncset.done $0x0  }
0x95: {  	[sflag:s4] =	ssyncadd.s32 $0xFFFFE000  }
0x96: {  	[tilespmem:s21], [sflag:$0x1] =	stream.linear.gather [hbm4b:s12+s20], $0x2000, $0x38;
	[tilespmem:$0xA080] =	vst v63  }
0x97: {  	_ =	swait.ge [sflag:s4], $0x2000  }
0x98: {  	s2 =	simm.s32 $0x0;
	s1 =	sand.u32 $0x70, s20;
	[sflag:s4] =	ssyncset.done $0x0  }
0x99: {  	s0 =	sand.u32 $0xC00, s20;
	s2 =	sand.u32 $0x1000, s2;
	[sflag:s4] =	ssyncadd.s32 $0xFFFFE000  }
0x9a: {  	[tilespmem:s22], [sflag:$0x1] =	stream.linear.gather [hbm4b:s13+s20], $0x2000, $0x38;
	[tilespmem:$0xA080] =	vst v63  }
0x9b: {  	s0 =	sor.u32 s0, s1;
	s20 =	simm.s32 $0x0;
	_ =	swait.ge [sflag:s4], $0x2000  }
0x9c: {  	s0 =	sor.u32 s2, s0;
	s20 =	sand.u32 $0x380, s20;
	[sflag:s4] =	ssyncset.done $0x0  }
0x9d: {  	s0 =	sor.u32 s20, s0;
	[sflag:s4] =	ssyncadd.s32 $0xFFFFE000  }
0x9e: {  	v4 =	vld [tilespmem:s0+$0x2000]  }
0x9f: {  	v5 =	vld [tilespmem:s0+$0x0];
	_ =	sdelay $0x3  }
0xa0: {  	v6 =	vld [tilespmem:s0+$0x4000]  }
0xa1: {  	v4 =	vsub.f32 v5, v4;
	_ =	sdelay $0x1  }
0xa2: {  	v4 =	vand.u32 $0x7FFFFFFF, v4  }
0xa3: {  	v5 =	vshrl.u32 v4, $0x9  }
0xa4: {  	vm0 =	veq.s32 v6, $0x0;
	vm1 =	veq.s32 v5, v3;
	v5 =	vshll.u32 v4, $0x4  }
0xa5: {  	vm0 =	vmand vm0, vm1;
	v5 =	vor.u32 v1, v5  }
0xa6: {  	v5 =	vand.u32 $0x1FFF, v5;
	_ =	sdelay $0x1  }
0xa7: {  	s29 =	simm.s32 $0x10;
	s30 =	simm.s32 $0x80  }
0xa8: {  	s2 =	sand.u32 $0xC00, s30;
	s20 =	simm.s32 $0x10;
	s0 =	sand.u32 $0x70, s29  }
0xa9: {  	s1 =	sand.u32 $0x1000, s20;
	s20 =	simm.s32 $0x4;
	s2 =	sor.u32 s2, s0  }
0xaa: {  	s31 =	simm.s32 $0x2;
	s0 =	sand.u32 $0x380, s20;
	s1 =	sor.u32 s1, s2;
	[tilespmem:v5+s23+$0x0] =	vst.idx.add.f32.msk vm0, v2  }
.LBB2_8:
0xab: {  	p0 =	sne.s32 s31, $0x1FF;
	s0 =	sor.u32 s0, s1;
	[tilespmem:v5+s24+$0x0] =	vst.idx.add.f32.msk vm0, v4  }
0xac: {  	v4 =	vld [tilespmem:s0+$0x2000]  }
0xad: {  	v5 =	vld [tilespmem:s0+$0x0];
	_ =	sdelay $0x3  }
0xae: {  	v6 =	vld [tilespmem:s0+$0x4000]  }
0xaf: {  	v4 =	vsub.f32 v5, v4;
	_ =	sdelay $0x1  }
0xb0: {  	v4 =	vand.u32 $0x7FFFFFFF, v4  }
0xb1: {  	v5 =	vshrl.u32 v4, $0x9  }
0xb2: {  	vm0 =	veq.s32 v6, $0x0;
	vm1 =	veq.s32 v5, v3;
	v5 =	vshll.u32 v4, $0x4  }
0xb3: {  	vm0 =	vmand vm0, vm1;
	v5 =	vor.u32 v1, v5  }
0xb4: {  	v5 =	vand.u32 $0x1FFF, v5  }
.Ltmp3:
0xb5: {  	(pc) =	sbr.rel @p0 .LBB2_8-.Ltmp3, $4  }
0xb6: {  	s29 =	sadd.s32 $0x10, s29;
	s30 =	sadd.s32 $0x80, s30  }
0xb7: {  	s1 =	sshll.u32 s31, $0x4;
	s2 =	sand.u32 $0xC00, s30;
	s0 =	sand.u32 $0x70, s29  }
0xb8: {  	s20 =	sshll.u32 s31, $0x2;
	s1 =	sand.u32 $0x1000, s1;
	s2 =	sor.u32 s2, s0  }
0xb9: {  	s31 =	sadd.s32 $0x1, s31;
	s0 =	sand.u32 $0x380, s20;
	s1 =	sor.u32 s1, s2;
	[tilespmem:v5+s23+$0x0] =	vst.idx.add.f32.msk vm0, v2  }
0xba: {  	_ =	sdelay $0x4  }
0xbb: {  	s0 =	sor.u32 s0, s1;
	[tilespmem:v5+s24+$0x0] =	vst.idx.add.f32.msk vm0, v4  }
0xbc: {  	v4 =	vld [tilespmem:s0+$0x2000]  }
0xbd: {  	v5 =	vld [tilespmem:s0+$0x0];
	_ =	sdelay $0x3  }
0xbe: {  	v6 =	vld [tilespmem:s0+$0x4000]  }
0xbf: {  	v4 =	vsub.f32 v5, v4;
	_ =	sdelay $0x1  }
0xc0: {  	v4 =	vand.u32 $0x7FFFFFFF, v4  }
0xc1: {  	v5 =	vshrl.u32 v4, $0x9  }
0xc2: {  	vm0 =	veq.s32 v6, $0x0;
	vm1 =	veq.s32 v5, v3;
	v5 =	vshll.u32 v4, $0x4  }
0xc3: {  	vm0 =	vmand vm0, vm1;
	v5 =	vor.u32 v1, v5  }
0xc4: {  	v5 =	vand.u32 $0x1FFF, v5;
	_ =	sdelay $0x4  }
0xc5: {  	[tilespmem:v5+s23+$0x0] =	vst.idx.add.f32.msk vm0, v2  }
0xc6: {  	s20 =	simm.s32 $0x0;
	[tilespmem:v5+s24+$0x0] =	vst.idx.add.f32.msk vm0, v4  }
0xc7: {  	[tilespmem:s20], [sflag:$0x1] =	stream.linear.gather [hbm4b:s14+s20], $0x2000, $0x38;
	[tilespmem:$0xA080] =	vst v63  }
0xc8: {  	_ =	swait.ge [sflag:s4], $0x2000  }
0xc9: {  	[sflag:s4] =	ssyncset.done $0x0  }
0xca: {  	[sflag:s4] =	ssyncadd.s32 $0xFFFFE000  }
0xcb: {  	[tilespmem:s21], [sflag:$0x1] =	stream.linear.gather [hbm4b:s15+s20], $0x2000, $0x38;
	[tilespmem:$0xA080] =	vst v63  }
0xcc: {  	_ =	swait.ge [sflag:s4], $0x2000  }
0xcd: {  	s2 =	simm.s32 $0x0;
	s1 =	sand.u32 $0x70, s20;
	[sflag:s4] =	ssyncset.done $0x0  }
0xce: {  	s0 =	sand.u32 $0xC00, s20;
	s2 =	sand.u32 $0x1000, s2;
	[sflag:s4] =	ssyncadd.s32 $0xFFFFE000  }
0xcf: {  	[tilespmem:s22], [sflag:$0x1] =	stream.linear.gather [hbm4b:s16+s20], $0x2000, $0x38;
	[tilespmem:$0xA080] =	vst v63  }
0xd0: {  	s0 =	sor.u32 s0, s1;
	s20 =	simm.s32 $0x0;
	_ =	swait.ge [sflag:s4], $0x2000  }
0xd1: {  	s0 =	sor.u32 s2, s0;
	s20 =	sand.u32 $0x380, s20;
	[sflag:s4] =	ssyncset.done $0x0  }
0xd2: {  	s0 =	sor.u32 s20, s0;
	[sflag:s4] =	ssyncadd.s32 $0xFFFFE000  }
0xd3: {  	v4 =	vld [tilespmem:s0+$0x2000]  }
0xd4: {  	v5 =	vld [tilespmem:s0+$0x0];
	_ =	sdelay $0x3  }
0xd5: {  	v6 =	vld [tilespmem:s0+$0x4000]  }
0xd6: {  	v4 =	vsub.f32 v5, v4;
	_ =	sdelay $0x1  }
0xd7: {  	v4 =	vand.u32 $0x7FFFFFFF, v4  }
0xd8: {  	v5 =	vshrl.u32 v4, $0x9  }
0xd9: {  	vm0 =	veq.s32 v6, $0x0;
	vm1 =	veq.s32 v5, v3;
	v5 =	vshll.u32 v4, $0x4  }
0xda: {  	vm0 =	vmand vm0, vm1;
	v5 =	vor.u32 v1, v5  }
0xdb: {  	v5 =	vand.u32 $0x1FFF, v5;
	_ =	sdelay $0x1  }
0xdc: {  	s29 =	simm.s32 $0x10;
	s30 =	simm.s32 $0x80  }
0xdd: {  	s2 =	sand.u32 $0xC00, s30;
	s20 =	simm.s32 $0x10;
	s0 =	sand.u32 $0x70, s29  }
0xde: {  	s1 =	sand.u32 $0x1000, s20;
	s20 =	simm.s32 $0x4;
	s2 =	sor.u32 s2, s0  }
0xdf: {  	s31 =	simm.s32 $0x2;
	s0 =	sand.u32 $0x380, s20;
	s1 =	sor.u32 s1, s2;
	[tilespmem:v5+s23+$0x0] =	vst.idx.add.f32.msk vm0, v2  }
.LBB2_10:
0xe0: {  	p0 =	sne.s32 s31, $0x1FF;
	s0 =	sor.u32 s0, s1;
	[tilespmem:v5+s24+$0x0] =	vst.idx.add.f32.msk vm0, v4  }
0xe1: {  	v4 =	vld [tilespmem:s0+$0x2000]  }
0xe2: {  	v5 =	vld [tilespmem:s0+$0x0];
	_ =	sdelay $0x3  }
0xe3: {  	v6 =	vld [tilespmem:s0+$0x4000]  }
0xe4: {  	v4 =	vsub.f32 v5, v4;
	_ =	sdelay $0x1  }
0xe5: {  	v4 =	vand.u32 $0x7FFFFFFF, v4  }
0xe6: {  	v5 =	vshrl.u32 v4, $0x9  }
0xe7: {  	vm0 =	veq.s32 v6, $0x0;
	vm1 =	veq.s32 v5, v3;
	v5 =	vshll.u32 v4, $0x4  }
0xe8: {  	vm0 =	vmand vm0, vm1;
	v5 =	vor.u32 v1, v5  }
0xe9: {  	v5 =	vand.u32 $0x1FFF, v5  }
.Ltmp4:
0xea: {  	(pc) =	sbr.rel @p0 .LBB2_10-.Ltmp4, $4  }
0xeb: {  	s29 =	sadd.s32 $0x10, s29;
	s30 =	sadd.s32 $0x80, s30  }
0xec: {  	s1 =	sshll.u32 s31, $0x4;
	s2 =	sand.u32 $0xC00, s30;
	s0 =	sand.u32 $0x70, s29  }
0xed: {  	s20 =	sshll.u32 s31, $0x2;
	s1 =	sand.u32 $0x1000, s1;
	s2 =	sor.u32 s2, s0  }
0xee: {  	s31 =	sadd.s32 $0x1, s31;
	s0 =	sand.u32 $0x380, s20;
	s1 =	sor.u32 s1, s2;
	[tilespmem:v5+s23+$0x0] =	vst.idx.add.f32.msk vm0, v2  }
0xef: {  	_ =	sdelay $0x4  }
0xf0: {  	s0 =	sor.u32 s0, s1;
	[tilespmem:v5+s24+$0x0] =	vst.idx.add.f32.msk vm0, v4  }
0xf1: {  	v4 =	vld [tilespmem:s0+$0x2000]  }
0xf2: {  	v5 =	vld [tilespmem:s0+$0x0];
	_ =	sdelay $0x3  }
0xf3: {  	v6 =	vld [tilespmem:s0+$0x4000]  }
0xf4: {  	v4 =	vsub.f32 v5, v4;
	_ =	sdelay $0x1  }
0xf5: {  	v4 =	vand.u32 $0x7FFFFFFF, v4  }
0xf6: {  	v63 =	vshrl.u32 v4, $0x9  }
0xf7: {  	vm15 =	veq.s32 v6, $0x0;
	vm1 =	veq.s32 v63, v3;
	v3 =	vshll.u32 v4, $0x4  }
0xf8: {  	vm0 =	vmand vm15, vm1;
	v3 =	vor.u32 v1, v3  }
0xf9: {  	v3 =	vand.u32 $0x1FFF, v3;
	_ =	sdelay $0x4  }
0xfa: {  	[tilespmem:v3+s23+$0x0] =	vst.idx.add.f32.msk vm0, v2  }
0xfb: {  	[tilespmem:v3+s24+$0x0] =	vst.idx.add.f32.msk vm0, v4  }
0xfc: {  	[hbm4b:s17+s25] =	stream.strided.scatter [tilespmem:s23], [sflag:$0x1], $0x2000, s26, s25, $0x38;
	[tilespmem:$0xA080] =	vst v63  }
0xfd: {  	s28 =	sadd.s32 $0x1, s28;
	_ =	swait.ge [sflag:s4], $0x2000  }
0xfe: {  	p0 =	sne.s32 s28, s19;
	[sflag:s4] =	ssyncset.done $0x0  }
.Ltmp5:
0xff: {  	[sflag:s4] =	ssyncadd.s32 $0xFFFFE000;
	(pc) =	sbr.rel @p0 .LBB2_1-.Ltmp5, $4  }
0x100: {  	[hbm4b:s18+s25] =	stream.strided.scatter [tilespmem:s24], [sflag:$0x1], $0x2000, s26, s25, $0x38;
	[tilespmem:$0xA080] =	vst v63  }
0x101: {  	_ =	swait.ge [sflag:s4], $0x2000  }
0x102: {  	[sflag:s4] =	ssyncset.done $0x0  }
0x103: {  	[sflag:s4] =	ssyncadd.s32 $0xFFFFE000  }
0x104: {  	_ =	sfence.sel $0x180000  }
0x105: {  	[bflag:$0x0] =	sbarrier.arrive $0xFFFF  }
0x106: {  	_ =	strace $0x9000004D  }
0x107: {  	s0 =	stileid.u32;
	[bflag:$0x2] =	sbarrier.arrive $0xFFFF  }
0x108: {  	p0 =	sne.s32 s0, $0x0;
	s0 =	rddreg [dreg:$0x4]  }
0x109: {  	s0 =	sadd.s32 @!p0 $0x100000, s0  }
0x10a: {  	[sflag:s0] =	ssyncadd.tile.s32 @!p0 $0x1;
	_ =	shalt  }
.Lfunc_end2:
_tile_overlayer_lowered:
.L_overlay_start_2:
0x10b: {  	(tag) =	ssettag $0x2  }
0x10c: {  	s0 =	rddreg [dreg:$0x0];
	s2 =	stileid.u32  }
0x10d: {  	s1 =	rddreg [dreg:$0x1];
	p0 =	sne.s32 s2, $0x0  }
0x10e: {  	s3 =	rddreg [dreg:$0x2];
	[bflag:$0x3] =	sbarrier.arrive $0xFFFF;
	s2 =	simm.s32 @!p0 $0x1C01  }
0x10f: {  	[timem:s3], [sflag:s2] =	dma.local @!p0 [hbm:s0], s1  }
0x110: {  	s0 =	simm.s32 @!p0 $0x1  }
0x111: {  	_ =	swait.ge @!p0 [sflag:s0], s1  }
0x112: {  	s1 =	ssub.s32 @!p0 $0x0, s1;
	[sflag:s0] =	ssyncset.done @!p0 $0x0  }
0x113: {  	[sflag:s0] =	ssyncadd.s32 @!p0 s1  }
0x114: {  	[bflag:$0x3] =	sbarrier.arrive $0xFFFF  }
0x115: {  	_ =	shalt  }

// kernel: branch_0_fun.5.cloned.1.call-start
scs
__scs_entry_jumppad:
0x0: {  	(pc) =	sbr.rel $0x88, $3  }
0x1: {  	(tag) =	ssettag $0x0;
	lr =	simm.s32 $0x1  }
0x2: {  	[smem:$0x3F9E] =	sst lr;
	_ =	strace $0xD0000000  }
0x3: {  	_ = 	snop  }
0x4: {  	_ = 	snop  }
0x5: {  	_ = 	snop  }
0x6: {  	_ = 	snop  }
0x7: {  	_ = 	snop  }
__scs_overlays_trampoline_lowered:
0x8: {  	[smem:$0x3FAD] =	sst s0  }
0x9: {  	[smem:$0x3FAE] =	sst s1  }
0xa: {  	[smem:$0x3FAF] =	sst s2  }
0xb: {  	[smem:$0x3FB0] =	sst s3  }
0xc: {  	[smem:$0x3FB1] =	sst s4  }
0xd: {  	[smem:$0x3FB2] =	sst s5  }
0xe: {  	[smem:$0x3FB3] =	sst s6  }
0xf: {  	[smem:$0x3FB4] =	sst s7  }
0x10: {  	[smem:$0x3FB5] =	sst s8  }
0x11: {  	[smem:$0x3FB6] =	sst s9;
	s0 =	simm.s32 @!p0 $0x0  }
0x12: {  	s1 =	sld [smem:$0x3F9C];
	s0 =	simm.s32 @p0 $0x1  }
0x13: {  	[smem:$0x3FB7] =	sst s0;
	s0 =	simm.s32 @!p1 $0x0  }
0x14: {  	s2 =	sld [smem:$0x3F9B];
	s0 =	simm.s32 @p1 $0x1  }
0x15: {  	[smem:$0x3FB8] =	sst s0;
	s0 =	simm.s32 @!p2 $0x0  }
0x16: {  	s3 =	sld [smem:$0x3FDB];
	s0 =	simm.s32 @p2 $0x1  }
0x17: {  	s4 =	simm.s32 $0x1BF5;
	[smem:$0x3FBA] =	sst s0  }
0x18: {  	s0 =	sld [smem:$0x3F9D];
	_ =	swait.ge [sflag:s4], $0x0  }
0x19: {  	s7 =	sld [smem:$0x3F9E]  }
0x1a: {  	s8 =	sadd.s32 $0xFFFFE003, lr  }
0x1b: {  	s9 =	sadd.s32 $0xFFFFFEF7, lr;
	s5 =	simm.s32 $0xFFFFFFFF;
	p2 =	slt.u32 s8, $0xFFFFF086  }
0x1c: {  	p1 =	slt.u32 s9, $0xF7A;
	s5 =	simm.s32 @!p2 $0x0  }
0x1d: {  	s5 =	simm.s32 @p1 $0x1;
	p0 =	seq.s32 s7, s2  }
0x1e: {  	s7 =	smul.u32 @!p0 $0xF7A, s2;
	p2 =	seq.s32 @!p0 s5, $0x0  }
0x1f: {  	s9 =	smul.u32 $0xF7A, s1;
	s8 =	simm.s32 @!p0 $0x1BF5;
	p2 =	por !p2, p0  }
0x20: {  	[sflag:s8] =	ssyncset.s32 @!p0 $0xFFFFF086;
	s6 =	sadd.s32 @!p0 s3, s7;
	s7 =	simm.s32 @!p0 $0x108  }
0x21: {  	s3 =	sadd.s32 s3, s9;
	s6 =	sadd.s32 @!p0 $0x88, s6;
	s7 =	simm.s32 @p2 $0x1082  }
0x22: {  	[simem:s7], [sflag:s8] =	dma.local @!p0 [hbm:s6], $0xF7A  }
0x23: {  	s9 =	sor.u32 $0xD0000000, s2;
	s6 =	simm.s32 $0x108;
	_ =	swait.ge @!p0 [sflag:s8], $0x0  }
0x24: {  	s3 =	sadd.s32 $0x88, s3;
	s6 =	simm.s32 @!p1 $0x1082;
	[sflag:s4] =	ssyncset.s32 $0xFFFFF086  }
0x25: {  	[simem:s6], [sflag:s4] =	dma.local [hbm:s3], $0xF7A  }
0x26: {  	[smem:$0x3F9E] =	sst s1;
	(tag) =	ssettag s2;
	_ =	strace s9  }
0x27: {  	s1 =	sld [smem:$0x3FAE]  }
0x28: {  	s2 =	sld [smem:$0x3FAF]  }
0x29: {  	s4 =	sld [smem:$0x3FB1]  }
0x2a: {  	p0 =	seq.s32 s5, $0x0;
	s5 =	sld [smem:$0x3FB2]  }
0x2b: {  	s6 =	sld [smem:$0x3FB3]  }
0x2c: {  	s7 =	sld [smem:$0x3FB4]  }
0x2d: {  	s3 =	simm.s32 $0x108;
	s8 =	sld [smem:$0x3FB5]  }
0x2e: {  	s3 =	simm.s32 @!p0 $0x1082;
	s9 =	sld [smem:$0x3FB6]  }
0x2f: {  	lr =	sadd.s32 s0, s3;
	s0 =	sld [smem:$0x3FAD]  }
0x30: {  	s3 =	sld [smem:$0x3FB0]  }
0x31: {  	[smem:$0x3FB9] =	sst s10  }
0x32: {  	s10 =	sld [smem:$0x3FB7];
	_ =	sdelay $0x3  }
0x33: {  	p0 =	seq.s32 s10, $0x1;
	s10 =	sld [smem:$0x3FB9];
	_ =	sdelay $0x3  }
0x34: {  	[smem:$0x3FB9] =	sst s10  }
0x35: {  	s10 =	sld [smem:$0x3FB8];
	_ =	sdelay $0x3  }
0x36: {  	p1 =	seq.s32 s10, $0x1;
	s10 =	sld [smem:$0x3FB9];
	_ =	sdelay $0x3  }
0x37: {  	[smem:$0x3FB9] =	sst s10  }
0x38: {  	s10 =	sld [smem:$0x3FBA]  }
0x39: {  	_ = 	snop;
	(pc) =	sbr.ind lr, $3  }
0x3a: {  	_ = 	snop  }
0x3b: {  	_ = 	snop  }
0x3c: {  	p2 =	seq.s32 s10, $0x1;
	s10 =	sld [smem:$0x3FB9]  }
0x3d: {  	_ =	shalt  }
0x3e: {  	_ =	shalt  }
0x3f: {  	_ =	shalt  }
0x40: {  	_ =	shalt  }
0x41: {  	_ =	shalt  }
0x42: {  	_ =	shalt  }
0x43: {  	_ =	shalt  }
0x44: {  	_ =	shalt  }
0x45: {  	_ =	shalt  }
0x46: {  	_ =	shalt  }
0x47: {  	_ =	shalt  }
0x48: {  	_ =	shalt  }
0x49: {  	_ =	shalt  }
0x4a: {  	_ =	shalt  }
0x4b: {  	_ =	shalt  }
0x4c: {  	_ =	shalt  }
0x4d: {  	_ =	shalt  }
0x4e: {  	_ =	shalt  }
0x4f: {  	_ =	shalt  }
0x50: {  	_ =	shalt  }
0x51: {  	_ =	shalt  }
0x52: {  	_ =	shalt  }
0x53: {  	_ =	shalt  }
0x54: {  	_ =	shalt  }
0x55: {  	_ =	shalt  }
0x56: {  	_ =	shalt  }
0x57: {  	_ =	shalt  }
0x58: {  	_ =	shalt  }
0x59: {  	_ =	shalt  }
0x5a: {  	_ =	shalt  }
0x5b: {  	_ =	shalt  }
0x5c: {  	_ =	shalt  }
0x5d: {  	_ =	shalt  }
0x5e: {  	_ =	shalt  }
0x5f: {  	_ =	shalt  }
0x60: {  	_ =	shalt  }
0x61: {  	_ =	shalt  }
0x62: {  	_ =	shalt  }
0x63: {  	_ =	shalt  }
0x64: {  	_ =	shalt  }
0x65: {  	_ =	shalt  }
0x66: {  	_ =	shalt  }
0x67: {  	_ =	shalt  }
0x68: {  	_ =	shalt  }
0x69: {  	_ =	shalt  }
0x6a: {  	_ =	shalt  }
0x6b: {  	_ =	shalt  }
0x6c: {  	_ =	shalt  }
0x6d: {  	_ =	shalt  }
0x6e: {  	_ =	shalt  }
0x6f: {  	_ =	shalt  }
0x70: {  	_ =	shalt  }
0x71: {  	_ =	shalt  }
0x72: {  	_ =	shalt  }
0x73: {  	_ =	shalt  }
0x74: {  	_ =	shalt  }
0x75: {  	_ =	shalt  }
0x76: {  	_ =	shalt  }
0x77: {  	_ =	shalt  }
0x78: {  	_ =	shalt  }
0x79: {  	_ =	shalt  }
0x7a: {  	_ =	shalt  }
0x7b: {  	_ =	shalt  }
0x7c: {  	_ =	shalt  }
0x7d: {  	_ =	shalt  }
0x7e: {  	_ =	shalt  }
0x7f: {  	_ =	shalt  }
0x80: {  	_ =	shalt  }
0x81: {  	_ =	shalt  }
0x82: {  	_ =	shalt  }
0x83: {  	_ =	shalt  }
0x84: {  	_ =	shalt  }
0x85: {  	_ =	shalt  }
0x86: {  	_ =	shalt  }
0x87: {  	_ =	shalt  }
.Lfunc_end0:
.L_simem_size_0:
called_computation_lowered:
.L_overlay_start_0:
0x88: {  	s2 =	sld [smem:$0x3FD9]  }
0x89: {  	s3 =	sld [smem:$0x3FFE];
	_ =	sdelay $0x1  }
0x8a: {  	s1 =	srdreg.scid  }
0x8b: {  	s0 =	sand.u32 $0x1, s1  }
0x8c: {  	s17 =	sshll.u32 s0, $0xA;
	s2 =	sadd.s32 s3, s2  }
0x8d: {  	s2 =	sadd.s32 s2, s17  }
0x8e: {  	[smem:$0x3FC5] =	sst s2  }
0x8f: {  	_ = 	snop  }
0x90: {  	s2 =	sld [smem:$0x3FC9]  }
0x91: {  	s18 =	sld [smem:$0x3FC8]  }
0x92: {  	s4 =	sld [smem:$0x3FC7];
	(tm) =	ssettm $0x1  }
0x93: {  	s5 =	sld [smem:$0x3FFB];
	_ =	sdelay $0x3  }
0x94: {  	_ =	strace s5  }
0x95: {  	s5 =	sld [smem:$0x3FFC];
	_ =	sdelay $0x3  }
0x96: {  	_ =	strace s5  }
0x97: {  	s5 =	sld [smem:$0x3FFD];
	_ =	sdelay $0x3  }
0x98: {  	_ =	strace s5  }
0x99: {  	_ =	strace $0x8FFFFFFF  }
0x9a: {  	s19 =	sld [smem:$0x3FDB];
	_ =	sdelay $0x1  }
0x9b: {  	s6 =	simm.s32 $_scs_section_size  }
0x9c: {  	s7 =	simm.s32 $_size__tile_overlayer_lowered;
	s8 =	simm.s32 $_tile_overlayer_lowered  }
0x9d: {  	s22 =	simm.s32 $0x1BFF;
	s21 =	sshll.u32 s8, $0x1;
	s5 =	sadd.s32 s6, s19  }
0x9e: {  	s9 =	simm.s32 $0x0;
	s20 =	sshll.u32 s7, $0x1;
	s7 =	sadd.s32 s21, s5  }
0x9f: {  	[timem:s9], [sflag:s22] =	dma.local [hbm:s7], s20  }
0xa0: {  	_ =	swait.ge [sflag:s22], s20  }
0xa1: {  	s6 =	ssub.s32 $0x0, s20;
	[sflag:s22] =	ssyncset.done $0x0  }
0xa2: {  	[sflag:s22] =	ssyncadd.s32 s6;
	_ =	sdelay $0x1  }
0xa3: {  	s23 =	simm.s32 $0x1B8B  }
0xa4: {  	_ =	swait.ge [sflag:s23], $0x1  }
0xa5: {  	[sflag:s23] =	ssyncset.done $0x0  }
0xa6: {  	s25 =	simm.s32 $0x1B8E;
	s24 =	sld [smem:$0x3FFE];
	[sflag:s23] =	ssyncadd.s32 $0xFFFFFFFF  }
0xa7: {  	s26 =	simm.s32 $execute0_lowered;
	[smem:$0x3FD2] =	sst s25  }
0xa8: {  	s7 =	sshll.u32 s26, $0x1;
	_ =	strace $0x80000046;
	[dreg:$0x1] =	wrdreg $0xFFFFFFFF  }
0xa9: {  	s28 =	simm.s32 $_size_execute0_lowered;
	s5 =	sadd.s32 s5, s7;
	[dreg:$0x0] =	wrdreg $0x0  }
0xaa: {  	s7 =	sshll.u32 s28, $0x1;
	[dreg:$0x2] =	wrdreg s5  }
0xab: {  	[dreg:$0x3] =	wrdreg s7  }
0xac: {  	[dreg:$0x4] =	wrdreg $0xC0  }
0xad: {  	_ =	task [dreg:s9], $0x5FFFF  }
0xae: {  	[dreg:$0x1] =	wrdreg $0xFFFFFFFF  }
0xaf: {  	[dreg:$0x0] =	wrdreg $0x60  }
0xb0: {  	[dreg:$0x2] =	wrdreg s2  }
0xb1: {  	[dreg:$0x3] =	wrdreg s18  }
0xb2: {  	[dreg:$0x4] =	wrdreg s4  }
0xb3: {  	[dreg:$0x5] =	wrdreg s24  }
0xb4: {  	[dreg:$0x6] =	wrdreg $0x9  }
0xb5: {  	_ =	task.clear_ibuf [dreg:s9], $0x7FFFF;
	_ =	strace $0x90000046  }
0xb6: {  	s29 =	simm.s32 $0x9;
	_ =	strace $0x80000048  }
0xb7: {  	_ =	swait.ge [sflag:s29], $0x1  }
0xb8: {  	[sflag:s29] =	ssyncadd.s32 $0xFFFFFFFF  }
0xb9: {  	_ =	strace $0x90000048  }
0xba: {  	_ =	sfence  }
0xbb: {  	s30 =	sld [smem:$0x0];
	_ =	sdelay $0x2  }
0xbc: {  	s31 =	sshll.u32 s1, $0xD;
	s1 =	sshrl.u32 s1, $0x2  }
0xbd: {  	s3 =	sand.u32 $0x4000, s31;
	s1 =	sadd.s32 s1, s30  }
0xbe: {  	s0 =	sor.u32 s3, s0;
	s1 =	sshll.u32 s1, $0x11  }
0xbf: {  	s0 =	sor.u32 s1, s0  }
0xc0: {  	s0 =	sadd.s32 $0x8F2B, s0  }
0xc1: {  	[sflag:s0] =	ssyncadd.remote.s32 $0x1  }
0xc2: {  	_ =	sfence.sel $0xFFFF  }
0xc3: {  	[dreg:$0x0] =	wrdreg $0xFFFFFFFF;
	(pc) =	sbr.abs _section_cstart, $3  }
0xc4: {  	[dreg:$0x1] =	wrdreg $0xFFFFFFFF  }
0xc5: {  	_ =	task.clear_ibuf [dreg:s9], $0x2FFFF;
	_ =	strace $0x9FFFFFFF  }
0xc6: {  	(tm) =	ssettm $0x7FFFFFFF  }
0xc7: {  	_ =	shalt  }
tec
execute0_lowered:
.L_overlay_start_1:
0x0: {  	(tag) =	ssettag $0x1  }
0x1: {  	s14 =	rddreg [dreg:$0x0]  }
0x2: {  	s15 =	rddreg [dreg:$0x1]  }
0x3: {  	s16 =	rddreg [dreg:$0x2]  }
0x4: {  	s0 =	rddreg [dreg:$0x3];
	s1 =	srdreg.scid;
	s2 =	simm.s32 $0x0  }
0x5: {  	s26 =	stileid.u32;
	s21 =	simm.s32 $0x2000;
	s22 =	simm.s32 $0x4000  }
0x6: {  	s23 =	simm.s32 $0x6080;
	s24 =	simm.s32 $0xE080;
	s25 =	simm.s32 $0x80  }
0x7: {  	s28 =	simm.s32 $0x0;
	s1 =	sand.u32 $0x1, s1;
	[smem:$0x7FF] =	sst s2  }
0x8: {  	s5 =	sand.u32 $0x7, s26;
	s7 =	sshll.u32 s26, $0x4;
	s3 =	sshll.u32 s1, $0x4  }
0x9: {  	_ =	strace $0x80000047;
	p1 =	sne.s32 s5, $0x0;
	s1 =	ssub.s32 $0x2, s1  }
0xa: {  	s12 =	sshll.u32 s5, $0xF;
	s4 =	sor.u32 s26, s3;
	s3 =	sadd.s32 $0x200, s0  }
0xb: {  	s29 =	sshrl.u32 s1, $0x1;
	s8 =	sor.u32 $0x2000, s12;
	p0 =	seq.s32 s4, $0x0  }
0xc: {  	s18 =	sor.u32 $0x4000, s12;
	s6 =	sshll.u32 s4, $0xC;
	p0 =	por !p1, !p0  }
0xd: {  	s6 =	sor.u32 s7, s6;
	s7 =	simm.s32 $0x1;
	p0 =	por !p0, !p0  }
0xe: {  	s26 =	simm.s32 $0x400;
	s4 =	sshrl.u32 s4, $0x3;
	s7 =	simm.s32 @!p0 $0x0  }
0xf: {  	s1 =	ssub.s32 s1, s29;
	s6 =	sand.u32 $0x18070, s6;
	s4 =	ssub.s32 s4, s7  }
0x10: {  	s0 =	sadd.s32 s6, s0;
	s13 =	sshll.u32 s4, $0x13;
	s17 =	sshll.u32 s4, $0x12  }
0x11: {  	s4 =	simm.s32 $0x1;
	s5 =	sor.u32 s12, s13;
	s30 =	sor.u32 s12, s17  }
0x12: {  	s9 =	sor.u32 s8, s13;
	s10 =	sor.u32 s8, s17;
	s11 =	sor.u32 s18, s13  }
0x13: {  	s18 =	sor.u32 s18, s17;
	s12 =	sor.u32 $0x6000, s12;
	s5 =	sshrl.u32 s5, $0x3  }
0x14: {  	s31 =	sshrl.u32 s30, $0x3;
	s9 =	sshrl.u32 s9, $0x3;
	s10 =	sshrl.u32 s10, $0x3  }
0x15: {  	s11 =	sshrl.u32 s11, $0x3;
	s18 =	sshrl.u32 s18, $0x3;
	s13 =	sor.u32 s12, s13  }
0x16: {  	s17 =	sor.u32 s12, s17;
	s5 =	sadd.s32 s14, s5;
	s6 =	sadd.s32 s15, s31  }
0x17: {  	s7 =	sadd.s32 s16, s31;
	s8 =	sadd.s32 s14, s9;
	s9 =	sadd.s32 s15, s10  }
0x18: {  	s10 =	sadd.s32 s16, s10;
	s11 =	sadd.s32 s14, s11;
	s12 =	sadd.s32 s15, s18  }
0x19: {  	s19 =	sshrl.u32 s13, $0x3;
	s17 =	sshrl.u32 s17, $0x3;
	s13 =	sadd.s32 s16, s18  }
0x1a: {  	s18 =	sadd.s32 $0x20400, s0;
	s14 =	sadd.s32 s14, s19;
	s15 =	sadd.s32 s15, s17  }
0x1b: {  	v0 =	vimm.f32 $0.0e+00;
	v1 =	vlaneseq.u32;
	v2 =	vimm.f32 $1.000000000e+00;
	s16 =	sadd.s32 s16, s17;
	s17 =	sadd.s32 $0x400, s0;
	s19 =	smax.u32 s1, $0x1  }
.LBB2_1:
0x1c: {  	s0 =	simm.s32 $0x0;
	s1 =	simm.s32 $0x6000  }
0x1d: {  	[tilespmem:s1], [sflag:$0x1] =	stream.linear.gather [hbm4b:s3+s0], $0x80, $0x38;
	[tilespmem:$0x16080] =	vst v63  }
0x1e: {  	_ =	swait.ge [sflag:s4], $0x80  }
0x1f: {  	[sflag:s4] =	ssyncset.done $0x0  }
0x20: {  	[sflag:s4] =	ssyncadd.s32 $0xFFFFFF80  }
0x21: {  	s29 =	simm.s32 $0x40;
	s0 =	simm.s32 $0x0;
	v3 =	vld [tilespmem:$0x6000]  }
.LBB2_2:
0x22: {  	p0 =	sne.s32 s29, $0x1FFC0;
	[tilespmem:s0+$0x6080] =	vst v0;
	s1 =	smov.u32 s29;
	s29 =	sadd.s32 $0x40, s29  }
.Ltmp0:
0x23: {  	[tilespmem:s0+$0xE080] =	vst v0;
	(pc) =	sbr.rel @p0 .LBB2_2-.Ltmp0, $2  }
0x24: {  	_ =	sdelay $0x2  }
0x25: {  	s0 =	sshra.s32 s1, $0x2  }
0x26: {  	[tilespmem:s0+$0x6080] =	vst v0  }
0x27: {  	[tilespmem:s0+$0xE080] =	vst v0;
	s20 =	simm.s32 $0x0  }
0x28: {  	[tilespmem:s20], [sflag:$0x1] =	stream.linear.gather [hbm4b:s5+s20], $0x2000, $0x38;
	[tilespmem:$0x16080] =	vst v63  }
0x29: {  	_ =	swait.ge [sflag:s4], $0x2000  }
0x2a: {  	[sflag:s4] =	ssyncset.done $0x0  }
0x2b: {  	[sflag:s4] =	ssyncadd.s32 $0xFFFFE000  }
0x2c: {  	[tilespmem:s21], [sflag:$0x1] =	stream.linear.gather [hbm4b:s6+s20], $0x2000, $0x38;
	[tilespmem:$0x16080] =	vst v63  }
0x2d: {  	_ =	swait.ge [sflag:s4], $0x2000  }
0x2e: {  	s29 =	simm.s32 $0x0;
	s30 =	simm.s32 $0x0;
	[sflag:s4] =	ssyncset.done $0x0  }
0x2f: {  	s1 =	sand.u32 $0x70, s20;
	s0 =	sand.u32 $0xC00, s20;
	[sflag:s4] =	ssyncadd.s32 $0xFFFFE000  }
0x30: {  	[tilespmem:s22], [sflag:$0x1] =	stream.linear.gather [hbm4b:s7+s20], $0x2000, $0x38;
	[tilespmem:$0x16080] =	vst v63  }
0x31: {  	s29 =	sand.u32 $0x1000, s29;
	s0 =	sor.u32 s0, s1;
	_ =	swait.ge [sflag:s4], $0x2000  }
0x32: {  	s2 =	sand.u32 $0x380, s30;
	s0 =	sor.u32 s29, s0;
	[sflag:s4] =	ssyncset.done $0x0  }
0x33: {  	s0 =	sor.u32 s2, s0;
	[sflag:s4] =	ssyncadd.s32 $0xFFFFE000  }
0x34: {  	v4 =	vld [tilespmem:s0+$0x2000]  }
0x35: {  	v5 =	vld [tilespmem:s0+$0x0];
	_ =	sdelay $0x2  }
0x36: {  	v6 =	vld [tilespmem:s0+$0x4000];
	_ =	sdelay $0x1  }
0x37: {  	v4 =	vsub.f32 v5, v4;
	_ =	sdelay $0x1  }
0x38: {  	v4 =	vand.u32 $0x7FFFFFFF, v4  }
0x39: {  	v5 =	vor.u32 v3, v6;
	v6 =	vshrl.u32 v4, $0x10  }
0x3a: {  	vm0 =	veq.s32 v5, $0x0;
	v5 =	vand.u32 $0x7FF0, v6  }
0x3b: {  	v5 =	vor.u32 v1, v5;
	_ =	sdelay $0x1  }
0x3c: {  	s30 =	simm.s32 $0x80;
	s29 =	simm.s32 $0x10  }
0x3d: {  	s31 =	sand.u32 $0xC00, s30;
	s20 =	simm.s32 $0x10;
	s0 =	sand.u32 $0x70, s29  }
0x3e: {  	s2 =	simm.s32 $0x4;
	s1 =	sand.u32 $0x1000, s20;
	s31 =	sor.u32 s31, s0  }
0x3f: {  	s0 =	sand.u32 $0x380, s2;
	s1 =	sor.u32 s1, s31;
	s31 =	simm.s32 $0x2;
	[tilespmem:v5+s23+$0x0] =	vst.idx.add.f32.msk vm0, v2  }
.LBB2_4:
0x40: {  	p0 =	sne.s32 s31, $0x1FF;
	s0 =	sor.u32 s0, s1;
	[tilespmem:v5+s24+$0x0] =	vst.idx.add.f32.msk vm0, v4  }
0x41: {  	v4 =	vld [tilespmem:s0+$0x2000]  }
0x42: {  	v5 =	vld [tilespmem:s0+$0x0];
	_ =	sdelay $0x2  }
0x43: {  	v6 =	vld [tilespmem:s0+$0x4000];
	_ =	sdelay $0x1  }
0x44: {  	v4 =	vsub.f32 v5, v4;
	_ =	sdelay $0x1  }
0x45: {  	v4 =	vand.u32 $0x7FFFFFFF, v4  }
0x46: {  	v5 =	vor.u32 v3, v6;
	v6 =	vshrl.u32 v4, $0x10  }
0x47: {  	vm0 =	veq.s32 v5, $0x0;
	v5 =	vand.u32 $0x7FF0, v6  }
0x48: {  	v5 =	vor.u32 v1, v5  }
.Ltmp1:
0x49: {  	(pc) =	sbr.rel @p0 .LBB2_4-.Ltmp1, $4  }
0x4a: {  	s29 =	sadd.s32 $0x10, s29;
	s30 =	sadd.s32 $0x80, s30  }
0x4b: {  	s1 =	sshll.u32 s31, $0x4;
	s2 =	sand.u32 $0xC00, s30;
	s0 =	sand.u32 $0x70, s29  }
0x4c: {  	s20 =	sshll.u32 s31, $0x2;
	s1 =	sand.u32 $0x1000, s1;
	s2 =	sor.u32 s2, s0  }
0x4d: {  	s31 =	sadd.s32 $0x1, s31;
	s0 =	sand.u32 $0x380, s20;
	s1 =	sor.u32 s1, s2;
	[tilespmem:v5+s23+$0x0] =	vst.idx.add.f32.msk vm0, v2  }
0x4e: {  	_ =	sdelay $0x4  }
0x4f: {  	s0 =	sor.u32 s0, s1;
	[tilespmem:v5+s24+$0x0] =	vst.idx.add.f32.msk vm0, v4  }
0x50: {  	v4 =	vld [tilespmem:s0+$0x2000]  }
0x51: {  	v5 =	vld [tilespmem:s0+$0x0];
	_ =	sdelay $0x2  }
0x52: {  	v6 =	vld [tilespmem:s0+$0x4000];
	_ =	sdelay $0x1  }
0x53: {  	v4 =	vsub.f32 v5, v4;
	_ =	sdelay $0x1  }
0x54: {  	v4 =	vand.u32 $0x7FFFFFFF, v4  }
0x55: {  	v5 =	vor.u32 v3, v6;
	v6 =	vshrl.u32 v4, $0x10  }
0x56: {  	vm0 =	veq.s32 v5, $0x0;
	v5 =	vand.u32 $0x7FF0, v6  }
0x57: {  	v5 =	vor.u32 v1, v5;
	_ =	sdelay $0x4  }
0x58: {  	[tilespmem:v5+s23+$0x0] =	vst.idx.add.f32.msk vm0, v2  }
0x59: {  	s20 =	simm.s32 $0x0;
	[tilespmem:v5+s24+$0x0] =	vst.idx.add.f32.msk vm0, v4  }
0x5a: {  	[tilespmem:s20], [sflag:$0x1] =	stream.linear.gather [hbm4b:s8+s20], $0x2000, $0x38;
	[tilespmem:$0x16080] =	vst v63  }
0x5b: {  	_ =	swait.ge [sflag:s4], $0x2000  }
0x5c: {  	[sflag:s4] =	ssyncset.done $0x0  }
0x5d: {  	[sflag:s4] =	ssyncadd.s32 $0xFFFFE000  }
0x5e: {  	[tilespmem:s21], [sflag:$0x1] =	stream.linear.gather [hbm4b:s9+s20], $0x2000, $0x38;
	[tilespmem:$0x16080] =	vst v63  }
0x5f: {  	_ =	swait.ge [sflag:s4], $0x2000  }
0x60: {  	s2 =	simm.s32 $0x0;
	s1 =	sand.u32 $0x70, s20;
	[sflag:s4] =	ssyncset.done $0x0  }
0x61: {  	s0 =	sand.u32 $0xC00, s20;
	s2 =	sand.u32 $0x1000, s2;
	[sflag:s4] =	ssyncadd.s32 $0xFFFFE000  }
0x62: {  	[tilespmem:s22], [sflag:$0x1] =	stream.linear.gather [hbm4b:s10+s20], $0x2000, $0x38;
	[tilespmem:$0x16080] =	vst v63  }
0x63: {  	s0 =	sor.u32 s0, s1;
	s20 =	simm.s32 $0x0;
	_ =	swait.ge [sflag:s4], $0x2000  }
0x64: {  	s0 =	sor.u32 s2, s0;
	s20 =	sand.u32 $0x380, s20;
	[sflag:s4] =	ssyncset.done $0x0  }
0x65: {  	s0 =	sor.u32 s20, s0;
	[sflag:s4] =	ssyncadd.s32 $0xFFFFE000  }
0x66: {  	v4 =	vld [tilespmem:s0+$0x2000]  }
0x67: {  	v5 =	vld [tilespmem:s0+$0x0];
	_ =	sdelay $0x2  }
0x68: {  	v6 =	vld [tilespmem:s0+$0x4000];
	_ =	sdelay $0x1  }
0x69: {  	v4 =	vsub.f32 v5, v4;
	_ =	sdelay $0x1  }
0x6a: {  	v4 =	vand.u32 $0x7FFFFFFF, v4  }
0x6b: {  	v5 =	vor.u32 v3, v6;
	v6 =	vshrl.u32 v4, $0x10  }
0x6c: {  	vm0 =	veq.s32 v5, $0x0;
	v5 =	vand.u32 $0x7FF0, v6  }
0x6d: {  	v5 =	vor.u32 v1, v5;
	_ =	sdelay $0x1  }
0x6e: {  	s29 =	simm.s32 $0x10;
	s30 =	simm.s32 $0x80  }
0x6f: {  	s2 =	sand.u32 $0xC00, s30;
	s20 =	simm.s32 $0x10;
	s0 =	sand.u32 $0x70, s29  }
0x70: {  	s1 =	sand.u32 $0x1000, s20;
	s20 =	simm.s32 $0x4;
	s2 =	sor.u32 s2, s0  }
0x71: {  	s31 =	simm.s32 $0x2;
	s0 =	sand.u32 $0x380, s20;
	s1 =	sor.u32 s1, s2;
	[tilespmem:v5+s23+$0x0] =	vst.idx.add.f32.msk vm0, v2  }
.LBB2_6:
0x72: {  	p0 =	sne.s32 s31, $0x1FF;
	s0 =	sor.u32 s0, s1;
	[tilespmem:v5+s24+$0x0] =	vst.idx.add.f32.msk vm0, v4  }
0x73: {  	v4 =	vld [tilespmem:s0+$0x2000]  }
0x74: {  	v5 =	vld [tilespmem:s0+$0x0];
	_ =	sdelay $0x2  }
0x75: {  	v6 =	vld [tilespmem:s0+$0x4000];
	_ =	sdelay $0x1  }
0x76: {  	v4 =	vsub.f32 v5, v4;
	_ =	sdelay $0x1  }
0x77: {  	v4 =	vand.u32 $0x7FFFFFFF, v4  }
0x78: {  	v5 =	vor.u32 v3, v6;
	v6 =	vshrl.u32 v4, $0x10  }
0x79: {  	vm0 =	veq.s32 v5, $0x0;
	v5 =	vand.u32 $0x7FF0, v6  }
0x7a: {  	v5 =	vor.u32 v1, v5  }
.Ltmp2:
0x7b: {  	(pc) =	sbr.rel @p0 .LBB2_6-.Ltmp2, $4  }
0x7c: {  	s29 =	sadd.s32 $0x10, s29;
	s30 =	sadd.s32 $0x80, s30  }
0x7d: {  	s1 =	sshll.u32 s31, $0x4;
	s2 =	sand.u32 $0xC00, s30;
	s0 =	sand.u32 $0x70, s29  }
0x7e: {  	s20 =	sshll.u32 s31, $0x2;
	s1 =	sand.u32 $0x1000, s1;
	s2 =	sor.u32 s2, s0  }
0x7f: {  	s31 =	sadd.s32 $0x1, s31;
	s0 =	sand.u32 $0x380, s20;
	s1 =	sor.u32 s1, s2;
	[tilespmem:v5+s23+$0x0] =	vst.idx.add.f32.msk vm0, v2  }
0x80: {  	_ =	sdelay $0x4  }
0x81: {  	s0 =	sor.u32 s0, s1;
	[tilespmem:v5+s24+$0x0] =	vst.idx.add.f32.msk vm0, v4  }
0x82: {  	v4 =	vld [tilespmem:s0+$0x2000]  }
0x83: {  	v5 =	vld [tilespmem:s0+$0x0];
	_ =	sdelay $0x2  }
0x84: {  	v6 =	vld [tilespmem:s0+$0x4000];
	_ =	sdelay $0x1  }
0x85: {  	v4 =	vsub.f32 v5, v4;
	_ =	sdelay $0x1  }
0x86: {  	v4 =	vand.u32 $0x7FFFFFFF, v4  }
0x87: {  	v5 =	vor.u32 v3, v6;
	v6 =	vshrl.u32 v4, $0x10  }
0x88: {  	vm0 =	veq.s32 v5, $0x0;
	v5 =	vand.u32 $0x7FF0, v6  }
0x89: {  	v5 =	vor.u32 v1, v5;
	_ =	sdelay $0x4  }
0x8a: {  	[tilespmem:v5+s23+$0x0] =	vst.idx.add.f32.msk vm0, v2  }
0x8b: {  	s20 =	simm.s32 $0x0;
	[tilespmem:v5+s24+$0x0] =	vst.idx.add.f32.msk vm0, v4  }
0x8c: {  	[tilespmem:s20], [sflag:$0x1] =	stream.linear.gather [hbm4b:s11+s20], $0x2000, $0x38;
	[tilespmem:$0x16080] =	vst v63  }
0x8d: {  	_ =	swait.ge [sflag:s4], $0x2000  }
0x8e: {  	[sflag:s4] =	ssyncset.done $0x0  }
0x8f: {  	[sflag:s4] =	ssyncadd.s32 $0xFFFFE000  }
0x90: {  	[tilespmem:s21], [sflag:$0x1] =	stream.linear.gather [hbm4b:s12+s20], $0x2000, $0x38;
	[tilespmem:$0x16080] =	vst v63  }
0x91: {  	_ =	swait.ge [sflag:s4], $0x2000  }
0x92: {  	s2 =	simm.s32 $0x0;
	s1 =	sand.u32 $0x70, s20;
	[sflag:s4] =	ssyncset.done $0x0  }
0x93: {  	s0 =	sand.u32 $0xC00, s20;
	s2 =	sand.u32 $0x1000, s2;
	[sflag:s4] =	ssyncadd.s32 $0xFFFFE000  }
0x94: {  	[tilespmem:s22], [sflag:$0x1] =	stream.linear.gather [hbm4b:s13+s20], $0x2000, $0x38;
	[tilespmem:$0x16080] =	vst v63  }
0x95: {  	s0 =	sor.u32 s0, s1;
	s20 =	simm.s32 $0x0;
	_ =	swait.ge [sflag:s4], $0x2000  }
0x96: {  	s0 =	sor.u32 s2, s0;
	s20 =	sand.u32 $0x380, s20;
	[sflag:s4] =	ssyncset.done $0x0  }
0x97: {  	s0 =	sor.u32 s20, s0;
	[sflag:s4] =	ssyncadd.s32 $0xFFFFE000  }
0x98: {  	v4 =	vld [tilespmem:s0+$0x2000]  }
0x99: {  	v5 =	vld [tilespmem:s0+$0x0];
	_ =	sdelay $0x2  }
0x9a: {  	v6 =	vld [tilespmem:s0+$0x4000];
	_ =	sdelay $0x1  }
0x9b: {  	v4 =	vsub.f32 v5, v4;
	_ =	sdelay $0x1  }
0x9c: {  	v4 =	vand.u32 $0x7FFFFFFF, v4  }
0x9d: {  	v5 =	vor.u32 v3, v6;
	v6 =	vshrl.u32 v4, $0x10  }
0x9e: {  	vm0 =	veq.s32 v5, $0x0;
	v5 =	vand.u32 $0x7FF0, v6  }
0x9f: {  	v5 =	vor.u32 v1, v5;
	_ =	sdelay $0x1  }
0xa0: {  	s29 =	simm.s32 $0x10;
	s30 =	simm.s32 $0x80  }
0xa1: {  	s2 =	sand.u32 $0xC00, s30;
	s20 =	simm.s32 $0x10;
	s0 =	sand.u32 $0x70, s29  }
0xa2: {  	s1 =	sand.u32 $0x1000, s20;
	s20 =	simm.s32 $0x4;
	s2 =	sor.u32 s2, s0  }
0xa3: {  	s31 =	simm.s32 $0x2;
	s0 =	sand.u32 $0x380, s20;
	s1 =	sor.u32 s1, s2;
	[tilespmem:v5+s23+$0x0] =	vst.idx.add.f32.msk vm0, v2  }
.LBB2_8:
0xa4: {  	p0 =	sne.s32 s31, $0x1FF;
	s0 =	sor.u32 s0, s1;
	[tilespmem:v5+s24+$0x0] =	vst.idx.add.f32.msk vm0, v4  }
0xa5: {  	v4 =	vld [tilespmem:s0+$0x2000]  }
0xa6: {  	v5 =	vld [tilespmem:s0+$0x0];
	_ =	sdelay $0x2  }
0xa7: {  	v6 =	vld [tilespmem:s0+$0x4000];
	_ =	sdelay $0x1  }
0xa8: {  	v4 =	vsub.f32 v5, v4;
	_ =	sdelay $0x1  }
0xa9: {  	v4 =	vand.u32 $0x7FFFFFFF, v4  }
0xaa: {  	v5 =	vor.u32 v3, v6;
	v6 =	vshrl.u32 v4, $0x10  }
0xab: {  	vm0 =	veq.s32 v5, $0x0;
	v5 =	vand.u32 $0x7FF0, v6  }
0xac: {  	v5 =	vor.u32 v1, v5  }
.Ltmp3:
0xad: {  	(pc) =	sbr.rel @p0 .LBB2_8-.Ltmp3, $4  }
0xae: {  	s29 =	sadd.s32 $0x10, s29;
	s30 =	sadd.s32 $0x80, s30  }
0xaf: {  	s1 =	sshll.u32 s31, $0x4;
	s2 =	sand.u32 $0xC00, s30;
	s0 =	sand.u32 $0x70, s29  }
0xb0: {  	s20 =	sshll.u32 s31, $0x2;
	s1 =	sand.u32 $0x1000, s1;
	s2 =	sor.u32 s2, s0  }
0xb1: {  	s31 =	sadd.s32 $0x1, s31;
	s0 =	sand.u32 $0x380, s20;
	s1 =	sor.u32 s1, s2;
	[tilespmem:v5+s23+$0x0] =	vst.idx.add.f32.msk vm0, v2  }
0xb2: {  	_ =	sdelay $0x4  }
0xb3: {  	s0 =	sor.u32 s0, s1;
	[tilespmem:v5+s24+$0x0] =	vst.idx.add.f32.msk vm0, v4  }
0xb4: {  	v4 =	vld [tilespmem:s0+$0x2000]  }
0xb5: {  	v5 =	vld [tilespmem:s0+$0x0];
	_ =	sdelay $0x2  }
0xb6: {  	v6 =	vld [tilespmem:s0+$0x4000];
	_ =	sdelay $0x1  }
0xb7: {  	v4 =	vsub.f32 v5, v4;
	_ =	sdelay $0x1  }
0xb8: {  	v4 =	vand.u32 $0x7FFFFFFF, v4  }
0xb9: {  	v5 =	vor.u32 v3, v6;
	v6 =	vshrl.u32 v4, $0x10  }
0xba: {  	vm0 =	veq.s32 v5, $0x0;
	v5 =	vand.u32 $0x7FF0, v6  }
0xbb: {  	v5 =	vor.u32 v1, v5;
	_ =	sdelay $0x4  }
0xbc: {  	[tilespmem:v5+s23+$0x0] =	vst.idx.add.f32.msk vm0, v2  }
0xbd: {  	s20 =	simm.s32 $0x0;
	[tilespmem:v5+s24+$0x0] =	vst.idx.add.f32.msk vm0, v4  }
0xbe: {  	[tilespmem:s20], [sflag:$0x1] =	stream.linear.gather [hbm4b:s14+s20], $0x2000, $0x38;
	[tilespmem:$0x16080] =	vst v63  }
0xbf: {  	_ =	swait.ge [sflag:s4], $0x2000  }
0xc0: {  	[sflag:s4] =	ssyncset.done $0x0  }
0xc1: {  	[sflag:s4] =	ssyncadd.s32 $0xFFFFE000  }
0xc2: {  	[tilespmem:s21], [sflag:$0x1] =	stream.linear.gather [hbm4b:s15+s20], $0x2000, $0x38;
	[tilespmem:$0x16080] =	vst v63  }
0xc3: {  	_ =	swait.ge [sflag:s4], $0x2000  }
0xc4: {  	s2 =	simm.s32 $0x0;
	s1 =	sand.u32 $0x70, s20;
	[sflag:s4] =	ssyncset.done $0x0  }
0xc5: {  	s0 =	sand.u32 $0xC00, s20;
	s2 =	sand.u32 $0x1000, s2;
	[sflag:s4] =	ssyncadd.s32 $0xFFFFE000  }
0xc6: {  	[tilespmem:s22], [sflag:$0x1] =	stream.linear.gather [hbm4b:s16+s20], $0x2000, $0x38;
	[tilespmem:$0x16080] =	vst v63  }
0xc7: {  	s0 =	sor.u32 s0, s1;
	s20 =	simm.s32 $0x0;
	_ =	swait.ge [sflag:s4], $0x2000  }
0xc8: {  	s0 =	sor.u32 s2, s0;
	s20 =	sand.u32 $0x380, s20;
	[sflag:s4] =	ssyncset.done $0x0  }
0xc9: {  	s0 =	sor.u32 s20, s0;
	[sflag:s4] =	ssyncadd.s32 $0xFFFFE000  }
0xca: {  	v4 =	vld [tilespmem:s0+$0x2000]  }
0xcb: {  	v5 =	vld [tilespmem:s0+$0x0];
	_ =	sdelay $0x2  }
0xcc: {  	v6 =	vld [tilespmem:s0+$0x4000];
	_ =	sdelay $0x1  }
0xcd: {  	v4 =	vsub.f32 v5, v4;
	_ =	sdelay $0x1  }
0xce: {  	v4 =	vand.u32 $0x7FFFFFFF, v4  }
0xcf: {  	v5 =	vor.u32 v3, v6;
	v6 =	vshrl.u32 v4, $0x10  }
0xd0: {  	vm0 =	veq.s32 v5, $0x0;
	v5 =	vand.u32 $0x7FF0, v6  }
0xd1: {  	v5 =	vor.u32 v1, v5;
	_ =	sdelay $0x1  }
0xd2: {  	s29 =	simm.s32 $0x10;
	s30 =	simm.s32 $0x80  }
0xd3: {  	s2 =	sand.u32 $0xC00, s30;
	s20 =	simm.s32 $0x10;
	s0 =	sand.u32 $0x70, s29  }
0xd4: {  	s1 =	sand.u32 $0x1000, s20;
	s20 =	simm.s32 $0x4;
	s2 =	sor.u32 s2, s0  }
0xd5: {  	s31 =	simm.s32 $0x2;
	s0 =	sand.u32 $0x380, s20;
	s1 =	sor.u32 s1, s2;
	[tilespmem:v5+s23+$0x0] =	vst.idx.add.f32.msk vm0, v2  }
.LBB2_10:
0xd6: {  	p0 =	sne.s32 s31, $0x1FF;
	s0 =	sor.u32 s0, s1;
	[tilespmem:v5+s24+$0x0] =	vst.idx.add.f32.msk vm0, v4  }
0xd7: {  	v4 =	vld [tilespmem:s0+$0x2000]  }
0xd8: {  	v5 =	vld [tilespmem:s0+$0x0];
	_ =	sdelay $0x2  }
0xd9: {  	v6 =	vld [tilespmem:s0+$0x4000];
	_ =	sdelay $0x1  }
0xda: {  	v4 =	vsub.f32 v5, v4;
	_ =	sdelay $0x1  }
0xdb: {  	v4 =	vand.u32 $0x7FFFFFFF, v4  }
0xdc: {  	v5 =	vor.u32 v3, v6;
	v6 =	vshrl.u32 v4, $0x10  }
0xdd: {  	vm0 =	veq.s32 v5, $0x0;
	v5 =	vand.u32 $0x7FF0, v6  }
0xde: {  	v5 =	vor.u32 v1, v5  }
.Ltmp4:
0xdf: {  	(pc) =	sbr.rel @p0 .LBB2_10-.Ltmp4, $4  }
0xe0: {  	s29 =	sadd.s32 $0x10, s29;
	s30 =	sadd.s32 $0x80, s30  }
0xe1: {  	s1 =	sshll.u32 s31, $0x4;
	s2 =	sand.u32 $0xC00, s30;
	s0 =	sand.u32 $0x70, s29  }
0xe2: {  	s20 =	sshll.u32 s31, $0x2;
	s1 =	sand.u32 $0x1000, s1;
	s2 =	sor.u32 s2, s0  }
0xe3: {  	s31 =	sadd.s32 $0x1, s31;
	s0 =	sand.u32 $0x380, s20;
	s1 =	sor.u32 s1, s2;
	[tilespmem:v5+s23+$0x0] =	vst.idx.add.f32.msk vm0, v2  }
0xe4: {  	_ =	sdelay $0x4  }
0xe5: {  	s0 =	sor.u32 s0, s1;
	[tilespmem:v5+s24+$0x0] =	vst.idx.add.f32.msk vm0, v4  }
0xe6: {  	v4 =	vld [tilespmem:s0+$0x2000]  }
0xe7: {  	v5 =	vld [tilespmem:s0+$0x0];
	_ =	sdelay $0x2  }
0xe8: {  	v6 =	vld [tilespmem:s0+$0x4000];
	_ =	sdelay $0x1  }
0xe9: {  	v4 =	vsub.f32 v5, v4;
	_ =	sdelay $0x1  }
0xea: {  	v4 =	vand.u32 $0x7FFFFFFF, v4  }
0xeb: {  	v3 =	vor.u32 v3, v6;
	v63 =	vshrl.u32 v4, $0x10  }
0xec: {  	vm15 =	veq.s32 v3, $0x0;
	v3 =	vand.u32 $0x7FF0, v63  }
0xed: {  	v3 =	vor.u32 v1, v3;
	_ =	sdelay $0x4  }
0xee: {  	[tilespmem:v3+s23+$0x0] =	vst.idx.add.f32.msk vm15, v2  }
0xef: {  	[tilespmem:v3+s24+$0x0] =	vst.idx.add.f32.msk vm15, v4  }
0xf0: {  	[hbm4b:s17+s25] =	stream.strided.scatter [tilespmem:s23], [sflag:$0x1], $0x8000, s26, s25, $0x38;
	[tilespmem:$0x16080] =	vst v63  }
0xf1: {  	s28 =	sadd.s32 $0x1, s28;
	_ =	swait.ge [sflag:s4], $0x8000  }
0xf2: {  	p0 =	sne.s32 s28, s19;
	[sflag:s4] =	ssyncset.done $0x0  }
.Ltmp5:
0xf3: {  	[sflag:s4] =	ssyncadd.s32 $0xFFFF8000;
	(pc) =	sbr.rel @p0 .LBB2_1-.Ltmp5, $4  }
0xf4: {  	[hbm4b:s18+s25] =	stream.strided.scatter [tilespmem:s24], [sflag:$0x1], $0x8000, s26, s25, $0x38;
	[tilespmem:$0x16080] =	vst v63  }
0xf5: {  	_ =	swait.ge [sflag:s4], $0x8000  }
0xf6: {  	[sflag:s4] =	ssyncset.done $0x0  }
0xf7: {  	[sflag:s4] =	ssyncadd.s32 $0xFFFF8000  }
0xf8: {  	_ =	sfence.sel $0x180000  }
0xf9: {  	[bflag:$0x0] =	sbarrier.arrive $0xFFFF  }
0xfa: {  	_ =	strace $0x90000047  }
0xfb: {  	s0 =	stileid.u32;
	[bflag:$0x2] =	sbarrier.arrive $0xFFFF  }
0xfc: {  	p0 =	sne.s32 s0, $0x0;
	s0 =	rddreg [dreg:$0x4]  }
0xfd: {  	s0 =	sadd.s32 @!p0 $0x100000, s0  }
0xfe: {  	[sflag:s0] =	ssyncadd.tile.s32 @!p0 $0x1;
	_ =	shalt  }
.Lfunc_end2:
_tile_overlayer_lowered:
.L_overlay_start_2:
0xff: {  	(tag) =	ssettag $0x2  }
0x100: {  	s0 =	rddreg [dreg:$0x0];
	s2 =	stileid.u32  }
0x101: {  	s1 =	rddreg [dreg:$0x1];
	p0 =	sne.s32 s2, $0x0  }
0x102: {  	s3 =	rddreg [dreg:$0x2];
	[bflag:$0x3] =	sbarrier.arrive $0xFFFF;
	s2 =	simm.s32 @!p0 $0x1C01  }
0x103: {  	[timem:s3], [sflag:s2] =	dma.local @!p0 [hbm:s0], s1  }
0x104: {  	s0 =	simm.s32 @!p0 $0x1  }
0x105: {  	_ =	swait.ge @!p0 [sflag:s0], s1  }
0x106: {  	s1 =	ssub.s32 @!p0 $0x0, s1;
	[sflag:s0] =	ssyncset.done @!p0 $0x0  }
0x107: {  	[sflag:s0] =	ssyncadd.s32 @!p0 s1  }
0x108: {  	[bflag:$0x3] =	sbarrier.arrive $0xFFFF  }
0x109: {  	_ =	shalt  }

// kernel: branch_0_fun.8.cloned.1.call-start
scs
__scs_entry_jumppad:
0x0: {  	(pc) =	sbr.rel $0x88, $3  }
0x1: {  	(tag) =	ssettag $0x0;
	lr =	simm.s32 $0x1  }
0x2: {  	[smem:$0x3F9E] =	sst lr;
	_ =	strace $0xD0000000  }
0x3: {  	_ = 	snop  }
0x4: {  	_ = 	snop  }
0x5: {  	_ = 	snop  }
0x6: {  	_ = 	snop  }
0x7: {  	_ = 	snop  }
__scs_overlays_trampoline_lowered:
0x8: {  	[smem:$0x3FAD] =	sst s0  }
0x9: {  	[smem:$0x3FAE] =	sst s1  }
0xa: {  	[smem:$0x3FAF] =	sst s2  }
0xb: {  	[smem:$0x3FB0] =	sst s3  }
0xc: {  	[smem:$0x3FB1] =	sst s4  }
0xd: {  	[smem:$0x3FB2] =	sst s5  }
0xe: {  	[smem:$0x3FB3] =	sst s6  }
0xf: {  	[smem:$0x3FB4] =	sst s7  }
0x10: {  	[smem:$0x3FB5] =	sst s8  }
0x11: {  	[smem:$0x3FB6] =	sst s9;
	s0 =	simm.s32 @!p0 $0x0  }
0x12: {  	s1 =	sld [smem:$0x3F9C];
	s0 =	simm.s32 @p0 $0x1  }
0x13: {  	[smem:$0x3FB7] =	sst s0;
	s0 =	simm.s32 @!p1 $0x0  }
0x14: {  	s2 =	sld [smem:$0x3F9B];
	s0 =	simm.s32 @p1 $0x1  }
0x15: {  	[smem:$0x3FB8] =	sst s0;
	s0 =	simm.s32 @!p2 $0x0  }
0x16: {  	s3 =	sld [smem:$0x3FDB];
	s0 =	simm.s32 @p2 $0x1  }
0x17: {  	s4 =	simm.s32 $0x1BF5;
	[smem:$0x3FBA] =	sst s0  }
0x18: {  	s0 =	sld [smem:$0x3F9D];
	_ =	swait.ge [sflag:s4], $0x0  }
0x19: {  	s7 =	sld [smem:$0x3F9E]  }
0x1a: {  	s8 =	sadd.s32 $0xFFFFE003, lr  }
0x1b: {  	s9 =	sadd.s32 $0xFFFFFEF7, lr;
	s5 =	simm.s32 $0xFFFFFFFF;
	p2 =	slt.u32 s8, $0xFFFFF086  }
0x1c: {  	p1 =	slt.u32 s9, $0xF7A;
	s5 =	simm.s32 @!p2 $0x0  }
0x1d: {  	s5 =	simm.s32 @p1 $0x1;
	p0 =	seq.s32 s7, s2  }
0x1e: {  	s7 =	smul.u32 @!p0 $0xF7A, s2;
	p2 =	seq.s32 @!p0 s5, $0x0  }
0x1f: {  	s9 =	smul.u32 $0xF7A, s1;
	s8 =	simm.s32 @!p0 $0x1BF5;
	p2 =	por !p2, p0  }
0x20: {  	[sflag:s8] =	ssyncset.s32 @!p0 $0xFFFFF086;
	s6 =	sadd.s32 @!p0 s3, s7;
	s7 =	simm.s32 @!p0 $0x108  }
0x21: {  	s3 =	sadd.s32 s3, s9;
	s6 =	sadd.s32 @!p0 $0x88, s6;
	s7 =	simm.s32 @p2 $0x1082  }
0x22: {  	[simem:s7], [sflag:s8] =	dma.local @!p0 [hbm:s6], $0xF7A  }
0x23: {  	s9 =	sor.u32 $0xD0000000, s2;
	s6 =	simm.s32 $0x108;
	_ =	swait.ge @!p0 [sflag:s8], $0x0  }
0x24: {  	s3 =	sadd.s32 $0x88, s3;
	s6 =	simm.s32 @!p1 $0x1082;
	[sflag:s4] =	ssyncset.s32 $0xFFFFF086  }
0x25: {  	[simem:s6], [sflag:s4] =	dma.local [hbm:s3], $0xF7A  }
0x26: {  	[smem:$0x3F9E] =	sst s1;
	(tag) =	ssettag s2;
	_ =	strace s9  }
0x27: {  	s1 =	sld [smem:$0x3FAE]  }
0x28: {  	s2 =	sld [smem:$0x3FAF]  }
0x29: {  	s4 =	sld [smem:$0x3FB1]  }
0x2a: {  	p0 =	seq.s32 s5, $0x0;
	s5 =	sld [smem:$0x3FB2]  }
0x2b: {  	s6 =	sld [smem:$0x3FB3]  }
0x2c: {  	s7 =	sld [smem:$0x3FB4]  }
0x2d: {  	s3 =	simm.s32 $0x108;
	s8 =	sld [smem:$0x3FB5]  }
0x2e: {  	s3 =	simm.s32 @!p0 $0x1082;
	s9 =	sld [smem:$0x3FB6]  }
0x2f: {  	lr =	sadd.s32 s0, s3;
	s0 =	sld [smem:$0x3FAD]  }
0x30: {  	s3 =	sld [smem:$0x3FB0]  }
0x31: {  	[smem:$0x3FB9] =	sst s10  }
0x32: {  	s10 =	sld [smem:$0x3FB7];
	_ =	sdelay $0x3  }
0x33: {  	p0 =	seq.s32 s10, $0x1;
	s10 =	sld [smem:$0x3FB9];
	_ =	sdelay $0x3  }
0x34: {  	[smem:$0x3FB9] =	sst s10  }
0x35: {  	s10 =	sld [smem:$0x3FB8];
	_ =	sdelay $0x3  }
0x36: {  	p1 =	seq.s32 s10, $0x1;
	s10 =	sld [smem:$0x3FB9];
	_ =	sdelay $0x3  }
0x37: {  	[smem:$0x3FB9] =	sst s10  }
0x38: {  	s10 =	sld [smem:$0x3FBA]  }
0x39: {  	_ = 	snop;
	(pc) =	sbr.ind lr, $3  }
0x3a: {  	_ = 	snop  }
0x3b: {  	_ = 	snop  }
0x3c: {  	p2 =	seq.s32 s10, $0x1;
	s10 =	sld [smem:$0x3FB9]  }
0x3d: {  	_ =	shalt  }
0x3e: {  	_ =	shalt  }
0x3f: {  	_ =	shalt  }
0x40: {  	_ =	shalt  }
0x41: {  	_ =	shalt  }
0x42: {  	_ =	shalt  }
0x43: {  	_ =	shalt  }
0x44: {  	_ =	shalt  }
0x45: {  	_ =	shalt  }
0x46: {  	_ =	shalt  }
0x47: {  	_ =	shalt  }
0x48: {  	_ =	shalt  }
0x49: {  	_ =	shalt  }
0x4a: {  	_ =	shalt  }
0x4b: {  	_ =	shalt  }
0x4c: {  	_ =	shalt  }
0x4d: {  	_ =	shalt  }
0x4e: {  	_ =	shalt  }
0x4f: {  	_ =	shalt  }
0x50: {  	_ =	shalt  }
0x51: {  	_ =	shalt  }
0x52: {  	_ =	shalt  }
0x53: {  	_ =	shalt  }
0x54: {  	_ =	shalt  }
0x55: {  	_ =	shalt  }
0x56: {  	_ =	shalt  }
0x57: {  	_ =	shalt  }
0x58: {  	_ =	shalt  }
0x59: {  	_ =	shalt  }
0x5a: {  	_ =	shalt  }
0x5b: {  	_ =	shalt  }
0x5c: {  	_ =	shalt  }
0x5d: {  	_ =	shalt  }
0x5e: {  	_ =	shalt  }
0x5f: {  	_ =	shalt  }
0x60: {  	_ =	shalt  }
0x61: {  	_ =	shalt  }
0x62: {  	_ =	shalt  }
0x63: {  	_ =	shalt  }
0x64: {  	_ =	shalt  }
0x65: {  	_ =	shalt  }
0x66: {  	_ =	shalt  }
0x67: {  	_ =	shalt  }
0x68: {  	_ =	shalt  }
0x69: {  	_ =	shalt  }
0x6a: {  	_ =	shalt  }
0x6b: {  	_ =	shalt  }
0x6c: {  	_ =	shalt  }
0x6d: {  	_ =	shalt  }
0x6e: {  	_ =	shalt  }
0x6f: {  	_ =	shalt  }
0x70: {  	_ =	shalt  }
0x71: {  	_ =	shalt  }
0x72: {  	_ =	shalt  }
0x73: {  	_ =	shalt  }
0x74: {  	_ =	shalt  }
0x75: {  	_ =	shalt  }
0x76: {  	_ =	shalt  }
0x77: {  	_ =	shalt  }
0x78: {  	_ =	shalt  }
0x79: {  	_ =	shalt  }
0x7a: {  	_ =	shalt  }
0x7b: {  	_ =	shalt  }
0x7c: {  	_ =	shalt  }
0x7d: {  	_ =	shalt  }
0x7e: {  	_ =	shalt  }
0x7f: {  	_ =	shalt  }
0x80: {  	_ =	shalt  }
0x81: {  	_ =	shalt  }
0x82: {  	_ =	shalt  }
0x83: {  	_ =	shalt  }
0x84: {  	_ =	shalt  }
0x85: {  	_ =	shalt  }
0x86: {  	_ =	shalt  }
0x87: {  	_ =	shalt  }
.Lfunc_end0:
.L_simem_size_0:
called_computation.1_lowered:
.L_overlay_start_0:
0x88: {  	s2 =	sld [smem:$0x3FD9]  }
0x89: {  	s3 =	sld [smem:$0x3FFE];
	_ =	sdelay $0x1  }
0x8a: {  	s1 =	srdreg.scid  }
0x8b: {  	s0 =	sand.u32 $0x1, s1  }
0x8c: {  	s17 =	sshll.u32 s0, $0xA;
	s2 =	sadd.s32 s3, s2  }
0x8d: {  	s2 =	sadd.s32 s2, s17  }
0x8e: {  	[smem:$0x3FC5] =	sst s2  }
0x8f: {  	_ = 	snop  }
0x90: {  	s2 =	sld [smem:$0x3FC9]  }
0x91: {  	s18 =	sld [smem:$0x3FC8]  }
0x92: {  	s4 =	sld [smem:$0x3FC7];
	(tm) =	ssettm $0x1  }
0x93: {  	s5 =	sld [smem:$0x3FFB];
	_ =	sdelay $0x3  }
0x94: {  	_ =	strace s5  }
0x95: {  	s5 =	sld [smem:$0x3FFC];
	_ =	sdelay $0x3  }
0x96: {  	_ =	strace s5  }
0x97: {  	s5 =	sld [smem:$0x3FFD];
	_ =	sdelay $0x3  }
0x98: {  	_ =	strace s5  }
0x99: {  	_ =	strace $0x8FFFFFFF  }
0x9a: {  	s19 =	sld [smem:$0x3FDB];
	_ =	sdelay $0x1  }
0x9b: {  	s6 =	simm.s32 $_scs_section_size  }
0x9c: {  	s7 =	simm.s32 $_size__tile_overlayer_lowered;
	s8 =	simm.s32 $_tile_overlayer_lowered  }
0x9d: {  	s22 =	simm.s32 $0x1BFF;
	s21 =	sshll.u32 s8, $0x1;
	s5 =	sadd.s32 s6, s19  }
0x9e: {  	s9 =	simm.s32 $0x0;
	s20 =	sshll.u32 s7, $0x1;
	s7 =	sadd.s32 s21, s5  }
0x9f: {  	[timem:s9], [sflag:s22] =	dma.local [hbm:s7], s20  }
0xa0: {  	_ =	swait.ge [sflag:s22], s20  }
0xa1: {  	s6 =	ssub.s32 $0x0, s20;
	[sflag:s22] =	ssyncset.done $0x0  }
0xa2: {  	[sflag:s22] =	ssyncadd.s32 s6;
	_ =	sdelay $0x1  }
0xa3: {  	s23 =	simm.s32 $0x1B8B  }
0xa4: {  	_ =	swait.ge [sflag:s23], $0x1  }
0xa5: {  	[sflag:s23] =	ssyncset.done $0x0  }
0xa6: {  	s25 =	simm.s32 $0x1B8E;
	s24 =	sld [smem:$0x3FFE];
	[sflag:s23] =	ssyncadd.s32 $0xFFFFFFFF  }
0xa7: {  	s26 =	simm.s32 $execute0_lowered;
	[smem:$0x3FD2] =	sst s25  }
0xa8: {  	s7 =	sshll.u32 s26, $0x1;
	_ =	strace $0x80000049;
	[dreg:$0x1] =	wrdreg $0xFFFFFFFF  }
0xa9: {  	s28 =	simm.s32 $_size_execute0_lowered;
	s5 =	sadd.s32 s5, s7;
	[dreg:$0x0] =	wrdreg $0x0  }
0xaa: {  	s7 =	sshll.u32 s28, $0x1;
	[dreg:$0x2] =	wrdreg s5  }
0xab: {  	[dreg:$0x3] =	wrdreg s7  }
0xac: {  	[dreg:$0x4] =	wrdreg $0xC0  }
0xad: {  	_ =	task [dreg:s9], $0x5FFFF  }
0xae: {  	[dreg:$0x1] =	wrdreg $0xFFFFFFFF  }
0xaf: {  	[dreg:$0x0] =	wrdreg $0x60  }
0xb0: {  	[dreg:$0x2] =	wrdreg s2  }
0xb1: {  	[dreg:$0x3] =	wrdreg s18  }
0xb2: {  	[dreg:$0x4] =	wrdreg s4  }
0xb3: {  	[dreg:$0x5] =	wrdreg s24  }
0xb4: {  	[dreg:$0x6] =	wrdreg $0x9  }
0xb5: {  	_ =	task.clear_ibuf [dreg:s9], $0x7FFFF;
	_ =	strace $0x90000049  }
0xb6: {  	s29 =	simm.s32 $0x9;
	_ =	strace $0x8000004B  }
0xb7: {  	_ =	swait.ge [sflag:s29], $0x1  }
0xb8: {  	[sflag:s29] =	ssyncadd.s32 $0xFFFFFFFF  }
0xb9: {  	_ =	strace $0x9000004B  }
0xba: {  	_ =	sfence  }
0xbb: {  	s30 =	sld [smem:$0x0];
	_ =	sdelay $0x2  }
0xbc: {  	s31 =	sshll.u32 s1, $0xD;
	s1 =	sshrl.u32 s1, $0x2  }
0xbd: {  	s3 =	sand.u32 $0x4000, s31;
	s1 =	sadd.s32 s1, s30  }
0xbe: {  	s0 =	sor.u32 s3, s0;
	s1 =	sshll.u32 s1, $0x11  }
0xbf: {  	s0 =	sor.u32 s1, s0  }
0xc0: {  	s0 =	sadd.s32 $0x8F2B, s0  }
0xc1: {  	[sflag:s0] =	ssyncadd.remote.s32 $0x1  }
0xc2: {  	_ =	sfence.sel $0xFFFF  }
0xc3: {  	[dreg:$0x0] =	wrdreg $0xFFFFFFFF;
	(pc) =	sbr.abs _section_cstart, $3  }
0xc4: {  	[dreg:$0x1] =	wrdreg $0xFFFFFFFF  }
0xc5: {  	_ =	task.clear_ibuf [dreg:s9], $0x2FFFF;
	_ =	strace $0x9FFFFFFF  }
0xc6: {  	(tm) =	ssettm $0x7FFFFFFF  }
0xc7: {  	_ =	shalt  }
tec
execute0_lowered:
.L_overlay_start_1:
0x0: {  	(tag) =	ssettag $0x1  }
0x1: {  	s14 =	rddreg [dreg:$0x0]  }
0x2: {  	s15 =	rddreg [dreg:$0x1]  }
0x3: {  	s16 =	rddreg [dreg:$0x2]  }
0x4: {  	s0 =	rddreg [dreg:$0x3];
	s1 =	srdreg.scid;
	s2 =	simm.s32 $0x0  }
0x5: {  	s26 =	stileid.u32;
	s21 =	simm.s32 $0x2000;
	s22 =	simm.s32 $0x4000  }
0x6: {  	s23 =	simm.s32 $0x6080;
	s24 =	simm.s32 $0xE080;
	s25 =	simm.s32 $0x80  }
0x7: {  	s28 =	simm.s32 $0x0;
	s1 =	sand.u32 $0x1, s1;
	[smem:$0x7FF] =	sst s2  }
0x8: {  	s5 =	sand.u32 $0x7, s26;
	s7 =	sshll.u32 s26, $0x4;
	s3 =	sshll.u32 s1, $0x4  }
0x9: {  	_ =	strace $0x8000004A;
	p1 =	sne.s32 s5, $0x0;
	s1 =	ssub.s32 $0x2, s1  }
0xa: {  	s12 =	sshll.u32 s5, $0xF;
	s4 =	sor.u32 s26, s3;
	s3 =	sadd.s32 $0x400, s0  }
0xb: {  	s29 =	sshrl.u32 s1, $0x1;
	s8 =	sor.u32 $0x2000, s12;
	p0 =	seq.s32 s4, $0x0  }
0xc: {  	s18 =	sor.u32 $0x4000, s12;
	s6 =	sshll.u32 s4, $0xC;
	p0 =	por !p1, !p0  }
0xd: {  	s6 =	sor.u32 s7, s6;
	s7 =	simm.s32 $0x1;
	p0 =	por !p0, !p0  }
0xe: {  	s26 =	simm.s32 $0x400;
	s4 =	sshrl.u32 s4, $0x3;
	s7 =	simm.s32 @!p0 $0x0  }
0xf: {  	s1 =	ssub.s32 s1, s29;
	s6 =	sand.u32 $0x18070, s6;
	s4 =	ssub.s32 s4, s7  }
0x10: {  	s0 =	sadd.s32 s6, s0;
	s13 =	sshll.u32 s4, $0x13;
	s17 =	sshll.u32 s4, $0x12  }
0x11: {  	s4 =	simm.s32 $0x1;
	s5 =	sor.u32 s12, s13;
	s30 =	sor.u32 s12, s17  }
0x12: {  	s9 =	sor.u32 s8, s13;
	s10 =	sor.u32 s8, s17;
	s11 =	sor.u32 s18, s13  }
0x13: {  	s18 =	sor.u32 s18, s17;
	s12 =	sor.u32 $0x6000, s12;
	s5 =	sshrl.u32 s5, $0x3  }
0x14: {  	s31 =	sshrl.u32 s30, $0x3;
	s9 =	sshrl.u32 s9, $0x3;
	s10 =	sshrl.u32 s10, $0x3  }
0x15: {  	s11 =	sshrl.u32 s11, $0x3;
	s18 =	sshrl.u32 s18, $0x3;
	s13 =	sor.u32 s12, s13  }
0x16: {  	s17 =	sor.u32 s12, s17;
	s5 =	sadd.s32 s14, s5;
	s6 =	sadd.s32 s15, s31  }
0x17: {  	s7 =	sadd.s32 s16, s31;
	s8 =	sadd.s32 s14, s9;
	s9 =	sadd.s32 s15, s10  }
0x18: {  	s10 =	sadd.s32 s16, s10;
	s11 =	sadd.s32 s14, s11;
	s12 =	sadd.s32 s15, s18  }
0x19: {  	s19 =	sshrl.u32 s13, $0x3;
	s17 =	sshrl.u32 s17, $0x3;
	s13 =	sadd.s32 s16, s18  }
0x1a: {  	s18 =	sadd.s32 $0x60400, s0;
	s14 =	sadd.s32 s14, s19;
	s15 =	sadd.s32 s15, s17  }
0x1b: {  	v0 =	vimm.f32 $0.0e+00;
	v1 =	vlaneseq.u32;
	v2 =	vimm.f32 $1.000000000e+00;
	s16 =	sadd.s32 s16, s17;
	s17 =	sadd.s32 $0x40400, s0;
	s19 =	smax.u32 s1, $0x1  }
.LBB2_1:
0x1c: {  	s0 =	simm.s32 $0x0;
	s1 =	simm.s32 $0x6000  }
0x1d: {  	[tilespmem:s1], [sflag:$0x1] =	stream.linear.gather [hbm4b:s3+s0], $0x80, $0x38;
	[tilespmem:$0x16080] =	vst v63  }
0x1e: {  	_ =	swait.ge [sflag:s4], $0x80  }
0x1f: {  	[sflag:s4] =	ssyncset.done $0x0  }
0x20: {  	[sflag:s4] =	ssyncadd.s32 $0xFFFFFF80  }
0x21: {  	s29 =	simm.s32 $0x40;
	s0 =	simm.s32 $0x0;
	v3 =	vld [tilespmem:$0x6000]  }
.LBB2_2:
0x22: {  	p0 =	sne.s32 s29, $0x1FFC0;
	[tilespmem:s0+$0x6080] =	vst v0;
	s1 =	smov.u32 s29;
	s29 =	sadd.s32 $0x40, s29  }
.Ltmp0:
0x23: {  	[tilespmem:s0+$0xE080] =	vst v0;
	(pc) =	sbr.rel @p0 .LBB2_2-.Ltmp0, $2  }
0x24: {  	_ =	sdelay $0x2  }
0x25: {  	s0 =	sshra.s32 s1, $0x2  }
0x26: {  	[tilespmem:s0+$0x6080] =	vst v0  }
0x27: {  	[tilespmem:s0+$0xE080] =	vst v0;
	s20 =	simm.s32 $0x0  }
0x28: {  	[tilespmem:s20], [sflag:$0x1] =	stream.linear.gather [hbm4b:s5+s20], $0x2000, $0x38;
	[tilespmem:$0x16080] =	vst v63  }
0x29: {  	_ =	swait.ge [sflag:s4], $0x2000  }
0x2a: {  	[sflag:s4] =	ssyncset.done $0x0  }
0x2b: {  	[sflag:s4] =	ssyncadd.s32 $0xFFFFE000  }
0x2c: {  	[tilespmem:s21], [sflag:$0x1] =	stream.linear.gather [hbm4b:s6+s20], $0x2000, $0x38;
	[tilespmem:$0x16080] =	vst v63  }
0x2d: {  	_ =	swait.ge [sflag:s4], $0x2000  }
0x2e: {  	s29 =	simm.s32 $0x0;
	s30 =	simm.s32 $0x0;
	[sflag:s4] =	ssyncset.done $0x0  }
0x2f: {  	s1 =	sand.u32 $0x70, s20;
	s0 =	sand.u32 $0xC00, s20;
	[sflag:s4] =	ssyncadd.s32 $0xFFFFE000  }
0x30: {  	[tilespmem:s22], [sflag:$0x1] =	stream.linear.gather [hbm4b:s7+s20], $0x2000, $0x38;
	[tilespmem:$0x16080] =	vst v63  }
0x31: {  	s29 =	sand.u32 $0x1000, s29;
	s0 =	sor.u32 s0, s1;
	_ =	swait.ge [sflag:s4], $0x2000  }
0x32: {  	s2 =	sand.u32 $0x380, s30;
	s0 =	sor.u32 s29, s0;
	[sflag:s4] =	ssyncset.done $0x0  }
0x33: {  	s0 =	sor.u32 s2, s0;
	[sflag:s4] =	ssyncadd.s32 $0xFFFFE000  }
0x34: {  	v4 =	vld [tilespmem:s0+$0x2000]  }
0x35: {  	v5 =	vld [tilespmem:s0+$0x0];
	_ =	sdelay $0x3  }
0x36: {  	v6 =	vld [tilespmem:s0+$0x4000]  }
0x37: {  	v4 =	vsub.f32 v5, v4;
	_ =	sdelay $0x1  }
0x38: {  	v4 =	vand.u32 $0x7FFFFFFF, v4  }
0x39: {  	v5 =	vshrl.u32 v4, $0x14  }
0x3a: {  	vm0 =	veq.s32 v6, $0x0;
	vm1 =	veq.s32 v5, v3;
	v5 =	vshrl.u32 v4, $0x5  }
0x3b: {  	vm0 =	vmand vm0, vm1;
	v5 =	vand.u32 $0x7FF0, v5  }
0x3c: {  	v5 =	vor.u32 v1, v5;
	_ =	sdelay $0x1  }
0x3d: {  	s30 =	simm.s32 $0x80;
	s29 =	simm.s32 $0x10  }
0x3e: {  	s31 =	sand.u32 $0xC00, s30;
	s20 =	simm.s32 $0x10;
	s0 =	sand.u32 $0x70, s29  }
0x3f: {  	s2 =	simm.s32 $0x4;
	s1 =	sand.u32 $0x1000, s20;
	s31 =	sor.u32 s31, s0  }
0x40: {  	s0 =	sand.u32 $0x380, s2;
	s1 =	sor.u32 s1, s31;
	s31 =	simm.s32 $0x2;
	[tilespmem:v5+s23+$0x0] =	vst.idx.add.f32.msk vm0, v2  }
.LBB2_4:
0x41: {  	p0 =	sne.s32 s31, $0x1FF;
	s0 =	sor.u32 s0, s1;
	[tilespmem:v5+s24+$0x0] =	vst.idx.add.f32.msk vm0, v4  }
0x42: {  	v4 =	vld [tilespmem:s0+$0x2000]  }
0x43: {  	v5 =	vld [tilespmem:s0+$0x0];
	_ =	sdelay $0x3  }
0x44: {  	v6 =	vld [tilespmem:s0+$0x4000]  }
0x45: {  	v4 =	vsub.f32 v5, v4;
	_ =	sdelay $0x1  }
0x46: {  	v4 =	vand.u32 $0x7FFFFFFF, v4  }
0x47: {  	v5 =	vshrl.u32 v4, $0x14  }
0x48: {  	vm0 =	veq.s32 v6, $0x0;
	vm1 =	veq.s32 v5, v3;
	v5 =	vshrl.u32 v4, $0x5  }
0x49: {  	vm0 =	vmand vm0, vm1;
	v5 =	vand.u32 $0x7FF0, v5  }
0x4a: {  	v5 =	vor.u32 v1, v5  }
.Ltmp1:
0x4b: {  	(pc) =	sbr.rel @p0 .LBB2_4-.Ltmp1, $4  }
0x4c: {  	s29 =	sadd.s32 $0x10, s29;
	s30 =	sadd.s32 $0x80, s30  }
0x4d: {  	s1 =	sshll.u32 s31, $0x4;
	s2 =	sand.u32 $0xC00, s30;
	s0 =	sand.u32 $0x70, s29  }
0x4e: {  	s20 =	sshll.u32 s31, $0x2;
	s1 =	sand.u32 $0x1000, s1;
	s2 =	sor.u32 s2, s0  }
0x4f: {  	s31 =	sadd.s32 $0x1, s31;
	s0 =	sand.u32 $0x380, s20;
	s1 =	sor.u32 s1, s2;
	[tilespmem:v5+s23+$0x0] =	vst.idx.add.f32.msk vm0, v2  }
0x50: {  	_ =	sdelay $0x4  }
0x51: {  	s0 =	sor.u32 s0, s1;
	[tilespmem:v5+s24+$0x0] =	vst.idx.add.f32.msk vm0, v4  }
0x52: {  	v4 =	vld [tilespmem:s0+$0x2000]  }
0x53: {  	v5 =	vld [tilespmem:s0+$0x0];
	_ =	sdelay $0x3  }
0x54: {  	v6 =	vld [tilespmem:s0+$0x4000]  }
0x55: {  	v4 =	vsub.f32 v5, v4;
	_ =	sdelay $0x1  }
0x56: {  	v4 =	vand.u32 $0x7FFFFFFF, v4  }
0x57: {  	v5 =	vshrl.u32 v4, $0x14  }
0x58: {  	vm0 =	veq.s32 v6, $0x0;
	vm1 =	veq.s32 v5, v3;
	v5 =	vshrl.u32 v4, $0x5  }
0x59: {  	vm0 =	vmand vm0, vm1;
	v5 =	vand.u32 $0x7FF0, v5  }
0x5a: {  	v5 =	vor.u32 v1, v5;
	_ =	sdelay $0x4  }
0x5b: {  	[tilespmem:v5+s23+$0x0] =	vst.idx.add.f32.msk vm0, v2  }
0x5c: {  	s20 =	simm.s32 $0x0;
	[tilespmem:v5+s24+$0x0] =	vst.idx.add.f32.msk vm0, v4  }
0x5d: {  	[tilespmem:s20], [sflag:$0x1] =	stream.linear.gather [hbm4b:s8+s20], $0x2000, $0x38;
	[tilespmem:$0x16080] =	vst v63  }
0x5e: {  	_ =	swait.ge [sflag:s4], $0x2000  }
0x5f: {  	[sflag:s4] =	ssyncset.done $0x0  }
0x60: {  	[sflag:s4] =	ssyncadd.s32 $0xFFFFE000  }
0x61: {  	[tilespmem:s21], [sflag:$0x1] =	stream.linear.gather [hbm4b:s9+s20], $0x2000, $0x38;
	[tilespmem:$0x16080] =	vst v63  }
0x62: {  	_ =	swait.ge [sflag:s4], $0x2000  }
0x63: {  	s2 =	simm.s32 $0x0;
	s1 =	sand.u32 $0x70, s20;
	[sflag:s4] =	ssyncset.done $0x0  }
0x64: {  	s0 =	sand.u32 $0xC00, s20;
	s2 =	sand.u32 $0x1000, s2;
	[sflag:s4] =	ssyncadd.s32 $0xFFFFE000  }
0x65: {  	[tilespmem:s22], [sflag:$0x1] =	stream.linear.gather [hbm4b:s10+s20], $0x2000, $0x38;
	[tilespmem:$0x16080] =	vst v63  }
0x66: {  	s0 =	sor.u32 s0, s1;
	s20 =	simm.s32 $0x0;
	_ =	swait.ge [sflag:s4], $0x2000  }
0x67: {  	s0 =	sor.u32 s2, s0;
	s20 =	sand.u32 $0x380, s20;
	[sflag:s4] =	ssyncset.done $0x0  }
0x68: {  	s0 =	sor.u32 s20, s0;
	[sflag:s4] =	ssyncadd.s32 $0xFFFFE000  }
0x69: {  	v4 =	vld [tilespmem:s0+$0x2000]  }
0x6a: {  	v5 =	vld [tilespmem:s0+$0x0];
	_ =	sdelay $0x3  }
0x6b: {  	v6 =	vld [tilespmem:s0+$0x4000]  }
0x6c: {  	v4 =	vsub.f32 v5, v4;
	_ =	sdelay $0x1  }
0x6d: {  	v4 =	vand.u32 $0x7FFFFFFF, v4  }
0x6e: {  	v5 =	vshrl.u32 v4, $0x14  }
0x6f: {  	vm0 =	veq.s32 v6, $0x0;
	vm1 =	veq.s32 v5, v3;
	v5 =	vshrl.u32 v4, $0x5  }
0x70: {  	vm0 =	vmand vm0, vm1;
	v5 =	vand.u32 $0x7FF0, v5  }
0x71: {  	v5 =	vor.u32 v1, v5;
	_ =	sdelay $0x1  }
0x72: {  	s29 =	simm.s32 $0x10;
	s30 =	simm.s32 $0x80  }
0x73: {  	s2 =	sand.u32 $0xC00, s30;
	s20 =	simm.s32 $0x10;
	s0 =	sand.u32 $0x70, s29  }
0x74: {  	s1 =	sand.u32 $0x1000, s20;
	s20 =	simm.s32 $0x4;
	s2 =	sor.u32 s2, s0  }
0x75: {  	s31 =	simm.s32 $0x2;
	s0 =	sand.u32 $0x380, s20;
	s1 =	sor.u32 s1, s2;
	[tilespmem:v5+s23+$0x0] =	vst.idx.add.f32.msk vm0, v2  }
.LBB2_6:
0x76: {  	p0 =	sne.s32 s31, $0x1FF;
	s0 =	sor.u32 s0, s1;
	[tilespmem:v5+s24+$0x0] =	vst.idx.add.f32.msk vm0, v4  }
0x77: {  	v4 =	vld [tilespmem:s0+$0x2000]  }
0x78: {  	v5 =	vld [tilespmem:s0+$0x0];
	_ =	sdelay $0x3  }
0x79: {  	v6 =	vld [tilespmem:s0+$0x4000]  }
0x7a: {  	v4 =	vsub.f32 v5, v4;
	_ =	sdelay $0x1  }
0x7b: {  	v4 =	vand.u32 $0x7FFFFFFF, v4  }
0x7c: {  	v5 =	vshrl.u32 v4, $0x14  }
0x7d: {  	vm0 =	veq.s32 v6, $0x0;
	vm1 =	veq.s32 v5, v3;
	v5 =	vshrl.u32 v4, $0x5  }
0x7e: {  	vm0 =	vmand vm0, vm1;
	v5 =	vand.u32 $0x7FF0, v5  }
0x7f: {  	v5 =	vor.u32 v1, v5  }
.Ltmp2:
0x80: {  	(pc) =	sbr.rel @p0 .LBB2_6-.Ltmp2, $4  }
0x81: {  	s29 =	sadd.s32 $0x10, s29;
	s30 =	sadd.s32 $0x80, s30  }
0x82: {  	s1 =	sshll.u32 s31, $0x4;
	s2 =	sand.u32 $0xC00, s30;
	s0 =	sand.u32 $0x70, s29  }
0x83: {  	s20 =	sshll.u32 s31, $0x2;
	s1 =	sand.u32 $0x1000, s1;
	s2 =	sor.u32 s2, s0  }
0x84: {  	s31 =	sadd.s32 $0x1, s31;
	s0 =	sand.u32 $0x380, s20;
	s1 =	sor.u32 s1, s2;
	[tilespmem:v5+s23+$0x0] =	vst.idx.add.f32.msk vm0, v2  }
0x85: {  	_ =	sdelay $0x4  }
0x86: {  	s0 =	sor.u32 s0, s1;
	[tilespmem:v5+s24+$0x0] =	vst.idx.add.f32.msk vm0, v4  }
0x87: {  	v4 =	vld [tilespmem:s0+$0x2000]  }
0x88: {  	v5 =	vld [tilespmem:s0+$0x0];
	_ =	sdelay $0x3  }
0x89: {  	v6 =	vld [tilespmem:s0+$0x4000]  }
0x8a: {  	v4 =	vsub.f32 v5, v4;
	_ =	sdelay $0x1  }
0x8b: {  	v4 =	vand.u32 $0x7FFFFFFF, v4  }
0x8c: {  	v5 =	vshrl.u32 v4, $0x14  }
0x8d: {  	vm0 =	veq.s32 v6, $0x0;
	vm1 =	veq.s32 v5, v3;
	v5 =	vshrl.u32 v4, $0x5  }
0x8e: {  	vm0 =	vmand vm0, vm1;
	v5 =	vand.u32 $0x7FF0, v5  }
0x8f: {  	v5 =	vor.u32 v1, v5;
	_ =	sdelay $0x4  }
0x90: {  	[tilespmem:v5+s23+$0x0] =	vst.idx.add.f32.msk vm0, v2  }
0x91: {  	s20 =	simm.s32 $0x0;
	[tilespmem:v5+s24+$0x0] =	vst.idx.add.f32.msk vm0, v4  }
0x92: {  	[tilespmem:s20], [sflag:$0x1] =	stream.linear.gather [hbm4b:s11+s20], $0x2000, $0x38;
	[tilespmem:$0x16080] =	vst v63  }
0x93: {  	_ =	swait.ge [sflag:s4], $0x2000  }
0x94: {  	[sflag:s4] =	ssyncset.done $0x0  }
0x95: {  	[sflag:s4] =	ssyncadd.s32 $0xFFFFE000  }
0x96: {  	[tilespmem:s21], [sflag:$0x1] =	stream.linear.gather [hbm4b:s12+s20], $0x2000, $0x38;
	[tilespmem:$0x16080] =	vst v63  }
0x97: {  	_ =	swait.ge [sflag:s4], $0x2000  }
0x98: {  	s2 =	simm.s32 $0x0;
	s1 =	sand.u32 $0x70, s20;
	[sflag:s4] =	ssyncset.done $0x0  }
0x99: {  	s0 =	sand.u32 $0xC00, s20;
	s2 =	sand.u32 $0x1000, s2;
	[sflag:s4] =	ssyncadd.s32 $0xFFFFE000  }
0x9a: {  	[tilespmem:s22], [sflag:$0x1] =	stream.linear.gather [hbm4b:s13+s20], $0x2000, $0x38;
	[tilespmem:$0x16080] =	vst v63  }
0x9b: {  	s0 =	sor.u32 s0, s1;
	s20 =	simm.s32 $0x0;
	_ =	swait.ge [sflag:s4], $0x2000  }
0x9c: {  	s0 =	sor.u32 s2, s0;
	s20 =	sand.u32 $0x380, s20;
	[sflag:s4] =	ssyncset.done $0x0  }
0x9d: {  	s0 =	sor.u32 s20, s0;
	[sflag:s4] =	ssyncadd.s32 $0xFFFFE000  }
0x9e: {  	v4 =	vld [tilespmem:s0+$0x2000]  }
0x9f: {  	v5 =	vld [tilespmem:s0+$0x0];
	_ =	sdelay $0x3  }
0xa0: {  	v6 =	vld [tilespmem:s0+$0x4000]  }
0xa1: {  	v4 =	vsub.f32 v5, v4;
	_ =	sdelay $0x1  }
0xa2: {  	v4 =	vand.u32 $0x7FFFFFFF, v4  }
0xa3: {  	v5 =	vshrl.u32 v4, $0x14  }
0xa4: {  	vm0 =	veq.s32 v6, $0x0;
	vm1 =	veq.s32 v5, v3;
	v5 =	vshrl.u32 v4, $0x5  }
0xa5: {  	vm0 =	vmand vm0, vm1;
	v5 =	vand.u32 $0x7FF0, v5  }
0xa6: {  	v5 =	vor.u32 v1, v5;
	_ =	sdelay $0x1  }
0xa7: {  	s29 =	simm.s32 $0x10;
	s30 =	simm.s32 $0x80  }
0xa8: {  	s2 =	sand.u32 $0xC00, s30;
	s20 =	simm.s32 $0x10;
	s0 =	sand.u32 $0x70, s29  }
0xa9: {  	s1 =	sand.u32 $0x1000, s20;
	s20 =	simm.s32 $0x4;
	s2 =	sor.u32 s2, s0  }
0xaa: {  	s31 =	simm.s32 $0x2;
	s0 =	sand.u32 $0x380, s20;
	s1 =	sor.u32 s1, s2;
	[tilespmem:v5+s23+$0x0] =	vst.idx.add.f32.msk vm0, v2  }
.LBB2_8:
0xab: {  	p0 =	sne.s32 s31, $0x1FF;
	s0 =	sor.u32 s0, s1;
	[tilespmem:v5+s24+$0x0] =	vst.idx.add.f32.msk vm0, v4  }
0xac: {  	v4 =	vld [tilespmem:s0+$0x2000]  }
0xad: {  	v5 =	vld [tilespmem:s0+$0x0];
	_ =	sdelay $0x3  }
0xae: {  	v6 =	vld [tilespmem:s0+$0x4000]  }
0xaf: {  	v4 =	vsub.f32 v5, v4;
	_ =	sdelay $0x1  }
0xb0: {  	v4 =	vand.u32 $0x7FFFFFFF, v4  }
0xb1: {  	v5 =	vshrl.u32 v4, $0x14  }
0xb2: {  	vm0 =	veq.s32 v6, $0x0;
	vm1 =	veq.s32 v5, v3;
	v5 =	vshrl.u32 v4, $0x5  }
0xb3: {  	vm0 =	vmand vm0, vm1;
	v5 =	vand.u32 $0x7FF0, v5  }
0xb4: {  	v5 =	vor.u32 v1, v5  }
.Ltmp3:
0xb5: {  	(pc) =	sbr.rel @p0 .LBB2_8-.Ltmp3, $4  }
0xb6: {  	s29 =	sadd.s32 $0x10, s29;
	s30 =	sadd.s32 $0x80, s30  }
0xb7: {  	s1 =	sshll.u32 s31, $0x4;
	s2 =	sand.u32 $0xC00, s30;
	s0 =	sand.u32 $0x70, s29  }
0xb8: {  	s20 =	sshll.u32 s31, $0x2;
	s1 =	sand.u32 $0x1000, s1;
	s2 =	sor.u32 s2, s0  }
0xb9: {  	s31 =	sadd.s32 $0x1, s31;
	s0 =	sand.u32 $0x380, s20;
	s1 =	sor.u32 s1, s2;
	[tilespmem:v5+s23+$0x0] =	vst.idx.add.f32.msk vm0, v2  }
0xba: {  	_ =	sdelay $0x4  }
0xbb: {  	s0 =	sor.u32 s0, s1;
	[tilespmem:v5+s24+$0x0] =	vst.idx.add.f32.msk vm0, v4  }
0xbc: {  	v4 =	vld [tilespmem:s0+$0x2000]  }
0xbd: {  	v5 =	vld [tilespmem:s0+$0x0];
	_ =	sdelay $0x3  }
0xbe: {  	v6 =	vld [tilespmem:s0+$0x4000]  }
0xbf: {  	v4 =	vsub.f32 v5, v4;
	_ =	sdelay $0x1  }
0xc0: {  	v4 =	vand.u32 $0x7FFFFFFF, v4  }
0xc1: {  	v5 =	vshrl.u32 v4, $0x14  }
0xc2: {  	vm0 =	veq.s32 v6, $0x0;
	vm1 =	veq.s32 v5, v3;
	v5 =	vshrl.u32 v4, $0x5  }
0xc3: {  	vm0 =	vmand vm0, vm1;
	v5 =	vand.u32 $0x7FF0, v5  }
0xc4: {  	v5 =	vor.u32 v1, v5;
	_ =	sdelay $0x4  }
0xc5: {  	[tilespmem:v5+s23+$0x0] =	vst.idx.add.f32.msk vm0, v2  }
0xc6: {  	s20 =	simm.s32 $0x0;
	[tilespmem:v5+s24+$0x0] =	vst.idx.add.f32.msk vm0, v4  }
0xc7: {  	[tilespmem:s20], [sflag:$0x1] =	stream.linear.gather [hbm4b:s14+s20], $0x2000, $0x38;
	[tilespmem:$0x16080] =	vst v63  }
0xc8: {  	_ =	swait.ge [sflag:s4], $0x2000  }
0xc9: {  	[sflag:s4] =	ssyncset.done $0x0  }
0xca: {  	[sflag:s4] =	ssyncadd.s32 $0xFFFFE000  }
0xcb: {  	[tilespmem:s21], [sflag:$0x1] =	stream.linear.gather [hbm4b:s15+s20], $0x2000, $0x38;
	[tilespmem:$0x16080] =	vst v63  }
0xcc: {  	_ =	swait.ge [sflag:s4], $0x2000  }
0xcd: {  	s2 =	simm.s32 $0x0;
	s1 =	sand.u32 $0x70, s20;
	[sflag:s4] =	ssyncset.done $0x0  }
0xce: {  	s0 =	sand.u32 $0xC00, s20;
	s2 =	sand.u32 $0x1000, s2;
	[sflag:s4] =	ssyncadd.s32 $0xFFFFE000  }
0xcf: {  	[tilespmem:s22], [sflag:$0x1] =	stream.linear.gather [hbm4b:s16+s20], $0x2000, $0x38;
	[tilespmem:$0x16080] =	vst v63  }
0xd0: {  	s0 =	sor.u32 s0, s1;
	s20 =	simm.s32 $0x0;
	_ =	swait.ge [sflag:s4], $0x2000  }
0xd1: {  	s0 =	sor.u32 s2, s0;
	s20 =	sand.u32 $0x380, s20;
	[sflag:s4] =	ssyncset.done $0x0  }
0xd2: {  	s0 =	sor.u32 s20, s0;
	[sflag:s4] =	ssyncadd.s32 $0xFFFFE000  }
0xd3: {  	v4 =	vld [tilespmem:s0+$0x2000]  }
0xd4: {  	v5 =	vld [tilespmem:s0+$0x0];
	_ =	sdelay $0x3  }
0xd5: {  	v6 =	vld [tilespmem:s0+$0x4000]  }
0xd6: {  	v4 =	vsub.f32 v5, v4;
	_ =	sdelay $0x1  }
0xd7: {  	v4 =	vand.u32 $0x7FFFFFFF, v4  }
0xd8: {  	v5 =	vshrl.u32 v4, $0x14  }
0xd9: {  	vm0 =	veq.s32 v6, $0x0;
	vm1 =	veq.s32 v5, v3;
	v5 =	vshrl.u32 v4, $0x5  }
0xda: {  	vm0 =	vmand vm0, vm1;
	v5 =	vand.u32 $0x7FF0, v5  }
0xdb: {  	v5 =	vor.u32 v1, v5;
	_ =	sdelay $0x1  }
0xdc: {  	s29 =	simm.s32 $0x10;
	s30 =	simm.s32 $0x80  }
0xdd: {  	s2 =	sand.u32 $0xC00, s30;
	s20 =	simm.s32 $0x10;
	s0 =	sand.u32 $0x70, s29  }
0xde: {  	s1 =	sand.u32 $0x1000, s20;
	s20 =	simm.s32 $0x4;
	s2 =	sor.u32 s2, s0  }
0xdf: {  	s31 =	simm.s32 $0x2;
	s0 =	sand.u32 $0x380, s20;
	s1 =	sor.u32 s1, s2;
	[tilespmem:v5+s23+$0x0] =	vst.idx.add.f32.msk vm0, v2  }
.LBB2_10:
0xe0: {  	p0 =	sne.s32 s31, $0x1FF;
	s0 =	sor.u32 s0, s1;
	[tilespmem:v5+s24+$0x0] =	vst.idx.add.f32.msk vm0, v4  }
0xe1: {  	v4 =	vld [tilespmem:s0+$0x2000]  }
0xe2: {  	v5 =	vld [tilespmem:s0+$0x0];
	_ =	sdelay $0x3  }
0xe3: {  	v6 =	vld [tilespmem:s0+$0x4000]  }
0xe4: {  	v4 =	vsub.f32 v5, v4;
	_ =	sdelay $0x1  }
0xe5: {  	v4 =	vand.u32 $0x7FFFFFFF, v4  }
0xe6: {  	v5 =	vshrl.u32 v4, $0x14  }
0xe7: {  	vm0 =	veq.s32 v6, $0x0;
	vm1 =	veq.s32 v5, v3;
	v5 =	vshrl.u32 v4, $0x5  }
0xe8: {  	vm0 =	vmand vm0, vm1;
	v5 =	vand.u32 $0x7FF0, v5  }
0xe9: {  	v5 =	vor.u32 v1, v5  }
.Ltmp4:
0xea: {  	(pc) =	sbr.rel @p0 .LBB2_10-.Ltmp4, $4  }
0xeb: {  	s29 =	sadd.s32 $0x10, s29;
	s30 =	sadd.s32 $0x80, s30  }
0xec: {  	s1 =	sshll.u32 s31, $0x4;
	s2 =	sand.u32 $0xC00, s30;
	s0 =	sand.u32 $0x70, s29  }
0xed: {  	s20 =	sshll.u32 s31, $0x2;
	s1 =	sand.u32 $0x1000, s1;
	s2 =	sor.u32 s2, s0  }
0xee: {  	s31 =	sadd.s32 $0x1, s31;
	s0 =	sand.u32 $0x380, s20;
	s1 =	sor.u32 s1, s2;
	[tilespmem:v5+s23+$0x0] =	vst.idx.add.f32.msk vm0, v2  }
0xef: {  	_ =	sdelay $0x4  }
0xf0: {  	s0 =	sor.u32 s0, s1;
	[tilespmem:v5+s24+$0x0] =	vst.idx.add.f32.msk vm0, v4  }
0xf1: {  	v4 =	vld [tilespmem:s0+$0x2000]  }
0xf2: {  	v5 =	vld [tilespmem:s0+$0x0];
	_ =	sdelay $0x3  }
0xf3: {  	v6 =	vld [tilespmem:s0+$0x4000]  }
0xf4: {  	v4 =	vsub.f32 v5, v4;
	_ =	sdelay $0x1  }
0xf5: {  	v4 =	vand.u32 $0x7FFFFFFF, v4  }
0xf6: {  	v63 =	vshrl.u32 v4, $0x14  }
0xf7: {  	vm15 =	veq.s32 v6, $0x0;
	vm1 =	veq.s32 v63, v3;
	v3 =	vshrl.u32 v4, $0x5  }
0xf8: {  	vm0 =	vmand vm15, vm1;
	v3 =	vand.u32 $0x7FF0, v3  }
0xf9: {  	v3 =	vor.u32 v1, v3;
	_ =	sdelay $0x4  }
0xfa: {  	[tilespmem:v3+s23+$0x0] =	vst.idx.add.f32.msk vm0, v2  }
0xfb: {  	[tilespmem:v3+s24+$0x0] =	vst.idx.add.f32.msk vm0, v4  }
0xfc: {  	[hbm4b:s17+s25] =	stream.strided.scatter [tilespmem:s23], [sflag:$0x1], $0x8000, s26, s25, $0x38;
	[tilespmem:$0x16080] =	vst v63  }
0xfd: {  	s28 =	sadd.s32 $0x1, s28;
	_ =	swait.ge [sflag:s4], $0x8000  }
0xfe: {  	p0 =	sne.s32 s28, s19;
	[sflag:s4] =	ssyncset.done $0x0  }
.Ltmp5:
0xff: {  	[sflag:s4] =	ssyncadd.s32 $0xFFFF8000;
	(pc) =	sbr.rel @p0 .LBB2_1-.Ltmp5, $4  }
0x100: {  	[hbm4b:s18+s25] =	stream.strided.scatter [tilespmem:s24], [sflag:$0x1], $0x8000, s26, s25, $0x38;
	[tilespmem:$0x16080] =	vst v63  }
0x101: {  	_ =	swait.ge [sflag:s4], $0x8000  }
0x102: {  	[sflag:s4] =	ssyncset.done $0x0  }
0x103: {  	[sflag:s4] =	ssyncadd.s32 $0xFFFF8000  }
0x104: {  	_ =	sfence.sel $0x180000  }
0x105: {  	[bflag:$0x0] =	sbarrier.arrive $0xFFFF  }
0x106: {  	_ =	strace $0x9000004A  }
0x107: {  	s0 =	stileid.u32;
	[bflag:$0x2] =	sbarrier.arrive $0xFFFF  }
0x108: {  	p0 =	sne.s32 s0, $0x0;
	s0 =	rddreg [dreg:$0x4]  }
0x109: {  	s0 =	sadd.s32 @!p0 $0x100000, s0  }
0x10a: {  	[sflag:s0] =	ssyncadd.tile.s32 @!p0 $0x1;
	_ =	shalt  }
.Lfunc_end2:
_tile_overlayer_lowered:
.L_overlay_start_2:
0x10b: {  	(tag) =	ssettag $0x2  }
0x10c: {  	s0 =	rddreg [dreg:$0x0];
	s2 =	stileid.u32  }
0x10d: {  	s1 =	rddreg [dreg:$0x1];
	p0 =	sne.s32 s2, $0x0  }
0x10e: {  	s3 =	rddreg [dreg:$0x2];
	[bflag:$0x3] =	sbarrier.arrive $0xFFFF;
	s2 =	simm.s32 @!p0 $0x1C01  }
0x10f: {  	[timem:s3], [sflag:s2] =	dma.local @!p0 [hbm:s0], s1  }
0x110: {  	s0 =	simm.s32 @!p0 $0x1  }
0x111: {  	_ =	swait.ge @!p0 [sflag:s0], s1  }
0x112: {  	s1 =	ssub.s32 @!p0 $0x0, s1;
	[sflag:s0] =	ssyncset.done @!p0 $0x0  }
0x113: {  	[sflag:s0] =	ssyncadd.s32 @!p0 s1  }
0x114: {  	[bflag:$0x3] =	sbarrier.arrive $0xFFFF  }
0x115: {  	_ =	shalt  }

// kernel: kernel.3.cloned.1.call-start
scs
__scs_entry_jumppad:
0x0: {  	(pc) =	sbr.rel $0x88, $3  }
0x1: {  	(tag) =	ssettag $0x0;
	lr =	simm.s32 $0x1  }
0x2: {  	[smem:$0x3F9E] =	sst lr;
	_ =	strace $0xD0000000  }
0x3: {  	_ = 	snop  }
0x4: {  	_ = 	snop  }
0x5: {  	_ = 	snop  }
0x6: {  	_ = 	snop  }
0x7: {  	_ = 	snop  }
__scs_overlays_trampoline_lowered:
0x8: {  	[smem:$0x3FAD] =	sst s0  }
0x9: {  	[smem:$0x3FAE] =	sst s1  }
0xa: {  	[smem:$0x3FAF] =	sst s2  }
0xb: {  	[smem:$0x3FB0] =	sst s3  }
0xc: {  	[smem:$0x3FB1] =	sst s4  }
0xd: {  	[smem:$0x3FB2] =	sst s5  }
0xe: {  	[smem:$0x3FB3] =	sst s6  }
0xf: {  	[smem:$0x3FB4] =	sst s7  }
0x10: {  	[smem:$0x3FB5] =	sst s8  }
0x11: {  	[smem:$0x3FB6] =	sst s9;
	s0 =	simm.s32 @!p0 $0x0  }
0x12: {  	s1 =	sld [smem:$0x3F9C];
	s0 =	simm.s32 @p0 $0x1  }
0x13: {  	[smem:$0x3FB7] =	sst s0;
	s0 =	simm.s32 @!p1 $0x0  }
0x14: {  	s2 =	sld [smem:$0x3F9B];
	s0 =	simm.s32 @p1 $0x1  }
0x15: {  	[smem:$0x3FB8] =	sst s0;
	s0 =	simm.s32 @!p2 $0x0  }
0x16: {  	s3 =	sld [smem:$0x3FDB];
	s0 =	simm.s32 @p2 $0x1  }
0x17: {  	s4 =	simm.s32 $0x1BF5;
	[smem:$0x3FBA] =	sst s0  }
0x18: {  	s0 =	sld [smem:$0x3F9D];
	_ =	swait.ge [sflag:s4], $0x0  }
0x19: {  	s7 =	sld [smem:$0x3F9E]  }
0x1a: {  	s8 =	sadd.s32 $0xFFFFE003, lr  }
0x1b: {  	s9 =	sadd.s32 $0xFFFFFEF7, lr;
	s5 =	simm.s32 $0xFFFFFFFF;
	p2 =	slt.u32 s8, $0xFFFFF086  }
0x1c: {  	p1 =	slt.u32 s9, $0xF7A;
	s5 =	simm.s32 @!p2 $0x0  }
0x1d: {  	s5 =	simm.s32 @p1 $0x1;
	p0 =	seq.s32 s7, s2  }
0x1e: {  	s7 =	smul.u32 @!p0 $0xF7A, s2;
	p2 =	seq.s32 @!p0 s5, $0x0  }
0x1f: {  	s9 =	smul.u32 $0xF7A, s1;
	s8 =	simm.s32 @!p0 $0x1BF5;
	p2 =	por !p2, p0  }
0x20: {  	[sflag:s8] =	ssyncset.s32 @!p0 $0xFFFFF086;
	s6 =	sadd.s32 @!p0 s3, s7;
	s7 =	simm.s32 @!p0 $0x108  }
0x21: {  	s3 =	sadd.s32 s3, s9;
	s6 =	sadd.s32 @!p0 $0x88, s6;
	s7 =	simm.s32 @p2 $0x1082  }
0x22: {  	[simem:s7], [sflag:s8] =	dma.local @!p0 [hbm:s6], $0xF7A  }
0x23: {  	s9 =	sor.u32 $0xD0000000, s2;
	s6 =	simm.s32 $0x108;
	_ =	swait.ge @!p0 [sflag:s8], $0x0  }
0x24: {  	s3 =	sadd.s32 $0x88, s3;
	s6 =	simm.s32 @!p1 $0x1082;
	[sflag:s4] =	ssyncset.s32 $0xFFFFF086  }
0x25: {  	[simem:s6], [sflag:s4] =	dma.local [hbm:s3], $0xF7A  }
0x26: {  	[smem:$0x3F9E] =	sst s1;
	(tag) =	ssettag s2;
	_ =	strace s9  }
0x27: {  	s1 =	sld [smem:$0x3FAE]  }
0x28: {  	s2 =	sld [smem:$0x3FAF]  }
0x29: {  	s4 =	sld [smem:$0x3FB1]  }
0x2a: {  	p0 =	seq.s32 s5, $0x0;
	s5 =	sld [smem:$0x3FB2]  }
0x2b: {  	s6 =	sld [smem:$0x3FB3]  }
0x2c: {  	s7 =	sld [smem:$0x3FB4]  }
0x2d: {  	s3 =	simm.s32 $0x108;
	s8 =	sld [smem:$0x3FB5]  }
0x2e: {  	s3 =	simm.s32 @!p0 $0x1082;
	s9 =	sld [smem:$0x3FB6]  }
0x2f: {  	lr =	sadd.s32 s0, s3;
	s0 =	sld [smem:$0x3FAD]  }
0x30: {  	s3 =	sld [smem:$0x3FB0]  }
0x31: {  	[smem:$0x3FB9] =	sst s10  }
0x32: {  	s10 =	sld [smem:$0x3FB7];
	_ =	sdelay $0x3  }
0x33: {  	p0 =	seq.s32 s10, $0x1;
	s10 =	sld [smem:$0x3FB9];
	_ =	sdelay $0x3  }
0x34: {  	[smem:$0x3FB9] =	sst s10  }
0x35: {  	s10 =	sld [smem:$0x3FB8];
	_ =	sdelay $0x3  }
0x36: {  	p1 =	seq.s32 s10, $0x1;
	s10 =	sld [smem:$0x3FB9];
	_ =	sdelay $0x3  }
0x37: {  	[smem:$0x3FB9] =	sst s10  }
0x38: {  	s10 =	sld [smem:$0x3FBA]  }
0x39: {  	_ = 	snop;
	(pc) =	sbr.ind lr, $3  }
0x3a: {  	_ = 	snop  }
0x3b: {  	_ = 	snop  }
0x3c: {  	p2 =	seq.s32 s10, $0x1;
	s10 =	sld [smem:$0x3FB9]  }
0x3d: {  	_ =	shalt  }
0x3e: {  	_ =	shalt  }
0x3f: {  	_ =	shalt  }
0x40: {  	_ =	shalt  }
0x41: {  	_ =	shalt  }
0x42: {  	_ =	shalt  }
0x43: {  	_ =	shalt  }
0x44: {  	_ =	shalt  }
0x45: {  	_ =	shalt  }
0x46: {  	_ =	shalt  }
0x47: {  	_ =	shalt  }
0x48: {  	_ =	shalt  }
0x49: {  	_ =	shalt  }
0x4a: {  	_ =	shalt  }
0x4b: {  	_ =	shalt  }
0x4c: {  	_ =	shalt  }
0x4d: {  	_ =	shalt  }
0x4e: {  	_ =	shalt  }
0x4f: {  	_ =	shalt  }
0x50: {  	_ =	shalt  }
0x51: {  	_ =	shalt  }
0x52: {  	_ =	shalt  }
0x53: {  	_ =	shalt  }
0x54: {  	_ =	shalt  }
0x55: {  	_ =	shalt  }
0x56: {  	_ =	shalt  }
0x57: {  	_ =	shalt  }
0x58: {  	_ =	shalt  }
0x59: {  	_ =	shalt  }
0x5a: {  	_ =	shalt  }
0x5b: {  	_ =	shalt  }
0x5c: {  	_ =	shalt  }
0x5d: {  	_ =	shalt  }
0x5e: {  	_ =	shalt  }
0x5f: {  	_ =	shalt  }
0x60: {  	_ =	shalt  }
0x61: {  	_ =	shalt  }
0x62: {  	_ =	shalt  }
0x63: {  	_ =	shalt  }
0x64: {  	_ =	shalt  }
0x65: {  	_ =	shalt  }
0x66: {  	_ =	shalt  }
0x67: {  	_ =	shalt  }
0x68: {  	_ =	shalt  }
0x69: {  	_ =	shalt  }
0x6a: {  	_ =	shalt  }
0x6b: {  	_ =	shalt  }
0x6c: {  	_ =	shalt  }
0x6d: {  	_ =	shalt  }
0x6e: {  	_ =	shalt  }
0x6f: {  	_ =	shalt  }
0x70: {  	_ =	shalt  }
0x71: {  	_ =	shalt  }
0x72: {  	_ =	shalt  }
0x73: {  	_ =	shalt  }
0x74: {  	_ =	shalt  }
0x75: {  	_ =	shalt  }
0x76: {  	_ =	shalt  }
0x77: {  	_ =	shalt  }
0x78: {  	_ =	shalt  }
0x79: {  	_ =	shalt  }
0x7a: {  	_ =	shalt  }
0x7b: {  	_ =	shalt  }
0x7c: {  	_ =	shalt  }
0x7d: {  	_ =	shalt  }
0x7e: {  	_ =	shalt  }
0x7f: {  	_ =	shalt  }
0x80: {  	_ =	shalt  }
0x81: {  	_ =	shalt  }
0x82: {  	_ =	shalt  }
0x83: {  	_ =	shalt  }
0x84: {  	_ =	shalt  }
0x85: {  	_ =	shalt  }
0x86: {  	_ =	shalt  }
0x87: {  	_ =	shalt  }
.Lfunc_end0:
.L_simem_size_0:
called_computation.3_lowered:
.L_overlay_start_0:
0x88: {  	s2 =	sld [smem:$0x3FD9]  }
0x89: {  	s3 =	sld [smem:$0x3FFE];
	_ =	sdelay $0x1  }
0x8a: {  	s1 =	srdreg.scid  }
0x8b: {  	s0 =	sand.u32 $0x1, s1  }
0x8c: {  	s17 =	sshll.u32 s0, $0xA;
	s2 =	sadd.s32 s3, s2  }
0x8d: {  	s2 =	sadd.s32 s2, s17  }
0x8e: {  	[smem:$0x3FC5] =	sst s2  }
0x8f: {  	_ = 	snop  }
0x90: {  	s2 =	sld [smem:$0x3FC9]  }
0x91: {  	s18 =	sld [smem:$0x3FC8]  }
0x92: {  	s4 =	sld [smem:$0x3FC7];
	(tm) =	ssettm $0x1  }
0x93: {  	s5 =	sld [smem:$0x3FFB];
	_ =	sdelay $0x3  }
0x94: {  	_ =	strace s5  }
0x95: {  	s5 =	sld [smem:$0x3FFC];
	_ =	sdelay $0x3  }
0x96: {  	_ =	strace s5  }
0x97: {  	s5 =	sld [smem:$0x3FFD];
	_ =	sdelay $0x3  }
0x98: {  	_ =	strace s5  }
0x99: {  	_ =	strace $0x8FFFFFFF  }
0x9a: {  	s19 =	sld [smem:$0x3FDB];
	_ =	sdelay $0x1  }
0x9b: {  	s6 =	simm.s32 $_scs_section_size  }
0x9c: {  	s7 =	simm.s32 $_size__tile_overlayer_lowered;
	s8 =	simm.s32 $_tile_overlayer_lowered  }
0x9d: {  	s22 =	simm.s32 $0x1BFF;
	s21 =	sshll.u32 s8, $0x1;
	s5 =	sadd.s32 s6, s19  }
0x9e: {  	s9 =	simm.s32 $0x0;
	s20 =	sshll.u32 s7, $0x1;
	s7 =	sadd.s32 s21, s5  }
0x9f: {  	[timem:s9], [sflag:s22] =	dma.local [hbm:s7], s20  }
0xa0: {  	_ =	swait.ge [sflag:s22], s20  }
0xa1: {  	s6 =	ssub.s32 $0x0, s20;
	[sflag:s22] =	ssyncset.done $0x0  }
0xa2: {  	[sflag:s22] =	ssyncadd.s32 s6;
	_ =	sdelay $0x1  }
0xa3: {  	s23 =	simm.s32 $0x1B8B  }
0xa4: {  	_ =	swait.ge [sflag:s23], $0x1  }
0xa5: {  	[sflag:s23] =	ssyncset.done $0x0  }
0xa6: {  	s25 =	simm.s32 $0x1B8E;
	s24 =	sld [smem:$0x3FFE];
	[sflag:s23] =	ssyncadd.s32 $0xFFFFFFFF  }
0xa7: {  	s26 =	simm.s32 $execute0_lowered;
	[smem:$0x3FD2] =	sst s25  }
0xa8: {  	s7 =	sshll.u32 s26, $0x1;
	_ =	strace $0x8000004F;
	[dreg:$0x1] =	wrdreg $0xFFFFFFFF  }
0xa9: {  	s28 =	simm.s32 $_size_execute0_lowered;
	s5 =	sadd.s32 s5, s7;
	[dreg:$0x0] =	wrdreg $0x0  }
0xaa: {  	s7 =	sshll.u32 s28, $0x1;
	[dreg:$0x2] =	wrdreg s5  }
0xab: {  	[dreg:$0x3] =	wrdreg s7  }
0xac: {  	[dreg:$0x4] =	wrdreg $0xC0  }
0xad: {  	_ =	task [dreg:s9], $0x5FFFF  }
0xae: {  	[dreg:$0x1] =	wrdreg $0xFFFFFFFF  }
0xaf: {  	[dreg:$0x0] =	wrdreg $0x60  }
0xb0: {  	[dreg:$0x2] =	wrdreg s2  }
0xb1: {  	[dreg:$0x3] =	wrdreg s18  }
0xb2: {  	[dreg:$0x4] =	wrdreg s4  }
0xb3: {  	[dreg:$0x5] =	wrdreg s24  }
0xb4: {  	[dreg:$0x6] =	wrdreg $0x9  }
0xb5: {  	_ =	task.clear_ibuf [dreg:s9], $0x7FFFF;
	_ =	strace $0x9000004F  }
0xb6: {  	s29 =	simm.s32 $0x9;
	_ =	strace $0x80000051  }
0xb7: {  	_ =	swait.ge [sflag:s29], $0x1  }
0xb8: {  	[sflag:s29] =	ssyncadd.s32 $0xFFFFFFFF  }
0xb9: {  	_ =	strace $0x90000051  }
0xba: {  	_ =	sfence  }
0xbb: {  	s30 =	sld [smem:$0x0];
	_ =	sdelay $0x2  }
0xbc: {  	s31 =	sshll.u32 s1, $0xD;
	s1 =	sshrl.u32 s1, $0x2  }
0xbd: {  	s3 =	sand.u32 $0x4000, s31;
	s1 =	sadd.s32 s1, s30  }
0xbe: {  	s0 =	sor.u32 s3, s0;
	s1 =	sshll.u32 s1, $0x11  }
0xbf: {  	s0 =	sor.u32 s1, s0  }
0xc0: {  	s0 =	sadd.s32 $0x8F2B, s0  }
0xc1: {  	[sflag:s0] =	ssyncadd.remote.s32 $0x1  }
0xc2: {  	_ =	sfence.sel $0xFFFF  }
0xc3: {  	[dreg:$0x0] =	wrdreg $0xFFFFFFFF;
	(pc) =	sbr.abs _section_cstart, $3  }
0xc4: {  	[dreg:$0x1] =	wrdreg $0xFFFFFFFF  }
0xc5: {  	_ =	task.clear_ibuf [dreg:s9], $0x2FFFF;
	_ =	strace $0x9FFFFFFF  }
0xc6: {  	(tm) =	ssettm $0x7FFFFFFF  }
0xc7: {  	_ =	shalt  }
tec
execute0_lowered:
.L_overlay_start_1:
0x0: {  	(tag) =	ssettag $0x1  }
0x1: {  	s13 =	rddreg [dreg:$0x0]  }
0x2: {  	s14 =	rddreg [dreg:$0x1]  }
0x3: {  	s0 =	srdreg.scid;
	s15 =	rddreg [dreg:$0x2]  }
0x4: {  	s16 =	rddreg [dreg:$0x3];
	s24 =	stileid.u32  }
0x5: {  	s5 =	simm.s32 $0x1;
	s22 =	simm.s32 $0xA000;
	s23 =	simm.s32 $0x2  }
0x6: {  	s3 =	sand.u32 $0x1, s0;
	s4 =	sand.u32 $0x7, s24;
	s31 =	sshll.u32 s24, $0x4  }
0x7: {  	s2 =	sshll.u32 s3, $0x4;
	p1 =	sne.s32 s4, $0x0;
	s3 =	ssub.s32 $0x2, s3  }
0x8: {  	s10 =	sshll.u32 s4, $0xF;
	s17 =	sor.u32 s24, s2;
	s2 =	simm.s32 $0x0  }
0x9: {  	s6 =	sshrl.u32 s3, $0x1;
	s29 =	sor.u32 $0x2000, s10;
	p0 =	seq.s32 s17, $0x0  }
0xa: {  	s12 =	sor.u32 $0x4000, s10;
	s21 =	sor.u32 $0x6000, s10;
	p0 =	por !p1, !p0  }
0xb: {  	[smem:$0x7FF] =	sst s2;
	s7 =	sshrl.u32 s17, $0x3;
	p0 =	por !p0, !p0  }
0xc: {  	s18 =	ssub.s32 s3, s6;
	s3 =	simm.s32 $0x1;
	s5 =	simm.s32 @!p0 $0x0  }
0xd: {  	s17 =	sshll.u32 s17, $0x4;
	_ =	strace $0x80000050;
	s25 =	ssub.s32 s7, s5  }
0xe: {  	s17 =	sand.u32 $0x180, s17;
	s11 =	sshll.u32 s25, $0x13;
	s19 =	sshll.u32 s25, $0x12  }
0xf: {  	s25 =	simm.s32 $0x3;
	s4 =	sor.u32 s10, s11;
	s26 =	sor.u32 s10, s19  }
0x10: {  	s8 =	sor.u32 s29, s11;
	s9 =	sor.u32 s29, s19;
	s20 =	sor.u32 s12, s11  }
0x11: {  	s12 =	sor.u32 s12, s19;
	s30 =	sor.u32 s21, s11;
	s19 =	sor.u32 s21, s19  }
0x12: {  	s21 =	simm.s32 $0x6000;
	s4 =	sshrl.u32 s4, $0x3;
	s28 =	sshrl.u32 s26, $0x3  }
0x13: {  	s8 =	sshrl.u32 s8, $0x3;
	s9 =	sshrl.u32 s9, $0x3;
	s20 =	sshrl.u32 s20, $0x3  }
0x14: {  	s12 =	sshrl.u32 s12, $0x3;
	s19 =	sshrl.u32 s19, $0x3;
	s26 =	simm.s32 $0x0  }
0x15: {  	s1 =	sadd.s32 s13, s4;
	s5 =	sadd.s32 s14, s28;
	s6 =	sadd.s32 s15, s28  }
0x16: {  	s7 =	sadd.s32 s13, s8;
	s8 =	sadd.s32 s14, s9;
	s9 =	sadd.s32 s15, s9  }
0x17: {  	s10 =	sadd.s32 s13, s20;
	s11 =	sadd.s32 s14, s12;
	s12 =	sadd.s32 s15, s12  }
0x18: {  	s20 =	sshrl.u32 s30, $0x3;
	s14 =	sadd.s32 s14, s19;
	s15 =	sadd.s32 s15, s19  }
0x19: {  	s19 =	simm.s32 $0x8000;
	s13 =	sadd.s32 s13, s20;
	s20 =	sand.u32 $0x70, s31  }
0x1a: {  	[dreg:$0x5] =	wrdreg s1;
	s16 =	sadd.s32 s16, s20;
	s20 =	simm.s32 $0x2000  }
0x1b: {  	s16 =	sadd.s32 s17, s16;
	s17 =	smax.u32 s18, $0x1;
	s18 =	simm.s32 $0x4000  }
.LBB2_1:
0x1c: {  	s0 =	rddreg [dreg:$0x5]  }
0x1d: {  	[tilespmem:s2], [sflag:$0x1] =	stream.linear.gather [hbm4b:s0+s2], $0x2000, $0x38;
	[tilespmem:$0xC080] =	vst v63  }
0x1e: {  	_ = 	snop  }
0x1f: {  	[tilespmem:s18], [sflag:$0x1] =	stream.linear.gather [hbm4b:s5+s2], $0x2000, $0x38;
	[tilespmem:$0xC080] =	vst v63  }
0x20: {  	_ = 	snop  }
0x21: {  	[tilespmem:s19], [sflag:$0x1] =	stream.linear.gather [hbm4b:s6+s2], $0x2000, $0x38;
	[tilespmem:$0xC080] =	vst v63  }
0x22: {  	_ =	swait.ge [sflag:s3], $0x2000  }
0x23: {  	[sflag:s3] =	ssyncset.done $0x0  }
0x24: {  	[sflag:s3] =	ssyncadd.s32 $0xFFFFE000  }
0x25: {  	_ =	swait.ge [sflag:s3], $0x2000  }
0x26: {  	[sflag:s3] =	ssyncset.done $0x0  }
0x27: {  	[sflag:s3] =	ssyncadd.s32 $0xFFFFE000  }
0x28: {  	s28 =	simm.s32 $0x0;
	s29 =	sand.u32 $0x70, s2;
	_ =	swait.ge [sflag:s3], $0x2000  }
0x29: {  	s30 =	sand.u32 $0xC00, s2;
	s31 =	simm.s32 $0x0;
	[sflag:s3] =	ssyncset.done $0x0  }
0x2a: {  	s28 =	sand.u32 $0x1000, s28;
	s29 =	sor.u32 s30, s29;
	[sflag:s3] =	ssyncadd.s32 $0xFFFFE000  }
0x2b: {  	[tilespmem:s20], [sflag:$0x2] =	stream.linear.gather [hbm4b:s7+s2], $0x2000, $0x38;
	[tilespmem:$0xC080] =	vst v63  }
0x2c: {  	s30 =	sand.u32 $0x380, s31;
	s28 =	sor.u32 s28, s29  }
0x2d: {  	[tilespmem:s21], [sflag:$0x2] =	stream.linear.gather [hbm4b:s8+s2], $0x2000, $0x38;
	[tilespmem:$0xC080] =	vst v63  }
0x2e: {  	s29 =	sor.u32 s30, s28  }
0x2f: {  	[tilespmem:s22], [sflag:$0x2] =	stream.linear.gather [hbm4b:s9+s2], $0x2000, $0x38;
	[tilespmem:$0xC080] =	vst v63  }
0x30: {  	v1 =	vld [tilespmem:s29+$0x0]  }
0x31: {  	s30 =	simm.s32 $0x10;
	s28 =	simm.s32 $0x80;
	v2 =	vld [tilespmem:s29+$0x4000]  }
0x32: {  	s31 =	simm.s32 $0x10;
	s30 =	sand.u32 $0x70, s30;
	s24 =	sand.u32 $0xC00, s28  }
0x33: {  	s1 =	simm.s32 $0x4;
	s31 =	sand.u32 $0x1000, s31;
	s0 =	sor.u32 s24, s30;
	v4 =	vld [tilespmem:s29+$0x8000]  }
0x34: {  	s1 =	sand.u32 $0x380, s1;
	s0 =	sor.u32 s31, s0  }
0x35: {  	v0 =	vimm.f32 $0.0e+00;
	s31 =	sor.u32 s1, s0  }
0x36: {  	s30 =	simm.s32 $0x20;
	s29 =	simm.s32 $0x2;
	v3 =	vld [tilespmem:s31+$0x0];
	v5 =	vsub.f32 v1, v2;
	v2 =	vimm.f32 $0.0e+00;
	v1 =	vimm.f32 $0.0e+00  }
.LBB2_2:
0x37: {  	s0 =	sshll.u32 s29, $0x4;
	s1 =	sshll.u32 s29, $0x2  }
0x38: {  	v6 =	vld [tilespmem:s31+$0x4000];
	s28 =	sadd.s32 $0x80, s28;
	v7 =	vcvt.s32.f32 v4;
	s24 =	sand.u32 $0x70, s30;
	p0 =	sne.s32 s29, $0x1FF  }
.Ltmp0:
0x39: {  	s0 =	sand.u32 $0x1000, s0;
	s4 =	sand.u32 $0xC00, s28;
	v4 =	vld [tilespmem:s31+$0x8000];
	v5 =	vand.u32 $0x7FFFFFFF, v5;
	(pc) =	sbr.rel @p0 .LBB2_2-.Ltmp0, $4  }
0x3a: {  	s29 =	sadd.s32 $0x1, s29;
	s4 =	sor.u32 s4, s24;
	v0 =	vadd.f32 v5, v0;
	v5 =	vmul.f32 v7, v5;
	v2 =	vadd.f32 v7, v2  }
0x3b: {  	s1 =	sand.u32 $0x380, s1;
	s0 =	sor.u32 s0, s4  }
0x3c: {  	s31 =	sor.u32 s1, s0;
	v1 =	vadd.f32 v5, v1  }
0x3d: {  	s30 =	sadd.s32 $0x10, s30;
	v5 =	vsub.f32 v3, v6;
	v3 =	vld [tilespmem:s31+$0x0]  }
0x3e: {  	v6 =	vld [tilespmem:s31+$0x4000]  }
0x3f: {  	v7 =	vld [tilespmem:s31+$0x8000];
	_ =	swait.ge [sflag:s23], $0x2000  }
0x40: {  	[sflag:s23] =	ssyncset.done $0x0  }
0x41: {  	[sflag:s23] =	ssyncadd.s32 $0xFFFFE000  }
0x42: {  	_ =	swait.ge [sflag:s23], $0x2000  }
0x43: {  	[sflag:s23] =	ssyncset.done $0x0  }
0x44: {  	[sflag:s23] =	ssyncadd.s32 $0xFFFFE000  }
0x45: {  	_ =	swait.ge [sflag:s23], $0x2000  }
0x46: {  	[sflag:s23] =	ssyncset.done $0x0  }
0x47: {  	s0 =	simm.s32 $0x0;
	[sflag:s23] =	ssyncadd.s32 $0xFFFFE000  }
0x48: {  	[tilespmem:s0], [sflag:$0x1] =	stream.linear.gather [hbm4b:s10+s0], $0x2000, $0x38;
	[tilespmem:$0xC080] =	vst v63  }
0x49: {  	_ = 	snop  }
0x4a: {  	[tilespmem:s18], [sflag:$0x1] =	stream.linear.gather [hbm4b:s11+s0], $0x2000, $0x38;
	[tilespmem:$0xC080] =	vst v63  }
0x4b: {  	_ = 	snop  }
0x4c: {  	[tilespmem:s19], [sflag:$0x1] =	stream.linear.gather [hbm4b:s12+s0], $0x2000, $0x38;
	[tilespmem:$0xC080] =	vst v63  }
0x4d: {  	s1 =	simm.s32 $0x0;
	s4 =	sand.u32 $0x70, s0;
	s0 =	sand.u32 $0xC00, s0  }
0x4e: {  	s24 =	simm.s32 $0x0;
	s1 =	sand.u32 $0x1000, s1;
	s0 =	sor.u32 s4, s0  }
0x4f: {  	s24 =	sand.u32 $0x380, s24;
	s0 =	sor.u32 s1, s0  }
0x50: {  	s0 =	sor.u32 s24, s0  }
0x51: {  	v4 =	vcvt.s32.f32 v4;
	v8 =	vld [tilespmem:s0+$0x2000]  }
0x52: {  	s28 =	simm.s32 $0x80;
	v5 =	vand.u32 $0x7FFFFFFF, v5;
	v3 =	vsub.f32 v3, v6;
	s24 =	simm.s32 $0x10;
	v6 =	vld [tilespmem:s0+$0x6000]  }
0x53: {  	v9 =	vmul.f32 v4, v5;
	v7 =	vcvt.s32.f32 v7;
	s4 =	simm.s32 $0x10;
	s1 =	sand.u32 $0x70, s24;
	s24 =	sand.u32 $0xC00, s28  }
0x54: {  	s29 =	simm.s32 $0x4;
	v0 =	vadd.f32 v5, v0;
	v2 =	vadd.f32 v4, v2;
	v3 =	vand.u32 $0x7FFFFFFF, v3;
	s4 =	sand.u32 $0x1000, s4;
	v4 =	vld [tilespmem:s0+$0xA000];
	s1 =	sor.u32 s1, s24  }
0x55: {  	v5 =	vadd.f32 v9, v1;
	v63 =	vmul.f32 v7, v3;
	s24 =	sand.u32 $0x380, s29;
	s1 =	sor.u32 s4, s1  }
0x56: {  	v2 =	vadd.f32 v7, v2;
	v1 =	vadd.f32 v3, v0;
	s31 =	sor.u32 s24, s1  }
0x57: {  	s30 =	simm.s32 $0x20;
	v0 =	vadd.f32 v63, v5;
	s29 =	simm.s32 $0x2;
	v3 =	vld [tilespmem:s31+$0x2000];
	v5 =	vsub.f32 v8, v6  }
.LBB2_4:
0x58: {  	s0 =	sshll.u32 s29, $0x4;
	s1 =	sshll.u32 s29, $0x2  }
0x59: {  	v6 =	vld [tilespmem:s31+$0x6000];
	s28 =	sadd.s32 $0x80, s28;
	v7 =	vcvt.s32.f32 v4;
	s4 =	sand.u32 $0x70, s30;
	p0 =	sne.s32 s29, $0x1FF  }
.Ltmp1:
0x5a: {  	s0 =	sand.u32 $0x1000, s0;
	s24 =	sand.u32 $0xC00, s28;
	v4 =	vld [tilespmem:s31+$0xA000];
	v5 =	vand.u32 $0x7FFFFFFF, v5;
	(pc) =	sbr.rel @p0 .LBB2_4-.Ltmp1, $4  }
0x5b: {  	s29 =	sadd.s32 $0x1, s29;
	s4 =	sor.u32 s4, s24;
	v1 =	vadd.f32 v5, v1;
	v5 =	vmul.f32 v7, v5;
	v2 =	vadd.f32 v7, v2  }
0x5c: {  	s1 =	sand.u32 $0x380, s1;
	s0 =	sor.u32 s0, s4  }
0x5d: {  	s31 =	sor.u32 s1, s0;
	v0 =	vadd.f32 v5, v0  }
0x5e: {  	s30 =	sadd.s32 $0x10, s30;
	v5 =	vsub.f32 v3, v6;
	v3 =	vld [tilespmem:s31+$0x2000]  }
0x5f: {  	v6 =	vld [tilespmem:s31+$0x6000]  }
0x60: {  	v7 =	vld [tilespmem:s31+$0xA000];
	_ =	swait.ge [sflag:s3], $0x2000  }
0x61: {  	[sflag:s3] =	ssyncset.done $0x0  }
0x62: {  	[sflag:s3] =	ssyncadd.s32 $0xFFFFE000  }
0x63: {  	_ =	swait.ge [sflag:s3], $0x2000  }
0x64: {  	[sflag:s3] =	ssyncset.done $0x0  }
0x65: {  	[sflag:s3] =	ssyncadd.s32 $0xFFFFE000  }
0x66: {  	_ =	swait.ge [sflag:s3], $0x2000  }
0x67: {  	[sflag:s3] =	ssyncset.done $0x0  }
0x68: {  	s0 =	simm.s32 $0x0;
	[sflag:s3] =	ssyncadd.s32 $0xFFFFE000  }
0x69: {  	[tilespmem:s20], [sflag:$0x2] =	stream.linear.gather [hbm4b:s13+s0], $0x2000, $0x38;
	[tilespmem:$0xC080] =	vst v63  }
0x6a: {  	_ = 	snop  }
0x6b: {  	[tilespmem:s21], [sflag:$0x2] =	stream.linear.gather [hbm4b:s14+s0], $0x2000, $0x38;
	[tilespmem:$0xC080] =	vst v63  }
0x6c: {  	_ = 	snop  }
0x6d: {  	[tilespmem:s22], [sflag:$0x2] =	stream.linear.gather [hbm4b:s15+s0], $0x2000, $0x38;
	[tilespmem:$0xC080] =	vst v63  }
0x6e: {  	s1 =	simm.s32 $0x0;
	s4 =	sand.u32 $0x70, s0;
	s0 =	sand.u32 $0xC00, s0  }
0x6f: {  	s24 =	simm.s32 $0x0;
	s1 =	sand.u32 $0x1000, s1;
	s0 =	sor.u32 s0, s4  }
0x70: {  	s24 =	sand.u32 $0x380, s24;
	s0 =	sor.u32 s1, s0  }
0x71: {  	s0 =	sor.u32 s24, s0  }
0x72: {  	v4 =	vcvt.s32.f32 v4;
	v8 =	vld [tilespmem:s0+$0x0]  }
0x73: {  	s28 =	simm.s32 $0x80;
	v5 =	vand.u32 $0x7FFFFFFF, v5;
	v3 =	vsub.f32 v3, v6;
	s24 =	simm.s32 $0x10;
	v6 =	vld [tilespmem:s0+$0x4000]  }
0x74: {  	v9 =	vmul.f32 v4, v5;
	v7 =	vcvt.s32.f32 v7;
	s4 =	simm.s32 $0x10;
	s1 =	sand.u32 $0x70, s24;
	s24 =	sand.u32 $0xC00, s28  }
0x75: {  	s29 =	simm.s32 $0x4;
	v1 =	vadd.f32 v5, v1;
	v2 =	vadd.f32 v4, v2;
	v3 =	vand.u32 $0x7FFFFFFF, v3;
	s4 =	sand.u32 $0x1000, s4;
	v4 =	vld [tilespmem:s0+$0x8000];
	s1 =	sor.u32 s24, s1  }
0x76: {  	v0 =	vadd.f32 v9, v0;
	v5 =	vmul.f32 v7, v3;
	s24 =	sand.u32 $0x380, s29;
	s1 =	sor.u32 s4, s1  }
0x77: {  	v2 =	vadd.f32 v7, v2;
	v1 =	vadd.f32 v3, v1;
	s31 =	sor.u32 s24, s1  }
0x78: {  	s30 =	simm.s32 $0x20;
	v0 =	vadd.f32 v5, v0;
	s29 =	simm.s32 $0x2;
	v3 =	vld [tilespmem:s31+$0x0];
	v5 =	vsub.f32 v8, v6  }
.LBB2_6:
0x79: {  	s0 =	sshll.u32 s29, $0x4;
	s1 =	sshll.u32 s29, $0x2  }
0x7a: {  	v6 =	vld [tilespmem:s31+$0x4000];
	s28 =	sadd.s32 $0x80, s28;
	v7 =	vcvt.s32.f32 v4;
	s4 =	sand.u32 $0x70, s30;
	p0 =	sne.s32 s29, $0x1FF  }
.Ltmp2:
0x7b: {  	s0 =	sand.u32 $0x1000, s0;
	s24 =	sand.u32 $0xC00, s28;
	v4 =	vld [tilespmem:s31+$0x8000];
	v5 =	vand.u32 $0x7FFFFFFF, v5;
	(pc) =	sbr.rel @p0 .LBB2_6-.Ltmp2, $4  }
0x7c: {  	s29 =	sadd.s32 $0x1, s29;
	s4 =	sor.u32 s24, s4;
	v1 =	vadd.f32 v5, v1;
	v5 =	vmul.f32 v7, v5;
	v2 =	vadd.f32 v7, v2  }
0x7d: {  	s1 =	sand.u32 $0x380, s1;
	s0 =	sor.u32 s0, s4  }
0x7e: {  	s31 =	sor.u32 s1, s0;
	v0 =	vadd.f32 v5, v0  }
0x7f: {  	s30 =	sadd.s32 $0x10, s30;
	v5 =	vsub.f32 v3, v6;
	v3 =	vld [tilespmem:s31+$0x0]  }
0x80: {  	v6 =	vld [tilespmem:s31+$0x4000]  }
0x81: {  	v7 =	vld [tilespmem:s31+$0x8000];
	_ =	swait.ge [sflag:s23], $0x2000  }
0x82: {  	[sflag:s23] =	ssyncset.done $0x0  }
0x83: {  	[sflag:s23] =	ssyncadd.s32 $0xFFFFE000  }
0x84: {  	s0 =	simm.s32 $0x0;
	_ =	swait.ge [sflag:s23], $0x2000  }
0x85: {  	s1 =	simm.s32 $0x0;
	s24 =	simm.s32 $0x0;
	[sflag:s23] =	ssyncset.done $0x0  }
0x86: {  	s4 =	sand.u32 $0x70, s0;
	s0 =	sand.u32 $0xC00, s0;
	[sflag:s23] =	ssyncadd.s32 $0xFFFFE000  }
0x87: {  	s1 =	sand.u32 $0x1000, s1;
	s0 =	sor.u32 s4, s0;
	_ =	swait.ge [sflag:s23], $0x2000  }
0x88: {  	s24 =	sand.u32 $0x380, s24;
	s0 =	sor.u32 s1, s0;
	[sflag:s23] =	ssyncset.done $0x0  }
0x89: {  	s0 =	sor.u32 s24, s0;
	[sflag:s23] =	ssyncadd.s32 $0xFFFFE000  }
0x8a: {  	v4 =	vcvt.s32.f32 v4;
	v8 =	vld [tilespmem:s0+$0x2000]  }
0x8b: {  	s28 =	simm.s32 $0x80;
	v5 =	vand.u32 $0x7FFFFFFF, v5;
	s24 =	simm.s32 $0x10;
	v3 =	vsub.f32 v3, v6;
	v6 =	vld [tilespmem:s0+$0x6000]  }
0x8c: {  	v9 =	vmul.f32 v4, v5;
	s4 =	simm.s32 $0x10;
	v7 =	vcvt.s32.f32 v7;
	s1 =	sand.u32 $0x70, s24;
	s24 =	sand.u32 $0xC00, s28  }
0x8d: {  	s29 =	simm.s32 $0x4;
	v1 =	vadd.f32 v5, v1;
	v2 =	vadd.f32 v4, v2;
	s4 =	sand.u32 $0x1000, s4;
	s1 =	sor.u32 s1, s24;
	v3 =	vand.u32 $0x7FFFFFFF, v3;
	v4 =	vld [tilespmem:s0+$0xA000]  }
0x8e: {  	v5 =	vadd.f32 v9, v0;
	s24 =	sand.u32 $0x380, s29;
	s1 =	sor.u32 s4, s1;
	v63 =	vmul.f32 v7, v3  }
0x8f: {  	v0 =	vadd.f32 v7, v2;
	v1 =	vadd.f32 v3, v1;
	s31 =	sor.u32 s24, s1  }
0x90: {  	s30 =	simm.s32 $0x20;
	s29 =	simm.s32 $0x2;
	v3 =	vld [tilespmem:s31+$0x2000];
	v2 =	vadd.f32 v63, v5;
	v5 =	vsub.f32 v8, v6  }
.LBB2_8:
0x91: {  	s0 =	sshll.u32 s29, $0x4;
	s1 =	sshll.u32 s29, $0x2  }
0x92: {  	v6 =	vld [tilespmem:s31+$0x6000];
	s28 =	sadd.s32 $0x80, s28;
	v7 =	vcvt.s32.f32 v4;
	s4 =	sand.u32 $0x70, s30;
	p0 =	sne.s32 s29, $0x1FF  }
.Ltmp3:
0x93: {  	s0 =	sand.u32 $0x1000, s0;
	s24 =	sand.u32 $0xC00, s28;
	v4 =	vld [tilespmem:s31+$0xA000];
	v5 =	vand.u32 $0x7FFFFFFF, v5;
	(pc) =	sbr.rel @p0 .LBB2_8-.Ltmp3, $4  }
0x94: {  	s29 =	sadd.s32 $0x1, s29;
	s4 =	sor.u32 s4, s24;
	v1 =	vadd.f32 v5, v1;
	v5 =	vmul.f32 v7, v5;
	v0 =	vadd.f32 v7, v0  }
0x95: {  	s1 =	sand.u32 $0x380, s1;
	s0 =	sor.u32 s0, s4  }
0x96: {  	s31 =	sor.u32 s1, s0;
	v2 =	vadd.f32 v5, v2  }
0x97: {  	s30 =	sadd.s32 $0x10, s30;
	v5 =	vsub.f32 v3, v6;
	v3 =	vld [tilespmem:s31+$0x2000]  }
0x98: {  	v6 =	vld [tilespmem:s31+$0x6000]  }
0x99: {  	v7 =	vld [tilespmem:s31+$0xA000];
	_ =	sdelay $0x2  }
0x9a: {  	v4 =	vcvt.s32.f32 v4  }
0x9b: {  	v5 =	vand.u32 $0x7FFFFFFF, v5;
	v3 =	vsub.f32 v3, v6  }
0x9c: {  	v62 =	vmul.f32 v4, v5;
	v0 =	vadd.f32 v4, v0;
	v7 =	vcvt.s32.f32 v7  }
0x9d: {  	v1 =	vadd.f32 v5, v1;
	v3 =	vand.u32 $0x7FFFFFFF, v3  }
0x9e: {  	v2 =	vadd.f32 v62, v2;
	v0 =	vadd.f32 v7, v0;
	v63 =	vmul.f32 v7, v3  }
0x9f: {  	v1 =	vadd.f32 v3, v1  }
0xa0: {  	s26 =	sadd.s32 $0x1, s26;
	[tilespmem:$0xC020] =	vst v0;
	v2 =	vadd.f32 v63, v2  }
0xa1: {  	p0 =	sne.s32 s26, s17;
	[tilespmem:$0xC000] =	vst v1  }
.Ltmp4:
0xa2: {  	s0 =	simm.s32 $0xC000;
	[tilespmem:$0xC010] =	vst v2;
	(pc) =	sbr.rel @p0 .LBB2_1-.Ltmp4, $4  }
0xa3: {  	[hbm4b:s16+s2] =	stream.linear.scatter [tilespmem:s0], [sflag:$0x3], $0x80, $0x38;
	[tilespmem:$0xC080] =	vst v63  }
0xa4: {  	_ =	swait.ge [sflag:s25], $0x80  }
0xa5: {  	[sflag:s25] =	ssyncset.done $0x0  }
0xa6: {  	[sflag:s25] =	ssyncadd.s32 $0xFFFFFF80  }
0xa7: {  	_ =	sfence.sel $0x180000  }
0xa8: {  	[bflag:$0x0] =	sbarrier.arrive $0xFFFF  }
0xa9: {  	_ =	strace $0x90000050  }
0xaa: {  	s0 =	stileid.u32;
	[bflag:$0x2] =	sbarrier.arrive $0xFFFF  }
0xab: {  	p0 =	sne.s32 s0, $0x0;
	s0 =	rddreg [dreg:$0x4]  }
0xac: {  	s0 =	sadd.s32 @!p0 $0x100000, s0  }
0xad: {  	[sflag:s0] =	ssyncadd.tile.s32 @!p0 $0x1;
	_ =	shalt  }
.Lfunc_end2:
_tile_overlayer_lowered:
.L_overlay_start_2:
0xae: {  	(tag) =	ssettag $0x2  }
0xaf: {  	s0 =	rddreg [dreg:$0x0];
	s2 =	stileid.u32  }
0xb0: {  	s1 =	rddreg [dreg:$0x1];
	p0 =	sne.s32 s2, $0x0  }
0xb1: {  	s3 =	rddreg [dreg:$0x2];
	[bflag:$0x3] =	sbarrier.arrive $0xFFFF;
	s2 =	simm.s32 @!p0 $0x1C03  }
0xb2: {  	[timem:s3], [sflag:s2] =	dma.local @!p0 [hbm:s0], s1  }
0xb3: {  	s0 =	simm.s32 @!p0 $0x3  }
0xb4: {  	_ =	swait.ge @!p0 [sflag:s0], s1  }
0xb5: {  	s1 =	ssub.s32 @!p0 $0x0, s1;
	[sflag:s0] =	ssyncset.done @!p0 $0x0  }
0xb6: {  	[sflag:s0] =	ssyncadd.s32 @!p0 s1  }
0xb7: {  	[bflag:$0x3] =	sbarrier.arrive $0xFFFF  }
0xb8: {  	_ =	shalt  }

</sc_bundles>
